<compile_context>
chip_gen: v7x
topology: tpu7x:2x2x1
jax: 0.10.2.dev20260603
libtpu: 0.0.44.dev20260713+nightly
codegen_flags: <defaults>
</compile_context>

<pallas_src>
import functools

import jax
import jax.numpy as jnp
from jax import lax
from jax.experimental import pallas as pl
from jax.experimental.pallas import tpu as pltpu
from jax.experimental.pallas import tpu_sc as plsc

B = 4096
L = 200
D = 32
VOCAB = 1000000
NC = 2
NS = 16
NW = NC * NS
SPW = B // NW
CHUNK = 100
NCH = L // CHUNK
NBUF = 4
VBLK = 16384
VSUB = 128


def _relayout_body(t_ref, o_ref):
    x = t_ref[...]
    y = x.T
    nc = VBLK // VSUB
    rr = VSUB // 4
    yw = jnp.concatenate(
        [y[c * VSUB:(c + 1) * VSUB, :] for c in range(nc)], axis=1)
    ir = lax.broadcasted_iota(jnp.int32, (rr, VSUB), 0)
    iv = lax.broadcasted_iota(jnp.int32, (rr, VSUB), 1)
    for g in range(4):
        qt = (iv == 4 * ir + g).astype(jnp.float32)
        z = jnp.dot(qt, yw, preferred_element_type=jnp.float32)
        for c in range(nc):
            o_ref[pl.ds(c * rr, rr), pl.ds(g * D, D)] = (
                z[:, c * D:(c + 1) * D])


def _table_to_lin(table_t):
    return pl.pallas_call(
        _relayout_body,
        grid=((VOCAB + VBLK - 1) // VBLK,),
        in_specs=[pl.BlockSpec((D, VBLK), lambda i: (0, i))],
        out_specs=pl.BlockSpec((VBLK // 4, 4 * D), lambda i: (i, 0)),
        out_shape=jax.ShapeDtypeStruct((VOCAB // 4, 4 * D), jnp.float32),
    )(table_t)


def _pool_body(x_hbm, table_hbm, out_hbm, idx_v, rows0, rows1, rows2, rows3,
               out_v, sem0, sem1, sem2, sem3):
    wid = lax.axis_index("s") * NC + lax.axis_index("c")
    base_row = wid * SPW * NCH

    pltpu.sync_copy(x_hbm.at[pl.ds(base_row, SPW * NCH)], idx_v)

    rows = (rows0, rows1, rows2, rows3)
    sems = (sem0, sem1, sem2, sem3)

    def issue(s, b):
        for c in range(NCH):
            pltpu.async_copy(
                table_hbm.at[idx_v.at[s * NCH + c]],
                rows[b].at[pl.ds(c * CHUNK, CHUNK)],
                sems[b],
            )

    def wait(b):
        for c in range(NCH):
            pltpu.make_async_copy(
                table_hbm.at[idx_v.at[c]],
                rows[b].at[pl.ds(c * CHUNK, CHUNK)],
                sems[b],
            ).wait()

    for b in range(NBUF):
        issue(b, b)

    zeros = jnp.zeros((16,), jnp.float32)
    neginf = jnp.full((16,), -jnp.inf, jnp.float32)
    inv_l = jnp.float32(1.0 / L)

    def outer(i, _):
        for b in range(NBUF):
            s = NBUF * i + b
            rb = rows[b]
            wait(b)

            @plsc.parallel_loop(
                0, L, step=2, unroll=4,
                carry=(zeros, zeros, neginf, neginf,
                       zeros, zeros, neginf, neginf))
            def red(r, carry):
                sa0, sa1, ma0, ma1, sb0, sb1, mb0, mb1 = carry
                va0 = rb[r, pl.ds(0, 16)]
                va1 = rb[r, pl.ds(16, 16)]
                vb0 = rb[r + 1, pl.ds(0, 16)]
                vb1 = rb[r + 1, pl.ds(16, 16)]
                return (sa0 + va0, sa1 + va1,
                        jnp.maximum(ma0, va0), jnp.maximum(ma1, va1),
                        sb0 + vb0, sb1 + vb1,
                        jnp.maximum(mb0, vb0), jnp.maximum(mb1, vb1))

            sa0, sa1, ma0, ma1, sb0, sb1, mb0, mb1 = red

            @pl.when(s + NBUF < SPW)
            def _():
                issue(s + NBUF, b)

            out_v[s, pl.ds(0, 16)] = (sa0 + sb0) * inv_l
            out_v[s, pl.ds(16, 16)] = (sa1 + sb1) * inv_l
            out_v[s, pl.ds(32, 16)] = jnp.maximum(ma0, mb0)
            out_v[s, pl.ds(48, 16)] = jnp.maximum(ma1, mb1)
        return 0

    lax.fori_loop(0, SPW // NBUF, outer, 0)

    pltpu.sync_copy(out_v, out_hbm.at[pl.ds(wid * SPW, SPW)])


def _pooled_sc(x_idx, table_lin):
    mesh = plsc.VectorSubcoreMesh(core_axis_name="c", subcore_axis_name="s")
    f = pl.kernel(
        _pool_body,
        out_type=jax.ShapeDtypeStruct((B, 2 * D), jnp.float32),
        mesh=mesh,
        scratch_types=[
            pltpu.VMEM((SPW * NCH, CHUNK), jnp.int32),
            pltpu.VMEM((L, D), jnp.float32),
            pltpu.VMEM((L, D), jnp.float32),
            pltpu.VMEM((L, D), jnp.float32),
            pltpu.VMEM((L, D), jnp.float32),
            pltpu.VMEM((SPW, 2 * D), jnp.float32),
            pltpu.SemaphoreType.DMA,
            pltpu.SemaphoreType.DMA,
            pltpu.SemaphoreType.DMA,
            pltpu.SemaphoreType.DMA,
        ],
        compiler_params=pltpu.CompilerParams(use_tc_tiling_on_sc=False),
    )
    return f(x_idx, table_lin)


def _mlp_body(p_ref, w1_ref, b1_ref, w2_ref, b2_ref, w3_ref, b3_ref, o_ref):
    h = jnp.dot(p_ref[...], w1_ref[...], preferred_element_type=jnp.float32)
    h = jnp.maximum(h + b1_ref[...], 0.0)
    h = jnp.dot(h, w2_ref[...], preferred_element_type=jnp.float32)
    h = jnp.maximum(h + b2_ref[...], 0.0)
    h = jnp.dot(h, w3_ref[...], preferred_element_type=jnp.float32)
    o_ref[...] = jax.nn.sigmoid(h + b3_ref[...])


def _mlp_tc(pooled, W1, b1, W2, b2, W3, b3):
    blk = 1024
    return pl.pallas_call(
        _mlp_body,
        grid=(B // blk,),
        in_specs=[
            pl.BlockSpec((blk, 2 * D), lambda i: (i, 0)),
            pl.BlockSpec((2 * D, 128), lambda i: (0, 0)),
            pl.BlockSpec((1, 128), lambda i: (0, 0)),
            pl.BlockSpec((128, 64), lambda i: (0, 0)),
            pl.BlockSpec((1, 64), lambda i: (0, 0)),
            pl.BlockSpec((64, 1), lambda i: (0, 0)),
            pl.BlockSpec((1, 1), lambda i: (0, 0)),
        ],
        out_specs=pl.BlockSpec((blk, 1), lambda i: (i, 0)),
        out_shape=jax.ShapeDtypeStruct((B, 1), jnp.float32),
    )(pooled, W1, b1.reshape(1, 128), W2, b2.reshape(1, 64),
      W3, b3.reshape(1, 1))


def kernel(x, table, W1, b1, W2, b2, W3, b3):
    x_idx = x.astype(jnp.int32).reshape(B * NCH, CHUNK)
    table_lin = _table_to_lin(table.T).reshape(VOCAB, D)
    pooled = _pooled_sc(x_idx, table_lin)
    return _mlp_tc(pooled, W1, b1, W2, b2, W3, b3)

# --- scband reference (transcript-rebuilt; emitter-appended) ---
"""Pipeline reference for scband-sarcasm-detector-53060025974998 (READ-ONLY COPY).

The authoritative reference and input builder live on the scoring server;
editing this copy changes nothing except your own understanding.
"""

import jax, jax.numpy as jnp
import numpy as np

VOCAB = 1000000
EMBED = 32
B = 4096
L = 200


def setup_inputs(seed: int = 0) -> dict:
    key = jax.random.key(seed)
    ks = jax.random.split(key, 8)
    x = jax.random.randint(ks[0], (B, L), 0, VOCAB)
    table = jax.random.normal(ks[1], (VOCAB, EMBED), dtype=jnp.float32)
    W1 = jax.random.normal(ks[2], (EMBED * 2, 128), dtype=jnp.float32) * 0.05
    b1 = jnp.zeros((128,), dtype=jnp.float32)
    W2 = jax.random.normal(ks[3], (128, 64), dtype=jnp.float32) * 0.05
    b2 = jnp.zeros((64,), dtype=jnp.float32)
    W3 = jax.random.normal(ks[4], (64, 1), dtype=jnp.float32) * 0.05
    b3 = jnp.zeros((1,), dtype=jnp.float32)
    return {"x": x, "table": table, "W1": W1, "b1": b1, "W2": W2, "b2": b2, "W3": W3, "b3": b3}


def reference(x, table, W1, b1, W2, b2, W3, b3):
    # embedding lookup (gather)
    emb = jnp.take(table, x, axis=0)  # [B, L, D]
    mean_pooled = jnp.mean(emb, axis=1)  # [B, D]
    max_pooled = jnp.max(emb, axis=1)    # [B, D]
    pooled = jnp.concatenate([mean_pooled, max_pooled], axis=-1)  # [B, 2D]
    h = jax.nn.relu(pooled @ W1 + b1)
    # dropout is identity at inference
    h = jax.nn.relu(h @ W2 + b2)
    out = jax.nn.sigmoid(h @ W3 + b3)
    return out

if __name__ == "__main__":
    import jax
    _d = setup_inputs()
    print(jax.jit(kernel)(*tuple(_d.values())))

</pallas_src>

<mosaic_0001>
#map = affine_map<(d0, d1) -> (0, 0)>
module attributes {stable_mosaic.version = 14 : i64} {
  func.func @_pool_body(%arg0: i32, %arg1: i32, %arg2: memref<8192x100xi32, #tpu.memory_space<hbm>>, %arg3: memref<1000000x32xf32, #tpu.memory_space<hbm>>, %arg4: memref<4096x64xf32, #tpu.memory_space<hbm>>, %arg5: memref<256x100xi32, #tpu.memory_space<vmem>>, %arg6: memref<200x32xf32, #tpu.memory_space<vmem>>, %arg7: memref<200x32xf32, #tpu.memory_space<vmem>>, %arg8: memref<200x32xf32, #tpu.memory_space<vmem>>, %arg9: memref<200x32xf32, #tpu.memory_space<vmem>>, %arg10: memref<128x64xf32, #tpu.memory_space<vmem>>, %arg11: memref<!tpu.dma_semaphore, #tpu.memory_space<semaphore_mem>>, %arg12: memref<!tpu.dma_semaphore, #tpu.memory_space<semaphore_mem>>, %arg13: memref<!tpu.dma_semaphore, #tpu.memory_space<semaphore_mem>>, %arg14: memref<!tpu.dma_semaphore, #tpu.memory_space<semaphore_mem>>) attributes {dimension_semantics = [#tpu.dimension_semantics<core_parallel>, #tpu.dimension_semantics<subcore_parallel>], iteration_bounds = array<i64: 2, 16>, scalar_prefetch = 0 : i64, scratch_operands = 10 : i64, tpu.core_type = #tpu.core_type<sc_vector_subcore>, window_params = [{transform_indices = #map}, {transform_indices = #map}, {transform_indices = #map}]} {
    %mul3A = arith.constant 2 : i32
    %mul3A_0 = arith.muli %arg1, %mul3A : i32
    %add3A = arith.addi %mul3A_0, %arg0 : i32
    %mul3A_1 = arith.constant 128 : i32
    %mul3A_2 = arith.muli %add3A, %mul3A_1 : i32
    %mul3A_3 = arith.constant 2 : i32
    %mul3A_4 = arith.muli %mul3A_2, %mul3A_3 : i32
    "tpu.region"() ({
      %run_scoped3A = tpu.sem_alloc : memref<!tpu.dma_semaphore, #tpu.memory_space<semaphore_mem>>
      %dma_start3A_96 = arith.constant 0 : i32
      %dma_start3A_97 = tpu.memref_slice %arg2[%mul3A_4, %dma_start3A_96] : memref<8192x100xi32, #tpu.memory_space<hbm>> -> memref<256x100xi32, #tpu.memory_space<hbm>>
      %dma_start3A_98 = arith.constant 0 : i32
      %dma_start3A_99 = tpu.memref_slice %arg2[%mul3A_4, %dma_start3A_98] : memref<8192x100xi32, #tpu.memory_space<hbm>> -> memref<256x100xi32, #tpu.memory_space<hbm>>
      tpu.enqueue_dma source(%dma_start3A_99 : memref<256x100xi32, #tpu.memory_space<hbm>>) target(%arg5 : memref<256x100xi32, #tpu.memory_space<vmem>>) target_semaphore(%run_scoped3A : memref<!tpu.dma_semaphore, #tpu.memory_space<semaphore_mem>>)
      %dma_wait3A = arith.constant 0 : i32
      %dma_wait3A_100 = tpu.memref_slice %arg2[%mul3A_4, %dma_wait3A] : memref<8192x100xi32, #tpu.memory_space<hbm>> -> memref<256x100xi32, #tpu.memory_space<hbm>>
      %dma_wait3A_101 = arith.constant 0 : i32
      %dma_wait3A_102 = tpu.memref_slice %arg2[%mul3A_4, %dma_wait3A_101] : memref<8192x100xi32, #tpu.memory_space<hbm>> -> memref<256x100xi32, #tpu.memory_space<hbm>>
      tpu.wait_dma2 semaphore(%run_scoped3A : memref<!tpu.dma_semaphore, #tpu.memory_space<semaphore_mem>>) src(%dma_wait3A_102 : memref<256x100xi32, #tpu.memory_space<hbm>>) dst(%arg5 : memref<256x100xi32, #tpu.memory_space<vmem>>)
      tpu.yield
    }) : () -> ()
    %dma_start3A = arith.constant 0 : i32
    %dma_start3A_5 = arith.constant 0 : i32
    %dma_start3A_6 = arith.constant 0 : i32
    %dma_start3A_7 = tpu.memref_slice %arg6[%dma_start3A_5, %dma_start3A_6] : memref<200x32xf32, #tpu.memory_space<vmem>> -> memref<100x32xf32, #tpu.memory_space<vmem>>
    %dma_start3A_8 = arith.constant 0 : i32
    %dma_start3A_9 = tpu.memref_slice %arg5[%dma_start3A, %dma_start3A_8] : memref<256x100xi32, #tpu.memory_space<vmem>> -> memref<1x100xi32, #tpu.memory_space<vmem>>
    %dma_start3A_10 = tpu.memref_squeeze %dma_start3A_9 : memref<1x100xi32, #tpu.memory_space<vmem>> -> memref<100xi32, #tpu.memory_space<vmem>>
    %dma_start3A_11 = arith.constant 0 : i32
    %dma_start3A_12 = arith.constant 0 : i32
    %dma_start3A_13 = tpu.memref_slice %arg3[%dma_start3A_11, %dma_start3A_12] : memref<1000000x32xf32, #tpu.memory_space<hbm>> -> memref<1000000x32xf32, #tpu.memory_space<hbm>>
    tpu.enqueue_indirect_dma source(%dma_start3A_13 : memref<1000000x32xf32, #tpu.memory_space<hbm>>) target(%dma_start3A_7 : memref<100x32xf32, #tpu.memory_space<vmem>>) offsets(%dma_start3A_10 : memref<100xi32, #tpu.memory_space<vmem>>) semaphore(%arg11 : memref<!tpu.dma_semaphore, #tpu.memory_space<semaphore_mem>>)
    %dma_start3A_14 = arith.constant 1 : i32
    %dma_start3A_15 = arith.constant 100 : i32
    %dma_start3A_16 = arith.constant 0 : i32
    %dma_start3A_17 = tpu.memref_slice %arg6[%dma_start3A_15, %dma_start3A_16] : memref<200x32xf32, #tpu.memory_space<vmem>> -> memref<100x32xf32, #tpu.memory_space<vmem>>
    %dma_start3A_18 = arith.constant 0 : i32
    %dma_start3A_19 = tpu.memref_slice %arg5[%dma_start3A_14, %dma_start3A_18] : memref<256x100xi32, #tpu.memory_space<vmem>> -> memref<1x100xi32, #tpu.memory_space<vmem>>
    %dma_start3A_20 = tpu.memref_squeeze %dma_start3A_19 : memref<1x100xi32, #tpu.memory_space<vmem>> -> memref<100xi32, #tpu.memory_space<vmem>>
    %dma_start3A_21 = arith.constant 0 : i32
    %dma_start3A_22 = arith.constant 0 : i32
    %dma_start3A_23 = tpu.memref_slice %arg3[%dma_start3A_21, %dma_start3A_22] : memref<1000000x32xf32, #tpu.memory_space<hbm>> -> memref<1000000x32xf32, #tpu.memory_space<hbm>>
    tpu.enqueue_indirect_dma source(%dma_start3A_23 : memref<1000000x32xf32, #tpu.memory_space<hbm>>) target(%dma_start3A_17 : memref<100x32xf32, #tpu.memory_space<vmem>>) offsets(%dma_start3A_20 : memref<100xi32, #tpu.memory_space<vmem>>) semaphore(%arg11 : memref<!tpu.dma_semaphore, #tpu.memory_space<semaphore_mem>>)
    %dma_start3A_24 = arith.constant 2 : i32
    %dma_start3A_25 = arith.constant 0 : i32
    %dma_start3A_26 = arith.constant 0 : i32
    %dma_start3A_27 = tpu.memref_slice %arg7[%dma_start3A_25, %dma_start3A_26] : memref<200x32xf32, #tpu.memory_space<vmem>> -> memref<100x32xf32, #tpu.memory_space<vmem>>
    %dma_start3A_28 = arith.constant 0 : i32
    %dma_start3A_29 = tpu.memref_slice %arg5[%dma_start3A_24, %dma_start3A_28] : memref<256x100xi32, #tpu.memory_space<vmem>> -> memref<1x100xi32, #tpu.memory_space<vmem>>
    %dma_start3A_30 = tpu.memref_squeeze %dma_start3A_29 : memref<1x100xi32, #tpu.memory_space<vmem>> -> memref<100xi32, #tpu.memory_space<vmem>>
    %dma_start3A_31 = arith.constant 0 : i32
    %dma_start3A_32 = arith.constant 0 : i32
    %dma_start3A_33 = tpu.memref_slice %arg3[%dma_start3A_31, %dma_start3A_32] : memref<1000000x32xf32, #tpu.memory_space<hbm>> -> memref<1000000x32xf32, #tpu.memory_space<hbm>>
    tpu.enqueue_indirect_dma source(%dma_start3A_33 : memref<1000000x32xf32, #tpu.memory_space<hbm>>) target(%dma_start3A_27 : memref<100x32xf32, #tpu.memory_space<vmem>>) offsets(%dma_start3A_30 : memref<100xi32, #tpu.memory_space<vmem>>) semaphore(%arg12 : memref<!tpu.dma_semaphore, #tpu.memory_space<semaphore_mem>>)
    %dma_start3A_34 = arith.constant 3 : i32
    %dma_start3A_35 = arith.constant 100 : i32
    %dma_start3A_36 = arith.constant 0 : i32
    %dma_start3A_37 = tpu.memref_slice %arg7[%dma_start3A_35, %dma_start3A_36] : memref<200x32xf32, #tpu.memory_space<vmem>> -> memref<100x32xf32, #tpu.memory_space<vmem>>
    %dma_start3A_38 = arith.constant 0 : i32
    %dma_start3A_39 = tpu.memref_slice %arg5[%dma_start3A_34, %dma_start3A_38] : memref<256x100xi32, #tpu.memory_space<vmem>> -> memref<1x100xi32, #tpu.memory_space<vmem>>
    %dma_start3A_40 = tpu.memref_squeeze %dma_start3A_39 : memref<1x100xi32, #tpu.memory_space<vmem>> -> memref<100xi32, #tpu.memory_space<vmem>>
    %dma_start3A_41 = arith.constant 0 : i32
    %dma_start3A_42 = arith.constant 0 : i32
    %dma_start3A_43 = tpu.memref_slice %arg3[%dma_start3A_41, %dma_start3A_42] : memref<1000000x32xf32, #tpu.memory_space<hbm>> -> memref<1000000x32xf32, #tpu.memory_space<hbm>>
    tpu.enqueue_indirect_dma source(%dma_start3A_43 : memref<1000000x32xf32, #tpu.memory_space<hbm>>) target(%dma_start3A_37 : memref<100x32xf32, #tpu.memory_space<vmem>>) offsets(%dma_start3A_40 : memref<100xi32, #tpu.memory_space<vmem>>) semaphore(%arg12 : memref<!tpu.dma_semaphore, #tpu.memory_space<semaphore_mem>>)
    %dma_start3A_44 = arith.constant 4 : i32
    %dma_start3A_45 = arith.constant 0 : i32
    %dma_start3A_46 = arith.constant 0 : i32
    %dma_start3A_47 = tpu.memref_slice %arg8[%dma_start3A_45, %dma_start3A_46] : memref<200x32xf32, #tpu.memory_space<vmem>> -> memref<100x32xf32, #tpu.memory_space<vmem>>
    %dma_start3A_48 = arith.constant 0 : i32
    %dma_start3A_49 = tpu.memref_slice %arg5[%dma_start3A_44, %dma_start3A_48] : memref<256x100xi32, #tpu.memory_space<vmem>> -> memref<1x100xi32, #tpu.memory_space<vmem>>
    %dma_start3A_50 = tpu.memref_squeeze %dma_start3A_49 : memref<1x100xi32, #tpu.memory_space<vmem>> -> memref<100xi32, #tpu.memory_space<vmem>>
    %dma_start3A_51 = arith.constant 0 : i32
    %dma_start3A_52 = arith.constant 0 : i32
    %dma_start3A_53 = tpu.memref_slice %arg3[%dma_start3A_51, %dma_start3A_52] : memref<1000000x32xf32, #tpu.memory_space<hbm>> -> memref<1000000x32xf32, #tpu.memory_space<hbm>>
    tpu.enqueue_indirect_dma source(%dma_start3A_53 : memref<1000000x32xf32, #tpu.memory_space<hbm>>) target(%dma_start3A_47 : memref<100x32xf32, #tpu.memory_space<vmem>>) offsets(%dma_start3A_50 : memref<100xi32, #tpu.memory_space<vmem>>) semaphore(%arg13 : memref<!tpu.dma_semaphore, #tpu.memory_space<semaphore_mem>>)
    %dma_start3A_54 = arith.constant 5 : i32
    %dma_start3A_55 = arith.constant 100 : i32
    %dma_start3A_56 = arith.constant 0 : i32
    %dma_start3A_57 = tpu.memref_slice %arg8[%dma_start3A_55, %dma_start3A_56] : memref<200x32xf32, #tpu.memory_space<vmem>> -> memref<100x32xf32, #tpu.memory_space<vmem>>
    %dma_start3A_58 = arith.constant 0 : i32
    %dma_start3A_59 = tpu.memref_slice %arg5[%dma_start3A_54, %dma_start3A_58] : memref<256x100xi32, #tpu.memory_space<vmem>> -> memref<1x100xi32, #tpu.memory_space<vmem>>
    %dma_start3A_60 = tpu.memref_squeeze %dma_start3A_59 : memref<1x100xi32, #tpu.memory_space<vmem>> -> memref<100xi32, #tpu.memory_space<vmem>>
    %dma_start3A_61 = arith.constant 0 : i32
    %dma_start3A_62 = arith.constant 0 : i32
    %dma_start3A_63 = tpu.memref_slice %arg3[%dma_start3A_61, %dma_start3A_62] : memref<1000000x32xf32, #tpu.memory_space<hbm>> -> memref<1000000x32xf32, #tpu.memory_space<hbm>>
    tpu.enqueue_indirect_dma source(%dma_start3A_63 : memref<1000000x32xf32, #tpu.memory_space<hbm>>) target(%dma_start3A_57 : memref<100x32xf32, #tpu.memory_space<vmem>>) offsets(%dma_start3A_60 : memref<100xi32, #tpu.memory_space<vmem>>) semaphore(%arg13 : memref<!tpu.dma_semaphore, #tpu.memory_space<semaphore_mem>>)
    %dma_start3A_64 = arith.constant 6 : i32
    %dma_start3A_65 = arith.constant 0 : i32
    %dma_start3A_66 = arith.constant 0 : i32
    %dma_start3A_67 = tpu.memref_slice %arg9[%dma_start3A_65, %dma_start3A_66] : memref<200x32xf32, #tpu.memory_space<vmem>> -> memref<100x32xf32, #tpu.memory_space<vmem>>
    %dma_start3A_68 = arith.constant 0 : i32
    %dma_start3A_69 = tpu.memref_slice %arg5[%dma_start3A_64, %dma_start3A_68] : memref<256x100xi32, #tpu.memory_space<vmem>> -> memref<1x100xi32, #tpu.memory_space<vmem>>
    %dma_start3A_70 = tpu.memref_squeeze %dma_start3A_69 : memref<1x100xi32, #tpu.memory_space<vmem>> -> memref<100xi32, #tpu.memory_space<vmem>>
    %dma_start3A_71 = arith.constant 0 : i32
    %dma_start3A_72 = arith.constant 0 : i32
    %dma_start3A_73 = tpu.memref_slice %arg3[%dma_start3A_71, %dma_start3A_72] : memref<1000000x32xf32, #tpu.memory_space<hbm>> -> memref<1000000x32xf32, #tpu.memory_space<hbm>>
    tpu.enqueue_indirect_dma source(%dma_start3A_73 : memref<1000000x32xf32, #tpu.memory_space<hbm>>) target(%dma_start3A_67 : memref<100x32xf32, #tpu.memory_space<vmem>>) offsets(%dma_start3A_70 : memref<100xi32, #tpu.memory_space<vmem>>) semaphore(%arg14 : memref<!tpu.dma_semaphore, #tpu.memory_space<semaphore_mem>>)
    %dma_start3A_74 = arith.constant 7 : i32
    %dma_start3A_75 = arith.constant 100 : i32
    %dma_start3A_76 = arith.constant 0 : i32
    %dma_start3A_77 = tpu.memref_slice %arg9[%dma_start3A_75, %dma_start3A_76] : memref<200x32xf32, #tpu.memory_space<vmem>> -> memref<100x32xf32, #tpu.memory_space<vmem>>
    %dma_start3A_78 = arith.constant 0 : i32
    %dma_start3A_79 = tpu.memref_slice %arg5[%dma_start3A_74, %dma_start3A_78] : memref<256x100xi32, #tpu.memory_space<vmem>> -> memref<1x100xi32, #tpu.memory_space<vmem>>
    %dma_start3A_80 = tpu.memref_squeeze %dma_start3A_79 : memref<1x100xi32, #tpu.memory_space<vmem>> -> memref<100xi32, #tpu.memory_space<vmem>>
    %dma_start3A_81 = arith.constant 0 : i32
    %dma_start3A_82 = arith.constant 0 : i32
    %dma_start3A_83 = tpu.memref_slice %arg3[%dma_start3A_81, %dma_start3A_82] : memref<1000000x32xf32, #tpu.memory_space<hbm>> -> memref<1000000x32xf32, #tpu.memory_space<hbm>>
    tpu.enqueue_indirect_dma source(%dma_start3A_83 : memref<1000000x32xf32, #tpu.memory_space<hbm>>) target(%dma_start3A_77 : memref<100x32xf32, #tpu.memory_space<vmem>>) offsets(%dma_start3A_80 : memref<100xi32, #tpu.memory_space<vmem>>) semaphore(%arg14 : memref<!tpu.dma_semaphore, #tpu.memory_space<semaphore_mem>>)
    %broadcast_in_dim3A = arith.constant 0.000000e+00 : f32
    %broadcast_in_dim3A_84 = vector.broadcast %broadcast_in_dim3A : f32 to vector<16xf32>
    %broadcast_in_dim3A_85 = arith.constant 0xFF800000 : f32
    %broadcast_in_dim3A_86 = vector.broadcast %broadcast_in_dim3A_85 : f32 to vector<16xf32>
    %scan3A = arith.constant 5.000000e-03 : f32
    %scan3A_87 = arith.constant 0 : i32
    %scan3A_88 = arith.constant 0 : i32
    %scan3A_89 = arith.constant 32 : i32
    %scan3A_90 = arith.addi %scan3A_88, %scan3A_89 : i32
    %scan3A_91 = arith.constant 1 : i32
    %scan3A_92 = scf.for %scan3A_96 = %scan3A_88 to %scan3A_90 step %scan3A_91 iter_args(%scan3A_97 = %scan3A_87) -> (i32)  : i32 {
      %mul3A_98 = arith.constant 4 : i32
      %mul3A_99 = arith.muli %mul3A_98, %scan3A_96 : i32
      %add3A_100 = arith.constant 0 : i32
      %add3A_101 = arith.addi %mul3A_99, %add3A_100 : i32
      %dma_wait3A = arith.constant 0 : i32
      %dma_wait3A_102 = arith.constant 0 : i32
      %dma_wait3A_103 = arith.constant 0 : i32
      %dma_wait3A_104 = tpu.memref_slice %arg6[%dma_wait3A_102, %dma_wait3A_103] : memref<200x32xf32, #tpu.memory_space<vmem>> -> memref<100x32xf32, #tpu.memory_space<vmem>>
      %dma_wait3A_105 = arith.constant 0 : i32
      %dma_wait3A_106 = tpu.memref_slice %arg5[%dma_wait3A, %dma_wait3A_105] : memref<256x100xi32, #tpu.memory_space<vmem>> -> memref<1x100xi32, #tpu.memory_space<vmem>>
      %dma_wait3A_107 = tpu.memref_squeeze %dma_wait3A_106 : memref<1x100xi32, #tpu.memory_space<vmem>> -> memref<100xi32, #tpu.memory_space<vmem>>
      %dma_wait3A_108 = arith.constant 0 : i32
      %dma_wait3A_109 = arith.constant 0 : i32
      %dma_wait3A_110 = tpu.memref_slice %arg3[%dma_wait3A_108, %dma_wait3A_109] : memref<1000000x32xf32, #tpu.memory_space<hbm>> -> memref<1000000x32xf32, #tpu.memory_space<hbm>>
      tpu.wait_indirect_dma semaphore(%arg11 : memref<!tpu.dma_semaphore, #tpu.memory_space<semaphore_mem>>) src(%dma_wait3A_110 : memref<1000000x32xf32, #tpu.memory_space<hbm>>) dst(%dma_wait3A_104 : memref<100x32xf32, #tpu.memory_space<vmem>>)
      %dma_wait3A_111 = arith.constant 1 : i32
      %dma_wait3A_112 = arith.constant 100 : i32
      %dma_wait3A_113 = arith.constant 0 : i32
      %dma_wait3A_114 = tpu.memref_slice %arg6[%dma_wait3A_112, %dma_wait3A_113] : memref<200x32xf32, #tpu.memory_space<vmem>> -> memref<100x32xf32, #tpu.memory_space<vmem>>
      %dma_wait3A_115 = arith.constant 0 : i32
      %dma_wait3A_116 = tpu.memref_slice %arg5[%dma_wait3A_111, %dma_wait3A_115] : memref<256x100xi32, #tpu.memory_space<vmem>> -> memref<1x100xi32, #tpu.memory_space<vmem>>
      %dma_wait3A_117 = tpu.memref_squeeze %dma_wait3A_116 : memref<1x100xi32, #tpu.memory_space<vmem>> -> memref<100xi32, #tpu.memory_space<vmem>>
      %dma_wait3A_118 = arith.constant 0 : i32
      %dma_wait3A_119 = arith.constant 0 : i32
      %dma_wait3A_120 = tpu.memref_slice %arg3[%dma_wait3A_118, %dma_wait3A_119] : memref<1000000x32xf32, #tpu.memory_space<hbm>> -> memref<1000000x32xf32, #tpu.memory_space<hbm>>
      tpu.wait_indirect_dma semaphore(%arg11 : memref<!tpu.dma_semaphore, #tpu.memory_space<semaphore_mem>>) src(%dma_wait3A_120 : memref<1000000x32xf32, #tpu.memory_space<hbm>>) dst(%dma_wait3A_114 : memref<100x32xf32, #tpu.memory_space<vmem>>)
      %parallel_loop3A = arith.constant 0 : i32
      %parallel_loop3A_121 = arith.constant 200 : i32
      %parallel_loop3A_122 = arith.constant 2 : i32
      %parallel_loop3A_123:8 = scf.for %parallel_loop3A_344 = %parallel_loop3A to %parallel_loop3A_121 step %parallel_loop3A_122 iter_args(%parallel_loop3A_345 = %broadcast_in_dim3A_84, %parallel_loop3A_346 = %broadcast_in_dim3A_84, %parallel_loop3A_347 = %broadcast_in_dim3A_86, %parallel_loop3A_348 = %broadcast_in_dim3A_86, %parallel_loop3A_349 = %broadcast_in_dim3A_84, %parallel_loop3A_350 = %broadcast_in_dim3A_84, %parallel_loop3A_351 = %broadcast_in_dim3A_86, %parallel_loop3A_352 = %broadcast_in_dim3A_86) -> (vector<16xf32>, vector<16xf32>, vector<16xf32>, vector<16xf32>, vector<16xf32>, vector<16xf32>, vector<16xf32>, vector<16xf32>)  : i32 {
        %parallel_loop3A_353 = arith.index_cast %parallel_loop3A_344 : i32 to index
        %parallel_loop3A_354 = arith.constant 0 : index
        %parallel_loop3A_355 = tpu.vector_load %arg6[%parallel_loop3A_353, %parallel_loop3A_354] {strides = array<i32>} : memref<200x32xf32, #tpu.memory_space<vmem>>, vector<1x16xf32>,
        %parallel_loop3A_356 = vector.shape_cast %parallel_loop3A_355 : vector<1x16xf32> to vector<16xf32>
        %parallel_loop3A_357 = arith.index_cast %parallel_loop3A_344 : i32 to index
        %parallel_loop3A_358 = arith.constant 16 : index
        %parallel_loop3A_359 = tpu.vector_load %arg6[%parallel_loop3A_357, %parallel_loop3A_358] {strides = array<i32>} : memref<200x32xf32, #tpu.memory_space<vmem>>, vector<1x16xf32>,
        %parallel_loop3A_360 = vector.shape_cast %parallel_loop3A_359 : vector<1x16xf32> to vector<16xf32>
        %parallel_loop3A_361 = arith.constant 1 : i32
        %parallel_loop3A_362 = arith.addi %parallel_loop3A_344, %parallel_loop3A_361 : i32
        %parallel_loop3A_363 = arith.index_cast %parallel_loop3A_362 : i32 to index
        %parallel_loop3A_364 = arith.constant 0 : index
        %parallel_loop3A_365 = tpu.vector_load %arg6[%parallel_loop3A_363, %parallel_loop3A_364] {strides = array<i32>} : memref<200x32xf32, #tpu.memory_space<vmem>>, vector<1x16xf32>,
        %parallel_loop3A_366 = vector.shape_cast %parallel_loop3A_365 : vector<1x16xf32> to vector<16xf32>
        %parallel_loop3A_367 = arith.constant 1 : i32
        %parallel_loop3A_368 = arith.addi %parallel_loop3A_344, %parallel_loop3A_367 : i32
        %parallel_loop3A_369 = arith.index_cast %parallel_loop3A_368 : i32 to index
        %parallel_loop3A_370 = arith.constant 16 : index
        %parallel_loop3A_371 = tpu.vector_load %arg6[%parallel_loop3A_369, %parallel_loop3A_370] {strides = array<i32>} : memref<200x32xf32, #tpu.memory_space<vmem>>, vector<1x16xf32>,
        %parallel_loop3A_372 = vector.shape_cast %parallel_loop3A_371 : vector<1x16xf32> to vector<16xf32>
        %parallel_loop3A_373 = arith.addf %parallel_loop3A_345, %parallel_loop3A_356 : vector<16xf32>
        %parallel_loop3A_374 = arith.addf %parallel_loop3A_346, %parallel_loop3A_360 : vector<16xf32>
        %parallel_loop3A_375 = arith.maximumf %parallel_loop3A_347, %parallel_loop3A_356 : vector<16xf32>
        %parallel_loop3A_376 = arith.maximumf %parallel_loop3A_348, %parallel_loop3A_360 : vector<16xf32>
        %parallel_loop3A_377 = arith.addf %parallel_loop3A_349, %parallel_loop3A_366 : vector<16xf32>
        %parallel_loop3A_378 = arith.addf %parallel_loop3A_350, %parallel_loop3A_372 : vector<16xf32>
        %parallel_loop3A_379 = arith.maximumf %parallel_loop3A_351, %parallel_loop3A_366 : vector<16xf32>
        %parallel_loop3A_380 = arith.maximumf %parallel_loop3A_352, %parallel_loop3A_372 : vector<16xf32>
        scf.yield %parallel_loop3A_373, %parallel_loop3A_374, %parallel_loop3A_375, %parallel_loop3A_376, %parallel_loop3A_377, %parallel_loop3A_378, %parallel_loop3A_379, %parallel_loop3A_380 : vector<16xf32>, vector<16xf32>, vector<16xf32>, vector<16xf32>, vector<16xf32>, vector<16xf32>, vector<16xf32>, vector<16xf32>
      } {sc.loop_unroll_factor = 4 : i64, sc.parallel_access}
      %add3A_124 = arith.constant 4 : i32
      %add3A_125 = arith.addi %add3A_101, %add3A_124 : i32
      %lt3A = arith.constant 128 : i32
      %lt3A_126 = arith.cmpi slt, %add3A_125, %lt3A : i32
      %convert_element_type3A = arith.extui %lt3A_126 : i1 to i32
      %cond3A = arith.constant 0 : i32
      %cond3A_127 = arith.cmpi ne, %convert_element_type3A, %cond3A : i32
      scf.if %cond3A_127 {
        %add3A_344 = arith.constant 4 : i32
        %add3A_345 = arith.addi %add3A_101, %add3A_344 : i32
        %mul3A_346 = arith.constant 2 : i32
        %mul3A_347 = arith.muli %add3A_345, %mul3A_346 : i32
        %add3A_348 = arith.constant 0 : i32
        %add3A_349 = arith.addi %mul3A_347, %add3A_348 : i32
        %dma_start3A_350 = arith.constant 0 : i32
        %dma_start3A_351 = arith.constant 0 : i32
        %dma_start3A_352 = tpu.memref_slice %arg6[%dma_start3A_350, %dma_start3A_351] : memref<200x32xf32, #tpu.memory_space<vmem>> -> memref<100x32xf32, #tpu.memory_space<vmem>>
        %dma_start3A_353 = arith.constant 0 : i32
        %dma_start3A_354 = tpu.memref_slice %arg5[%add3A_349, %dma_start3A_353] : memref<256x100xi32, #tpu.memory_space<vmem>> -> memref<1x100xi32, #tpu.memory_space<vmem>>
        %dma_start3A_355 = tpu.memref_squeeze %dma_start3A_354 : memref<1x100xi32, #tpu.memory_space<vmem>> -> memref<100xi32, #tpu.memory_space<vmem>>
        %dma_start3A_356 = arith.constant 0 : i32
        %dma_start3A_357 = arith.constant 0 : i32
        %dma_start3A_358 = tpu.memref_slice %arg3[%dma_start3A_356, %dma_start3A_357] : memref<1000000x32xf32, #tpu.memory_space<hbm>> -> memref<1000000x32xf32, #tpu.memory_space<hbm>>
        tpu.enqueue_indirect_dma source(%dma_start3A_358 : memref<1000000x32xf32, #tpu.memory_space<hbm>>) target(%dma_start3A_352 : memref<100x32xf32, #tpu.memory_space<vmem>>) offsets(%dma_start3A_355 : memref<100xi32, #tpu.memory_space<vmem>>) semaphore(%arg11 : memref<!tpu.dma_semaphore, #tpu.memory_space<semaphore_mem>>)
        %mul3A_359 = arith.constant 2 : i32
        %mul3A_360 = arith.muli %add3A_345, %mul3A_359 : i32
        %add3A_361 = arith.constant 1 : i32
        %add3A_362 = arith.addi %mul3A_360, %add3A_361 : i32
        %dma_start3A_363 = arith.constant 100 : i32
        %dma_start3A_364 = arith.constant 0 : i32
        %dma_start3A_365 = tpu.memref_slice %arg6[%dma_start3A_363, %dma_start3A_364] : memref<200x32xf32, #tpu.memory_space<vmem>> -> memref<100x32xf32, #tpu.memory_space<vmem>>
        %dma_start3A_366 = arith.constant 0 : i32
        %dma_start3A_367 = tpu.memref_slice %arg5[%add3A_362, %dma_start3A_366] : memref<256x100xi32, #tpu.memory_space<vmem>> -> memref<1x100xi32, #tpu.memory_space<vmem>>
        %dma_start3A_368 = tpu.memref_squeeze %dma_start3A_367 : memref<1x100xi32, #tpu.memory_space<vmem>> -> memref<100xi32, #tpu.memory_space<vmem>>
        %dma_start3A_369 = arith.constant 0 : i32
        %dma_start3A_370 = arith.constant 0 : i32
        %dma_start3A_371 = tpu.memref_slice %arg3[%dma_start3A_369, %dma_start3A_370] : memref<1000000x32xf32, #tpu.memory_space<hbm>> -> memref<1000000x32xf32, #tpu.memory_space<hbm>>
        tpu.enqueue_indirect_dma source(%dma_start3A_371 : memref<1000000x32xf32, #tpu.memory_space<hbm>>) target(%dma_start3A_365 : memref<100x32xf32, #tpu.memory_space<vmem>>) offsets(%dma_start3A_368 : memref<100xi32, #tpu.memory_space<vmem>>) semaphore(%arg11 : memref<!tpu.dma_semaphore, #tpu.memory_space<semaphore_mem>>)
      } else {
      }
      %add3A_128 = arith.addf %parallel_loop3A_123#0, %parallel_loop3A_123#4 : vector<16xf32>
      %mul3A_129 = vector.broadcast %scan3A : f32 to vector<16xf32>
      %mul3A_130 = arith.mulf %add3A_128, %mul3A_129 : vector<16xf32>
      %swap3A = arith.index_cast %add3A_101 : i32 to index
      %swap3A_131 = arith.constant 0 : index
      %swap3A_132 = tpu.vector_load %arg10[%swap3A, %swap3A_131] {strides = array<i32>} : memref<128x64xf32, #tpu.memory_space<vmem>>, vector<1x16xf32>,
      %swap3A_133 = vector.shape_cast %swap3A_132 : vector<1x16xf32> to vector<16xf32>
      %swap3A_134 = vector.shape_cast %mul3A_130 : vector<16xf32> to vector<1x16xf32>
      tpu.vector_store %arg10[%swap3A, %swap3A_131], %swap3A_134 {strides = array<i32>} : memref<128x64xf32, #tpu.memory_space<vmem>>, vector<1x16xf32>,
      %add3A_135 = arith.addf %parallel_loop3A_123#1, %parallel_loop3A_123#5 : vector<16xf32>
      %mul3A_136 = vector.broadcast %scan3A : f32 to vector<16xf32>
      %mul3A_137 = arith.mulf %add3A_135, %mul3A_136 : vector<16xf32>
      %swap3A_138 = arith.index_cast %add3A_101 : i32 to index
      %swap3A_139 = arith.constant 16 : index
      %swap3A_140 = tpu.vector_load %arg10[%swap3A_138, %swap3A_139] {strides = array<i32>} : memref<128x64xf32, #tpu.memory_space<vmem>>, vector<1x16xf32>,
      %swap3A_141 = vector.shape_cast %swap3A_140 : vector<1x16xf32> to vector<16xf32>
      %swap3A_142 = vector.shape_cast %mul3A_137 : vector<16xf32> to vector<1x16xf32>
      tpu.vector_store %arg10[%swap3A_138, %swap3A_139], %swap3A_142 {strides = array<i32>} : memref<128x64xf32, #tpu.memory_space<vmem>>, vector<1x16xf32>,
      %max3A = arith.maximumf %parallel_loop3A_123#2, %parallel_loop3A_123#6 : vector<16xf32>
      %swap3A_143 = arith.index_cast %add3A_101 : i32 to index
      %swap3A_144 = arith.constant 32 : index
      %swap3A_145 = tpu.vector_load %arg10[%swap3A_143, %swap3A_144] {strides = array<i32>} : memref<128x64xf32, #tpu.memory_space<vmem>>, vector<1x16xf32>,
      %swap3A_146 = vector.shape_cast %swap3A_145 : vector<1x16xf32> to vector<16xf32>
      %swap3A_147 = vector.shape_cast %max3A : vector<16xf32> to vector<1x16xf32>
      tpu.vector_store %arg10[%swap3A_143, %swap3A_144], %swap3A_147 {strides = array<i32>} : memref<128x64xf32, #tpu.memory_space<vmem>>, vector<1x16xf32>,
      %max3A_148 = arith.maximumf %parallel_loop3A_123#3, %parallel_loop3A_123#7 : vector<16xf32>
      %swap3A_149 = arith.index_cast %add3A_101 : i32 to index
      %swap3A_150 = arith.constant 48 : index
      %swap3A_151 = tpu.vector_load %arg10[%swap3A_149, %swap3A_150] {strides = array<i32>} : memref<128x64xf32, #tpu.memory_space<vmem>>, vector<1x16xf32>,
      %swap3A_152 = vector.shape_cast %swap3A_151 : vector<1x16xf32> to vector<16xf32>
      %swap3A_153 = vector.shape_cast %max3A_148 : vector<16xf32> to vector<1x16xf32>
      tpu.vector_store %arg10[%swap3A_149, %swap3A_150], %swap3A_153 {strides = array<i32>} : memref<128x64xf32, #tpu.memory_space<vmem>>, vector<1x16xf32>,
      %mul3A_154 = arith.constant 4 : i32
      %mul3A_155 = arith.muli %mul3A_154, %scan3A_96 : i32
      %add3A_156 = arith.constant 1 : i32
      %add3A_157 = arith.addi %mul3A_155, %add3A_156 : i32
      %dma_wait3A_158 = arith.constant 0 : i32
      %dma_wait3A_159 = arith.constant 0 : i32
      %dma_wait3A_160 = arith.constant 0 : i32
      %dma_wait3A_161 = tpu.memref_slice %arg7[%dma_wait3A_159, %dma_wait3A_160] : memref<200x32xf32, #tpu.memory_space<vmem>> -> memref<100x32xf32, #tpu.memory_space<vmem>>
      %dma_wait3A_162 = arith.constant 0 : i32
      %dma_wait3A_163 = tpu.memref_slice %arg5[%dma_wait3A_158, %dma_wait3A_162] : memref<256x100xi32, #tpu.memory_space<vmem>> -> memref<1x100xi32, #tpu.memory_space<vmem>>
      %dma_wait3A_164 = tpu.memref_squeeze %dma_wait3A_163 : memref<1x100xi32, #tpu.memory_space<vmem>> -> memref<100xi32, #tpu.memory_space<vmem>>
      %dma_wait3A_165 = arith.constant 0 : i32
      %dma_wait3A_166 = arith.constant 0 : i32
      %dma_wait3A_167 = tpu.memref_slice %arg3[%dma_wait3A_165, %dma_wait3A_166] : memref<1000000x32xf32, #tpu.memory_space<hbm>> -> memref<1000000x32xf32, #tpu.memory_space<hbm>>
      tpu.wait_indirect_dma semaphore(%arg12 : memref<!tpu.dma_semaphore, #tpu.memory_space<semaphore_mem>>) src(%dma_wait3A_167 : memref<1000000x32xf32, #tpu.memory_space<hbm>>) dst(%dma_wait3A_161 : memref<100x32xf32, #tpu.memory_space<vmem>>)
      %dma_wait3A_168 = arith.constant 1 : i32
      %dma_wait3A_169 = arith.constant 100 : i32
      %dma_wait3A_170 = arith.constant 0 : i32
      %dma_wait3A_171 = tpu.memref_slice %arg7[%dma_wait3A_169, %dma_wait3A_170] : memref<200x32xf32, #tpu.memory_space<vmem>> -> memref<100x32xf32, #tpu.memory_space<vmem>>
      %dma_wait3A_172 = arith.constant 0 : i32
      %dma_wait3A_173 = tpu.memref_slice %arg5[%dma_wait3A_168, %dma_wait3A_172] : memref<256x100xi32, #tpu.memory_space<vmem>> -> memref<1x100xi32, #tpu.memory_space<vmem>>
      %dma_wait3A_174 = tpu.memref_squeeze %dma_wait3A_173 : memref<1x100xi32, #tpu.memory_space<vmem>> -> memref<100xi32, #tpu.memory_space<vmem>>
      %dma_wait3A_175 = arith.constant 0 : i32
      %dma_wait3A_176 = arith.constant 0 : i32
      %dma_wait3A_177 = tpu.memref_slice %arg3[%dma_wait3A_175, %dma_wait3A_176] : memref<1000000x32xf32, #tpu.memory_space<hbm>> -> memref<1000000x32xf32, #tpu.memory_space<hbm>>
      tpu.wait_indirect_dma semaphore(%arg12 : memref<!tpu.dma_semaphore, #tpu.memory_space<semaphore_mem>>) src(%dma_wait3A_177 : memref<1000000x32xf32, #tpu.memory_space<hbm>>) dst(%dma_wait3A_171 : memref<100x32xf32, #tpu.memory_space<vmem>>)
      %parallel_loop3A_178 = arith.constant 0 : i32
      %parallel_loop3A_179 = arith.constant 200 : i32
      %parallel_loop3A_180 = arith.constant 2 : i32
      %parallel_loop3A_181:8 = scf.for %parallel_loop3A_344 = %parallel_loop3A_178 to %parallel_loop3A_179 step %parallel_loop3A_180 iter_args(%parallel_loop3A_345 = %broadcast_in_dim3A_84, %parallel_loop3A_346 = %broadcast_in_dim3A_84, %parallel_loop3A_347 = %broadcast_in_dim3A_86, %parallel_loop3A_348 = %broadcast_in_dim3A_86, %parallel_loop3A_349 = %broadcast_in_dim3A_84, %parallel_loop3A_350 = %broadcast_in_dim3A_84, %parallel_loop3A_351 = %broadcast_in_dim3A_86, %parallel_loop3A_352 = %broadcast_in_dim3A_86) -> (vector<16xf32>, vector<16xf32>, vector<16xf32>, vector<16xf32>, vector<16xf32>, vector<16xf32>, vector<16xf32>, vector<16xf32>)  : i32 {
        %parallel_loop3A_353 = arith.index_cast %parallel_loop3A_344 : i32 to index
        %parallel_loop3A_354 = arith.constant 0 : index
        %parallel_loop3A_355 = tpu.vector_load %arg7[%parallel_loop3A_353, %parallel_loop3A_354] {strides = array<i32>} : memref<200x32xf32, #tpu.memory_space<vmem>>, vector<1x16xf32>,
        %parallel_loop3A_356 = vector.shape_cast %parallel_loop3A_355 : vector<1x16xf32> to vector<16xf32>
        %parallel_loop3A_357 = arith.index_cast %parallel_loop3A_344 : i32 to index
        %parallel_loop3A_358 = arith.constant 16 : index
        %parallel_loop3A_359 = tpu.vector_load %arg7[%parallel_loop3A_357, %parallel_loop3A_358] {strides = array<i32>} : memref<200x32xf32, #tpu.memory_space<vmem>>, vector<1x16xf32>,
        %parallel_loop3A_360 = vector.shape_cast %parallel_loop3A_359 : vector<1x16xf32> to vector<16xf32>
        %parallel_loop3A_361 = arith.constant 1 : i32
        %parallel_loop3A_362 = arith.addi %parallel_loop3A_344, %parallel_loop3A_361 : i32
        %parallel_loop3A_363 = arith.index_cast %parallel_loop3A_362 : i32 to index
        %parallel_loop3A_364 = arith.constant 0 : index
        %parallel_loop3A_365 = tpu.vector_load %arg7[%parallel_loop3A_363, %parallel_loop3A_364] {strides = array<i32>} : memref<200x32xf32, #tpu.memory_space<vmem>>, vector<1x16xf32>,
        %parallel_loop3A_366 = vector.shape_cast %parallel_loop3A_365 : vector<1x16xf32> to vector<16xf32>
        %parallel_loop3A_367 = arith.constant 1 : i32
        %parallel_loop3A_368 = arith.addi %parallel_loop3A_344, %parallel_loop3A_367 : i32
        %parallel_loop3A_369 = arith.index_cast %parallel_loop3A_368 : i32 to index
        %parallel_loop3A_370 = arith.constant 16 : index
        %parallel_loop3A_371 = tpu.vector_load %arg7[%parallel_loop3A_369, %parallel_loop3A_370] {strides = array<i32>} : memref<200x32xf32, #tpu.memory_space<vmem>>, vector<1x16xf32>,
        %parallel_loop3A_372 = vector.shape_cast %parallel_loop3A_371 : vector<1x16xf32> to vector<16xf32>
        %parallel_loop3A_373 = arith.addf %parallel_loop3A_345, %parallel_loop3A_356 : vector<16xf32>
        %parallel_loop3A_374 = arith.addf %parallel_loop3A_346, %parallel_loop3A_360 : vector<16xf32>
        %parallel_loop3A_375 = arith.maximumf %parallel_loop3A_347, %parallel_loop3A_356 : vector<16xf32>
        %parallel_loop3A_376 = arith.maximumf %parallel_loop3A_348, %parallel_loop3A_360 : vector<16xf32>
        %parallel_loop3A_377 = arith.addf %parallel_loop3A_349, %parallel_loop3A_366 : vector<16xf32>
        %parallel_loop3A_378 = arith.addf %parallel_loop3A_350, %parallel_loop3A_372 : vector<16xf32>
        %parallel_loop3A_379 = arith.maximumf %parallel_loop3A_351, %parallel_loop3A_366 : vector<16xf32>
        %parallel_loop3A_380 = arith.maximumf %parallel_loop3A_352, %parallel_loop3A_372 : vector<16xf32>
        scf.yield %parallel_loop3A_373, %parallel_loop3A_374, %parallel_loop3A_375, %parallel_loop3A_376, %parallel_loop3A_377, %parallel_loop3A_378, %parallel_loop3A_379, %parallel_loop3A_380 : vector<16xf32>, vector<16xf32>, vector<16xf32>, vector<16xf32>, vector<16xf32>, vector<16xf32>, vector<16xf32>, vector<16xf32>
      } {sc.loop_unroll_factor = 4 : i64, sc.parallel_access}
      %add3A_182 = arith.constant 4 : i32
      %add3A_183 = arith.addi %add3A_157, %add3A_182 : i32
      %lt3A_184 = arith.constant 128 : i32
      %lt3A_185 = arith.cmpi slt, %add3A_183, %lt3A_184 : i32
      %convert_element_type3A_186 = arith.extui %lt3A_185 : i1 to i32
      %cond3A_187 = arith.constant 0 : i32
      %cond3A_188 = arith.cmpi ne, %convert_element_type3A_186, %cond3A_187 : i32
      scf.if %cond3A_188 {
        %add3A_344 = arith.constant 4 : i32
        %add3A_345 = arith.addi %add3A_157, %add3A_344 : i32
        %mul3A_346 = arith.constant 2 : i32
        %mul3A_347 = arith.muli %add3A_345, %mul3A_346 : i32
        %add3A_348 = arith.constant 0 : i32
        %add3A_349 = arith.addi %mul3A_347, %add3A_348 : i32
        %dma_start3A_350 = arith.constant 0 : i32
        %dma_start3A_351 = arith.constant 0 : i32
        %dma_start3A_352 = tpu.memref_slice %arg7[%dma_start3A_350, %dma_start3A_351] : memref<200x32xf32, #tpu.memory_space<vmem>> -> memref<100x32xf32, #tpu.memory_space<vmem>>
        %dma_start3A_353 = arith.constant 0 : i32
        %dma_start3A_354 = tpu.memref_slice %arg5[%add3A_349, %dma_start3A_353] : memref<256x100xi32, #tpu.memory_space<vmem>> -> memref<1x100xi32, #tpu.memory_space<vmem>>
        %dma_start3A_355 = tpu.memref_squeeze %dma_start3A_354 : memref<1x100xi32, #tpu.memory_space<vmem>> -> memref<100xi32, #tpu.memory_space<vmem>>
        %dma_start3A_356 = arith.constant 0 : i32
        %dma_start3A_357 = arith.constant 0 : i32
        %dma_start3A_358 = tpu.memref_slice %arg3[%dma_start3A_356, %dma_start3A_357] : memref<1000000x32xf32, #tpu.memory_space<hbm>> -> memref<1000000x32xf32, #tpu.memory_space<hbm>>
        tpu.enqueue_indirect_dma source(%dma_start3A_358 : memref<1000000x32xf32, #tpu.memory_space<hbm>>) target(%dma_start3A_352 : memref<100x32xf32, #tpu.memory_space<vmem>>) offsets(%dma_start3A_355 : memref<100xi32, #tpu.memory_space<vmem>>) semaphore(%arg12 : memref<!tpu.dma_semaphore, #tpu.memory_space<semaphore_mem>>)
        %mul3A_359 = arith.constant 2 : i32
        %mul3A_360 = arith.muli %add3A_345, %mul3A_359 : i32
        %add3A_361 = arith.constant 1 : i32
        %add3A_362 = arith.addi %mul3A_360, %add3A_361 : i32
        %dma_start3A_363 = arith.constant 100 : i32
        %dma_start3A_364 = arith.constant 0 : i32
        %dma_start3A_365 = tpu.memref_slice %arg7[%dma_start3A_363, %dma_start3A_364] : memref<200x32xf32, #tpu.memory_space<vmem>> -> memref<100x32xf32, #tpu.memory_space<vmem>>
        %dma_start3A_366 = arith.constant 0 : i32
        %dma_start3A_367 = tpu.memref_slice %arg5[%add3A_362, %dma_start3A_366] : memref<256x100xi32, #tpu.memory_space<vmem>> -> memref<1x100xi32, #tpu.memory_space<vmem>>
        %dma_start3A_368 = tpu.memref_squeeze %dma_start3A_367 : memref<1x100xi32, #tpu.memory_space<vmem>> -> memref<100xi32, #tpu.memory_space<vmem>>
        %dma_start3A_369 = arith.constant 0 : i32
        %dma_start3A_370 = arith.constant 0 : i32
        %dma_start3A_371 = tpu.memref_slice %arg3[%dma_start3A_369, %dma_start3A_370] : memref<1000000x32xf32, #tpu.memory_space<hbm>> -> memref<1000000x32xf32, #tpu.memory_space<hbm>>
        tpu.enqueue_indirect_dma source(%dma_start3A_371 : memref<1000000x32xf32, #tpu.memory_space<hbm>>) target(%dma_start3A_365 : memref<100x32xf32, #tpu.memory_space<vmem>>) offsets(%dma_start3A_368 : memref<100xi32, #tpu.memory_space<vmem>>) semaphore(%arg12 : memref<!tpu.dma_semaphore, #tpu.memory_space<semaphore_mem>>)
      } else {
      }
      %add3A_189 = arith.addf %parallel_loop3A_181#0, %parallel_loop3A_181#4 : vector<16xf32>
      %mul3A_190 = vector.broadcast %scan3A : f32 to vector<16xf32>
      %mul3A_191 = arith.mulf %add3A_189, %mul3A_190 : vector<16xf32>
      %swap3A_192 = arith.index_cast %add3A_157 : i32 to index
      %swap3A_193 = arith.constant 0 : index
      %swap3A_194 = tpu.vector_load %arg10[%swap3A_192, %swap3A_193] {strides = array<i32>} : memref<128x64xf32, #tpu.memory_space<vmem>>, vector<1x16xf32>,
      %swap3A_195 = vector.shape_cast %swap3A_194 : vector<1x16xf32> to vector<16xf32>
      %swap3A_196 = vector.shape_cast %mul3A_191 : vector<16xf32> to vector<1x16xf32>
      tpu.vector_store %arg10[%swap3A_192, %swap3A_193], %swap3A_196 {strides = array<i32>} : memref<128x64xf32, #tpu.memory_space<vmem>>, vector<1x16xf32>,
      %add3A_197 = arith.addf %parallel_loop3A_181#1, %parallel_loop3A_181#5 : vector<16xf32>
      %mul3A_198 = vector.broadcast %scan3A : f32 to vector<16xf32>
      %mul3A_199 = arith.mulf %add3A_197, %mul3A_198 : vector<16xf32>
      %swap3A_200 = arith.index_cast %add3A_157 : i32 to index
      %swap3A_201 = arith.constant 16 : index
      %swap3A_202 = tpu.vector_load %arg10[%swap3A_200, %swap3A_201] {strides = array<i32>} : memref<128x64xf32, #tpu.memory_space<vmem>>, vector<1x16xf32>,
      %swap3A_203 = vector.shape_cast %swap3A_202 : vector<1x16xf32> to vector<16xf32>
      %swap3A_204 = vector.shape_cast %mul3A_199 : vector<16xf32> to vector<1x16xf32>
      tpu.vector_store %arg10[%swap3A_200, %swap3A_201], %swap3A_204 {strides = array<i32>} : memref<128x64xf32, #tpu.memory_space<vmem>>, vector<1x16xf32>,
      %max3A_205 = arith.maximumf %parallel_loop3A_181#2, %parallel_loop3A_181#6 : vector<16xf32>
      %swap3A_206 = arith.index_cast %add3A_157 : i32 to index
      %swap3A_207 = arith.constant 32 : index
      %swap3A_208 = tpu.vector_load %arg10[%swap3A_206, %swap3A_207] {strides = array<i32>} : memref<128x64xf32, #tpu.memory_space<vmem>>, vector<1x16xf32>,
      %swap3A_209 = vector.shape_cast %swap3A_208 : vector<1x16xf32> to vector<16xf32>
      %swap3A_210 = vector.shape_cast %max3A_205 : vector<16xf32> to vector<1x16xf32>
      tpu.vector_store %arg10[%swap3A_206, %swap3A_207], %swap3A_210 {strides = array<i32>} : memref<128x64xf32, #tpu.memory_space<vmem>>, vector<1x16xf32>,
      %max3A_211 = arith.maximumf %parallel_loop3A_181#3, %parallel_loop3A_181#7 : vector<16xf32>
      %swap3A_212 = arith.index_cast %add3A_157 : i32 to index
      %swap3A_213 = arith.constant 48 : index
      %swap3A_214 = tpu.vector_load %arg10[%swap3A_212, %swap3A_213] {strides = array<i32>} : memref<128x64xf32, #tpu.memory_space<vmem>>, vector<1x16xf32>,
      %swap3A_215 = vector.shape_cast %swap3A_214 : vector<1x16xf32> to vector<16xf32>
      %swap3A_216 = vector.shape_cast %max3A_211 : vector<16xf32> to vector<1x16xf32>
      tpu.vector_store %arg10[%swap3A_212, %swap3A_213], %swap3A_216 {strides = array<i32>} : memref<128x64xf32, #tpu.memory_space<vmem>>, vector<1x16xf32>,
      %mul3A_217 = arith.constant 4 : i32
      %mul3A_218 = arith.muli %mul3A_217, %scan3A_96 : i32
      %add3A_219 = arith.constant 2 : i32
      %add3A_220 = arith.addi %mul3A_218, %add3A_219 : i32
      %dma_wait3A_221 = arith.constant 0 : i32
      %dma_wait3A_222 = arith.constant 0 : i32
      %dma_wait3A_223 = arith.constant 0 : i32
      %dma_wait3A_224 = tpu.memref_slice %arg8[%dma_wait3A_222, %dma_wait3A_223] : memref<200x32xf32, #tpu.memory_space<vmem>> -> memref<100x32xf32, #tpu.memory_space<vmem>>
      %dma_wait3A_225 = arith.constant 0 : i32
      %dma_wait3A_226 = tpu.memref_slice %arg5[%dma_wait3A_221, %dma_wait3A_225] : memref<256x100xi32, #tpu.memory_space<vmem>> -> memref<1x100xi32, #tpu.memory_space<vmem>>
      %dma_wait3A_227 = tpu.memref_squeeze %dma_wait3A_226 : memref<1x100xi32, #tpu.memory_space<vmem>> -> memref<100xi32, #tpu.memory_space<vmem>>
      %dma_wait3A_228 = arith.constant 0 : i32
      %dma_wait3A_229 = arith.constant 0 : i32
      %dma_wait3A_230 = tpu.memref_slice %arg3[%dma_wait3A_228, %dma_wait3A_229] : memref<1000000x32xf32, #tpu.memory_space<hbm>> -> memref<1000000x32xf32, #tpu.memory_space<hbm>>
      tpu.wait_indirect_dma semaphore(%arg13 : memref<!tpu.dma_semaphore, #tpu.memory_space<semaphore_mem>>) src(%dma_wait3A_230 : memref<1000000x32xf32, #tpu.memory_space<hbm>>) dst(%dma_wait3A_224 : memref<100x32xf32, #tpu.memory_space<vmem>>)
      %dma_wait3A_231 = arith.constant 1 : i32
      %dma_wait3A_232 = arith.constant 100 : i32
      %dma_wait3A_233 = arith.constant 0 : i32
      %dma_wait3A_234 = tpu.memref_slice %arg8[%dma_wait3A_232, %dma_wait3A_233] : memref<200x32xf32, #tpu.memory_space<vmem>> -> memref<100x32xf32, #tpu.memory_space<vmem>>
      %dma_wait3A_235 = arith.constant 0 : i32
      %dma_wait3A_236 = tpu.memref_slice %arg5[%dma_wait3A_231, %dma_wait3A_235] : memref<256x100xi32, #tpu.memory_space<vmem>> -> memref<1x100xi32, #tpu.memory_space<vmem>>
      %dma_wait3A_237 = tpu.memref_squeeze %dma_wait3A_236 : memref<1x100xi32, #tpu.memory_space<vmem>> -> memref<100xi32, #tpu.memory_space<vmem>>
      %dma_wait3A_238 = arith.constant 0 : i32
      %dma_wait3A_239 = arith.constant 0 : i32
      %dma_wait3A_240 = tpu.memref_slice %arg3[%dma_wait3A_238, %dma_wait3A_239] : memref<1000000x32xf32, #tpu.memory_space<hbm>> -> memref<1000000x32xf32, #tpu.memory_space<hbm>>
      tpu.wait_indirect_dma semaphore(%arg13 : memref<!tpu.dma_semaphore, #tpu.memory_space<semaphore_mem>>) src(%dma_wait3A_240 : memref<1000000x32xf32, #tpu.memory_space<hbm>>) dst(%dma_wait3A_234 : memref<100x32xf32, #tpu.memory_space<vmem>>)
      %parallel_loop3A_241 = arith.constant 0 : i32
      %parallel_loop3A_242 = arith.constant 200 : i32
      %parallel_loop3A_243 = arith.constant 2 : i32
      %parallel_loop3A_244:8 = scf.for %parallel_loop3A_344 = %parallel_loop3A_241 to %parallel_loop3A_242 step %parallel_loop3A_243 iter_args(%parallel_loop3A_345 = %broadcast_in_dim3A_84, %parallel_loop3A_346 = %broadcast_in_dim3A_84, %parallel_loop3A_347 = %broadcast_in_dim3A_86, %parallel_loop3A_348 = %broadcast_in_dim3A_86, %parallel_loop3A_349 = %broadcast_in_dim3A_84, %parallel_loop3A_350 = %broadcast_in_dim3A_84, %parallel_loop3A_351 = %broadcast_in_dim3A_86, %parallel_loop3A_352 = %broadcast_in_dim3A_86) -> (vector<16xf32>, vector<16xf32>, vector<16xf32>, vector<16xf32>, vector<16xf32>, vector<16xf32>, vector<16xf32>, vector<16xf32>)  : i32 {
        %parallel_loop3A_353 = arith.index_cast %parallel_loop3A_344 : i32 to index
        %parallel_loop3A_354 = arith.constant 0 : index
        %parallel_loop3A_355 = tpu.vector_load %arg8[%parallel_loop3A_353, %parallel_loop3A_354] {strides = array<i32>} : memref<200x32xf32, #tpu.memory_space<vmem>>, vector<1x16xf32>,
        %parallel_loop3A_356 = vector.shape_cast %parallel_loop3A_355 : vector<1x16xf32> to vector<16xf32>
        %parallel_loop3A_357 = arith.index_cast %parallel_loop3A_344 : i32 to index
        %parallel_loop3A_358 = arith.constant 16 : index
        %parallel_loop3A_359 = tpu.vector_load %arg8[%parallel_loop3A_357, %parallel_loop3A_358] {strides = array<i32>} : memref<200x32xf32, #tpu.memory_space<vmem>>, vector<1x16xf32>,
        %parallel_loop3A_360 = vector.shape_cast %parallel_loop3A_359 : vector<1x16xf32> to vector<16xf32>
        %parallel_loop3A_361 = arith.constant 1 : i32
        %parallel_loop3A_362 = arith.addi %parallel_loop3A_344, %parallel_loop3A_361 : i32
        %parallel_loop3A_363 = arith.index_cast %parallel_loop3A_362 : i32 to index
        %parallel_loop3A_364 = arith.constant 0 : index
        %parallel_loop3A_365 = tpu.vector_load %arg8[%parallel_loop3A_363, %parallel_loop3A_364] {strides = array<i32>} : memref<200x32xf32, #tpu.memory_space<vmem>>, vector<1x16xf32>,
        %parallel_loop3A_366 = vector.shape_cast %parallel_loop3A_365 : vector<1x16xf32> to vector<16xf32>
        %parallel_loop3A_367 = arith.constant 1 : i32
        %parallel_loop3A_368 = arith.addi %parallel_loop3A_344, %parallel_loop3A_367 : i32
        %parallel_loop3A_369 = arith.index_cast %parallel_loop3A_368 : i32 to index
        %parallel_loop3A_370 = arith.constant 16 : index
        %parallel_loop3A_371 = tpu.vector_load %arg8[%parallel_loop3A_369, %parallel_loop3A_370] {strides = array<i32>} : memref<200x32xf32, #tpu.memory_space<vmem>>, vector<1x16xf32>,
        %parallel_loop3A_372 = vector.shape_cast %parallel_loop3A_371 : vector<1x16xf32> to vector<16xf32>
        %parallel_loop3A_373 = arith.addf %parallel_loop3A_345, %parallel_loop3A_356 : vector<16xf32>
        %parallel_loop3A_374 = arith.addf %parallel_loop3A_346, %parallel_loop3A_360 : vector<16xf32>
        %parallel_loop3A_375 = arith.maximumf %parallel_loop3A_347, %parallel_loop3A_356 : vector<16xf32>
        %parallel_loop3A_376 = arith.maximumf %parallel_loop3A_348, %parallel_loop3A_360 : vector<16xf32>
        %parallel_loop3A_377 = arith.addf %parallel_loop3A_349, %parallel_loop3A_366 : vector<16xf32>
        %parallel_loop3A_378 = arith.addf %parallel_loop3A_350, %parallel_loop3A_372 : vector<16xf32>
        %parallel_loop3A_379 = arith.maximumf %parallel_loop3A_351, %parallel_loop3A_366 : vector<16xf32>
        %parallel_loop3A_380 = arith.maximumf %parallel_loop3A_352, %parallel_loop3A_372 : vector<16xf32>
        scf.yield %parallel_loop3A_373, %parallel_loop3A_374, %parallel_loop3A_375, %parallel_loop3A_376, %parallel_loop3A_377, %parallel_loop3A_378, %parallel_loop3A_379, %parallel_loop3A_380 : vector<16xf32>, vector<16xf32>, vector<16xf32>, vector<16xf32>, vector<16xf32>, vector<16xf32>, vector<16xf32>, vector<16xf32>
      } {sc.loop_unroll_factor = 4 : i64, sc.parallel_access}
      %add3A_245 = arith.constant 4 : i32
      %add3A_246 = arith.addi %add3A_220, %add3A_245 : i32
      %lt3A_247 = arith.constant 128 : i32
      %lt3A_248 = arith.cmpi slt, %add3A_246, %lt3A_247 : i32
      %convert_element_type3A_249 = arith.extui %lt3A_248 : i1 to i32
      %cond3A_250 = arith.constant 0 : i32
      %cond3A_251 = arith.cmpi ne, %convert_element_type3A_249, %cond3A_250 : i32
      scf.if %cond3A_251 {
        %add3A_344 = arith.constant 4 : i32
        %add3A_345 = arith.addi %add3A_220, %add3A_344 : i32
        %mul3A_346 = arith.constant 2 : i32
        %mul3A_347 = arith.muli %add3A_345, %mul3A_346 : i32
        %add3A_348 = arith.constant 0 : i32
        %add3A_349 = arith.addi %mul3A_347, %add3A_348 : i32
        %dma_start3A_350 = arith.constant 0 : i32
        %dma_start3A_351 = arith.constant 0 : i32
        %dma_start3A_352 = tpu.memref_slice %arg8[%dma_start3A_350, %dma_start3A_351] : memref<200x32xf32, #tpu.memory_space<vmem>> -> memref<100x32xf32, #tpu.memory_space<vmem>>
        %dma_start3A_353 = arith.constant 0 : i32
        %dma_start3A_354 = tpu.memref_slice %arg5[%add3A_349, %dma_start3A_353] : memref<256x100xi32, #tpu.memory_space<vmem>> -> memref<1x100xi32, #tpu.memory_space<vmem>>
        %dma_start3A_355 = tpu.memref_squeeze %dma_start3A_354 : memref<1x100xi32, #tpu.memory_space<vmem>> -> memref<100xi32, #tpu.memory_space<vmem>>
        %dma_start3A_356 = arith.constant 0 : i32
        %dma_start3A_357 = arith.constant 0 : i32
        %dma_start3A_358 = tpu.memref_slice %arg3[%dma_start3A_356, %dma_start3A_357] : memref<1000000x32xf32, #tpu.memory_space<hbm>> -> memref<1000000x32xf32, #tpu.memory_space<hbm>>
        tpu.enqueue_indirect_dma source(%dma_start3A_358 : memref<1000000x32xf32, #tpu.memory_space<hbm>>) target(%dma_start3A_352 : memref<100x32xf32, #tpu.memory_space<vmem>>) offsets(%dma_start3A_355 : memref<100xi32, #tpu.memory_space<vmem>>) semaphore(%arg13 : memref<!tpu.dma_semaphore, #tpu.memory_space<semaphore_mem>>)
        %mul3A_359 = arith.constant 2 : i32
        %mul3A_360 = arith.muli %add3A_345, %mul3A_359 : i32
        %add3A_361 = arith.constant 1 : i32
        %add3A_362 = arith.addi %mul3A_360, %add3A_361 : i32
        %dma_start3A_363 = arith.constant 100 : i32
        %dma_start3A_364 = arith.constant 0 : i32
        %dma_start3A_365 = tpu.memref_slice %arg8[%dma_start3A_363, %dma_start3A_364] : memref<200x32xf32, #tpu.memory_space<vmem>> -> memref<100x32xf32, #tpu.memory_space<vmem>>
        %dma_start3A_366 = arith.constant 0 : i32
        %dma_start3A_367 = tpu.memref_slice %arg5[%add3A_362, %dma_start3A_366] : memref<256x100xi32, #tpu.memory_space<vmem>> -> memref<1x100xi32, #tpu.memory_space<vmem>>
        %dma_start3A_368 = tpu.memref_squeeze %dma_start3A_367 : memref<1x100xi32, #tpu.memory_space<vmem>> -> memref<100xi32, #tpu.memory_space<vmem>>
        %dma_start3A_369 = arith.constant 0 : i32
        %dma_start3A_370 = arith.constant 0 : i32
        %dma_start3A_371 = tpu.memref_slice %arg3[%dma_start3A_369, %dma_start3A_370] : memref<1000000x32xf32, #tpu.memory_space<hbm>> -> memref<1000000x32xf32, #tpu.memory_space<hbm>>
        tpu.enqueue_indirect_dma source(%dma_start3A_371 : memref<1000000x32xf32, #tpu.memory_space<hbm>>) target(%dma_start3A_365 : memref<100x32xf32, #tpu.memory_space<vmem>>) offsets(%dma_start3A_368 : memref<100xi32, #tpu.memory_space<vmem>>) semaphore(%arg13 : memref<!tpu.dma_semaphore, #tpu.memory_space<semaphore_mem>>)
      } else {
      }
      %add3A_252 = arith.addf %parallel_loop3A_244#0, %parallel_loop3A_244#4 : vector<16xf32>
      %mul3A_253 = vector.broadcast %scan3A : f32 to vector<16xf32>
      %mul3A_254 = arith.mulf %add3A_252, %mul3A_253 : vector<16xf32>
      %swap3A_255 = arith.index_cast %add3A_220 : i32 to index
      %swap3A_256 = arith.constant 0 : index
      %swap3A_257 = tpu.vector_load %arg10[%swap3A_255, %swap3A_256] {strides = array<i32>} : memref<128x64xf32, #tpu.memory_space<vmem>>, vector<1x16xf32>,
      %swap3A_258 = vector.shape_cast %swap3A_257 : vector<1x16xf32> to vector<16xf32>
      %swap3A_259 = vector.shape_cast %mul3A_254 : vector<16xf32> to vector<1x16xf32>
      tpu.vector_store %arg10[%swap3A_255, %swap3A_256], %swap3A_259 {strides = array<i32>} : memref<128x64xf32, #tpu.memory_space<vmem>>, vector<1x16xf32>,
      %add3A_260 = arith.addf %parallel_loop3A_244#1, %parallel_loop3A_244#5 : vector<16xf32>
      %mul3A_261 = vector.broadcast %scan3A : f32 to vector<16xf32>
      %mul3A_262 = arith.mulf %add3A_260, %mul3A_261 : vector<16xf32>
      %swap3A_263 = arith.index_cast %add3A_220 : i32 to index
      %swap3A_264 = arith.constant 16 : index
      %swap3A_265 = tpu.vector_load %arg10[%swap3A_263, %swap3A_264] {strides = array<i32>} : memref<128x64xf32, #tpu.memory_space<vmem>>, vector<1x16xf32>,
      %swap3A_266 = vector.shape_cast %swap3A_265 : vector<1x16xf32> to vector<16xf32>
      %swap3A_267 = vector.shape_cast %mul3A_262 : vector<16xf32> to vector<1x16xf32>
      tpu.vector_store %arg10[%swap3A_263, %swap3A_264], %swap3A_267 {strides = array<i32>} : memref<128x64xf32, #tpu.memory_space<vmem>>, vector<1x16xf32>,
      %max3A_268 = arith.maximumf %parallel_loop3A_244#2, %parallel_loop3A_244#6 : vector<16xf32>
      %swap3A_269 = arith.index_cast %add3A_220 : i32 to index
      %swap3A_270 = arith.constant 32 : index
      %swap3A_271 = tpu.vector_load %arg10[%swap3A_269, %swap3A_270] {strides = array<i32>} : memref<128x64xf32, #tpu.memory_space<vmem>>, vector<1x16xf32>,
      %swap3A_272 = vector.shape_cast %swap3A_271 : vector<1x16xf32> to vector<16xf32>
      %swap3A_273 = vector.shape_cast %max3A_268 : vector<16xf32> to vector<1x16xf32>
      tpu.vector_store %arg10[%swap3A_269, %swap3A_270], %swap3A_273 {strides = array<i32>} : memref<128x64xf32, #tpu.memory_space<vmem>>, vector<1x16xf32>,
      %max3A_274 = arith.maximumf %parallel_loop3A_244#3, %parallel_loop3A_244#7 : vector<16xf32>
      %swap3A_275 = arith.index_cast %add3A_220 : i32 to index
      %swap3A_276 = arith.constant 48 : index
      %swap3A_277 = tpu.vector_load %arg10[%swap3A_275, %swap3A_276] {strides = array<i32>} : memref<128x64xf32, #tpu.memory_space<vmem>>, vector<1x16xf32>,
      %swap3A_278 = vector.shape_cast %swap3A_277 : vector<1x16xf32> to vector<16xf32>
      %swap3A_279 = vector.shape_cast %max3A_274 : vector<16xf32> to vector<1x16xf32>
      tpu.vector_store %arg10[%swap3A_275, %swap3A_276], %swap3A_279 {strides = array<i32>} : memref<128x64xf32, #tpu.memory_space<vmem>>, vector<1x16xf32>,
      %mul3A_280 = arith.constant 4 : i32
      %mul3A_281 = arith.muli %mul3A_280, %scan3A_96 : i32
      %add3A_282 = arith.constant 3 : i32
      %add3A_283 = arith.addi %mul3A_281, %add3A_282 : i32
      %dma_wait3A_284 = arith.constant 0 : i32
      %dma_wait3A_285 = arith.constant 0 : i32
      %dma_wait3A_286 = arith.constant 0 : i32
      %dma_wait3A_287 = tpu.memref_slice %arg9[%dma_wait3A_285, %dma_wait3A_286] : memref<200x32xf32, #tpu.memory_space<vmem>> -> memref<100x32xf32, #tpu.memory_space<vmem>>
      %dma_wait3A_288 = arith.constant 0 : i32
      %dma_wait3A_289 = tpu.memref_slice %arg5[%dma_wait3A_284, %dma_wait3A_288] : memref<256x100xi32, #tpu.memory_space<vmem>> -> memref<1x100xi32, #tpu.memory_space<vmem>>
      %dma_wait3A_290 = tpu.memref_squeeze %dma_wait3A_289 : memref<1x100xi32, #tpu.memory_space<vmem>> -> memref<100xi32, #tpu.memory_space<vmem>>
      %dma_wait3A_291 = arith.constant 0 : i32
      %dma_wait3A_292 = arith.constant 0 : i32
      %dma_wait3A_293 = tpu.memref_slice %arg3[%dma_wait3A_291, %dma_wait3A_292] : memref<1000000x32xf32, #tpu.memory_space<hbm>> -> memref<1000000x32xf32, #tpu.memory_space<hbm>>
      tpu.wait_indirect_dma semaphore(%arg14 : memref<!tpu.dma_semaphore, #tpu.memory_space<semaphore_mem>>) src(%dma_wait3A_293 : memref<1000000x32xf32, #tpu.memory_space<hbm>>) dst(%dma_wait3A_287 : memref<100x32xf32, #tpu.memory_space<vmem>>)
      %dma_wait3A_294 = arith.constant 1 : i32
      %dma_wait3A_295 = arith.constant 100 : i32
      %dma_wait3A_296 = arith.constant 0 : i32
      %dma_wait3A_297 = tpu.memref_slice %arg9[%dma_wait3A_295, %dma_wait3A_296] : memref<200x32xf32, #tpu.memory_space<vmem>> -> memref<100x32xf32, #tpu.memory_space<vmem>>
      %dma_wait3A_298 = arith.constant 0 : i32
      %dma_wait3A_299 = tpu.memref_slice %arg5[%dma_wait3A_294, %dma_wait3A_298] : memref<256x100xi32, #tpu.memory_space<vmem>> -> memref<1x100xi32, #tpu.memory_space<vmem>>
      %dma_wait3A_300 = tpu.memref_squeeze %dma_wait3A_299 : memref<1x100xi32, #tpu.memory_space<vmem>> -> memref<100xi32, #tpu.memory_space<vmem>>
      %dma_wait3A_301 = arith.constant 0 : i32
      %dma_wait3A_302 = arith.constant 0 : i32
      %dma_wait3A_303 = tpu.memref_slice %arg3[%dma_wait3A_301, %dma_wait3A_302] : memref<1000000x32xf32, #tpu.memory_space<hbm>> -> memref<1000000x32xf32, #tpu.memory_space<hbm>>
      tpu.wait_indirect_dma semaphore(%arg14 : memref<!tpu.dma_semaphore, #tpu.memory_space<semaphore_mem>>) src(%dma_wait3A_303 : memref<1000000x32xf32, #tpu.memory_space<hbm>>) dst(%dma_wait3A_297 : memref<100x32xf32, #tpu.memory_space<vmem>>)
      %parallel_loop3A_304 = arith.constant 0 : i32
      %parallel_loop3A_305 = arith.constant 200 : i32
      %parallel_loop3A_306 = arith.constant 2 : i32
      %parallel_loop3A_307:8 = scf.for %parallel_loop3A_344 = %parallel_loop3A_304 to %parallel_loop3A_305 step %parallel_loop3A_306 iter_args(%parallel_loop3A_345 = %broadcast_in_dim3A_84, %parallel_loop3A_346 = %broadcast_in_dim3A_84, %parallel_loop3A_347 = %broadcast_in_dim3A_86, %parallel_loop3A_348 = %broadcast_in_dim3A_86, %parallel_loop3A_349 = %broadcast_in_dim3A_84, %parallel_loop3A_350 = %broadcast_in_dim3A_84, %parallel_loop3A_351 = %broadcast_in_dim3A_86, %parallel_loop3A_352 = %broadcast_in_dim3A_86) -> (vector<16xf32>, vector<16xf32>, vector<16xf32>, vector<16xf32>, vector<16xf32>, vector<16xf32>, vector<16xf32>, vector<16xf32>)  : i32 {
        %parallel_loop3A_353 = arith.index_cast %parallel_loop3A_344 : i32 to index
        %parallel_loop3A_354 = arith.constant 0 : index
        %parallel_loop3A_355 = tpu.vector_load %arg9[%parallel_loop3A_353, %parallel_loop3A_354] {strides = array<i32>} : memref<200x32xf32, #tpu.memory_space<vmem>>, vector<1x16xf32>,
        %parallel_loop3A_356 = vector.shape_cast %parallel_loop3A_355 : vector<1x16xf32> to vector<16xf32>
        %parallel_loop3A_357 = arith.index_cast %parallel_loop3A_344 : i32 to index
        %parallel_loop3A_358 = arith.constant 16 : index
        %parallel_loop3A_359 = tpu.vector_load %arg9[%parallel_loop3A_357, %parallel_loop3A_358] {strides = array<i32>} : memref<200x32xf32, #tpu.memory_space<vmem>>, vector<1x16xf32>,
        %parallel_loop3A_360 = vector.shape_cast %parallel_loop3A_359 : vector<1x16xf32> to vector<16xf32>
        %parallel_loop3A_361 = arith.constant 1 : i32
        %parallel_loop3A_362 = arith.addi %parallel_loop3A_344, %parallel_loop3A_361 : i32
        %parallel_loop3A_363 = arith.index_cast %parallel_loop3A_362 : i32 to index
        %parallel_loop3A_364 = arith.constant 0 : index
        %parallel_loop3A_365 = tpu.vector_load %arg9[%parallel_loop3A_363, %parallel_loop3A_364] {strides = array<i32>} : memref<200x32xf32, #tpu.memory_space<vmem>>, vector<1x16xf32>,
        %parallel_loop3A_366 = vector.shape_cast %parallel_loop3A_365 : vector<1x16xf32> to vector<16xf32>
        %parallel_loop3A_367 = arith.constant 1 : i32
        %parallel_loop3A_368 = arith.addi %parallel_loop3A_344, %parallel_loop3A_367 : i32
        %parallel_loop3A_369 = arith.index_cast %parallel_loop3A_368 : i32 to index
        %parallel_loop3A_370 = arith.constant 16 : index
        %parallel_loop3A_371 = tpu.vector_load %arg9[%parallel_loop3A_369, %parallel_loop3A_370] {strides = array<i32>} : memref<200x32xf32, #tpu.memory_space<vmem>>, vector<1x16xf32>,
        %parallel_loop3A_372 = vector.shape_cast %parallel_loop3A_371 : vector<1x16xf32> to vector<16xf32>
        %parallel_loop3A_373 = arith.addf %parallel_loop3A_345, %parallel_loop3A_356 : vector<16xf32>
        %parallel_loop3A_374 = arith.addf %parallel_loop3A_346, %parallel_loop3A_360 : vector<16xf32>
        %parallel_loop3A_375 = arith.maximumf %parallel_loop3A_347, %parallel_loop3A_356 : vector<16xf32>
        %parallel_loop3A_376 = arith.maximumf %parallel_loop3A_348, %parallel_loop3A_360 : vector<16xf32>
        %parallel_loop3A_377 = arith.addf %parallel_loop3A_349, %parallel_loop3A_366 : vector<16xf32>
        %parallel_loop3A_378 = arith.addf %parallel_loop3A_350, %parallel_loop3A_372 : vector<16xf32>
        %parallel_loop3A_379 = arith.maximumf %parallel_loop3A_351, %parallel_loop3A_366 : vector<16xf32>
        %parallel_loop3A_380 = arith.maximumf %parallel_loop3A_352, %parallel_loop3A_372 : vector<16xf32>
        scf.yield %parallel_loop3A_373, %parallel_loop3A_374, %parallel_loop3A_375, %parallel_loop3A_376, %parallel_loop3A_377, %parallel_loop3A_378, %parallel_loop3A_379, %parallel_loop3A_380 : vector<16xf32>, vector<16xf32>, vector<16xf32>, vector<16xf32>, vector<16xf32>, vector<16xf32>, vector<16xf32>, vector<16xf32>
      } {sc.loop_unroll_factor = 4 : i64, sc.parallel_access}
      %add3A_308 = arith.constant 4 : i32
      %add3A_309 = arith.addi %add3A_283, %add3A_308 : i32
      %lt3A_310 = arith.constant 128 : i32
      %lt3A_311 = arith.cmpi slt, %add3A_309, %lt3A_310 : i32
      %convert_element_type3A_312 = arith.extui %lt3A_311 : i1 to i32
      %cond3A_313 = arith.constant 0 : i32
      %cond3A_314 = arith.cmpi ne, %convert_element_type3A_312, %cond3A_313 : i32
      scf.if %cond3A_314 {
        %add3A_344 = arith.constant 4 : i32
        %add3A_345 = arith.addi %add3A_283, %add3A_344 : i32
        %mul3A_346 = arith.constant 2 : i32
        %mul3A_347 = arith.muli %add3A_345, %mul3A_346 : i32
        %add3A_348 = arith.constant 0 : i32
        %add3A_349 = arith.addi %mul3A_347, %add3A_348 : i32
        %dma_start3A_350 = arith.constant 0 : i32
        %dma_start3A_351 = arith.constant 0 : i32
        %dma_start3A_352 = tpu.memref_slice %arg9[%dma_start3A_350, %dma_start3A_351] : memref<200x32xf32, #tpu.memory_space<vmem>> -> memref<100x32xf32, #tpu.memory_space<vmem>>
        %dma_start3A_353 = arith.constant 0 : i32
        %dma_start3A_354 = tpu.memref_slice %arg5[%add3A_349, %dma_start3A_353] : memref<256x100xi32, #tpu.memory_space<vmem>> -> memref<1x100xi32, #tpu.memory_space<vmem>>
        %dma_start3A_355 = tpu.memref_squeeze %dma_start3A_354 : memref<1x100xi32, #tpu.memory_space<vmem>> -> memref<100xi32, #tpu.memory_space<vmem>>
        %dma_start3A_356 = arith.constant 0 : i32
        %dma_start3A_357 = arith.constant 0 : i32
        %dma_start3A_358 = tpu.memref_slice %arg3[%dma_start3A_356, %dma_start3A_357] : memref<1000000x32xf32, #tpu.memory_space<hbm>> -> memref<1000000x32xf32, #tpu.memory_space<hbm>>
        tpu.enqueue_indirect_dma source(%dma_start3A_358 : memref<1000000x32xf32, #tpu.memory_space<hbm>>) target(%dma_start3A_352 : memref<100x32xf32, #tpu.memory_space<vmem>>) offsets(%dma_start3A_355 : memref<100xi32, #tpu.memory_space<vmem>>) semaphore(%arg14 : memref<!tpu.dma_semaphore, #tpu.memory_space<semaphore_mem>>)
        %mul3A_359 = arith.constant 2 : i32
        %mul3A_360 = arith.muli %add3A_345, %mul3A_359 : i32
        %add3A_361 = arith.constant 1 : i32
        %add3A_362 = arith.addi %mul3A_360, %add3A_361 : i32
        %dma_start3A_363 = arith.constant 100 : i32
        %dma_start3A_364 = arith.constant 0 : i32
        %dma_start3A_365 = tpu.memref_slice %arg9[%dma_start3A_363, %dma_start3A_364] : memref<200x32xf32, #tpu.memory_space<vmem>> -> memref<100x32xf32, #tpu.memory_space<vmem>>
        %dma_start3A_366 = arith.constant 0 : i32
        %dma_start3A_367 = tpu.memref_slice %arg5[%add3A_362, %dma_start3A_366] : memref<256x100xi32, #tpu.memory_space<vmem>> -> memref<1x100xi32, #tpu.memory_space<vmem>>
        %dma_start3A_368 = tpu.memref_squeeze %dma_start3A_367 : memref<1x100xi32, #tpu.memory_space<vmem>> -> memref<100xi32, #tpu.memory_space<vmem>>
        %dma_start3A_369 = arith.constant 0 : i32
        %dma_start3A_370 = arith.constant 0 : i32
        %dma_start3A_371 = tpu.memref_slice %arg3[%dma_start3A_369, %dma_start3A_370] : memref<1000000x32xf32, #tpu.memory_space<hbm>> -> memref<1000000x32xf32, #tpu.memory_space<hbm>>
        tpu.enqueue_indirect_dma source(%dma_start3A_371 : memref<1000000x32xf32, #tpu.memory_space<hbm>>) target(%dma_start3A_365 : memref<100x32xf32, #tpu.memory_space<vmem>>) offsets(%dma_start3A_368 : memref<100xi32, #tpu.memory_space<vmem>>) semaphore(%arg14 : memref<!tpu.dma_semaphore, #tpu.memory_space<semaphore_mem>>)
      } else {
      }
      %add3A_315 = arith.addf %parallel_loop3A_307#0, %parallel_loop3A_307#4 : vector<16xf32>
      %mul3A_316 = vector.broadcast %scan3A : f32 to vector<16xf32>
      %mul3A_317 = arith.mulf %add3A_315, %mul3A_316 : vector<16xf32>
      %swap3A_318 = arith.index_cast %add3A_283 : i32 to index
      %swap3A_319 = arith.constant 0 : index
      %swap3A_320 = tpu.vector_load %arg10[%swap3A_318, %swap3A_319] {strides = array<i32>} : memref<128x64xf32, #tpu.memory_space<vmem>>, vector<1x16xf32>,
      %swap3A_321 = vector.shape_cast %swap3A_320 : vector<1x16xf32> to vector<16xf32>
      %swap3A_322 = vector.shape_cast %mul3A_317 : vector<16xf32> to vector<1x16xf32>
      tpu.vector_store %arg10[%swap3A_318, %swap3A_319], %swap3A_322 {strides = array<i32>} : memref<128x64xf32, #tpu.memory_space<vmem>>, vector<1x16xf32>,
      %add3A_323 = arith.addf %parallel_loop3A_307#1, %parallel_loop3A_307#5 : vector<16xf32>
      %mul3A_324 = vector.broadcast %scan3A : f32 to vector<16xf32>
      %mul3A_325 = arith.mulf %add3A_323, %mul3A_324 : vector<16xf32>
      %swap3A_326 = arith.index_cast %add3A_283 : i32 to index
      %swap3A_327 = arith.constant 16 : index
      %swap3A_328 = tpu.vector_load %arg10[%swap3A_326, %swap3A_327] {strides = array<i32>} : memref<128x64xf32, #tpu.memory_space<vmem>>, vector<1x16xf32>,
      %swap3A_329 = vector.shape_cast %swap3A_328 : vector<1x16xf32> to vector<16xf32>
      %swap3A_330 = vector.shape_cast %mul3A_325 : vector<16xf32> to vector<1x16xf32>
      tpu.vector_store %arg10[%swap3A_326, %swap3A_327], %swap3A_330 {strides = array<i32>} : memref<128x64xf32, #tpu.memory_space<vmem>>, vector<1x16xf32>,
      %max3A_331 = arith.maximumf %parallel_loop3A_307#2, %parallel_loop3A_307#6 : vector<16xf32>
      %swap3A_332 = arith.index_cast %add3A_283 : i32 to index
      %swap3A_333 = arith.constant 32 : index
      %swap3A_334 = tpu.vector_load %arg10[%swap3A_332, %swap3A_333] {strides = array<i32>} : memref<128x64xf32, #tpu.memory_space<vmem>>, vector<1x16xf32>,
      %swap3A_335 = vector.shape_cast %swap3A_334 : vector<1x16xf32> to vector<16xf32>
      %swap3A_336 = vector.shape_cast %max3A_331 : vector<16xf32> to vector<1x16xf32>
      tpu.vector_store %arg10[%swap3A_332, %swap3A_333], %swap3A_336 {strides = array<i32>} : memref<128x64xf32, #tpu.memory_space<vmem>>, vector<1x16xf32>,
      %max3A_337 = arith.maximumf %parallel_loop3A_307#3, %parallel_loop3A_307#7 : vector<16xf32>
      %swap3A_338 = arith.index_cast %add3A_283 : i32 to index
      %swap3A_339 = arith.constant 48 : index
      %swap3A_340 = tpu.vector_load %arg10[%swap3A_338, %swap3A_339] {strides = array<i32>} : memref<128x64xf32, #tpu.memory_space<vmem>>, vector<1x16xf32>,
      %swap3A_341 = vector.shape_cast %swap3A_340 : vector<1x16xf32> to vector<16xf32>
      %swap3A_342 = vector.shape_cast %max3A_337 : vector<16xf32> to vector<1x16xf32>
      tpu.vector_store %arg10[%swap3A_338, %swap3A_339], %swap3A_342 {strides = array<i32>} : memref<128x64xf32, #tpu.memory_space<vmem>>, vector<1x16xf32>,
      %scan3A_343 = arith.constant 0 : i32
      scf.yield %scan3A_343 : i32
    }
    %scan3A_93 = arith.constant 32 : i32
    %mul3A_94 = arith.constant 128 : i32
    %mul3A_95 = arith.muli %add3A, %mul3A_94 : i32
    "tpu.region"() ({
      %run_scoped3A = tpu.sem_alloc : memref<!tpu.dma_semaphore, #tpu.memory_space<semaphore_mem>>
      %dma_start3A_96 = arith.constant 0 : i32
      %dma_start3A_97 = tpu.memref_slice %arg4[%mul3A_95, %dma_start3A_96] : memref<4096x64xf32, #tpu.memory_space<hbm>> -> memref<128x64xf32, #tpu.memory_space<hbm>>
      %dma_start3A_98 = arith.constant 0 : i32
      %dma_start3A_99 = tpu.memref_slice %arg4[%mul3A_95, %dma_start3A_98] : memref<4096x64xf32, #tpu.memory_space<hbm>> -> memref<128x64xf32, #tpu.memory_space<hbm>>
      tpu.enqueue_dma source(%arg10 : memref<128x64xf32, #tpu.memory_space<vmem>>) target(%dma_start3A_99 : memref<128x64xf32, #tpu.memory_space<hbm>>) target_semaphore(%run_scoped3A : memref<!tpu.dma_semaphore, #tpu.memory_space<semaphore_mem>>)
      %dma_wait3A = arith.constant 0 : i32
      %dma_wait3A_100 = tpu.memref_slice %arg4[%mul3A_95, %dma_wait3A] : memref<4096x64xf32, #tpu.memory_space<hbm>> -> memref<128x64xf32, #tpu.memory_space<hbm>>
      %dma_wait3A_101 = arith.constant 0 : i32
      %dma_wait3A_102 = tpu.memref_slice %arg4[%mul3A_95, %dma_wait3A_101] : memref<4096x64xf32, #tpu.memory_space<hbm>> -> memref<128x64xf32, #tpu.memory_space<hbm>>
      tpu.wait_dma2 semaphore(%run_scoped3A : memref<!tpu.dma_semaphore, #tpu.memory_space<semaphore_mem>>) src(%arg10 : memref<128x64xf32, #tpu.memory_space<vmem>>) dst(%dma_wait3A_102 : memref<128x64xf32, #tpu.memory_space<hbm>>)
      tpu.yield
    }) : () -> ()
    return
  }
}

module attributes {stable_mosaic.version = 14 : i64} {
  func.func @_relayout_body(%arg0: i32, %arg1: memref<32x16384xf32, #tpu.memory_space<vmem>>, %arg2: memref<4096x128xf32, #tpu.memory_space<vmem>>) attributes {dimension_semantics = [#tpu.dimension_semantics<arbitrary>], iteration_bounds = array<i64: 62>, scalar_prefetch = 0 : i64, scratch_operands = 0 : i64, tpu.core_type = #tpu.core_type<tc>, window_params = [{transform_indices = @transform_0, window_bounds = array<i64: 32, 16384>}, {transform_indices = @transform_1, window_bounds = array<i64: 4096, 128>}]} {
    %get3A = arith.constant 0 : index
    %get3A_0 = arith.constant 0 : index
    %get3A_1 = vector.load %arg1[%get3A, %get3A_0] : memref<32x16384xf32, #tpu.memory_space<vmem>>, vector<32x16384xf32>
    %transpose3A = tpu.transpose %get3A_1, [1, 0] : vector<32x16384xf32> -> vector<16384x32xf32>
    %slice3A = vector.extract_strided_slice %transpose3A {offsets = [0, 0], sizes = [128, 32], strides = [1, 1]} : vector<16384x32xf32> to vector<128x32xf32>
    %slice3A_2 = vector.extract_strided_slice %transpose3A {offsets = [128, 0], sizes = [128, 32], strides = [1, 1]} : vector<16384x32xf32> to vector<128x32xf32>
    %slice3A_3 = vector.extract_strided_slice %transpose3A {offsets = [256, 0], sizes = [128, 32], strides = [1, 1]} : vector<16384x32xf32> to vector<128x32xf32>
    %slice3A_4 = vector.extract_strided_slice %transpose3A {offsets = [384, 0], sizes = [128, 32], strides = [1, 1]} : vector<16384x32xf32> to vector<128x32xf32>
    %slice3A_5 = vector.extract_strided_slice %transpose3A {offsets = [512, 0], sizes = [128, 32], strides = [1, 1]} : vector<16384x32xf32> to vector<128x32xf32>
    %slice3A_6 = vector.extract_strided_slice %transpose3A {offsets = [640, 0], sizes = [128, 32], strides = [1, 1]} : vector<16384x32xf32> to vector<128x32xf32>
    %slice3A_7 = vector.extract_strided_slice %transpose3A {offsets = [768, 0], sizes = [128, 32], strides = [1, 1]} : vector<16384x32xf32> to vector<128x32xf32>
    %slice3A_8 = vector.extract_strided_slice %transpose3A {offsets = [896, 0], sizes = [128, 32], strides = [1, 1]} : vector<16384x32xf32> to vector<128x32xf32>
    %slice3A_9 = vector.extract_strided_slice %transpose3A {offsets = [1024, 0], sizes = [128, 32], strides = [1, 1]} : vector<16384x32xf32> to vector<128x32xf32>
    %slice3A_10 = vector.extract_strided_slice %transpose3A {offsets = [1152, 0], sizes = [128, 32], strides = [1, 1]} : vector<16384x32xf32> to vector<128x32xf32>
    %slice3A_11 = vector.extract_strided_slice %transpose3A {offsets = [1280, 0], sizes = [128, 32], strides = [1, 1]} : vector<16384x32xf32> to vector<128x32xf32>
    %slice3A_12 = vector.extract_strided_slice %transpose3A {offsets = [1408, 0], sizes = [128, 32], strides = [1, 1]} : vector<16384x32xf32> to vector<128x32xf32>
    %slice3A_13 = vector.extract_strided_slice %transpose3A {offsets = [1536, 0], sizes = [128, 32], strides = [1, 1]} : vector<16384x32xf32> to vector<128x32xf32>
    %slice3A_14 = vector.extract_strided_slice %transpose3A {offsets = [1664, 0], sizes = [128, 32], strides = [1, 1]} : vector<16384x32xf32> to vector<128x32xf32>
    %slice3A_15 = vector.extract_strided_slice %transpose3A {offsets = [1792, 0], sizes = [128, 32], strides = [1, 1]} : vector<16384x32xf32> to vector<128x32xf32>
    %slice3A_16 = vector.extract_strided_slice %transpose3A {offsets = [1920, 0], sizes = [128, 32], strides = [1, 1]} : vector<16384x32xf32> to vector<128x32xf32>
    %slice3A_17 = vector.extract_strided_slice %transpose3A {offsets = [2048, 0], sizes = [128, 32], strides = [1, 1]} : vector<16384x32xf32> to vector<128x32xf32>
    %slice3A_18 = vector.extract_strided_slice %transpose3A {offsets = [2176, 0], sizes = [128, 32], strides = [1, 1]} : vector<16384x32xf32> to vector<128x32xf32>
    %slice3A_19 = vector.extract_strided_slice %transpose3A {offsets = [2304, 0], sizes = [128, 32], strides = [1, 1]} : vector<16384x32xf32> to vector<128x32xf32>
    %slice3A_20 = vector.extract_strided_slice %transpose3A {offsets = [2432, 0], sizes = [128, 32], strides = [1, 1]} : vector<16384x32xf32> to vector<128x32xf32>
    %slice3A_21 = vector.extract_strided_slice %transpose3A {offsets = [2560, 0], sizes = [128, 32], strides = [1, 1]} : vector<16384x32xf32> to vector<128x32xf32>
    %slice3A_22 = vector.extract_strided_slice %transpose3A {offsets = [2688, 0], sizes = [128, 32], strides = [1, 1]} : vector<16384x32xf32> to vector<128x32xf32>
    %slice3A_23 = vector.extract_strided_slice %transpose3A {offsets = [2816, 0], sizes = [128, 32], strides = [1, 1]} : vector<16384x32xf32> to vector<128x32xf32>
    %slice3A_24 = vector.extract_strided_slice %transpose3A {offsets = [2944, 0], sizes = [128, 32], strides = [1, 1]} : vector<16384x32xf32> to vector<128x32xf32>
    %slice3A_25 = vector.extract_strided_slice %transpose3A {offsets = [3072, 0], sizes = [128, 32], strides = [1, 1]} : vector<16384x32xf32> to vector<128x32xf32>
    %slice3A_26 = vector.extract_strided_slice %transpose3A {offsets = [3200, 0], sizes = [128, 32], strides = [1, 1]} : vector<16384x32xf32> to vector<128x32xf32>
    %slice3A_27 = vector.extract_strided_slice %transpose3A {offsets = [3328, 0], sizes = [128, 32], strides = [1, 1]} : vector<16384x32xf32> to vector<128x32xf32>
    %slice3A_28 = vector.extract_strided_slice %transpose3A {offsets = [3456, 0], sizes = [128, 32], strides = [1, 1]} : vector<16384x32xf32> to vector<128x32xf32>
    %slice3A_29 = vector.extract_strided_slice %transpose3A {offsets = [3584, 0], sizes = [128, 32], strides = [1, 1]} : vector<16384x32xf32> to vector<128x32xf32>
    %slice3A_30 = vector.extract_strided_slice %transpose3A {offsets = [3712, 0], sizes = [128, 32], strides = [1, 1]} : vector<16384x32xf32> to vector<128x32xf32>
    %slice3A_31 = vector.extract_strided_slice %transpose3A {offsets = [3840, 0], sizes = [128, 32], strides = [1, 1]} : vector<16384x32xf32> to vector<128x32xf32>
    %slice3A_32 = vector.extract_strided_slice %transpose3A {offsets = [3968, 0], sizes = [128, 32], strides = [1, 1]} : vector<16384x32xf32> to vector<128x32xf32>
    %slice3A_33 = vector.extract_strided_slice %transpose3A {offsets = [4096, 0], sizes = [128, 32], strides = [1, 1]} : vector<16384x32xf32> to vector<128x32xf32>
    %slice3A_34 = vector.extract_strided_slice %transpose3A {offsets = [4224, 0], sizes = [128, 32], strides = [1, 1]} : vector<16384x32xf32> to vector<128x32xf32>
    %slice3A_35 = vector.extract_strided_slice %transpose3A {offsets = [4352, 0], sizes = [128, 32], strides = [1, 1]} : vector<16384x32xf32> to vector<128x32xf32>
    %slice3A_36 = vector.extract_strided_slice %transpose3A {offsets = [4480, 0], sizes = [128, 32], strides = [1, 1]} : vector<16384x32xf32> to vector<128x32xf32>
    %slice3A_37 = vector.extract_strided_slice %transpose3A {offsets = [4608, 0], sizes = [128, 32], strides = [1, 1]} : vector<16384x32xf32> to vector<128x32xf32>
    %slice3A_38 = vector.extract_strided_slice %transpose3A {offsets = [4736, 0], sizes = [128, 32], strides = [1, 1]} : vector<16384x32xf32> to vector<128x32xf32>
    %slice3A_39 = vector.extract_strided_slice %transpose3A {offsets = [4864, 0], sizes = [128, 32], strides = [1, 1]} : vector<16384x32xf32> to vector<128x32xf32>
    %slice3A_40 = vector.extract_strided_slice %transpose3A {offsets = [4992, 0], sizes = [128, 32], strides = [1, 1]} : vector<16384x32xf32> to vector<128x32xf32>
    %slice3A_41 = vector.extract_strided_slice %transpose3A {offsets = [5120, 0], sizes = [128, 32], strides = [1, 1]} : vector<16384x32xf32> to vector<128x32xf32>
    %slice3A_42 = vector.extract_strided_slice %transpose3A {offsets = [5248, 0], sizes = [128, 32], strides = [1, 1]} : vector<16384x32xf32> to vector<128x32xf32>
    %slice3A_43 = vector.extract_strided_slice %transpose3A {offsets = [5376, 0], sizes = [128, 32], strides = [1, 1]} : vector<16384x32xf32> to vector<128x32xf32>
    %slice3A_44 = vector.extract_strided_slice %transpose3A {offsets = [5504, 0], sizes = [128, 32], strides = [1, 1]} : vector<16384x32xf32> to vector<128x32xf32>
    %slice3A_45 = vector.extract_strided_slice %transpose3A {offsets = [5632, 0], sizes = [128, 32], strides = [1, 1]} : vector<16384x32xf32> to vector<128x32xf32>
    %slice3A_46 = vector.extract_strided_slice %transpose3A {offsets = [5760, 0], sizes = [128, 32], strides = [1, 1]} : vector<16384x32xf32> to vector<128x32xf32>
    %slice3A_47 = vector.extract_strided_slice %transpose3A {offsets = [5888, 0], sizes = [128, 32], strides = [1, 1]} : vector<16384x32xf32> to vector<128x32xf32>
    %slice3A_48 = vector.extract_strided_slice %transpose3A {offsets = [6016, 0], sizes = [128, 32], strides = [1, 1]} : vector<16384x32xf32> to vector<128x32xf32>
    %slice3A_49 = vector.extract_strided_slice %transpose3A {offsets = [6144, 0], sizes = [128, 32], strides = [1, 1]} : vector<16384x32xf32> to vector<128x32xf32>
    %slice3A_50 = vector.extract_strided_slice %transpose3A {offsets = [6272, 0], sizes = [128, 32], strides = [1, 1]} : vector<16384x32xf32> to vector<128x32xf32>
    %slice3A_51 = vector.extract_strided_slice %transpose3A {offsets = [6400, 0], sizes = [128, 32], strides = [1, 1]} : vector<16384x32xf32> to vector<128x32xf32>
    %slice3A_52 = vector.extract_strided_slice %transpose3A {offsets = [6528, 0], sizes = [128, 32], strides = [1, 1]} : vector<16384x32xf32> to vector<128x32xf32>
    %slice3A_53 = vector.extract_strided_slice %transpose3A {offsets = [6656, 0], sizes = [128, 32], strides = [1, 1]} : vector<16384x32xf32> to vector<128x32xf32>
    %slice3A_54 = vector.extract_strided_slice %transpose3A {offsets = [6784, 0], sizes = [128, 32], strides = [1, 1]} : vector<16384x32xf32> to vector<128x32xf32>
    %slice3A_55 = vector.extract_strided_slice %transpose3A {offsets = [6912, 0], sizes = [128, 32], strides = [1, 1]} : vector<16384x32xf32> to vector<128x32xf32>
    %slice3A_56 = vector.extract_strided_slice %transpose3A {offsets = [7040, 0], sizes = [128, 32], strides = [1, 1]} : vector<16384x32xf32> to vector<128x32xf32>
    %slice3A_57 = vector.extract_strided_slice %transpose3A {offsets = [7168, 0], sizes = [128, 32], strides = [1, 1]} : vector<16384x32xf32> to vector<128x32xf32>
    %slice3A_58 = vector.extract_strided_slice %transpose3A {offsets = [7296, 0], sizes = [128, 32], strides = [1, 1]} : vector<16384x32xf32> to vector<128x32xf32>
    %slice3A_59 = vector.extract_strided_slice %transpose3A {offsets = [7424, 0], sizes = [128, 32], strides = [1, 1]} : vector<16384x32xf32> to vector<128x32xf32>
    %slice3A_60 = vector.extract_strided_slice %transpose3A {offsets = [7552, 0], sizes = [128, 32], strides = [1, 1]} : vector<16384x32xf32> to vector<128x32xf32>
    %slice3A_61 = vector.extract_strided_slice %transpose3A {offsets = [7680, 0], sizes = [128, 32], strides = [1, 1]} : vector<16384x32xf32> to vector<128x32xf32>
    %slice3A_62 = vector.extract_strided_slice %transpose3A {offsets = [7808, 0], sizes = [128, 32], strides = [1, 1]} : vector<16384x32xf32> to vector<128x32xf32>
    %slice3A_63 = vector.extract_strided_slice %transpose3A {offsets = [7936, 0], sizes = [128, 32], strides = [1, 1]} : vector<16384x32xf32> to vector<128x32xf32>
    %slice3A_64 = vector.extract_strided_slice %transpose3A {offsets = [8064, 0], sizes = [128, 32], strides = [1, 1]} : vector<16384x32xf32> to vector<128x32xf32>
    %slice3A_65 = vector.extract_strided_slice %transpose3A {offsets = [8192, 0], sizes = [128, 32], strides = [1, 1]} : vector<16384x32xf32> to vector<128x32xf32>
    %slice3A_66 = vector.extract_strided_slice %transpose3A {offsets = [8320, 0], sizes = [128, 32], strides = [1, 1]} : vector<16384x32xf32> to vector<128x32xf32>
    %slice3A_67 = vector.extract_strided_slice %transpose3A {offsets = [8448, 0], sizes = [128, 32], strides = [1, 1]} : vector<16384x32xf32> to vector<128x32xf32>
    %slice3A_68 = vector.extract_strided_slice %transpose3A {offsets = [8576, 0], sizes = [128, 32], strides = [1, 1]} : vector<16384x32xf32> to vector<128x32xf32>
    %slice3A_69 = vector.extract_strided_slice %transpose3A {offsets = [8704, 0], sizes = [128, 32], strides = [1, 1]} : vector<16384x32xf32> to vector<128x32xf32>
    %slice3A_70 = vector.extract_strided_slice %transpose3A {offsets = [8832, 0], sizes = [128, 32], strides = [1, 1]} : vector<16384x32xf32> to vector<128x32xf32>
    %slice3A_71 = vector.extract_strided_slice %transpose3A {offsets = [8960, 0], sizes = [128, 32], strides = [1, 1]} : vector<16384x32xf32> to vector<128x32xf32>
    %slice3A_72 = vector.extract_strided_slice %transpose3A {offsets = [9088, 0], sizes = [128, 32], strides = [1, 1]} : vector<16384x32xf32> to vector<128x32xf32>
    %slice3A_73 = vector.extract_strided_slice %transpose3A {offsets = [9216, 0], sizes = [128, 32], strides = [1, 1]} : vector<16384x32xf32> to vector<128x32xf32>
    %slice3A_74 = vector.extract_strided_slice %transpose3A {offsets = [9344, 0], sizes = [128, 32], strides = [1, 1]} : vector<16384x32xf32> to vector<128x32xf32>
    %slice3A_75 = vector.extract_strided_slice %transpose3A {offsets = [9472, 0], sizes = [128, 32], strides = [1, 1]} : vector<16384x32xf32> to vector<128x32xf32>
    %slice3A_76 = vector.extract_strided_slice %transpose3A {offsets = [9600, 0], sizes = [128, 32], strides = [1, 1]} : vector<16384x32xf32> to vector<128x32xf32>
    %slice3A_77 = vector.extract_strided_slice %transpose3A {offsets = [9728, 0], sizes = [128, 32], strides = [1, 1]} : vector<16384x32xf32> to vector<128x32xf32>
    %slice3A_78 = vector.extract_strided_slice %transpose3A {offsets = [9856, 0], sizes = [128, 32], strides = [1, 1]} : vector<16384x32xf32> to vector<128x32xf32>
    %slice3A_79 = vector.extract_strided_slice %transpose3A {offsets = [9984, 0], sizes = [128, 32], strides = [1, 1]} : vector<16384x32xf32> to vector<128x32xf32>
    %slice3A_80 = vector.extract_strided_slice %transpose3A {offsets = [10112, 0], sizes = [128, 32], strides = [1, 1]} : vector<16384x32xf32> to vector<128x32xf32>
    %slice3A_81 = vector.extract_strided_slice %transpose3A {offsets = [10240, 0], sizes = [128, 32], strides = [1, 1]} : vector<16384x32xf32> to vector<128x32xf32>
    %slice3A_82 = vector.extract_strided_slice %transpose3A {offsets = [10368, 0], sizes = [128, 32], strides = [1, 1]} : vector<16384x32xf32> to vector<128x32xf32>
    %slice3A_83 = vector.extract_strided_slice %transpose3A {offsets = [10496, 0], sizes = [128, 32], strides = [1, 1]} : vector<16384x32xf32> to vector<128x32xf32>
    %slice3A_84 = vector.extract_strided_slice %transpose3A {offsets = [10624, 0], sizes = [128, 32], strides = [1, 1]} : vector<16384x32xf32> to vector<128x32xf32>
    %slice3A_85 = vector.extract_strided_slice %transpose3A {offsets = [10752, 0], sizes = [128, 32], strides = [1, 1]} : vector<16384x32xf32> to vector<128x32xf32>
    %slice3A_86 = vector.extract_strided_slice %transpose3A {offsets = [10880, 0], sizes = [128, 32], strides = [1, 1]} : vector<16384x32xf32> to vector<128x32xf32>
    %slice3A_87 = vector.extract_strided_slice %transpose3A {offsets = [11008, 0], sizes = [128, 32], strides = [1, 1]} : vector<16384x32xf32> to vector<128x32xf32>
    %slice3A_88 = vector.extract_strided_slice %transpose3A {offsets = [11136, 0], sizes = [128, 32], strides = [1, 1]} : vector<16384x32xf32> to vector<128x32xf32>
    %slice3A_89 = vector.extract_strided_slice %transpose3A {offsets = [11264, 0], sizes = [128, 32], strides = [1, 1]} : vector<16384x32xf32> to vector<128x32xf32>
    %slice3A_90 = vector.extract_strided_slice %transpose3A {offsets = [11392, 0], sizes = [128, 32], strides = [1, 1]} : vector<16384x32xf32> to vector<128x32xf32>
    %slice3A_91 = vector.extract_strided_slice %transpose3A {offsets = [11520, 0], sizes = [128, 32], strides = [1, 1]} : vector<16384x32xf32> to vector<128x32xf32>
    %slice3A_92 = vector.extract_strided_slice %transpose3A {offsets = [11648, 0], sizes = [128, 32], strides = [1, 1]} : vector<16384x32xf32> to vector<128x32xf32>
    %slice3A_93 = vector.extract_strided_slice %transpose3A {offsets = [11776, 0], sizes = [128, 32], strides = [1, 1]} : vector<16384x32xf32> to vector<128x32xf32>
    %slice3A_94 = vector.extract_strided_slice %transpose3A {offsets = [11904, 0], sizes = [128, 32], strides = [1, 1]} : vector<16384x32xf32> to vector<128x32xf32>
    %slice3A_95 = vector.extract_strided_slice %transpose3A {offsets = [12032, 0], sizes = [128, 32], strides = [1, 1]} : vector<16384x32xf32> to vector<128x32xf32>
    %slice3A_96 = vector.extract_strided_slice %transpose3A {offsets = [12160, 0], sizes = [128, 32], strides = [1, 1]} : vector<16384x32xf32> to vector<128x32xf32>
    %slice3A_97 = vector.extract_strided_slice %transpose3A {offsets = [12288, 0], sizes = [128, 32], strides = [1, 1]} : vector<16384x32xf32> to vector<128x32xf32>
    %slice3A_98 = vector.extract_strided_slice %transpose3A {offsets = [12416, 0], sizes = [128, 32], strides = [1, 1]} : vector<16384x32xf32> to vector<128x32xf32>
    %slice3A_99 = vector.extract_strided_slice %transpose3A {offsets = [12544, 0], sizes = [128, 32], strides = [1, 1]} : vector<16384x32xf32> to vector<128x32xf32>
    %slice3A_100 = vector.extract_strided_slice %transpose3A {offsets = [12672, 0], sizes = [128, 32], strides = [1, 1]} : vector<16384x32xf32> to vector<128x32xf32>
    %slice3A_101 = vector.extract_strided_slice %transpose3A {offsets = [12800, 0], sizes = [128, 32], strides = [1, 1]} : vector<16384x32xf32> to vector<128x32xf32>
    %slice3A_102 = vector.extract_strided_slice %transpose3A {offsets = [12928, 0], sizes = [128, 32], strides = [1, 1]} : vector<16384x32xf32> to vector<128x32xf32>
    %slice3A_103 = vector.extract_strided_slice %transpose3A {offsets = [13056, 0], sizes = [128, 32], strides = [1, 1]} : vector<16384x32xf32> to vector<128x32xf32>
    %slice3A_104 = vector.extract_strided_slice %transpose3A {offsets = [13184, 0], sizes = [128, 32], strides = [1, 1]} : vector<16384x32xf32> to vector<128x32xf32>
    %slice3A_105 = vector.extract_strided_slice %transpose3A {offsets = [13312, 0], sizes = [128, 32], strides = [1, 1]} : vector<16384x32xf32> to vector<128x32xf32>
    %slice3A_106 = vector.extract_strided_slice %transpose3A {offsets = [13440, 0], sizes = [128, 32], strides = [1, 1]} : vector<16384x32xf32> to vector<128x32xf32>
    %slice3A_107 = vector.extract_strided_slice %transpose3A {offsets = [13568, 0], sizes = [128, 32], strides = [1, 1]} : vector<16384x32xf32> to vector<128x32xf32>
    %slice3A_108 = vector.extract_strided_slice %transpose3A {offsets = [13696, 0], sizes = [128, 32], strides = [1, 1]} : vector<16384x32xf32> to vector<128x32xf32>
    %slice3A_109 = vector.extract_strided_slice %transpose3A {offsets = [13824, 0], sizes = [128, 32], strides = [1, 1]} : vector<16384x32xf32> to vector<128x32xf32>
    %slice3A_110 = vector.extract_strided_slice %transpose3A {offsets = [13952, 0], sizes = [128, 32], strides = [1, 1]} : vector<16384x32xf32> to vector<128x32xf32>
    %slice3A_111 = vector.extract_strided_slice %transpose3A {offsets = [14080, 0], sizes = [128, 32], strides = [1, 1]} : vector<16384x32xf32> to vector<128x32xf32>
    %slice3A_112 = vector.extract_strided_slice %transpose3A {offsets = [14208, 0], sizes = [128, 32], strides = [1, 1]} : vector<16384x32xf32> to vector<128x32xf32>
    %slice3A_113 = vector.extract_strided_slice %transpose3A {offsets = [14336, 0], sizes = [128, 32], strides = [1, 1]} : vector<16384x32xf32> to vector<128x32xf32>
    %slice3A_114 = vector.extract_strided_slice %transpose3A {offsets = [14464, 0], sizes = [128, 32], strides = [1, 1]} : vector<16384x32xf32> to vector<128x32xf32>
    %slice3A_115 = vector.extract_strided_slice %transpose3A {offsets = [14592, 0], sizes = [128, 32], strides = [1, 1]} : vector<16384x32xf32> to vector<128x32xf32>
    %slice3A_116 = vector.extract_strided_slice %transpose3A {offsets = [14720, 0], sizes = [128, 32], strides = [1, 1]} : vector<16384x32xf32> to vector<128x32xf32>
    %slice3A_117 = vector.extract_strided_slice %transpose3A {offsets = [14848, 0], sizes = [128, 32], strides = [1, 1]} : vector<16384x32xf32> to vector<128x32xf32>
    %slice3A_118 = vector.extract_strided_slice %transpose3A {offsets = [14976, 0], sizes = [128, 32], strides = [1, 1]} : vector<16384x32xf32> to vector<128x32xf32>
    %slice3A_119 = vector.extract_strided_slice %transpose3A {offsets = [15104, 0], sizes = [128, 32], strides = [1, 1]} : vector<16384x32xf32> to vector<128x32xf32>
    %slice3A_120 = vector.extract_strided_slice %transpose3A {offsets = [15232, 0], sizes = [128, 32], strides = [1, 1]} : vector<16384x32xf32> to vector<128x32xf32>
    %slice3A_121 = vector.extract_strided_slice %transpose3A {offsets = [15360, 0], sizes = [128, 32], strides = [1, 1]} : vector<16384x32xf32> to vector<128x32xf32>
    %slice3A_122 = vector.extract_strided_slice %transpose3A {offsets = [15488, 0], sizes = [128, 32], strides = [1, 1]} : vector<16384x32xf32> to vector<128x32xf32>
    %slice3A_123 = vector.extract_strided_slice %transpose3A {offsets = [15616, 0], sizes = [128, 32], strides = [1, 1]} : vector<16384x32xf32> to vector<128x32xf32>
    %slice3A_124 = vector.extract_strided_slice %transpose3A {offsets = [15744, 0], sizes = [128, 32], strides = [1, 1]} : vector<16384x32xf32> to vector<128x32xf32>
    %slice3A_125 = vector.extract_strided_slice %transpose3A {offsets = [15872, 0], sizes = [128, 32], strides = [1, 1]} : vector<16384x32xf32> to vector<128x32xf32>
    %slice3A_126 = vector.extract_strided_slice %transpose3A {offsets = [16000, 0], sizes = [128, 32], strides = [1, 1]} : vector<16384x32xf32> to vector<128x32xf32>
    %slice3A_127 = vector.extract_strided_slice %transpose3A {offsets = [16128, 0], sizes = [128, 32], strides = [1, 1]} : vector<16384x32xf32> to vector<128x32xf32>
    %slice3A_128 = vector.extract_strided_slice %transpose3A {offsets = [16256, 0], sizes = [128, 32], strides = [1, 1]} : vector<16384x32xf32> to vector<128x32xf32>
    %concatenate3A = tpu.concatenate %slice3A, %slice3A_2, %slice3A_3, %slice3A_4, %slice3A_5, %slice3A_6, %slice3A_7, %slice3A_8, %slice3A_9, %slice3A_10, %slice3A_11, %slice3A_12, %slice3A_13, %slice3A_14, %slice3A_15, %slice3A_16, %slice3A_17, %slice3A_18, %slice3A_19, %slice3A_20, %slice3A_21, %slice3A_22, %slice3A_23, %slice3A_24, %slice3A_25, %slice3A_26, %slice3A_27, %slice3A_28, %slice3A_29, %slice3A_30, %slice3A_31, %slice3A_32, %slice3A_33, %slice3A_34, %slice3A_35, %slice3A_36, %slice3A_37, %slice3A_38, %slice3A_39, %slice3A_40, %slice3A_41, %slice3A_42, %slice3A_43, %slice3A_44, %slice3A_45, %slice3A_46, %slice3A_47, %slice3A_48, %slice3A_49, %slice3A_50, %slice3A_51, %slice3A_52, %slice3A_53, %slice3A_54, %slice3A_55, %slice3A_56, %slice3A_57, %slice3A_58, %slice3A_59, %slice3A_60, %slice3A_61, %slice3A_62, %slice3A_63, %slice3A_64, %slice3A_65, %slice3A_66, %slice3A_67, %slice3A_68, %slice3A_69, %slice3A_70, %slice3A_71, %slice3A_72, %slice3A_73, %slice3A_74, %slice3A_75, %slice3A_76, %slice3A_77, %slice3A_78, %slice3A_79, %slice3A_80, %slice3A_81, %slice3A_82, %slice3A_83, %slice3A_84, %slice3A_85, %slice3A_86, %slice3A_87, %slice3A_88, %slice3A_89, %slice3A_90, %slice3A_91, %slice3A_92, %slice3A_93, %slice3A_94, %slice3A_95, %slice3A_96, %slice3A_97, %slice3A_98, %slice3A_99, %slice3A_100, %slice3A_101, %slice3A_102, %slice3A_103, %slice3A_104, %slice3A_105, %slice3A_106, %slice3A_107, %slice3A_108, %slice3A_109, %slice3A_110, %slice3A_111, %slice3A_112, %slice3A_113, %slice3A_114, %slice3A_115, %slice3A_116, %slice3A_117, %slice3A_118, %slice3A_119, %slice3A_120, %slice3A_121, %slice3A_122, %slice3A_123, %slice3A_124, %slice3A_125, %slice3A_126, %slice3A_127, %slice3A_128 in 1 : vector<128x32xf32>, vector<128x32xf32>, vector<128x32xf32>, vector<128x32xf32>, vector<128x32xf32>, vector<128x32xf32>, vector<128x32xf32>, vector<128x32xf32>, vector<128x32xf32>, vector<128x32xf32>, vector<128x32xf32>, vector<128x32xf32>, vector<128x32xf32>, vector<128x32xf32>, vector<128x32xf32>, vector<128x32xf32>, vector<128x32xf32>, vector<128x32xf32>, vector<128x32xf32>, vector<128x32xf32>, vector<128x32xf32>, vector<128x32xf32>, vector<128x32xf32>, vector<128x32xf32>, vector<128x32xf32>, vector<128x32xf32>, vector<128x32xf32>, vector<128x32xf32>, vector<128x32xf32>, vector<128x32xf32>, vector<128x32xf32>, vector<128x32xf32>, vector<128x32xf32>, vector<128x32xf32>, vector<128x32xf32>, vector<128x32xf32>, vector<128x32xf32>, vector<128x32xf32>, vector<128x32xf32>, vector<128x32xf32>, vector<128x32xf32>, vector<128x32xf32>, vector<128x32xf32>, vector<128x32xf32>, vector<128x32xf32>, vector<128x32xf32>, vector<128x32xf32>, vector<128x32xf32>, vector<128x32xf32>, vector<128x32xf32>, vector<128x32xf32>, vector<128x32xf32>, vector<128x32xf32>, vector<128x32xf32>, vector<128x32xf32>, vector<128x32xf32>, vector<128x32xf32>, vector<128x32xf32>, vector<128x32xf32>, vector<128x32xf32>, vector<128x32xf32>, vector<128x32xf32>, vector<128x32xf32>, vector<128x32xf32>, vector<128x32xf32>, vector<128x32xf32>, vector<128x32xf32>, vector<128x32xf32>, vector<128x32xf32>, vector<128x32xf32>, vector<128x32xf32>, vector<128x32xf32>, vector<128x32xf32>, vector<128x32xf32>, vector<128x32xf32>, vector<128x32xf32>, vector<128x32xf32>, vector<128x32xf32>, vector<128x32xf32>, vector<128x32xf32>, vector<128x32xf32>, vector<128x32xf32>, vector<128x32xf32>, vector<128x32xf32>, vector<128x32xf32>, vector<128x32xf32>, vector<128x32xf32>, vector<128x32xf32>, vector<128x32xf32>, vector<128x32xf32>, vector<128x32xf32>, vector<128x32xf32>, vector<128x32xf32>, vector<128x32xf32>, vector<128x32xf32>, vector<128x32xf32>, vector<128x32xf32>, vector<128x32xf32>, vector<128x32xf32>, vector<128x32xf32>, vector<128x32xf32>, vector<128x32xf32>, vector<128x32xf32>, vector<128x32xf32>, vector<128x32xf32>, vector<128x32xf32>, vector<128x32xf32>, vector<128x32xf32>, vector<128x32xf32>, vector<128x32xf32>, vector<128x32xf32>, vector<128x32xf32>, vector<128x32xf32>, vector<128x32xf32>, vector<128x32xf32>, vector<128x32xf32>, vector<128x32xf32>, vector<128x32xf32>, vector<128x32xf32>, vector<128x32xf32>, vector<128x32xf32>, vector<128x32xf32>, vector<128x32xf32>, vector<128x32xf32>, vector<128x32xf32>, vector<128x32xf32>, vector<128x32xf32>, vector<128x32xf32> -> vector<128x4096xf32>
    %iota3A = tpu.iota {dimensions = array<i32: 0>} : vector<32x128xi32>
    %iota3A_129 = tpu.iota {dimensions = array<i32: 1>} : vector<32x128xi32>
    %mul3A = arith.constant 4 : i32
    %mul3A_130 = vector.broadcast %mul3A : i32 to vector<32x128xi32>
    %mul3A_131 = arith.muli %mul3A_130, %iota3A : vector<32x128xi32>
    %add3A = arith.constant 0 : i32
    %add3A_132 = vector.broadcast %add3A : i32 to vector<32x128xi32>
    %add3A_133 = arith.addi %mul3A_131, %add3A_132 : vector<32x128xi32>
    %eq3A = arith.cmpi eq, %iota3A_129, %add3A_133 : vector<32x128xi32>
    %convert_element_type3A = arith.extui %eq3A : vector<32x128xi1> to vector<32x128xi32>
    %convert_element_type3A_134 = arith.sitofp %convert_element_type3A : vector<32x128xi32> to vector<32x128xf32>
    %dot_general3A = arith.constant dense<0.000000e+00> : vector<32x4096xf32>
    %dot_general3A_135 = tpu.matmul %convert_element_type3A_134, %concatenate3A, %dot_general3A {dimension_numbers = #tpu.dot_dimension_numbers<[1], [0], [0], [1], [0, 0, 1, 1], [], []>, transpose_lhs_hint = false} : vector<32x128xf32>, vector<128x4096xf32>, vector<32x4096xf32> -> vector<32x4096xf32>
    %slice3A_136 = vector.extract_strided_slice %dot_general3A_135 {offsets = [0, 0], sizes = [32, 32], strides = [1, 1]} : vector<32x4096xf32> to vector<32x32xf32>
    %swap3A = arith.constant 0 : index
    %swap3A_137 = arith.constant 0 : index
    %swap3A_138 = vector.load %arg2[%swap3A, %swap3A_137] : memref<4096x128xf32, #tpu.memory_space<vmem>>, vector<32x32xf32>
    tpu.vector_store %arg2[%swap3A, %swap3A_137], %slice3A_136 {strides = array<i32>} : memref<4096x128xf32, #tpu.memory_space<vmem>>, vector<32x32xf32>,
    %slice3A_139 = vector.extract_strided_slice %dot_general3A_135 {offsets = [0, 32], sizes = [32, 32], strides = [1, 1]} : vector<32x4096xf32> to vector<32x32xf32>
    %swap3A_140 = arith.constant 32 : index
    %swap3A_141 = arith.constant 0 : index
    %swap3A_142 = vector.load %arg2[%swap3A_140, %swap3A_141] : memref<4096x128xf32, #tpu.memory_space<vmem>>, vector<32x32xf32>
    tpu.vector_store %arg2[%swap3A_140, %swap3A_141], %slice3A_139 {strides = array<i32>} : memref<4096x128xf32, #tpu.memory_space<vmem>>, vector<32x32xf32>,
    %slice3A_143 = vector.extract_strided_slice %dot_general3A_135 {offsets = [0, 64], sizes = [32, 32], strides = [1, 1]} : vector<32x4096xf32> to vector<32x32xf32>
    %swap3A_144 = arith.constant 64 : index
    %swap3A_145 = arith.constant 0 : index
    %swap3A_146 = vector.load %arg2[%swap3A_144, %swap3A_145] : memref<4096x128xf32, #tpu.memory_space<vmem>>, vector<32x32xf32>
    tpu.vector_store %arg2[%swap3A_144, %swap3A_145], %slice3A_143 {strides = array<i32>} : memref<4096x128xf32, #tpu.memory_space<vmem>>, vector<32x32xf32>,
    %slice3A_147 = vector.extract_strided_slice %dot_general3A_135 {offsets = [0, 96], sizes = [32, 32], strides = [1, 1]} : vector<32x4096xf32> to vector<32x32xf32>
    %swap3A_148 = arith.constant 96 : index
    %swap3A_149 = arith.constant 0 : index
    %swap3A_150 = vector.load %arg2[%swap3A_148, %swap3A_149] : memref<4096x128xf32, #tpu.memory_space<vmem>>, vector<32x32xf32>
    tpu.vector_store %arg2[%swap3A_148, %swap3A_149], %slice3A_147 {strides = array<i32>} : memref<4096x128xf32, #tpu.memory_space<vmem>>, vector<32x32xf32>,
    %slice3A_151 = vector.extract_strided_slice %dot_general3A_135 {offsets = [0, 128], sizes = [32, 32], strides = [1, 1]} : vector<32x4096xf32> to vector<32x32xf32>
    %swap3A_152 = arith.constant 128 : index
    %swap3A_153 = arith.constant 0 : index
    %swap3A_154 = vector.load %arg2[%swap3A_152, %swap3A_153] : memref<4096x128xf32, #tpu.memory_space<vmem>>, vector<32x32xf32>
    tpu.vector_store %arg2[%swap3A_152, %swap3A_153], %slice3A_151 {strides = array<i32>} : memref<4096x128xf32, #tpu.memory_space<vmem>>, vector<32x32xf32>,
    %slice3A_155 = vector.extract_strided_slice %dot_general3A_135 {offsets = [0, 160], sizes = [32, 32], strides = [1, 1]} : vector<32x4096xf32> to vector<32x32xf32>
    %swap3A_156 = arith.constant 160 : index
    %swap3A_157 = arith.constant 0 : index
    %swap3A_158 = vector.load %arg2[%swap3A_156, %swap3A_157] : memref<4096x128xf32, #tpu.memory_space<vmem>>, vector<32x32xf32>
    tpu.vector_store %arg2[%swap3A_156, %swap3A_157], %slice3A_155 {strides = array<i32>} : memref<4096x128xf32, #tpu.memory_space<vmem>>, vector<32x32xf32>,
    %slice3A_159 = vector.extract_strided_slice %dot_general3A_135 {offsets = [0, 192], sizes = [32, 32], strides = [1, 1]} : vector<32x4096xf32> to vector<32x32xf32>
    %swap3A_160 = arith.constant 192 : index
    %swap3A_161 = arith.constant 0 : index
    %swap3A_162 = vector.load %arg2[%swap3A_160, %swap3A_161] : memref<4096x128xf32, #tpu.memory_space<vmem>>, vector<32x32xf32>
    tpu.vector_store %arg2[%swap3A_160, %swap3A_161], %slice3A_159 {strides = array<i32>} : memref<4096x128xf32, #tpu.memory_space<vmem>>, vector<32x32xf32>,
    %slice3A_163 = vector.extract_strided_slice %dot_general3A_135 {offsets = [0, 224], sizes = [32, 32], strides = [1, 1]} : vector<32x4096xf32> to vector<32x32xf32>
    %swap3A_164 = arith.constant 224 : index
    %swap3A_165 = arith.constant 0 : index
    %swap3A_166 = vector.load %arg2[%swap3A_164, %swap3A_165] : memref<4096x128xf32, #tpu.memory_space<vmem>>, vector<32x32xf32>
    tpu.vector_store %arg2[%swap3A_164, %swap3A_165], %slice3A_163 {strides = array<i32>} : memref<4096x128xf32, #tpu.memory_space<vmem>>, vector<32x32xf32>,
    %slice3A_167 = vector.extract_strided_slice %dot_general3A_135 {offsets = [0, 256], sizes = [32, 32], strides = [1, 1]} : vector<32x4096xf32> to vector<32x32xf32>
    %swap3A_168 = arith.constant 256 : index
    %swap3A_169 = arith.constant 0 : index
    %swap3A_170 = vector.load %arg2[%swap3A_168, %swap3A_169] : memref<4096x128xf32, #tpu.memory_space<vmem>>, vector<32x32xf32>
    tpu.vector_store %arg2[%swap3A_168, %swap3A_169], %slice3A_167 {strides = array<i32>} : memref<4096x128xf32, #tpu.memory_space<vmem>>, vector<32x32xf32>,
    %slice3A_171 = vector.extract_strided_slice %dot_general3A_135 {offsets = [0, 288], sizes = [32, 32], strides = [1, 1]} : vector<32x4096xf32> to vector<32x32xf32>
    %swap3A_172 = arith.constant 288 : index
    %swap3A_173 = arith.constant 0 : index
    %swap3A_174 = vector.load %arg2[%swap3A_172, %swap3A_173] : memref<4096x128xf32, #tpu.memory_space<vmem>>, vector<32x32xf32>
    tpu.vector_store %arg2[%swap3A_172, %swap3A_173], %slice3A_171 {strides = array<i32>} : memref<4096x128xf32, #tpu.memory_space<vmem>>, vector<32x32xf32>,
    %slice3A_175 = vector.extract_strided_slice %dot_general3A_135 {offsets = [0, 320], sizes = [32, 32], strides = [1, 1]} : vector<32x4096xf32> to vector<32x32xf32>
    %swap3A_176 = arith.constant 320 : index
    %swap3A_177 = arith.constant 0 : index
    %swap3A_178 = vector.load %arg2[%swap3A_176, %swap3A_177] : memref<4096x128xf32, #tpu.memory_space<vmem>>, vector<32x32xf32>
    tpu.vector_store %arg2[%swap3A_176, %swap3A_177], %slice3A_175 {strides = array<i32>} : memref<4096x128xf32, #tpu.memory_space<vmem>>, vector<32x32xf32>,
    %slice3A_179 = vector.extract_strided_slice %dot_general3A_135 {offsets = [0, 352], sizes = [32, 32], strides = [1, 1]} : vector<32x4096xf32> to vector<32x32xf32>
    %swap3A_180 = arith.constant 352 : index
    %swap3A_181 = arith.constant 0 : index
    %swap3A_182 = vector.load %arg2[%swap3A_180, %swap3A_181] : memref<4096x128xf32, #tpu.memory_space<vmem>>, vector<32x32xf32>
    tpu.vector_store %arg2[%swap3A_180, %swap3A_181], %slice3A_179 {strides = array<i32>} : memref<4096x128xf32, #tpu.memory_space<vmem>>, vector<32x32xf32>,
    %slice3A_183 = vector.extract_strided_slice %dot_general3A_135 {offsets = [0, 384], sizes = [32, 32], strides = [1, 1]} : vector<32x4096xf32> to vector<32x32xf32>
    %swap3A_184 = arith.constant 384 : index
    %swap3A_185 = arith.constant 0 : index
    %swap3A_186 = vector.load %arg2[%swap3A_184, %swap3A_185] : memref<4096x128xf32, #tpu.memory_space<vmem>>, vector<32x32xf32>
    tpu.vector_store %arg2[%swap3A_184, %swap3A_185], %slice3A_183 {strides = array<i32>} : memref<4096x128xf32, #tpu.memory_space<vmem>>, vector<32x32xf32>,
    %slice3A_187 = vector.extract_strided_slice %dot_general3A_135 {offsets = [0, 416], sizes = [32, 32], strides = [1, 1]} : vector<32x4096xf32> to vector<32x32xf32>
    %swap3A_188 = arith.constant 416 : index
    %swap3A_189 = arith.constant 0 : index
    %swap3A_190 = vector.load %arg2[%swap3A_188, %swap3A_189] : memref<4096x128xf32, #tpu.memory_space<vmem>>, vector<32x32xf32>
    tpu.vector_store %arg2[%swap3A_188, %swap3A_189], %slice3A_187 {strides = array<i32>} : memref<4096x128xf32, #tpu.memory_space<vmem>>, vector<32x32xf32>,
    %slice3A_191 = vector.extract_strided_slice %dot_general3A_135 {offsets = [0, 448], sizes = [32, 32], strides = [1, 1]} : vector<32x4096xf32> to vector<32x32xf32>
    %swap3A_192 = arith.constant 448 : index
    %swap3A_193 = arith.constant 0 : index
    %swap3A_194 = vector.load %arg2[%swap3A_192, %swap3A_193] : memref<4096x128xf32, #tpu.memory_space<vmem>>, vector<32x32xf32>
    tpu.vector_store %arg2[%swap3A_192, %swap3A_193], %slice3A_191 {strides = array<i32>} : memref<4096x128xf32, #tpu.memory_space<vmem>>, vector<32x32xf32>,
    %slice3A_195 = vector.extract_strided_slice %dot_general3A_135 {offsets = [0, 480], sizes = [32, 32], strides = [1, 1]} : vector<32x4096xf32> to vector<32x32xf32>
    %swap3A_196 = arith.constant 480 : index
    %swap3A_197 = arith.constant 0 : index
    %swap3A_198 = vector.load %arg2[%swap3A_196, %swap3A_197] : memref<4096x128xf32, #tpu.memory_space<vmem>>, vector<32x32xf32>
    tpu.vector_store %arg2[%swap3A_196, %swap3A_197], %slice3A_195 {strides = array<i32>} : memref<4096x128xf32, #tpu.memory_space<vmem>>, vector<32x32xf32>,
    %slice3A_199 = vector.extract_strided_slice %dot_general3A_135 {offsets = [0, 512], sizes = [32, 32], strides = [1, 1]} : vector<32x4096xf32> to vector<32x32xf32>
    %swap3A_200 = arith.constant 512 : index
    %swap3A_201 = arith.constant 0 : index
    %swap3A_202 = vector.load %arg2[%swap3A_200, %swap3A_201] : memref<4096x128xf32, #tpu.memory_space<vmem>>, vector<32x32xf32>
    tpu.vector_store %arg2[%swap3A_200, %swap3A_201], %slice3A_199 {strides = array<i32>} : memref<4096x128xf32, #tpu.memory_space<vmem>>, vector<32x32xf32>,
    %slice3A_203 = vector.extract_strided_slice %dot_general3A_135 {offsets = [0, 544], sizes = [32, 32], strides = [1, 1]} : vector<32x4096xf32> to vector<32x32xf32>
    %swap3A_204 = arith.constant 544 : index
    %swap3A_205 = arith.constant 0 : index
    %swap3A_206 = vector.load %arg2[%swap3A_204, %swap3A_205] : memref<4096x128xf32, #tpu.memory_space<vmem>>, vector<32x32xf32>
    tpu.vector_store %arg2[%swap3A_204, %swap3A_205], %slice3A_203 {strides = array<i32>} : memref<4096x128xf32, #tpu.memory_space<vmem>>, vector<32x32xf32>,
    %slice3A_207 = vector.extract_strided_slice %dot_general3A_135 {offsets = [0, 576], sizes = [32, 32], strides = [1, 1]} : vector<32x4096xf32> to vector<32x32xf32>
    %swap3A_208 = arith.constant 576 : index
    %swap3A_209 = arith.constant 0 : index
    %swap3A_210 = vector.load %arg2[%swap3A_208, %swap3A_209] : memref<4096x128xf32, #tpu.memory_space<vmem>>, vector<32x32xf32>
    tpu.vector_store %arg2[%swap3A_208, %swap3A_209], %slice3A_207 {strides = array<i32>} : memref<4096x128xf32, #tpu.memory_space<vmem>>, vector<32x32xf32>,
    %slice3A_211 = vector.extract_strided_slice %dot_general3A_135 {offsets = [0, 608], sizes = [32, 32], strides = [1, 1]} : vector<32x4096xf32> to vector<32x32xf32>
    %swap3A_212 = arith.constant 608 : index
    %swap3A_213 = arith.constant 0 : index
    %swap3A_214 = vector.load %arg2[%swap3A_212, %swap3A_213] : memref<4096x128xf32, #tpu.memory_space<vmem>>, vector<32x32xf32>
    tpu.vector_store %arg2[%swap3A_212, %swap3A_213], %slice3A_211 {strides = array<i32>} : memref<4096x128xf32, #tpu.memory_space<vmem>>, vector<32x32xf32>,
    %slice3A_215 = vector.extract_strided_slice %dot_general3A_135 {offsets = [0, 640], sizes = [32, 32], strides = [1, 1]} : vector<32x4096xf32> to vector<32x32xf32>
    %swap3A_216 = arith.constant 640 : index
    %swap3A_217 = arith.constant 0 : index
    %swap3A_218 = vector.load %arg2[%swap3A_216, %swap3A_217] : memref<4096x128xf32, #tpu.memory_space<vmem>>, vector<32x32xf32>
    tpu.vector_store %arg2[%swap3A_216, %swap3A_217], %slice3A_215 {strides = array<i32>} : memref<4096x128xf32, #tpu.memory_space<vmem>>, vector<32x32xf32>,
    %slice3A_219 = vector.extract_strided_slice %dot_general3A_135 {offsets = [0, 672], sizes = [32, 32], strides = [1, 1]} : vector<32x4096xf32> to vector<32x32xf32>
    %swap3A_220 = arith.constant 672 : index
    %swap3A_221 = arith.constant 0 : index
    %swap3A_222 = vector.load %arg2[%swap3A_220, %swap3A_221] : memref<4096x128xf32, #tpu.memory_space<vmem>>, vector<32x32xf32>
    tpu.vector_store %arg2[%swap3A_220, %swap3A_221], %slice3A_219 {strides = array<i32>} : memref<4096x128xf32, #tpu.memory_space<vmem>>, vector<32x32xf32>,
    %slice3A_223 = vector.extract_strided_slice %dot_general3A_135 {offsets = [0, 704], sizes = [32, 32], strides = [1, 1]} : vector<32x4096xf32> to vector<32x32xf32>
    %swap3A_224 = arith.constant 704 : index
    %swap3A_225 = arith.constant 0 : index
    %swap3A_226 = vector.load %arg2[%swap3A_224, %swap3A_225] : memref<4096x128xf32, #tpu.memory_space<vmem>>, vector<32x32xf32>
    tpu.vector_store %arg2[%swap3A_224, %swap3A_225], %slice3A_223 {strides = array<i32>} : memref<4096x128xf32, #tpu.memory_space<vmem>>, vector<32x32xf32>,
    %slice3A_227 = vector.extract_strided_slice %dot_general3A_135 {offsets = [0, 736], sizes = [32, 32], strides = [1, 1]} : vector<32x4096xf32> to vector<32x32xf32>
    %swap3A_228 = arith.constant 736 : index
    %swap3A_229 = arith.constant 0 : index
    %swap3A_230 = vector.load %arg2[%swap3A_228, %swap3A_229] : memref<4096x128xf32, #tpu.memory_space<vmem>>, vector<32x32xf32>
    tpu.vector_store %arg2[%swap3A_228, %swap3A_229], %slice3A_227 {strides = array<i32>} : memref<4096x128xf32, #tpu.memory_space<vmem>>, vector<32x32xf32>,
    %slice3A_231 = vector.extract_strided_slice %dot_general3A_135 {offsets = [0, 768], sizes = [32, 32], strides = [1, 1]} : vector<32x4096xf32> to vector<32x32xf32>
    %swap3A_232 = arith.constant 768 : index
    %swap3A_233 = arith.constant 0 : index
    %swap3A_234 = vector.load %arg2[%swap3A_232, %swap3A_233] : memref<4096x128xf32, #tpu.memory_space<vmem>>, vector<32x32xf32>
    tpu.vector_store %arg2[%swap3A_232, %swap3A_233], %slice3A_231 {strides = array<i32>} : memref<4096x128xf32, #tpu.memory_space<vmem>>, vector<32x32xf32>,
    %slice3A_235 = vector.extract_strided_slice %dot_general3A_135 {offsets = [0, 800], sizes = [32, 32], strides = [1, 1]} : vector<32x4096xf32> to vector<32x32xf32>
    %swap3A_236 = arith.constant 800 : index
    %swap3A_237 = arith.constant 0 : index
    %swap3A_238 = vector.load %arg2[%swap3A_236, %swap3A_237] : memref<4096x128xf32, #tpu.memory_space<vmem>>, vector<32x32xf32>
    tpu.vector_store %arg2[%swap3A_236, %swap3A_237], %slice3A_235 {strides = array<i32>} : memref<4096x128xf32, #tpu.memory_space<vmem>>, vector<32x32xf32>,
    %slice3A_239 = vector.extract_strided_slice %dot_general3A_135 {offsets = [0, 832], sizes = [32, 32], strides = [1, 1]} : vector<32x4096xf32> to vector<32x32xf32>
    %swap3A_240 = arith.constant 832 : index
    %swap3A_241 = arith.constant 0 : index
    %swap3A_242 = vector.load %arg2[%swap3A_240, %swap3A_241] : memref<4096x128xf32, #tpu.memory_space<vmem>>, vector<32x32xf32>
    tpu.vector_store %arg2[%swap3A_240, %swap3A_241], %slice3A_239 {strides = array<i32>} : memref<4096x128xf32, #tpu.memory_space<vmem>>, vector<32x32xf32>,
    %slice3A_243 = vector.extract_strided_slice %dot_general3A_135 {offsets = [0, 864], sizes = [32, 32], strides = [1, 1]} : vector<32x4096xf32> to vector<32x32xf32>
    %swap3A_244 = arith.constant 864 : index
    %swap3A_245 = arith.constant 0 : index
    %swap3A_246 = vector.load %arg2[%swap3A_244, %swap3A_245] : memref<4096x128xf32, #tpu.memory_space<vmem>>, vector<32x32xf32>
    tpu.vector_store %arg2[%swap3A_244, %swap3A_245], %slice3A_243 {strides = array<i32>} : memref<4096x128xf32, #tpu.memory_space<vmem>>, vector<32x32xf32>,
    %slice3A_247 = vector.extract_strided_slice %dot_general3A_135 {offsets = [0, 896], sizes = [32, 32], strides = [1, 1]} : vector<32x4096xf32> to vector<32x32xf32>
    %swap3A_248 = arith.constant 896 : index
    %swap3A_249 = arith.constant 0 : index
    %swap3A_250 = vector.load %arg2[%swap3A_248, %swap3A_249] : memref<4096x128xf32, #tpu.memory_space<vmem>>, vector<32x32xf32>
    tpu.vector_store %arg2[%swap3A_248, %swap3A_249], %slice3A_247 {strides = array<i32>} : memref<4096x128xf32, #tpu.memory_space<vmem>>, vector<32x32xf32>,
    %slice3A_251 = vector.extract_strided_slice %dot_general3A_135 {offsets = [0, 928], sizes = [32, 32], strides = [1, 1]} : vector<32x4096xf32> to vector<32x32xf32>
    %swap3A_252 = arith.constant 928 : index
    %swap3A_253 = arith.constant 0 : index
    %swap3A_254 = vector.load %arg2[%swap3A_252, %swap3A_253] : memref<4096x128xf32, #tpu.memory_space<vmem>>, vector<32x32xf32>
    tpu.vector_store %arg2[%swap3A_252, %swap3A_253], %slice3A_251 {strides = array<i32>} : memref<4096x128xf32, #tpu.memory_space<vmem>>, vector<32x32xf32>,
    %slice3A_255 = vector.extract_strided_slice %dot_general3A_135 {offsets = [0, 960], sizes = [32, 32], strides = [1, 1]} : vector<32x4096xf32> to vector<32x32xf32>
    %swap3A_256 = arith.constant 960 : index
    %swap3A_257 = arith.constant 0 : index
    %swap3A_258 = vector.load %arg2[%swap3A_256, %swap3A_257] : memref<4096x128xf32, #tpu.memory_space<vmem>>, vector<32x32xf32>
    tpu.vector_store %arg2[%swap3A_256, %swap3A_257], %slice3A_255 {strides = array<i32>} : memref<4096x128xf32, #tpu.memory_space<vmem>>, vector<32x32xf32>,
    %slice3A_259 = vector.extract_strided_slice %dot_general3A_135 {offsets = [0, 992], sizes = [32, 32], strides = [1, 1]} : vector<32x4096xf32> to vector<32x32xf32>
    %swap3A_260 = arith.constant 992 : index
    %swap3A_261 = arith.constant 0 : index
    %swap3A_262 = vector.load %arg2[%swap3A_260, %swap3A_261] : memref<4096x128xf32, #tpu.memory_space<vmem>>, vector<32x32xf32>
    tpu.vector_store %arg2[%swap3A_260, %swap3A_261], %slice3A_259 {strides = array<i32>} : memref<4096x128xf32, #tpu.memory_space<vmem>>, vector<32x32xf32>,
    %slice3A_263 = vector.extract_strided_slice %dot_general3A_135 {offsets = [0, 1024], sizes = [32, 32], strides = [1, 1]} : vector<32x4096xf32> to vector<32x32xf32>
    %swap3A_264 = arith.constant 1024 : index
    %swap3A_265 = arith.constant 0 : index
    %swap3A_266 = vector.load %arg2[%swap3A_264, %swap3A_265] : memref<4096x128xf32, #tpu.memory_space<vmem>>, vector<32x32xf32>
    tpu.vector_store %arg2[%swap3A_264, %swap3A_265], %slice3A_263 {strides = array<i32>} : memref<4096x128xf32, #tpu.memory_space<vmem>>, vector<32x32xf32>,
    %slice3A_267 = vector.extract_strided_slice %dot_general3A_135 {offsets = [0, 1056], sizes = [32, 32], strides = [1, 1]} : vector<32x4096xf32> to vector<32x32xf32>
    %swap3A_268 = arith.constant 1056 : index
    %swap3A_269 = arith.constant 0 : index
    %swap3A_270 = vector.load %arg2[%swap3A_268, %swap3A_269] : memref<4096x128xf32, #tpu.memory_space<vmem>>, vector<32x32xf32>
    tpu.vector_store %arg2[%swap3A_268, %swap3A_269], %slice3A_267 {strides = array<i32>} : memref<4096x128xf32, #tpu.memory_space<vmem>>, vector<32x32xf32>,
    %slice3A_271 = vector.extract_strided_slice %dot_general3A_135 {offsets = [0, 1088], sizes = [32, 32], strides = [1, 1]} : vector<32x4096xf32> to vector<32x32xf32>
    %swap3A_272 = arith.constant 1088 : index
    %swap3A_273 = arith.constant 0 : index
    %swap3A_274 = vector.load %arg2[%swap3A_272, %swap3A_273] : memref<4096x128xf32, #tpu.memory_space<vmem>>, vector<32x32xf32>
    tpu.vector_store %arg2[%swap3A_272, %swap3A_273], %slice3A_271 {strides = array<i32>} : memref<4096x128xf32, #tpu.memory_space<vmem>>, vector<32x32xf32>,
    %slice3A_275 = vector.extract_strided_slice %dot_general3A_135 {offsets = [0, 1120], sizes = [32, 32], strides = [1, 1]} : vector<32x4096xf32> to vector<32x32xf32>
    %swap3A_276 = arith.constant 1120 : index
    %swap3A_277 = arith.constant 0 : index
    %swap3A_278 = vector.load %arg2[%swap3A_276, %swap3A_277] : memref<4096x128xf32, #tpu.memory_space<vmem>>, vector<32x32xf32>
    tpu.vector_store %arg2[%swap3A_276, %swap3A_277], %slice3A_275 {strides = array<i32>} : memref<4096x128xf32, #tpu.memory_space<vmem>>, vector<32x32xf32>,
    %slice3A_279 = vector.extract_strided_slice %dot_general3A_135 {offsets = [0, 1152], sizes = [32, 32], strides = [1, 1]} : vector<32x4096xf32> to vector<32x32xf32>
    %swap3A_280 = arith.constant 1152 : index
    %swap3A_281 = arith.constant 0 : index
    %swap3A_282 = vector.load %arg2[%swap3A_280, %swap3A_281] : memref<4096x128xf32, #tpu.memory_space<vmem>>, vector<32x32xf32>
    tpu.vector_store %arg2[%swap3A_280, %swap3A_281], %slice3A_279 {strides = array<i32>} : memref<4096x128xf32, #tpu.memory_space<vmem>>, vector<32x32xf32>,
    %slice3A_283 = vector.extract_strided_slice %dot_general3A_135 {offsets = [0, 1184], sizes = [32, 32], strides = [1, 1]} : vector<32x4096xf32> to vector<32x32xf32>
    %swap3A_284 = arith.constant 1184 : index
    %swap3A_285 = arith.constant 0 : index
    %swap3A_286 = vector.load %arg2[%swap3A_284, %swap3A_285] : memref<4096x128xf32, #tpu.memory_space<vmem>>, vector<32x32xf32>
    tpu.vector_store %arg2[%swap3A_284, %swap3A_285], %slice3A_283 {strides = array<i32>} : memref<4096x128xf32, #tpu.memory_space<vmem>>, vector<32x32xf32>,
    %slice3A_287 = vector.extract_strided_slice %dot_general3A_135 {offsets = [0, 1216], sizes = [32, 32], strides = [1, 1]} : vector<32x4096xf32> to vector<32x32xf32>
    %swap3A_288 = arith.constant 1216 : index
    %swap3A_289 = arith.constant 0 : index
    %swap3A_290 = vector.load %arg2[%swap3A_288, %swap3A_289] : memref<4096x128xf32, #tpu.memory_space<vmem>>, vector<32x32xf32>
    tpu.vector_store %arg2[%swap3A_288, %swap3A_289], %slice3A_287 {strides = array<i32>} : memref<4096x128xf32, #tpu.memory_space<vmem>>, vector<32x32xf32>,
    %slice3A_291 = vector.extract_strided_slice %dot_general3A_135 {offsets = [0, 1248], sizes = [32, 32], strides = [1, 1]} : vector<32x4096xf32> to vector<32x32xf32>
    %swap3A_292 = arith.constant 1248 : index
    %swap3A_293 = arith.constant 0 : index
    %swap3A_294 = vector.load %arg2[%swap3A_292, %swap3A_293] : memref<4096x128xf32, #tpu.memory_space<vmem>>, vector<32x32xf32>
    tpu.vector_store %arg2[%swap3A_292, %swap3A_293], %slice3A_291 {strides = array<i32>} : memref<4096x128xf32, #tpu.memory_space<vmem>>, vector<32x32xf32>,
    %slice3A_295 = vector.extract_strided_slice %dot_general3A_135 {offsets = [0, 1280], sizes = [32, 32], strides = [1, 1]} : vector<32x4096xf32> to vector<32x32xf32>
    %swap3A_296 = arith.constant 1280 : index
    %swap3A_297 = arith.constant 0 : index
    %swap3A_298 = vector.load %arg2[%swap3A_296, %swap3A_297] : memref<4096x128xf32, #tpu.memory_space<vmem>>, vector<32x32xf32>
    tpu.vector_store %arg2[%swap3A_296, %swap3A_297], %slice3A_295 {strides = array<i32>} : memref<4096x128xf32, #tpu.memory_space<vmem>>, vector<32x32xf32>,
    %slice3A_299 = vector.extract_strided_slice %dot_general3A_135 {offsets = [0, 1312], sizes = [32, 32], strides = [1, 1]} : vector<32x4096xf32> to vector<32x32xf32>
    %swap3A_300 = arith.constant 1312 : index
    %swap3A_301 = arith.constant 0 : index
    %swap3A_302 = vector.load %arg2[%swap3A_300, %swap3A_301] : memref<4096x128xf32, #tpu.memory_space<vmem>>, vector<32x32xf32>
    tpu.vector_store %arg2[%swap3A_300, %swap3A_301], %slice3A_299 {strides = array<i32>} : memref<4096x128xf32, #tpu.memory_space<vmem>>, vector<32x32xf32>,
    %slice3A_303 = vector.extract_strided_slice %dot_general3A_135 {offsets = [0, 1344], sizes = [32, 32], strides = [1, 1]} : vector<32x4096xf32> to vector<32x32xf32>
    %swap3A_304 = arith.constant 1344 : index
    %swap3A_305 = arith.constant 0 : index
    %swap3A_306 = vector.load %arg2[%swap3A_304, %swap3A_305] : memref<4096x128xf32, #tpu.memory_space<vmem>>, vector<32x32xf32>
    tpu.vector_store %arg2[%swap3A_304, %swap3A_305], %slice3A_303 {strides = array<i32>} : memref<4096x128xf32, #tpu.memory_space<vmem>>, vector<32x32xf32>,
    %slice3A_307 = vector.extract_strided_slice %dot_general3A_135 {offsets = [0, 1376], sizes = [32, 32], strides = [1, 1]} : vector<32x4096xf32> to vector<32x32xf32>
    %swap3A_308 = arith.constant 1376 : index
    %swap3A_309 = arith.constant 0 : index
    %swap3A_310 = vector.load %arg2[%swap3A_308, %swap3A_309] : memref<4096x128xf32, #tpu.memory_space<vmem>>, vector<32x32xf32>
    tpu.vector_store %arg2[%swap3A_308, %swap3A_309], %slice3A_307 {strides = array<i32>} : memref<4096x128xf32, #tpu.memory_space<vmem>>, vector<32x32xf32>,
    %slice3A_311 = vector.extract_strided_slice %dot_general3A_135 {offsets = [0, 1408], sizes = [32, 32], strides = [1, 1]} : vector<32x4096xf32> to vector<32x32xf32>
    %swap3A_312 = arith.constant 1408 : index
    %swap3A_313 = arith.constant 0 : index
    %swap3A_314 = vector.load %arg2[%swap3A_312, %swap3A_313] : memref<4096x128xf32, #tpu.memory_space<vmem>>, vector<32x32xf32>
    tpu.vector_store %arg2[%swap3A_312, %swap3A_313], %slice3A_311 {strides = array<i32>} : memref<4096x128xf32, #tpu.memory_space<vmem>>, vector<32x32xf32>,
    %slice3A_315 = vector.extract_strided_slice %dot_general3A_135 {offsets = [0, 1440], sizes = [32, 32], strides = [1, 1]} : vector<32x4096xf32> to vector<32x32xf32>
    %swap3A_316 = arith.constant 1440 : index
    %swap3A_317 = arith.constant 0 : index
    %swap3A_318 = vector.load %arg2[%swap3A_316, %swap3A_317] : memref<4096x128xf32, #tpu.memory_space<vmem>>, vector<32x32xf32>
    tpu.vector_store %arg2[%swap3A_316, %swap3A_317], %slice3A_315 {strides = array<i32>} : memref<4096x128xf32, #tpu.memory_space<vmem>>, vector<32x32xf32>,
    %slice3A_319 = vector.extract_strided_slice %dot_general3A_135 {offsets = [0, 1472], sizes = [32, 32], strides = [1, 1]} : vector<32x4096xf32> to vector<32x32xf32>
    %swap3A_320 = arith.constant 1472 : index
    %swap3A_321 = arith.constant 0 : index
    %swap3A_322 = vector.load %arg2[%swap3A_320, %swap3A_321] : memref<4096x128xf32, #tpu.memory_space<vmem>>, vector<32x32xf32>
    tpu.vector_store %arg2[%swap3A_320, %swap3A_321], %slice3A_319 {strides = array<i32>} : memref<4096x128xf32, #tpu.memory_space<vmem>>, vector<32x32xf32>,
    %slice3A_323 = vector.extract_strided_slice %dot_general3A_135 {offsets = [0, 1504], sizes = [32, 32], strides = [1, 1]} : vector<32x4096xf32> to vector<32x32xf32>
    %swap3A_324 = arith.constant 1504 : index
    %swap3A_325 = arith.constant 0 : index
    %swap3A_326 = vector.load %arg2[%swap3A_324, %swap3A_325] : memref<4096x128xf32, #tpu.memory_space<vmem>>, vector<32x32xf32>
    tpu.vector_store %arg2[%swap3A_324, %swap3A_325], %slice3A_323 {strides = array<i32>} : memref<4096x128xf32, #tpu.memory_space<vmem>>, vector<32x32xf32>,
    %slice3A_327 = vector.extract_strided_slice %dot_general3A_135 {offsets = [0, 1536], sizes = [32, 32], strides = [1, 1]} : vector<32x4096xf32> to vector<32x32xf32>
    %swap3A_328 = arith.constant 1536 : index
    %swap3A_329 = arith.constant 0 : index
    %swap3A_330 = vector.load %arg2[%swap3A_328, %swap3A_329] : memref<4096x128xf32, #tpu.memory_space<vmem>>, vector<32x32xf32>
    tpu.vector_store %arg2[%swap3A_328, %swap3A_329], %slice3A_327 {strides = array<i32>} : memref<4096x128xf32, #tpu.memory_space<vmem>>, vector<32x32xf32>,
    %slice3A_331 = vector.extract_strided_slice %dot_general3A_135 {offsets = [0, 1568], sizes = [32, 32], strides = [1, 1]} : vector<32x4096xf32> to vector<32x32xf32>
    %swap3A_332 = arith.constant 1568 : index
    %swap3A_333 = arith.constant 0 : index
    %swap3A_334 = vector.load %arg2[%swap3A_332, %swap3A_333] : memref<4096x128xf32, #tpu.memory_space<vmem>>, vector<32x32xf32>
    tpu.vector_store %arg2[%swap3A_332, %swap3A_333], %slice3A_331 {strides = array<i32>} : memref<4096x128xf32, #tpu.memory_space<vmem>>, vector<32x32xf32>,
    %slice3A_335 = vector.extract_strided_slice %dot_general3A_135 {offsets = [0, 1600], sizes = [32, 32], strides = [1, 1]} : vector<32x4096xf32> to vector<32x32xf32>
    %swap3A_336 = arith.constant 1600 : index
    %swap3A_337 = arith.constant 0 : index
    %swap3A_338 = vector.load %arg2[%swap3A_336, %swap3A_337] : memref<4096x128xf32, #tpu.memory_space<vmem>>, vector<32x32xf32>
    tpu.vector_store %arg2[%swap3A_336, %swap3A_337], %slice3A_335 {strides = array<i32>} : memref<4096x128xf32, #tpu.memory_space<vmem>>, vector<32x32xf32>,
    %slice3A_339 = vector.extract_strided_slice %dot_general3A_135 {offsets = [0, 1632], sizes = [32, 32], strides = [1, 1]} : vector<32x4096xf32> to vector<32x32xf32>
    %swap3A_340 = arith.constant 1632 : index
    %swap3A_341 = arith.constant 0 : index
    %swap3A_342 = vector.load %arg2[%swap3A_340, %swap3A_341] : memref<4096x128xf32, #tpu.memory_space<vmem>>, vector<32x32xf32>
    tpu.vector_store %arg2[%swap3A_340, %swap3A_341], %slice3A_339 {strides = array<i32>} : memref<4096x128xf32, #tpu.memory_space<vmem>>, vector<32x32xf32>,
    %slice3A_343 = vector.extract_strided_slice %dot_general3A_135 {offsets = [0, 1664], sizes = [32, 32], strides = [1, 1]} : vector<32x4096xf32> to vector<32x32xf32>
    %swap3A_344 = arith.constant 1664 : index
    %swap3A_345 = arith.constant 0 : index
    %swap3A_346 = vector.load %arg2[%swap3A_344, %swap3A_345] : memref<4096x128xf32, #tpu.memory_space<vmem>>, vector<32x32xf32>
    tpu.vector_store %arg2[%swap3A_344, %swap3A_345], %slice3A_343 {strides = array<i32>} : memref<4096x128xf32, #tpu.memory_space<vmem>>, vector<32x32xf32>,
    %slice3A_347 = vector.extract_strided_slice %dot_general3A_135 {offsets = [0, 1696], sizes = [32, 32], strides = [1, 1]} : vector<32x4096xf32> to vector<32x32xf32>
    %swap3A_348 = arith.constant 1696 : index
    %swap3A_349 = arith.constant 0 : index
    %swap3A_350 = vector.load %arg2[%swap3A_348, %swap3A_349] : memref<4096x128xf32, #tpu.memory_space<vmem>>, vector<32x32xf32>
    tpu.vector_store %arg2[%swap3A_348, %swap3A_349], %slice3A_347 {strides = array<i32>} : memref<4096x128xf32, #tpu.memory_space<vmem>>, vector<32x32xf32>,
    %slice3A_351 = vector.extract_strided_slice %dot_general3A_135 {offsets = [0, 1728], sizes = [32, 32], strides = [1, 1]} : vector<32x4096xf32> to vector<32x32xf32>
    %swap3A_352 = arith.constant 1728 : index
    %swap3A_353 = arith.constant 0 : index
    %swap3A_354 = vector.load %arg2[%swap3A_352, %swap3A_353] : memref<4096x128xf32, #tpu.memory_space<vmem>>, vector<32x32xf32>
    tpu.vector_store %arg2[%swap3A_352, %swap3A_353], %slice3A_351 {strides = array<i32>} : memref<4096x128xf32, #tpu.memory_space<vmem>>, vector<32x32xf32>,
    %slice3A_355 = vector.extract_strided_slice %dot_general3A_135 {offsets = [0, 1760], sizes = [32, 32], strides = [1, 1]} : vector<32x4096xf32> to vector<32x32xf32>
    %swap3A_356 = arith.constant 1760 : index
    %swap3A_357 = arith.constant 0 : index
    %swap3A_358 = vector.load %arg2[%swap3A_356, %swap3A_357] : memref<4096x128xf32, #tpu.memory_space<vmem>>, vector<32x32xf32>
    tpu.vector_store %arg2[%swap3A_356, %swap3A_357], %slice3A_355 {strides = array<i32>} : memref<4096x128xf32, #tpu.memory_space<vmem>>, vector<32x32xf32>,
    %slice3A_359 = vector.extract_strided_slice %dot_general3A_135 {offsets = [0, 1792], sizes = [32, 32], strides = [1, 1]} : vector<32x4096xf32> to vector<32x32xf32>
    %swap3A_360 = arith.constant 1792 : index
    %swap3A_361 = arith.constant 0 : index
    %swap3A_362 = vector.load %arg2[%swap3A_360, %swap3A_361] : memref<4096x128xf32, #tpu.memory_space<vmem>>, vector<32x32xf32>
    tpu.vector_store %arg2[%swap3A_360, %swap3A_361], %slice3A_359 {strides = array<i32>} : memref<4096x128xf32, #tpu.memory_space<vmem>>, vector<32x32xf32>,
    %slice3A_363 = vector.extract_strided_slice %dot_general3A_135 {offsets = [0, 1824], sizes = [32, 32], strides = [1, 1]} : vector<32x4096xf32> to vector<32x32xf32>
    %swap3A_364 = arith.constant 1824 : index
    %swap3A_365 = arith.constant 0 : index
    %swap3A_366 = vector.load %arg2[%swap3A_364, %swap3A_365] : memref<4096x128xf32, #tpu.memory_space<vmem>>, vector<32x32xf32>
    tpu.vector_store %arg2[%swap3A_364, %swap3A_365], %slice3A_363 {strides = array<i32>} : memref<4096x128xf32, #tpu.memory_space<vmem>>, vector<32x32xf32>,
    %slice3A_367 = vector.extract_strided_slice %dot_general3A_135 {offsets = [0, 1856], sizes = [32, 32], strides = [1, 1]} : vector<32x4096xf32> to vector<32x32xf32>
    %swap3A_368 = arith.constant 1856 : index
    %swap3A_369 = arith.constant 0 : index
    %swap3A_370 = vector.load %arg2[%swap3A_368, %swap3A_369] : memref<4096x128xf32, #tpu.memory_space<vmem>>, vector<32x32xf32>
    tpu.vector_store %arg2[%swap3A_368, %swap3A_369], %slice3A_367 {strides = array<i32>} : memref<4096x128xf32, #tpu.memory_space<vmem>>, vector<32x32xf32>,
    %slice3A_371 = vector.extract_strided_slice %dot_general3A_135 {offsets = [0, 1888], sizes = [32, 32], strides = [1, 1]} : vector<32x4096xf32> to vector<32x32xf32>
    %swap3A_372 = arith.constant 1888 : index
    %swap3A_373 = arith.constant 0 : index
    %swap3A_374 = vector.load %arg2[%swap3A_372, %swap3A_373] : memref<4096x128xf32, #tpu.memory_space<vmem>>, vector<32x32xf32>
    tpu.vector_store %arg2[%swap3A_372, %swap3A_373], %slice3A_371 {strides = array<i32>} : memref<4096x128xf32, #tpu.memory_space<vmem>>, vector<32x32xf32>,
    %slice3A_375 = vector.extract_strided_slice %dot_general3A_135 {offsets = [0, 1920], sizes = [32, 32], strides = [1, 1]} : vector<32x4096xf32> to vector<32x32xf32>
    %swap3A_376 = arith.constant 1920 : index
    %swap3A_377 = arith.constant 0 : index
    %swap3A_378 = vector.load %arg2[%swap3A_376, %swap3A_377] : memref<4096x128xf32, #tpu.memory_space<vmem>>, vector<32x32xf32>
    tpu.vector_store %arg2[%swap3A_376, %swap3A_377], %slice3A_375 {strides = array<i32>} : memref<4096x128xf32, #tpu.memory_space<vmem>>, vector<32x32xf32>,
    %slice3A_379 = vector.extract_strided_slice %dot_general3A_135 {offsets = [0, 1952], sizes = [32, 32], strides = [1, 1]} : vector<32x4096xf32> to vector<32x32xf32>
    %swap3A_380 = arith.constant 1952 : index
    %swap3A_381 = arith.constant 0 : index
    %swap3A_382 = vector.load %arg2[%swap3A_380, %swap3A_381] : memref<4096x128xf32, #tpu.memory_space<vmem>>, vector<32x32xf32>
    tpu.vector_store %arg2[%swap3A_380, %swap3A_381], %slice3A_379 {strides = array<i32>} : memref<4096x128xf32, #tpu.memory_space<vmem>>, vector<32x32xf32>,
    %slice3A_383 = vector.extract_strided_slice %dot_general3A_135 {offsets = [0, 1984], sizes = [32, 32], strides = [1, 1]} : vector<32x4096xf32> to vector<32x32xf32>
    %swap3A_384 = arith.constant 1984 : index
    %swap3A_385 = arith.constant 0 : index
    %swap3A_386 = vector.load %arg2[%swap3A_384, %swap3A_385] : memref<4096x128xf32, #tpu.memory_space<vmem>>, vector<32x32xf32>
    tpu.vector_store %arg2[%swap3A_384, %swap3A_385], %slice3A_383 {strides = array<i32>} : memref<4096x128xf32, #tpu.memory_space<vmem>>, vector<32x32xf32>,
    %slice3A_387 = vector.extract_strided_slice %dot_general3A_135 {offsets = [0, 2016], sizes = [32, 32], strides = [1, 1]} : vector<32x4096xf32> to vector<32x32xf32>
    %swap3A_388 = arith.constant 2016 : index
    %swap3A_389 = arith.constant 0 : index
    %swap3A_390 = vector.load %arg2[%swap3A_388, %swap3A_389] : memref<4096x128xf32, #tpu.memory_space<vmem>>, vector<32x32xf32>
    tpu.vector_store %arg2[%swap3A_388, %swap3A_389], %slice3A_387 {strides = array<i32>} : memref<4096x128xf32, #tpu.memory_space<vmem>>, vector<32x32xf32>,
    %slice3A_391 = vector.extract_strided_slice %dot_general3A_135 {offsets = [0, 2048], sizes = [32, 32], strides = [1, 1]} : vector<32x4096xf32> to vector<32x32xf32>
    %swap3A_392 = arith.constant 2048 : index
    %swap3A_393 = arith.constant 0 : index
    %swap3A_394 = vector.load %arg2[%swap3A_392, %swap3A_393] : memref<4096x128xf32, #tpu.memory_space<vmem>>, vector<32x32xf32>
    tpu.vector_store %arg2[%swap3A_392, %swap3A_393], %slice3A_391 {strides = array<i32>} : memref<4096x128xf32, #tpu.memory_space<vmem>>, vector<32x32xf32>,
    %slice3A_395 = vector.extract_strided_slice %dot_general3A_135 {offsets = [0, 2080], sizes = [32, 32], strides = [1, 1]} : vector<32x4096xf32> to vector<32x32xf32>
    %swap3A_396 = arith.constant 2080 : index
    %swap3A_397 = arith.constant 0 : index
    %swap3A_398 = vector.load %arg2[%swap3A_396, %swap3A_397] : memref<4096x128xf32, #tpu.memory_space<vmem>>, vector<32x32xf32>
    tpu.vector_store %arg2[%swap3A_396, %swap3A_397], %slice3A_395 {strides = array<i32>} : memref<4096x128xf32, #tpu.memory_space<vmem>>, vector<32x32xf32>,
    %slice3A_399 = vector.extract_strided_slice %dot_general3A_135 {offsets = [0, 2112], sizes = [32, 32], strides = [1, 1]} : vector<32x4096xf32> to vector<32x32xf32>
    %swap3A_400 = arith.constant 2112 : index
    %swap3A_401 = arith.constant 0 : index
    %swap3A_402 = vector.load %arg2[%swap3A_400, %swap3A_401] : memref<4096x128xf32, #tpu.memory_space<vmem>>, vector<32x32xf32>
    tpu.vector_store %arg2[%swap3A_400, %swap3A_401], %slice3A_399 {strides = array<i32>} : memref<4096x128xf32, #tpu.memory_space<vmem>>, vector<32x32xf32>,
    %slice3A_403 = vector.extract_strided_slice %dot_general3A_135 {offsets = [0, 2144], sizes = [32, 32], strides = [1, 1]} : vector<32x4096xf32> to vector<32x32xf32>
    %swap3A_404 = arith.constant 2144 : index
    %swap3A_405 = arith.constant 0 : index
    %swap3A_406 = vector.load %arg2[%swap3A_404, %swap3A_405] : memref<4096x128xf32, #tpu.memory_space<vmem>>, vector<32x32xf32>
    tpu.vector_store %arg2[%swap3A_404, %swap3A_405], %slice3A_403 {strides = array<i32>} : memref<4096x128xf32, #tpu.memory_space<vmem>>, vector<32x32xf32>,
    %slice3A_407 = vector.extract_strided_slice %dot_general3A_135 {offsets = [0, 2176], sizes = [32, 32], strides = [1, 1]} : vector<32x4096xf32> to vector<32x32xf32>
    %swap3A_408 = arith.constant 2176 : index
    %swap3A_409 = arith.constant 0 : index
    %swap3A_410 = vector.load %arg2[%swap3A_408, %swap3A_409] : memref<4096x128xf32, #tpu.memory_space<vmem>>, vector<32x32xf32>
    tpu.vector_store %arg2[%swap3A_408, %swap3A_409], %slice3A_407 {strides = array<i32>} : memref<4096x128xf32, #tpu.memory_space<vmem>>, vector<32x32xf32>,
    %slice3A_411 = vector.extract_strided_slice %dot_general3A_135 {offsets = [0, 2208], sizes = [32, 32], strides = [1, 1]} : vector<32x4096xf32> to vector<32x32xf32>
    %swap3A_412 = arith.constant 2208 : index
    %swap3A_413 = arith.constant 0 : index
    %swap3A_414 = vector.load %arg2[%swap3A_412, %swap3A_413] : memref<4096x128xf32, #tpu.memory_space<vmem>>, vector<32x32xf32>
    tpu.vector_store %arg2[%swap3A_412, %swap3A_413], %slice3A_411 {strides = array<i32>} : memref<4096x128xf32, #tpu.memory_space<vmem>>, vector<32x32xf32>,
    %slice3A_415 = vector.extract_strided_slice %dot_general3A_135 {offsets = [0, 2240], sizes = [32, 32], strides = [1, 1]} : vector<32x4096xf32> to vector<32x32xf32>
    %swap3A_416 = arith.constant 2240 : index
    %swap3A_417 = arith.constant 0 : index
    %swap3A_418 = vector.load %arg2[%swap3A_416, %swap3A_417] : memref<4096x128xf32, #tpu.memory_space<vmem>>, vector<32x32xf32>
    tpu.vector_store %arg2[%swap3A_416, %swap3A_417], %slice3A_415 {strides = array<i32>} : memref<4096x128xf32, #tpu.memory_space<vmem>>, vector<32x32xf32>,
    %slice3A_419 = vector.extract_strided_slice %dot_general3A_135 {offsets = [0, 2272], sizes = [32, 32], strides = [1, 1]} : vector<32x4096xf32> to vector<32x32xf32>
    %swap3A_420 = arith.constant 2272 : index
    %swap3A_421 = arith.constant 0 : index
    %swap3A_422 = vector.load %arg2[%swap3A_420, %swap3A_421] : memref<4096x128xf32, #tpu.memory_space<vmem>>, vector<32x32xf32>
    tpu.vector_store %arg2[%swap3A_420, %swap3A_421], %slice3A_419 {strides = array<i32>} : memref<4096x128xf32, #tpu.memory_space<vmem>>, vector<32x32xf32>,
    %slice3A_423 = vector.extract_strided_slice %dot_general3A_135 {offsets = [0, 2304], sizes = [32, 32], strides = [1, 1]} : vector<32x4096xf32> to vector<32x32xf32>
    %swap3A_424 = arith.constant 2304 : index
    %swap3A_425 = arith.constant 0 : index
    %swap3A_426 = vector.load %arg2[%swap3A_424, %swap3A_425] : memref<4096x128xf32, #tpu.memory_space<vmem>>, vector<32x32xf32>
    tpu.vector_store %arg2[%swap3A_424, %swap3A_425], %slice3A_423 {strides = array<i32>} : memref<4096x128xf32, #tpu.memory_space<vmem>>, vector<32x32xf32>,
    %slice3A_427 = vector.extract_strided_slice %dot_general3A_135 {offsets = [0, 2336], sizes = [32, 32], strides = [1, 1]} : vector<32x4096xf32> to vector<32x32xf32>
    %swap3A_428 = arith.constant 2336 : index
    %swap3A_429 = arith.constant 0 : index
    %swap3A_430 = vector.load %arg2[%swap3A_428, %swap3A_429] : memref<4096x128xf32, #tpu.memory_space<vmem>>, vector<32x32xf32>
    tpu.vector_store %arg2[%swap3A_428, %swap3A_429], %slice3A_427 {strides = array<i32>} : memref<4096x128xf32, #tpu.memory_space<vmem>>, vector<32x32xf32>,
    %slice3A_431 = vector.extract_strided_slice %dot_general3A_135 {offsets = [0, 2368], sizes = [32, 32], strides = [1, 1]} : vector<32x4096xf32> to vector<32x32xf32>
    %swap3A_432 = arith.constant 2368 : index
    %swap3A_433 = arith.constant 0 : index
    %swap3A_434 = vector.load %arg2[%swap3A_432, %swap3A_433] : memref<4096x128xf32, #tpu.memory_space<vmem>>, vector<32x32xf32>
    tpu.vector_store %arg2[%swap3A_432, %swap3A_433], %slice3A_431 {strides = array<i32>} : memref<4096x128xf32, #tpu.memory_space<vmem>>, vector<32x32xf32>,
    %slice3A_435 = vector.extract_strided_slice %dot_general3A_135 {offsets = [0, 2400], sizes = [32, 32], strides = [1, 1]} : vector<32x4096xf32> to vector<32x32xf32>
    %swap3A_436 = arith.constant 2400 : index
    %swap3A_437 = arith.constant 0 : index
    %swap3A_438 = vector.load %arg2[%swap3A_436, %swap3A_437] : memref<4096x128xf32, #tpu.memory_space<vmem>>, vector<32x32xf32>
    tpu.vector_store %arg2[%swap3A_436, %swap3A_437], %slice3A_435 {strides = array<i32>} : memref<4096x128xf32, #tpu.memory_space<vmem>>, vector<32x32xf32>,
    %slice3A_439 = vector.extract_strided_slice %dot_general3A_135 {offsets = [0, 2432], sizes = [32, 32], strides = [1, 1]} : vector<32x4096xf32> to vector<32x32xf32>
    %swap3A_440 = arith.constant 2432 : index
    %swap3A_441 = arith.constant 0 : index
    %swap3A_442 = vector.load %arg2[%swap3A_440, %swap3A_441] : memref<4096x128xf32, #tpu.memory_space<vmem>>, vector<32x32xf32>
    tpu.vector_store %arg2[%swap3A_440, %swap3A_441], %slice3A_439 {strides = array<i32>} : memref<4096x128xf32, #tpu.memory_space<vmem>>, vector<32x32xf32>,
    %slice3A_443 = vector.extract_strided_slice %dot_general3A_135 {offsets = [0, 2464], sizes = [32, 32], strides = [1, 1]} : vector<32x4096xf32> to vector<32x32xf32>
    %swap3A_444 = arith.constant 2464 : index
    %swap3A_445 = arith.constant 0 : index
    %swap3A_446 = vector.load %arg2[%swap3A_444, %swap3A_445] : memref<4096x128xf32, #tpu.memory_space<vmem>>, vector<32x32xf32>
    tpu.vector_store %arg2[%swap3A_444, %swap3A_445], %slice3A_443 {strides = array<i32>} : memref<4096x128xf32, #tpu.memory_space<vmem>>, vector<32x32xf32>,
    %slice3A_447 = vector.extract_strided_slice %dot_general3A_135 {offsets = [0, 2496], sizes = [32, 32], strides = [1, 1]} : vector<32x4096xf32> to vector<32x32xf32>
    %swap3A_448 = arith.constant 2496 : index
    %swap3A_449 = arith.constant 0 : index
    %swap3A_450 = vector.load %arg2[%swap3A_448, %swap3A_449] : memref<4096x128xf32, #tpu.memory_space<vmem>>, vector<32x32xf32>
    tpu.vector_store %arg2[%swap3A_448, %swap3A_449], %slice3A_447 {strides = array<i32>} : memref<4096x128xf32, #tpu.memory_space<vmem>>, vector<32x32xf32>,
    %slice3A_451 = vector.extract_strided_slice %dot_general3A_135 {offsets = [0, 2528], sizes = [32, 32], strides = [1, 1]} : vector<32x4096xf32> to vector<32x32xf32>
    %swap3A_452 = arith.constant 2528 : index
    %swap3A_453 = arith.constant 0 : index
    %swap3A_454 = vector.load %arg2[%swap3A_452, %swap3A_453] : memref<4096x128xf32, #tpu.memory_space<vmem>>, vector<32x32xf32>
    tpu.vector_store %arg2[%swap3A_452, %swap3A_453], %slice3A_451 {strides = array<i32>} : memref<4096x128xf32, #tpu.memory_space<vmem>>, vector<32x32xf32>,
    %slice3A_455 = vector.extract_strided_slice %dot_general3A_135 {offsets = [0, 2560], sizes = [32, 32], strides = [1, 1]} : vector<32x4096xf32> to vector<32x32xf32>
    %swap3A_456 = arith.constant 2560 : index
    %swap3A_457 = arith.constant 0 : index
    %swap3A_458 = vector.load %arg2[%swap3A_456, %swap3A_457] : memref<4096x128xf32, #tpu.memory_space<vmem>>, vector<32x32xf32>
    tpu.vector_store %arg2[%swap3A_456, %swap3A_457], %slice3A_455 {strides = array<i32>} : memref<4096x128xf32, #tpu.memory_space<vmem>>, vector<32x32xf32>,
    %slice3A_459 = vector.extract_strided_slice %dot_general3A_135 {offsets = [0, 2592], sizes = [32, 32], strides = [1, 1]} : vector<32x4096xf32> to vector<32x32xf32>
    %swap3A_460 = arith.constant 2592 : index
    %swap3A_461 = arith.constant 0 : index
    %swap3A_462 = vector.load %arg2[%swap3A_460, %swap3A_461] : memref<4096x128xf32, #tpu.memory_space<vmem>>, vector<32x32xf32>
    tpu.vector_store %arg2[%swap3A_460, %swap3A_461], %slice3A_459 {strides = array<i32>} : memref<4096x128xf32, #tpu.memory_space<vmem>>, vector<32x32xf32>,
    %slice3A_463 = vector.extract_strided_slice %dot_general3A_135 {offsets = [0, 2624], sizes = [32, 32], strides = [1, 1]} : vector<32x4096xf32> to vector<32x32xf32>
    %swap3A_464 = arith.constant 2624 : index
    %swap3A_465 = arith.constant 0 : index
    %swap3A_466 = vector.load %arg2[%swap3A_464, %swap3A_465] : memref<4096x128xf32, #tpu.memory_space<vmem>>, vector<32x32xf32>
    tpu.vector_store %arg2[%swap3A_464, %swap3A_465], %slice3A_463 {strides = array<i32>} : memref<4096x128xf32, #tpu.memory_space<vmem>>, vector<32x32xf32>,
    %slice3A_467 = vector.extract_strided_slice %dot_general3A_135 {offsets = [0, 2656], sizes = [32, 32], strides = [1, 1]} : vector<32x4096xf32> to vector<32x32xf32>
    %swap3A_468 = arith.constant 2656 : index
    %swap3A_469 = arith.constant 0 : index
    %swap3A_470 = vector.load %arg2[%swap3A_468, %swap3A_469] : memref<4096x128xf32, #tpu.memory_space<vmem>>, vector<32x32xf32>
    tpu.vector_store %arg2[%swap3A_468, %swap3A_469], %slice3A_467 {strides = array<i32>} : memref<4096x128xf32, #tpu.memory_space<vmem>>, vector<32x32xf32>,
    %slice3A_471 = vector.extract_strided_slice %dot_general3A_135 {offsets = [0, 2688], sizes = [32, 32], strides = [1, 1]} : vector<32x4096xf32> to vector<32x32xf32>
    %swap3A_472 = arith.constant 2688 : index
    %swap3A_473 = arith.constant 0 : index
    %swap3A_474 = vector.load %arg2[%swap3A_472, %swap3A_473] : memref<4096x128xf32, #tpu.memory_space<vmem>>, vector<32x32xf32>
    tpu.vector_store %arg2[%swap3A_472, %swap3A_473], %slice3A_471 {strides = array<i32>} : memref<4096x128xf32, #tpu.memory_space<vmem>>, vector<32x32xf32>,
    %slice3A_475 = vector.extract_strided_slice %dot_general3A_135 {offsets = [0, 2720], sizes = [32, 32], strides = [1, 1]} : vector<32x4096xf32> to vector<32x32xf32>
    %swap3A_476 = arith.constant 2720 : index
    %swap3A_477 = arith.constant 0 : index
    %swap3A_478 = vector.load %arg2[%swap3A_476, %swap3A_477] : memref<4096x128xf32, #tpu.memory_space<vmem>>, vector<32x32xf32>
    tpu.vector_store %arg2[%swap3A_476, %swap3A_477], %slice3A_475 {strides = array<i32>} : memref<4096x128xf32, #tpu.memory_space<vmem>>, vector<32x32xf32>,
    %slice3A_479 = vector.extract_strided_slice %dot_general3A_135 {offsets = [0, 2752], sizes = [32, 32], strides = [1, 1]} : vector<32x4096xf32> to vector<32x32xf32>
    %swap3A_480 = arith.constant 2752 : index
    %swap3A_481 = arith.constant 0 : index
    %swap3A_482 = vector.load %arg2[%swap3A_480, %swap3A_481] : memref<4096x128xf32, #tpu.memory_space<vmem>>, vector<32x32xf32>
    tpu.vector_store %arg2[%swap3A_480, %swap3A_481], %slice3A_479 {strides = array<i32>} : memref<4096x128xf32, #tpu.memory_space<vmem>>, vector<32x32xf32>,
    %slice3A_483 = vector.extract_strided_slice %dot_general3A_135 {offsets = [0, 2784], sizes = [32, 32], strides = [1, 1]} : vector<32x4096xf32> to vector<32x32xf32>
    %swap3A_484 = arith.constant 2784 : index
    %swap3A_485 = arith.constant 0 : index
    %swap3A_486 = vector.load %arg2[%swap3A_484, %swap3A_485] : memref<4096x128xf32, #tpu.memory_space<vmem>>, vector<32x32xf32>
    tpu.vector_store %arg2[%swap3A_484, %swap3A_485], %slice3A_483 {strides = array<i32>} : memref<4096x128xf32, #tpu.memory_space<vmem>>, vector<32x32xf32>,
    %slice3A_487 = vector.extract_strided_slice %dot_general3A_135 {offsets = [0, 2816], sizes = [32, 32], strides = [1, 1]} : vector<32x4096xf32> to vector<32x32xf32>
    %swap3A_488 = arith.constant 2816 : index
    %swap3A_489 = arith.constant 0 : index
    %swap3A_490 = vector.load %arg2[%swap3A_488, %swap3A_489] : memref<4096x128xf32, #tpu.memory_space<vmem>>, vector<32x32xf32>
    tpu.vector_store %arg2[%swap3A_488, %swap3A_489], %slice3A_487 {strides = array<i32>} : memref<4096x128xf32, #tpu.memory_space<vmem>>, vector<32x32xf32>,
    %slice3A_491 = vector.extract_strided_slice %dot_general3A_135 {offsets = [0, 2848], sizes = [32, 32], strides = [1, 1]} : vector<32x4096xf32> to vector<32x32xf32>
    %swap3A_492 = arith.constant 2848 : index
    %swap3A_493 = arith.constant 0 : index
    %swap3A_494 = vector.load %arg2[%swap3A_492, %swap3A_493] : memref<4096x128xf32, #tpu.memory_space<vmem>>, vector<32x32xf32>
    tpu.vector_store %arg2[%swap3A_492, %swap3A_493], %slice3A_491 {strides = array<i32>} : memref<4096x128xf32, #tpu.memory_space<vmem>>, vector<32x32xf32>,
    %slice3A_495 = vector.extract_strided_slice %dot_general3A_135 {offsets = [0, 2880], sizes = [32, 32], strides = [1, 1]} : vector<32x4096xf32> to vector<32x32xf32>
    %swap3A_496 = arith.constant 2880 : index
    %swap3A_497 = arith.constant 0 : index
    %swap3A_498 = vector.load %arg2[%swap3A_496, %swap3A_497] : memref<4096x128xf32, #tpu.memory_space<vmem>>, vector<32x32xf32>
    tpu.vector_store %arg2[%swap3A_496, %swap3A_497], %slice3A_495 {strides = array<i32>} : memref<4096x128xf32, #tpu.memory_space<vmem>>, vector<32x32xf32>,
    %slice3A_499 = vector.extract_strided_slice %dot_general3A_135 {offsets = [0, 2912], sizes = [32, 32], strides = [1, 1]} : vector<32x4096xf32> to vector<32x32xf32>
    %swap3A_500 = arith.constant 2912 : index
    %swap3A_501 = arith.constant 0 : index
    %swap3A_502 = vector.load %arg2[%swap3A_500, %swap3A_501] : memref<4096x128xf32, #tpu.memory_space<vmem>>, vector<32x32xf32>
    tpu.vector_store %arg2[%swap3A_500, %swap3A_501], %slice3A_499 {strides = array<i32>} : memref<4096x128xf32, #tpu.memory_space<vmem>>, vector<32x32xf32>,
    %slice3A_503 = vector.extract_strided_slice %dot_general3A_135 {offsets = [0, 2944], sizes = [32, 32], strides = [1, 1]} : vector<32x4096xf32> to vector<32x32xf32>
    %swap3A_504 = arith.constant 2944 : index
    %swap3A_505 = arith.constant 0 : index
    %swap3A_506 = vector.load %arg2[%swap3A_504, %swap3A_505] : memref<4096x128xf32, #tpu.memory_space<vmem>>, vector<32x32xf32>
    tpu.vector_store %arg2[%swap3A_504, %swap3A_505], %slice3A_503 {strides = array<i32>} : memref<4096x128xf32, #tpu.memory_space<vmem>>, vector<32x32xf32>,
    %slice3A_507 = vector.extract_strided_slice %dot_general3A_135 {offsets = [0, 2976], sizes = [32, 32], strides = [1, 1]} : vector<32x4096xf32> to vector<32x32xf32>
    %swap3A_508 = arith.constant 2976 : index
    %swap3A_509 = arith.constant 0 : index
    %swap3A_510 = vector.load %arg2[%swap3A_508, %swap3A_509] : memref<4096x128xf32, #tpu.memory_space<vmem>>, vector<32x32xf32>
    tpu.vector_store %arg2[%swap3A_508, %swap3A_509], %slice3A_507 {strides = array<i32>} : memref<4096x128xf32, #tpu.memory_space<vmem>>, vector<32x32xf32>,
    %slice3A_511 = vector.extract_strided_slice %dot_general3A_135 {offsets = [0, 3008], sizes = [32, 32], strides = [1, 1]} : vector<32x4096xf32> to vector<32x32xf32>
    %swap3A_512 = arith.constant 3008 : index
    %swap3A_513 = arith.constant 0 : index
    %swap3A_514 = vector.load %arg2[%swap3A_512, %swap3A_513] : memref<4096x128xf32, #tpu.memory_space<vmem>>, vector<32x32xf32>
    tpu.vector_store %arg2[%swap3A_512, %swap3A_513], %slice3A_511 {strides = array<i32>} : memref<4096x128xf32, #tpu.memory_space<vmem>>, vector<32x32xf32>,
    %slice3A_515 = vector.extract_strided_slice %dot_general3A_135 {offsets = [0, 3040], sizes = [32, 32], strides = [1, 1]} : vector<32x4096xf32> to vector<32x32xf32>
    %swap3A_516 = arith.constant 3040 : index
    %swap3A_517 = arith.constant 0 : index
    %swap3A_518 = vector.load %arg2[%swap3A_516, %swap3A_517] : memref<4096x128xf32, #tpu.memory_space<vmem>>, vector<32x32xf32>
    tpu.vector_store %arg2[%swap3A_516, %swap3A_517], %slice3A_515 {strides = array<i32>} : memref<4096x128xf32, #tpu.memory_space<vmem>>, vector<32x32xf32>,
    %slice3A_519 = vector.extract_strided_slice %dot_general3A_135 {offsets = [0, 3072], sizes = [32, 32], strides = [1, 1]} : vector<32x4096xf32> to vector<32x32xf32>
    %swap3A_520 = arith.constant 3072 : index
    %swap3A_521 = arith.constant 0 : index
    %swap3A_522 = vector.load %arg2[%swap3A_520, %swap3A_521] : memref<4096x128xf32, #tpu.memory_space<vmem>>, vector<32x32xf32>
    tpu.vector_store %arg2[%swap3A_520, %swap3A_521], %slice3A_519 {strides = array<i32>} : memref<4096x128xf32, #tpu.memory_space<vmem>>, vector<32x32xf32>,
    %slice3A_523 = vector.extract_strided_slice %dot_general3A_135 {offsets = [0, 3104], sizes = [32, 32], strides = [1, 1]} : vector<32x4096xf32> to vector<32x32xf32>
    %swap3A_524 = arith.constant 3104 : index
    %swap3A_525 = arith.constant 0 : index
    %swap3A_526 = vector.load %arg2[%swap3A_524, %swap3A_525] : memref<4096x128xf32, #tpu.memory_space<vmem>>, vector<32x32xf32>
    tpu.vector_store %arg2[%swap3A_524, %swap3A_525], %slice3A_523 {strides = array<i32>} : memref<4096x128xf32, #tpu.memory_space<vmem>>, vector<32x32xf32>,
    %slice3A_527 = vector.extract_strided_slice %dot_general3A_135 {offsets = [0, 3136], sizes = [32, 32], strides = [1, 1]} : vector<32x4096xf32> to vector<32x32xf32>
    %swap3A_528 = arith.constant 3136 : index
    %swap3A_529 = arith.constant 0 : index
    %swap3A_530 = vector.load %arg2[%swap3A_528, %swap3A_529] : memref<4096x128xf32, #tpu.memory_space<vmem>>, vector<32x32xf32>
    tpu.vector_store %arg2[%swap3A_528, %swap3A_529], %slice3A_527 {strides = array<i32>} : memref<4096x128xf32, #tpu.memory_space<vmem>>, vector<32x32xf32>,
    %slice3A_531 = vector.extract_strided_slice %dot_general3A_135 {offsets = [0, 3168], sizes = [32, 32], strides = [1, 1]} : vector<32x4096xf32> to vector<32x32xf32>
    %swap3A_532 = arith.constant 3168 : index
    %swap3A_533 = arith.constant 0 : index
    %swap3A_534 = vector.load %arg2[%swap3A_532, %swap3A_533] : memref<4096x128xf32, #tpu.memory_space<vmem>>, vector<32x32xf32>
    tpu.vector_store %arg2[%swap3A_532, %swap3A_533], %slice3A_531 {strides = array<i32>} : memref<4096x128xf32, #tpu.memory_space<vmem>>, vector<32x32xf32>,
    %slice3A_535 = vector.extract_strided_slice %dot_general3A_135 {offsets = [0, 3200], sizes = [32, 32], strides = [1, 1]} : vector<32x4096xf32> to vector<32x32xf32>
    %swap3A_536 = arith.constant 3200 : index
    %swap3A_537 = arith.constant 0 : index
    %swap3A_538 = vector.load %arg2[%swap3A_536, %swap3A_537] : memref<4096x128xf32, #tpu.memory_space<vmem>>, vector<32x32xf32>
    tpu.vector_store %arg2[%swap3A_536, %swap3A_537], %slice3A_535 {strides = array<i32>} : memref<4096x128xf32, #tpu.memory_space<vmem>>, vector<32x32xf32>,
    %slice3A_539 = vector.extract_strided_slice %dot_general3A_135 {offsets = [0, 3232], sizes = [32, 32], strides = [1, 1]} : vector<32x4096xf32> to vector<32x32xf32>
    %swap3A_540 = arith.constant 3232 : index
    %swap3A_541 = arith.constant 0 : index
    %swap3A_542 = vector.load %arg2[%swap3A_540, %swap3A_541] : memref<4096x128xf32, #tpu.memory_space<vmem>>, vector<32x32xf32>
    tpu.vector_store %arg2[%swap3A_540, %swap3A_541], %slice3A_539 {strides = array<i32>} : memref<4096x128xf32, #tpu.memory_space<vmem>>, vector<32x32xf32>,
    %slice3A_543 = vector.extract_strided_slice %dot_general3A_135 {offsets = [0, 3264], sizes = [32, 32], strides = [1, 1]} : vector<32x4096xf32> to vector<32x32xf32>
    %swap3A_544 = arith.constant 3264 : index
    %swap3A_545 = arith.constant 0 : index
    %swap3A_546 = vector.load %arg2[%swap3A_544, %swap3A_545] : memref<4096x128xf32, #tpu.memory_space<vmem>>, vector<32x32xf32>
    tpu.vector_store %arg2[%swap3A_544, %swap3A_545], %slice3A_543 {strides = array<i32>} : memref<4096x128xf32, #tpu.memory_space<vmem>>, vector<32x32xf32>,
    %slice3A_547 = vector.extract_strided_slice %dot_general3A_135 {offsets = [0, 3296], sizes = [32, 32], strides = [1, 1]} : vector<32x4096xf32> to vector<32x32xf32>
    %swap3A_548 = arith.constant 3296 : index
    %swap3A_549 = arith.constant 0 : index
    %swap3A_550 = vector.load %arg2[%swap3A_548, %swap3A_549] : memref<4096x128xf32, #tpu.memory_space<vmem>>, vector<32x32xf32>
    tpu.vector_store %arg2[%swap3A_548, %swap3A_549], %slice3A_547 {strides = array<i32>} : memref<4096x128xf32, #tpu.memory_space<vmem>>, vector<32x32xf32>,
    %slice3A_551 = vector.extract_strided_slice %dot_general3A_135 {offsets = [0, 3328], sizes = [32, 32], strides = [1, 1]} : vector<32x4096xf32> to vector<32x32xf32>
    %swap3A_552 = arith.constant 3328 : index
    %swap3A_553 = arith.constant 0 : index
    %swap3A_554 = vector.load %arg2[%swap3A_552, %swap3A_553] : memref<4096x128xf32, #tpu.memory_space<vmem>>, vector<32x32xf32>
    tpu.vector_store %arg2[%swap3A_552, %swap3A_553], %slice3A_551 {strides = array<i32>} : memref<4096x128xf32, #tpu.memory_space<vmem>>, vector<32x32xf32>,
    %slice3A_555 = vector.extract_strided_slice %dot_general3A_135 {offsets = [0, 3360], sizes = [32, 32], strides = [1, 1]} : vector<32x4096xf32> to vector<32x32xf32>
    %swap3A_556 = arith.constant 3360 : index
    %swap3A_557 = arith.constant 0 : index
    %swap3A_558 = vector.load %arg2[%swap3A_556, %swap3A_557] : memref<4096x128xf32, #tpu.memory_space<vmem>>, vector<32x32xf32>
    tpu.vector_store %arg2[%swap3A_556, %swap3A_557], %slice3A_555 {strides = array<i32>} : memref<4096x128xf32, #tpu.memory_space<vmem>>, vector<32x32xf32>,
    %slice3A_559 = vector.extract_strided_slice %dot_general3A_135 {offsets = [0, 3392], sizes = [32, 32], strides = [1, 1]} : vector<32x4096xf32> to vector<32x32xf32>
    %swap3A_560 = arith.constant 3392 : index
    %swap3A_561 = arith.constant 0 : index
    %swap3A_562 = vector.load %arg2[%swap3A_560, %swap3A_561] : memref<4096x128xf32, #tpu.memory_space<vmem>>, vector<32x32xf32>
    tpu.vector_store %arg2[%swap3A_560, %swap3A_561], %slice3A_559 {strides = array<i32>} : memref<4096x128xf32, #tpu.memory_space<vmem>>, vector<32x32xf32>,
    %slice3A_563 = vector.extract_strided_slice %dot_general3A_135 {offsets = [0, 3424], sizes = [32, 32], strides = [1, 1]} : vector<32x4096xf32> to vector<32x32xf32>
    %swap3A_564 = arith.constant 3424 : index
    %swap3A_565 = arith.constant 0 : index
    %swap3A_566 = vector.load %arg2[%swap3A_564, %swap3A_565] : memref<4096x128xf32, #tpu.memory_space<vmem>>, vector<32x32xf32>
    tpu.vector_store %arg2[%swap3A_564, %swap3A_565], %slice3A_563 {strides = array<i32>} : memref<4096x128xf32, #tpu.memory_space<vmem>>, vector<32x32xf32>,
    %slice3A_567 = vector.extract_strided_slice %dot_general3A_135 {offsets = [0, 3456], sizes = [32, 32], strides = [1, 1]} : vector<32x4096xf32> to vector<32x32xf32>
    %swap3A_568 = arith.constant 3456 : index
    %swap3A_569 = arith.constant 0 : index
    %swap3A_570 = vector.load %arg2[%swap3A_568, %swap3A_569] : memref<4096x128xf32, #tpu.memory_space<vmem>>, vector<32x32xf32>
    tpu.vector_store %arg2[%swap3A_568, %swap3A_569], %slice3A_567 {strides = array<i32>} : memref<4096x128xf32, #tpu.memory_space<vmem>>, vector<32x32xf32>,
    %slice3A_571 = vector.extract_strided_slice %dot_general3A_135 {offsets = [0, 3488], sizes = [32, 32], strides = [1, 1]} : vector<32x4096xf32> to vector<32x32xf32>
    %swap3A_572 = arith.constant 3488 : index
    %swap3A_573 = arith.constant 0 : index
    %swap3A_574 = vector.load %arg2[%swap3A_572, %swap3A_573] : memref<4096x128xf32, #tpu.memory_space<vmem>>, vector<32x32xf32>
    tpu.vector_store %arg2[%swap3A_572, %swap3A_573], %slice3A_571 {strides = array<i32>} : memref<4096x128xf32, #tpu.memory_space<vmem>>, vector<32x32xf32>,
    %slice3A_575 = vector.extract_strided_slice %dot_general3A_135 {offsets = [0, 3520], sizes = [32, 32], strides = [1, 1]} : vector<32x4096xf32> to vector<32x32xf32>
    %swap3A_576 = arith.constant 3520 : index
    %swap3A_577 = arith.constant 0 : index
    %swap3A_578 = vector.load %arg2[%swap3A_576, %swap3A_577] : memref<4096x128xf32, #tpu.memory_space<vmem>>, vector<32x32xf32>
    tpu.vector_store %arg2[%swap3A_576, %swap3A_577], %slice3A_575 {strides = array<i32>} : memref<4096x128xf32, #tpu.memory_space<vmem>>, vector<32x32xf32>,
    %slice3A_579 = vector.extract_strided_slice %dot_general3A_135 {offsets = [0, 3552], sizes = [32, 32], strides = [1, 1]} : vector<32x4096xf32> to vector<32x32xf32>
    %swap3A_580 = arith.constant 3552 : index
    %swap3A_581 = arith.constant 0 : index
    %swap3A_582 = vector.load %arg2[%swap3A_580, %swap3A_581] : memref<4096x128xf32, #tpu.memory_space<vmem>>, vector<32x32xf32>
    tpu.vector_store %arg2[%swap3A_580, %swap3A_581], %slice3A_579 {strides = array<i32>} : memref<4096x128xf32, #tpu.memory_space<vmem>>, vector<32x32xf32>,
    %slice3A_583 = vector.extract_strided_slice %dot_general3A_135 {offsets = [0, 3584], sizes = [32, 32], strides = [1, 1]} : vector<32x4096xf32> to vector<32x32xf32>
    %swap3A_584 = arith.constant 3584 : index
    %swap3A_585 = arith.constant 0 : index
    %swap3A_586 = vector.load %arg2[%swap3A_584, %swap3A_585] : memref<4096x128xf32, #tpu.memory_space<vmem>>, vector<32x32xf32>
    tpu.vector_store %arg2[%swap3A_584, %swap3A_585], %slice3A_583 {strides = array<i32>} : memref<4096x128xf32, #tpu.memory_space<vmem>>, vector<32x32xf32>,
    %slice3A_587 = vector.extract_strided_slice %dot_general3A_135 {offsets = [0, 3616], sizes = [32, 32], strides = [1, 1]} : vector<32x4096xf32> to vector<32x32xf32>
    %swap3A_588 = arith.constant 3616 : index
    %swap3A_589 = arith.constant 0 : index
    %swap3A_590 = vector.load %arg2[%swap3A_588, %swap3A_589] : memref<4096x128xf32, #tpu.memory_space<vmem>>, vector<32x32xf32>
    tpu.vector_store %arg2[%swap3A_588, %swap3A_589], %slice3A_587 {strides = array<i32>} : memref<4096x128xf32, #tpu.memory_space<vmem>>, vector<32x32xf32>,
    %slice3A_591 = vector.extract_strided_slice %dot_general3A_135 {offsets = [0, 3648], sizes = [32, 32], strides = [1, 1]} : vector<32x4096xf32> to vector<32x32xf32>
    %swap3A_592 = arith.constant 3648 : index
    %swap3A_593 = arith.constant 0 : index
    %swap3A_594 = vector.load %arg2[%swap3A_592, %swap3A_593] : memref<4096x128xf32, #tpu.memory_space<vmem>>, vector<32x32xf32>
    tpu.vector_store %arg2[%swap3A_592, %swap3A_593], %slice3A_591 {strides = array<i32>} : memref<4096x128xf32, #tpu.memory_space<vmem>>, vector<32x32xf32>,
    %slice3A_595 = vector.extract_strided_slice %dot_general3A_135 {offsets = [0, 3680], sizes = [32, 32], strides = [1, 1]} : vector<32x4096xf32> to vector<32x32xf32>
    %swap3A_596 = arith.constant 3680 : index
    %swap3A_597 = arith.constant 0 : index
    %swap3A_598 = vector.load %arg2[%swap3A_596, %swap3A_597] : memref<4096x128xf32, #tpu.memory_space<vmem>>, vector<32x32xf32>
    tpu.vector_store %arg2[%swap3A_596, %swap3A_597], %slice3A_595 {strides = array<i32>} : memref<4096x128xf32, #tpu.memory_space<vmem>>, vector<32x32xf32>,
    %slice3A_599 = vector.extract_strided_slice %dot_general3A_135 {offsets = [0, 3712], sizes = [32, 32], strides = [1, 1]} : vector<32x4096xf32> to vector<32x32xf32>
    %swap3A_600 = arith.constant 3712 : index
    %swap3A_601 = arith.constant 0 : index
    %swap3A_602 = vector.load %arg2[%swap3A_600, %swap3A_601] : memref<4096x128xf32, #tpu.memory_space<vmem>>, vector<32x32xf32>
    tpu.vector_store %arg2[%swap3A_600, %swap3A_601], %slice3A_599 {strides = array<i32>} : memref<4096x128xf32, #tpu.memory_space<vmem>>, vector<32x32xf32>,
    %slice3A_603 = vector.extract_strided_slice %dot_general3A_135 {offsets = [0, 3744], sizes = [32, 32], strides = [1, 1]} : vector<32x4096xf32> to vector<32x32xf32>
    %swap3A_604 = arith.constant 3744 : index
    %swap3A_605 = arith.constant 0 : index
    %swap3A_606 = vector.load %arg2[%swap3A_604, %swap3A_605] : memref<4096x128xf32, #tpu.memory_space<vmem>>, vector<32x32xf32>
    tpu.vector_store %arg2[%swap3A_604, %swap3A_605], %slice3A_603 {strides = array<i32>} : memref<4096x128xf32, #tpu.memory_space<vmem>>, vector<32x32xf32>,
    %slice3A_607 = vector.extract_strided_slice %dot_general3A_135 {offsets = [0, 3776], sizes = [32, 32], strides = [1, 1]} : vector<32x4096xf32> to vector<32x32xf32>
    %swap3A_608 = arith.constant 3776 : index
    %swap3A_609 = arith.constant 0 : index
    %swap3A_610 = vector.load %arg2[%swap3A_608, %swap3A_609] : memref<4096x128xf32, #tpu.memory_space<vmem>>, vector<32x32xf32>
    tpu.vector_store %arg2[%swap3A_608, %swap3A_609], %slice3A_607 {strides = array<i32>} : memref<4096x128xf32, #tpu.memory_space<vmem>>, vector<32x32xf32>,
    %slice3A_611 = vector.extract_strided_slice %dot_general3A_135 {offsets = [0, 3808], sizes = [32, 32], strides = [1, 1]} : vector<32x4096xf32> to vector<32x32xf32>
    %swap3A_612 = arith.constant 3808 : index
    %swap3A_613 = arith.constant 0 : index
    %swap3A_614 = vector.load %arg2[%swap3A_612, %swap3A_613] : memref<4096x128xf32, #tpu.memory_space<vmem>>, vector<32x32xf32>
    tpu.vector_store %arg2[%swap3A_612, %swap3A_613], %slice3A_611 {strides = array<i32>} : memref<4096x128xf32, #tpu.memory_space<vmem>>, vector<32x32xf32>,
    %slice3A_615 = vector.extract_strided_slice %dot_general3A_135 {offsets = [0, 3840], sizes = [32, 32], strides = [1, 1]} : vector<32x4096xf32> to vector<32x32xf32>
    %swap3A_616 = arith.constant 3840 : index
    %swap3A_617 = arith.constant 0 : index
    %swap3A_618 = vector.load %arg2[%swap3A_616, %swap3A_617] : memref<4096x128xf32, #tpu.memory_space<vmem>>, vector<32x32xf32>
    tpu.vector_store %arg2[%swap3A_616, %swap3A_617], %slice3A_615 {strides = array<i32>} : memref<4096x128xf32, #tpu.memory_space<vmem>>, vector<32x32xf32>,
    %slice3A_619 = vector.extract_strided_slice %dot_general3A_135 {offsets = [0, 3872], sizes = [32, 32], strides = [1, 1]} : vector<32x4096xf32> to vector<32x32xf32>
    %swap3A_620 = arith.constant 3872 : index
    %swap3A_621 = arith.constant 0 : index
    %swap3A_622 = vector.load %arg2[%swap3A_620, %swap3A_621] : memref<4096x128xf32, #tpu.memory_space<vmem>>, vector<32x32xf32>
    tpu.vector_store %arg2[%swap3A_620, %swap3A_621], %slice3A_619 {strides = array<i32>} : memref<4096x128xf32, #tpu.memory_space<vmem>>, vector<32x32xf32>,
    %slice3A_623 = vector.extract_strided_slice %dot_general3A_135 {offsets = [0, 3904], sizes = [32, 32], strides = [1, 1]} : vector<32x4096xf32> to vector<32x32xf32>
    %swap3A_624 = arith.constant 3904 : index
    %swap3A_625 = arith.constant 0 : index
    %swap3A_626 = vector.load %arg2[%swap3A_624, %swap3A_625] : memref<4096x128xf32, #tpu.memory_space<vmem>>, vector<32x32xf32>
    tpu.vector_store %arg2[%swap3A_624, %swap3A_625], %slice3A_623 {strides = array<i32>} : memref<4096x128xf32, #tpu.memory_space<vmem>>, vector<32x32xf32>,
    %slice3A_627 = vector.extract_strided_slice %dot_general3A_135 {offsets = [0, 3936], sizes = [32, 32], strides = [1, 1]} : vector<32x4096xf32> to vector<32x32xf32>
    %swap3A_628 = arith.constant 3936 : index
    %swap3A_629 = arith.constant 0 : index
    %swap3A_630 = vector.load %arg2[%swap3A_628, %swap3A_629] : memref<4096x128xf32, #tpu.memory_space<vmem>>, vector<32x32xf32>
    tpu.vector_store %arg2[%swap3A_628, %swap3A_629], %slice3A_627 {strides = array<i32>} : memref<4096x128xf32, #tpu.memory_space<vmem>>, vector<32x32xf32>,
    %slice3A_631 = vector.extract_strided_slice %dot_general3A_135 {offsets = [0, 3968], sizes = [32, 32], strides = [1, 1]} : vector<32x4096xf32> to vector<32x32xf32>
    %swap3A_632 = arith.constant 3968 : index
    %swap3A_633 = arith.constant 0 : index
    %swap3A_634 = vector.load %arg2[%swap3A_632, %swap3A_633] : memref<4096x128xf32, #tpu.memory_space<vmem>>, vector<32x32xf32>
    tpu.vector_store %arg2[%swap3A_632, %swap3A_633], %slice3A_631 {strides = array<i32>} : memref<4096x128xf32, #tpu.memory_space<vmem>>, vector<32x32xf32>,
    %slice3A_635 = vector.extract_strided_slice %dot_general3A_135 {offsets = [0, 4000], sizes = [32, 32], strides = [1, 1]} : vector<32x4096xf32> to vector<32x32xf32>
    %swap3A_636 = arith.constant 4000 : index
    %swap3A_637 = arith.constant 0 : index
    %swap3A_638 = vector.load %arg2[%swap3A_636, %swap3A_637] : memref<4096x128xf32, #tpu.memory_space<vmem>>, vector<32x32xf32>
    tpu.vector_store %arg2[%swap3A_636, %swap3A_637], %slice3A_635 {strides = array<i32>} : memref<4096x128xf32, #tpu.memory_space<vmem>>, vector<32x32xf32>,
    %slice3A_639 = vector.extract_strided_slice %dot_general3A_135 {offsets = [0, 4032], sizes = [32, 32], strides = [1, 1]} : vector<32x4096xf32> to vector<32x32xf32>
    %swap3A_640 = arith.constant 4032 : index
    %swap3A_641 = arith.constant 0 : index
    %swap3A_642 = vector.load %arg2[%swap3A_640, %swap3A_641] : memref<4096x128xf32, #tpu.memory_space<vmem>>, vector<32x32xf32>
    tpu.vector_store %arg2[%swap3A_640, %swap3A_641], %slice3A_639 {strides = array<i32>} : memref<4096x128xf32, #tpu.memory_space<vmem>>, vector<32x32xf32>,
    %slice3A_643 = vector.extract_strided_slice %dot_general3A_135 {offsets = [0, 4064], sizes = [32, 32], strides = [1, 1]} : vector<32x4096xf32> to vector<32x32xf32>
    %swap3A_644 = arith.constant 4064 : index
    %swap3A_645 = arith.constant 0 : index
    %swap3A_646 = vector.load %arg2[%swap3A_644, %swap3A_645] : memref<4096x128xf32, #tpu.memory_space<vmem>>, vector<32x32xf32>
    tpu.vector_store %arg2[%swap3A_644, %swap3A_645], %slice3A_643 {strides = array<i32>} : memref<4096x128xf32, #tpu.memory_space<vmem>>, vector<32x32xf32>,
    %mul3A_647 = arith.constant 4 : i32
    %mul3A_648 = vector.broadcast %mul3A_647 : i32 to vector<32x128xi32>
    %mul3A_649 = arith.muli %mul3A_648, %iota3A : vector<32x128xi32>
    %add3A_650 = arith.constant 1 : i32
    %add3A_651 = vector.broadcast %add3A_650 : i32 to vector<32x128xi32>
    %add3A_652 = arith.addi %mul3A_649, %add3A_651 : vector<32x128xi32>
    %eq3A_653 = arith.cmpi eq, %iota3A_129, %add3A_652 : vector<32x128xi32>
    %convert_element_type3A_654 = arith.extui %eq3A_653 : vector<32x128xi1> to vector<32x128xi32>
    %convert_element_type3A_655 = arith.sitofp %convert_element_type3A_654 : vector<32x128xi32> to vector<32x128xf32>
    %dot_general3A_656 = arith.constant dense<0.000000e+00> : vector<32x4096xf32>
    %dot_general3A_657 = tpu.matmul %convert_element_type3A_655, %concatenate3A, %dot_general3A_656 {dimension_numbers = #tpu.dot_dimension_numbers<[1], [0], [0], [1], [0, 0, 1, 1], [], []>, transpose_lhs_hint = false} : vector<32x128xf32>, vector<128x4096xf32>, vector<32x4096xf32> -> vector<32x4096xf32>
    %slice3A_658 = vector.extract_strided_slice %dot_general3A_657 {offsets = [0, 0], sizes = [32, 32], strides = [1, 1]} : vector<32x4096xf32> to vector<32x32xf32>
    %swap3A_659 = arith.constant 0 : index
    %swap3A_660 = arith.constant 32 : index
    %swap3A_661 = vector.load %arg2[%swap3A_659, %swap3A_660] : memref<4096x128xf32, #tpu.memory_space<vmem>>, vector<32x32xf32>
    tpu.vector_store %arg2[%swap3A_659, %swap3A_660], %slice3A_658 {strides = array<i32>} : memref<4096x128xf32, #tpu.memory_space<vmem>>, vector<32x32xf32>,
    %slice3A_662 = vector.extract_strided_slice %dot_general3A_657 {offsets = [0, 32], sizes = [32, 32], strides = [1, 1]} : vector<32x4096xf32> to vector<32x32xf32>
    %swap3A_663 = arith.constant 32 : index
    %swap3A_664 = arith.constant 32 : index
    %swap3A_665 = vector.load %arg2[%swap3A_663, %swap3A_664] : memref<4096x128xf32, #tpu.memory_space<vmem>>, vector<32x32xf32>
    tpu.vector_store %arg2[%swap3A_663, %swap3A_664], %slice3A_662 {strides = array<i32>} : memref<4096x128xf32, #tpu.memory_space<vmem>>, vector<32x32xf32>,
    %slice3A_666 = vector.extract_strided_slice %dot_general3A_657 {offsets = [0, 64], sizes = [32, 32], strides = [1, 1]} : vector<32x4096xf32> to vector<32x32xf32>
    %swap3A_667 = arith.constant 64 : index
    %swap3A_668 = arith.constant 32 : index
    %swap3A_669 = vector.load %arg2[%swap3A_667, %swap3A_668] : memref<4096x128xf32, #tpu.memory_space<vmem>>, vector<32x32xf32>
    tpu.vector_store %arg2[%swap3A_667, %swap3A_668], %slice3A_666 {strides = array<i32>} : memref<4096x128xf32, #tpu.memory_space<vmem>>, vector<32x32xf32>,
    %slice3A_670 = vector.extract_strided_slice %dot_general3A_657 {offsets = [0, 96], sizes = [32, 32], strides = [1, 1]} : vector<32x4096xf32> to vector<32x32xf32>
    %swap3A_671 = arith.constant 96 : index
    %swap3A_672 = arith.constant 32 : index
    %swap3A_673 = vector.load %arg2[%swap3A_671, %swap3A_672] : memref<4096x128xf32, #tpu.memory_space<vmem>>, vector<32x32xf32>
    tpu.vector_store %arg2[%swap3A_671, %swap3A_672], %slice3A_670 {strides = array<i32>} : memref<4096x128xf32, #tpu.memory_space<vmem>>, vector<32x32xf32>,
    %slice3A_674 = vector.extract_strided_slice %dot_general3A_657 {offsets = [0, 128], sizes = [32, 32], strides = [1, 1]} : vector<32x4096xf32> to vector<32x32xf32>
    %swap3A_675 = arith.constant 128 : index
    %swap3A_676 = arith.constant 32 : index
    %swap3A_677 = vector.load %arg2[%swap3A_675, %swap3A_676] : memref<4096x128xf32, #tpu.memory_space<vmem>>, vector<32x32xf32>
    tpu.vector_store %arg2[%swap3A_675, %swap3A_676], %slice3A_674 {strides = array<i32>} : memref<4096x128xf32, #tpu.memory_space<vmem>>, vector<32x32xf32>,
    %slice3A_678 = vector.extract_strided_slice %dot_general3A_657 {offsets = [0, 160], sizes = [32, 32], strides = [1, 1]} : vector<32x4096xf32> to vector<32x32xf32>
    %swap3A_679 = arith.constant 160 : index
    %swap3A_680 = arith.constant 32 : index
    %swap3A_681 = vector.load %arg2[%swap3A_679, %swap3A_680] : memref<4096x128xf32, #tpu.memory_space<vmem>>, vector<32x32xf32>
    tpu.vector_store %arg2[%swap3A_679, %swap3A_680], %slice3A_678 {strides = array<i32>} : memref<4096x128xf32, #tpu.memory_space<vmem>>, vector<32x32xf32>,
    %slice3A_682 = vector.extract_strided_slice %dot_general3A_657 {offsets = [0, 192], sizes = [32, 32], strides = [1, 1]} : vector<32x4096xf32> to vector<32x32xf32>
    %swap3A_683 = arith.constant 192 : index
    %swap3A_684 = arith.constant 32 : index
    %swap3A_685 = vector.load %arg2[%swap3A_683, %swap3A_684] : memref<4096x128xf32, #tpu.memory_space<vmem>>, vector<32x32xf32>
    tpu.vector_store %arg2[%swap3A_683, %swap3A_684], %slice3A_682 {strides = array<i32>} : memref<4096x128xf32, #tpu.memory_space<vmem>>, vector<32x32xf32>,
    %slice3A_686 = vector.extract_strided_slice %dot_general3A_657 {offsets = [0, 224], sizes = [32, 32], strides = [1, 1]} : vector<32x4096xf32> to vector<32x32xf32>
    %swap3A_687 = arith.constant 224 : index
    %swap3A_688 = arith.constant 32 : index
    %swap3A_689 = vector.load %arg2[%swap3A_687, %swap3A_688] : memref<4096x128xf32, #tpu.memory_space<vmem>>, vector<32x32xf32>
    tpu.vector_store %arg2[%swap3A_687, %swap3A_688], %slice3A_686 {strides = array<i32>} : memref<4096x128xf32, #tpu.memory_space<vmem>>, vector<32x32xf32>,
    %slice3A_690 = vector.extract_strided_slice %dot_general3A_657 {offsets = [0, 256], sizes = [32, 32], strides = [1, 1]} : vector<32x4096xf32> to vector<32x32xf32>
    %swap3A_691 = arith.constant 256 : index
    %swap3A_692 = arith.constant 32 : index
    %swap3A_693 = vector.load %arg2[%swap3A_691, %swap3A_692] : memref<4096x128xf32, #tpu.memory_space<vmem>>, vector<32x32xf32>
    tpu.vector_store %arg2[%swap3A_691, %swap3A_692], %slice3A_690 {strides = array<i32>} : memref<4096x128xf32, #tpu.memory_space<vmem>>, vector<32x32xf32>,
    %slice3A_694 = vector.extract_strided_slice %dot_general3A_657 {offsets = [0, 288], sizes = [32, 32], strides = [1, 1]} : vector<32x4096xf32> to vector<32x32xf32>
    %swap3A_695 = arith.constant 288 : index
    %swap3A_696 = arith.constant 32 : index
    %swap3A_697 = vector.load %arg2[%swap3A_695, %swap3A_696] : memref<4096x128xf32, #tpu.memory_space<vmem>>, vector<32x32xf32>
    tpu.vector_store %arg2[%swap3A_695, %swap3A_696], %slice3A_694 {strides = array<i32>} : memref<4096x128xf32, #tpu.memory_space<vmem>>, vector<32x32xf32>,
    %slice3A_698 = vector.extract_strided_slice %dot_general3A_657 {offsets = [0, 320], sizes = [32, 32], strides = [1, 1]} : vector<32x4096xf32> to vector<32x32xf32>
    %swap3A_699 = arith.constant 320 : index
    %swap3A_700 = arith.constant 32 : index
    %swap3A_701 = vector.load %arg2[%swap3A_699, %swap3A_700] : memref<4096x128xf32, #tpu.memory_space<vmem>>, vector<32x32xf32>
    tpu.vector_store %arg2[%swap3A_699, %swap3A_700], %slice3A_698 {strides = array<i32>} : memref<4096x128xf32, #tpu.memory_space<vmem>>, vector<32x32xf32>,
    %slice3A_702 = vector.extract_strided_slice %dot_general3A_657 {offsets = [0, 352], sizes = [32, 32], strides = [1, 1]} : vector<32x4096xf32> to vector<32x32xf32>
    %swap3A_703 = arith.constant 352 : index
    %swap3A_704 = arith.constant 32 : index
    %swap3A_705 = vector.load %arg2[%swap3A_703, %swap3A_704] : memref<4096x128xf32, #tpu.memory_space<vmem>>, vector<32x32xf32>
    tpu.vector_store %arg2[%swap3A_703, %swap3A_704], %slice3A_702 {strides = array<i32>} : memref<4096x128xf32, #tpu.memory_space<vmem>>, vector<32x32xf32>,
    %slice3A_706 = vector.extract_strided_slice %dot_general3A_657 {offsets = [0, 384], sizes = [32, 32], strides = [1, 1]} : vector<32x4096xf32> to vector<32x32xf32>
    %swap3A_707 = arith.constant 384 : index
    %swap3A_708 = arith.constant 32 : index
    %swap3A_709 = vector.load %arg2[%swap3A_707, %swap3A_708] : memref<4096x128xf32, #tpu.memory_space<vmem>>, vector<32x32xf32>
    tpu.vector_store %arg2[%swap3A_707, %swap3A_708], %slice3A_706 {strides = array<i32>} : memref<4096x128xf32, #tpu.memory_space<vmem>>, vector<32x32xf32>,
    %slice3A_710 = vector.extract_strided_slice %dot_general3A_657 {offsets = [0, 416], sizes = [32, 32], strides = [1, 1]} : vector<32x4096xf32> to vector<32x32xf32>
    %swap3A_711 = arith.constant 416 : index
    %swap3A_712 = arith.constant 32 : index
    %swap3A_713 = vector.load %arg2[%swap3A_711, %swap3A_712] : memref<4096x128xf32, #tpu.memory_space<vmem>>, vector<32x32xf32>
    tpu.vector_store %arg2[%swap3A_711, %swap3A_712], %slice3A_710 {strides = array<i32>} : memref<4096x128xf32, #tpu.memory_space<vmem>>, vector<32x32xf32>,
    %slice3A_714 = vector.extract_strided_slice %dot_general3A_657 {offsets = [0, 448], sizes = [32, 32], strides = [1, 1]} : vector<32x4096xf32> to vector<32x32xf32>
    %swap3A_715 = arith.constant 448 : index
    %swap3A_716 = arith.constant 32 : index
    %swap3A_717 = vector.load %arg2[%swap3A_715, %swap3A_716] : memref<4096x128xf32, #tpu.memory_space<vmem>>, vector<32x32xf32>
    tpu.vector_store %arg2[%swap3A_715, %swap3A_716], %slice3A_714 {strides = array<i32>} : memref<4096x128xf32, #tpu.memory_space<vmem>>, vector<32x32xf32>,
    %slice3A_718 = vector.extract_strided_slice %dot_general3A_657 {offsets = [0, 480], sizes = [32, 32], strides = [1, 1]} : vector<32x4096xf32> to vector<32x32xf32>
    %swap3A_719 = arith.constant 480 : index
    %swap3A_720 = arith.constant 32 : index
    %swap3A_721 = vector.load %arg2[%swap3A_719, %swap3A_720] : memref<4096x128xf32, #tpu.memory_space<vmem>>, vector<32x32xf32>
    tpu.vector_store %arg2[%swap3A_719, %swap3A_720], %slice3A_718 {strides = array<i32>} : memref<4096x128xf32, #tpu.memory_space<vmem>>, vector<32x32xf32>,
    %slice3A_722 = vector.extract_strided_slice %dot_general3A_657 {offsets = [0, 512], sizes = [32, 32], strides = [1, 1]} : vector<32x4096xf32> to vector<32x32xf32>
    %swap3A_723 = arith.constant 512 : index
    %swap3A_724 = arith.constant 32 : index
    %swap3A_725 = vector.load %arg2[%swap3A_723, %swap3A_724] : memref<4096x128xf32, #tpu.memory_space<vmem>>, vector<32x32xf32>
    tpu.vector_store %arg2[%swap3A_723, %swap3A_724], %slice3A_722 {strides = array<i32>} : memref<4096x128xf32, #tpu.memory_space<vmem>>, vector<32x32xf32>,
    %slice3A_726 = vector.extract_strided_slice %dot_general3A_657 {offsets = [0, 544], sizes = [32, 32], strides = [1, 1]} : vector<32x4096xf32> to vector<32x32xf32>
    %swap3A_727 = arith.constant 544 : index
    %swap3A_728 = arith.constant 32 : index
    %swap3A_729 = vector.load %arg2[%swap3A_727, %swap3A_728] : memref<4096x128xf32, #tpu.memory_space<vmem>>, vector<32x32xf32>
    tpu.vector_store %arg2[%swap3A_727, %swap3A_728], %slice3A_726 {strides = array<i32>} : memref<4096x128xf32, #tpu.memory_space<vmem>>, vector<32x32xf32>,
    %slice3A_730 = vector.extract_strided_slice %dot_general3A_657 {offsets = [0, 576], sizes = [32, 32], strides = [1, 1]} : vector<32x4096xf32> to vector<32x32xf32>
    %swap3A_731 = arith.constant 576 : index
    %swap3A_732 = arith.constant 32 : index
    %swap3A_733 = vector.load %arg2[%swap3A_731, %swap3A_732] : memref<4096x128xf32, #tpu.memory_space<vmem>>, vector<32x32xf32>
    tpu.vector_store %arg2[%swap3A_731, %swap3A_732], %slice3A_730 {strides = array<i32>} : memref<4096x128xf32, #tpu.memory_space<vmem>>, vector<32x32xf32>,
    %slice3A_734 = vector.extract_strided_slice %dot_general3A_657 {offsets = [0, 608], sizes = [32, 32], strides = [1, 1]} : vector<32x4096xf32> to vector<32x32xf32>
    %swap3A_735 = arith.constant 608 : index
    %swap3A_736 = arith.constant 32 : index
    %swap3A_737 = vector.load %arg2[%swap3A_735, %swap3A_736] : memref<4096x128xf32, #tpu.memory_space<vmem>>, vector<32x32xf32>
    tpu.vector_store %arg2[%swap3A_735, %swap3A_736], %slice3A_734 {strides = array<i32>} : memref<4096x128xf32, #tpu.memory_space<vmem>>, vector<32x32xf32>,
    %slice3A_738 = vector.extract_strided_slice %dot_general3A_657 {offsets = [0, 640], sizes = [32, 32], strides = [1, 1]} : vector<32x4096xf32> to vector<32x32xf32>
    %swap3A_739 = arith.constant 640 : index
    %swap3A_740 = arith.constant 32 : index
    %swap3A_741 = vector.load %arg2[%swap3A_739, %swap3A_740] : memref<4096x128xf32, #tpu.memory_space<vmem>>, vector<32x32xf32>
    tpu.vector_store %arg2[%swap3A_739, %swap3A_740], %slice3A_738 {strides = array<i32>} : memref<4096x128xf32, #tpu.memory_space<vmem>>, vector<32x32xf32>,
    %slice3A_742 = vector.extract_strided_slice %dot_general3A_657 {offsets = [0, 672], sizes = [32, 32], strides = [1, 1]} : vector<32x4096xf32> to vector<32x32xf32>
    %swap3A_743 = arith.constant 672 : index
    %swap3A_744 = arith.constant 32 : index
    %swap3A_745 = vector.load %arg2[%swap3A_743, %swap3A_744] : memref<4096x128xf32, #tpu.memory_space<vmem>>, vector<32x32xf32>
    tpu.vector_store %arg2[%swap3A_743, %swap3A_744], %slice3A_742 {strides = array<i32>} : memref<4096x128xf32, #tpu.memory_space<vmem>>, vector<32x32xf32>,
    %slice3A_746 = vector.extract_strided_slice %dot_general3A_657 {offsets = [0, 704], sizes = [32, 32], strides = [1, 1]} : vector<32x4096xf32> to vector<32x32xf32>
    %swap3A_747 = arith.constant 704 : index
    %swap3A_748 = arith.constant 32 : index
    %swap3A_749 = vector.load %arg2[%swap3A_747, %swap3A_748] : memref<4096x128xf32, #tpu.memory_space<vmem>>, vector<32x32xf32>
    tpu.vector_store %arg2[%swap3A_747, %swap3A_748], %slice3A_746 {strides = array<i32>} : memref<4096x128xf32, #tpu.memory_space<vmem>>, vector<32x32xf32>,
    %slice3A_750 = vector.extract_strided_slice %dot_general3A_657 {offsets = [0, 736], sizes = [32, 32], strides = [1, 1]} : vector<32x4096xf32> to vector<32x32xf32>
    %swap3A_751 = arith.constant 736 : index
    %swap3A_752 = arith.constant 32 : index
    %swap3A_753 = vector.load %arg2[%swap3A_751, %swap3A_752] : memref<4096x128xf32, #tpu.memory_space<vmem>>, vector<32x32xf32>
    tpu.vector_store %arg2[%swap3A_751, %swap3A_752], %slice3A_750 {strides = array<i32>} : memref<4096x128xf32, #tpu.memory_space<vmem>>, vector<32x32xf32>,
    %slice3A_754 = vector.extract_strided_slice %dot_general3A_657 {offsets = [0, 768], sizes = [32, 32], strides = [1, 1]} : vector<32x4096xf32> to vector<32x32xf32>
    %swap3A_755 = arith.constant 768 : index
    %swap3A_756 = arith.constant 32 : index
    %swap3A_757 = vector.load %arg2[%swap3A_755, %swap3A_756] : memref<4096x128xf32, #tpu.memory_space<vmem>>, vector<32x32xf32>
    tpu.vector_store %arg2[%swap3A_755, %swap3A_756], %slice3A_754 {strides = array<i32>} : memref<4096x128xf32, #tpu.memory_space<vmem>>, vector<32x32xf32>,
    %slice3A_758 = vector.extract_strided_slice %dot_general3A_657 {offsets = [0, 800], sizes = [32, 32], strides = [1, 1]} : vector<32x4096xf32> to vector<32x32xf32>
    %swap3A_759 = arith.constant 800 : index
    %swap3A_760 = arith.constant 32 : index
    %swap3A_761 = vector.load %arg2[%swap3A_759, %swap3A_760] : memref<4096x128xf32, #tpu.memory_space<vmem>>, vector<32x32xf32>
    tpu.vector_store %arg2[%swap3A_759, %swap3A_760], %slice3A_758 {strides = array<i32>} : memref<4096x128xf32, #tpu.memory_space<vmem>>, vector<32x32xf32>,
    %slice3A_762 = vector.extract_strided_slice %dot_general3A_657 {offsets = [0, 832], sizes = [32, 32], strides = [1, 1]} : vector<32x4096xf32> to vector<32x32xf32>
    %swap3A_763 = arith.constant 832 : index
    %swap3A_764 = arith.constant 32 : index
    %swap3A_765 = vector.load %arg2[%swap3A_763, %swap3A_764] : memref<4096x128xf32, #tpu.memory_space<vmem>>, vector<32x32xf32>
    tpu.vector_store %arg2[%swap3A_763, %swap3A_764], %slice3A_762 {strides = array<i32>} : memref<4096x128xf32, #tpu.memory_space<vmem>>, vector<32x32xf32>,
    %slice3A_766 = vector.extract_strided_slice %dot_general3A_657 {offsets = [0, 864], sizes = [32, 32], strides = [1, 1]} : vector<32x4096xf32> to vector<32x32xf32>
    %swap3A_767 = arith.constant 864 : index
    %swap3A_768 = arith.constant 32 : index
    %swap3A_769 = vector.load %arg2[%swap3A_767, %swap3A_768] : memref<4096x128xf32, #tpu.memory_space<vmem>>, vector<32x32xf32>
    tpu.vector_store %arg2[%swap3A_767, %swap3A_768], %slice3A_766 {strides = array<i32>} : memref<4096x128xf32, #tpu.memory_space<vmem>>, vector<32x32xf32>,
    %slice3A_770 = vector.extract_strided_slice %dot_general3A_657 {offsets = [0, 896], sizes = [32, 32], strides = [1, 1]} : vector<32x4096xf32> to vector<32x32xf32>
    %swap3A_771 = arith.constant 896 : index
    %swap3A_772 = arith.constant 32 : index
    %swap3A_773 = vector.load %arg2[%swap3A_771, %swap3A_772] : memref<4096x128xf32, #tpu.memory_space<vmem>>, vector<32x32xf32>
    tpu.vector_store %arg2[%swap3A_771, %swap3A_772], %slice3A_770 {strides = array<i32>} : memref<4096x128xf32, #tpu.memory_space<vmem>>, vector<32x32xf32>,
    %slice3A_774 = vector.extract_strided_slice %dot_general3A_657 {offsets = [0, 928], sizes = [32, 32], strides = [1, 1]} : vector<32x4096xf32> to vector<32x32xf32>
    %swap3A_775 = arith.constant 928 : index
    %swap3A_776 = arith.constant 32 : index
    %swap3A_777 = vector.load %arg2[%swap3A_775, %swap3A_776] : memref<4096x128xf32, #tpu.memory_space<vmem>>, vector<32x32xf32>
    tpu.vector_store %arg2[%swap3A_775, %swap3A_776], %slice3A_774 {strides = array<i32>} : memref<4096x128xf32, #tpu.memory_space<vmem>>, vector<32x32xf32>,
    %slice3A_778 = vector.extract_strided_slice %dot_general3A_657 {offsets = [0, 960], sizes = [32, 32], strides = [1, 1]} : vector<32x4096xf32> to vector<32x32xf32>
    %swap3A_779 = arith.constant 960 : index
    %swap3A_780 = arith.constant 32 : index
    %swap3A_781 = vector.load %arg2[%swap3A_779, %swap3A_780] : memref<4096x128xf32, #tpu.memory_space<vmem>>, vector<32x32xf32>
    tpu.vector_store %arg2[%swap3A_779, %swap3A_780], %slice3A_778 {strides = array<i32>} : memref<4096x128xf32, #tpu.memory_space<vmem>>, vector<32x32xf32>,
    %slice3A_782 = vector.extract_strided_slice %dot_general3A_657 {offsets = [0, 992], sizes = [32, 32], strides = [1, 1]} : vector<32x4096xf32> to vector<32x32xf32>
    %swap3A_783 = arith.constant 992 : index
    %swap3A_784 = arith.constant 32 : index
    %swap3A_785 = vector.load %arg2[%swap3A_783, %swap3A_784] : memref<4096x128xf32, #tpu.memory_space<vmem>>, vector<32x32xf32>
    tpu.vector_store %arg2[%swap3A_783, %swap3A_784], %slice3A_782 {strides = array<i32>} : memref<4096x128xf32, #tpu.memory_space<vmem>>, vector<32x32xf32>,
    %slice3A_786 = vector.extract_strided_slice %dot_general3A_657 {offsets = [0, 1024], sizes = [32, 32], strides = [1, 1]} : vector<32x4096xf32> to vector<32x32xf32>
    %swap3A_787 = arith.constant 1024 : index
    %swap3A_788 = arith.constant 32 : index
    %swap3A_789 = vector.load %arg2[%swap3A_787, %swap3A_788] : memref<4096x128xf32, #tpu.memory_space<vmem>>, vector<32x32xf32>
    tpu.vector_store %arg2[%swap3A_787, %swap3A_788], %slice3A_786 {strides = array<i32>} : memref<4096x128xf32, #tpu.memory_space<vmem>>, vector<32x32xf32>,
    %slice3A_790 = vector.extract_strided_slice %dot_general3A_657 {offsets = [0, 1056], sizes = [32, 32], strides = [1, 1]} : vector<32x4096xf32> to vector<32x32xf32>
    %swap3A_791 = arith.constant 1056 : index
    %swap3A_792 = arith.constant 32 : index
    %swap3A_793 = vector.load %arg2[%swap3A_791, %swap3A_792] : memref<4096x128xf32, #tpu.memory_space<vmem>>, vector<32x32xf32>
    tpu.vector_store %arg2[%swap3A_791, %swap3A_792], %slice3A_790 {strides = array<i32>} : memref<4096x128xf32, #tpu.memory_space<vmem>>, vector<32x32xf32>,
    %slice3A_794 = vector.extract_strided_slice %dot_general3A_657 {offsets = [0, 1088], sizes = [32, 32], strides = [1, 1]} : vector<32x4096xf32> to vector<32x32xf32>
    %swap3A_795 = arith.constant 1088 : index
    %swap3A_796 = arith.constant 32 : index
    %swap3A_797 = vector.load %arg2[%swap3A_795, %swap3A_796] : memref<4096x128xf32, #tpu.memory_space<vmem>>, vector<32x32xf32>
    tpu.vector_store %arg2[%swap3A_795, %swap3A_796], %slice3A_794 {strides = array<i32>} : memref<4096x128xf32, #tpu.memory_space<vmem>>, vector<32x32xf32>,
    %slice3A_798 = vector.extract_strided_slice %dot_general3A_657 {offsets = [0, 1120], sizes = [32, 32], strides = [1, 1]} : vector<32x4096xf32> to vector<32x32xf32>
    %swap3A_799 = arith.constant 1120 : index
    %swap3A_800 = arith.constant 32 : index
    %swap3A_801 = vector.load %arg2[%swap3A_799, %swap3A_800] : memref<4096x128xf32, #tpu.memory_space<vmem>>, vector<32x32xf32>
    tpu.vector_store %arg2[%swap3A_799, %swap3A_800], %slice3A_798 {strides = array<i32>} : memref<4096x128xf32, #tpu.memory_space<vmem>>, vector<32x32xf32>,
    %slice3A_802 = vector.extract_strided_slice %dot_general3A_657 {offsets = [0, 1152], sizes = [32, 32], strides = [1, 1]} : vector<32x4096xf32> to vector<32x32xf32>
    %swap3A_803 = arith.constant 1152 : index
    %swap3A_804 = arith.constant 32 : index
    %swap3A_805 = vector.load %arg2[%swap3A_803, %swap3A_804] : memref<4096x128xf32, #tpu.memory_space<vmem>>, vector<32x32xf32>
    tpu.vector_store %arg2[%swap3A_803, %swap3A_804], %slice3A_802 {strides = array<i32>} : memref<4096x128xf32, #tpu.memory_space<vmem>>, vector<32x32xf32>,
    %slice3A_806 = vector.extract_strided_slice %dot_general3A_657 {offsets = [0, 1184], sizes = [32, 32], strides = [1, 1]} : vector<32x4096xf32> to vector<32x32xf32>
    %swap3A_807 = arith.constant 1184 : index
    %swap3A_808 = arith.constant 32 : index
    %swap3A_809 = vector.load %arg2[%swap3A_807, %swap3A_808] : memref<4096x128xf32, #tpu.memory_space<vmem>>, vector<32x32xf32>
    tpu.vector_store %arg2[%swap3A_807, %swap3A_808], %slice3A_806 {strides = array<i32>} : memref<4096x128xf32, #tpu.memory_space<vmem>>, vector<32x32xf32>,
    %slice3A_810 = vector.extract_strided_slice %dot_general3A_657 {offsets = [0, 1216], sizes = [32, 32], strides = [1, 1]} : vector<32x4096xf32> to vector<32x32xf32>
    %swap3A_811 = arith.constant 1216 : index
    %swap3A_812 = arith.constant 32 : index
    %swap3A_813 = vector.load %arg2[%swap3A_811, %swap3A_812] : memref<4096x128xf32, #tpu.memory_space<vmem>>, vector<32x32xf32>
    tpu.vector_store %arg2[%swap3A_811, %swap3A_812], %slice3A_810 {strides = array<i32>} : memref<4096x128xf32, #tpu.memory_space<vmem>>, vector<32x32xf32>,
    %slice3A_814 = vector.extract_strided_slice %dot_general3A_657 {offsets = [0, 1248], sizes = [32, 32], strides = [1, 1]} : vector<32x4096xf32> to vector<32x32xf32>
    %swap3A_815 = arith.constant 1248 : index
    %swap3A_816 = arith.constant 32 : index
    %swap3A_817 = vector.load %arg2[%swap3A_815, %swap3A_816] : memref<4096x128xf32, #tpu.memory_space<vmem>>, vector<32x32xf32>
    tpu.vector_store %arg2[%swap3A_815, %swap3A_816], %slice3A_814 {strides = array<i32>} : memref<4096x128xf32, #tpu.memory_space<vmem>>, vector<32x32xf32>,
    %slice3A_818 = vector.extract_strided_slice %dot_general3A_657 {offsets = [0, 1280], sizes = [32, 32], strides = [1, 1]} : vector<32x4096xf32> to vector<32x32xf32>
    %swap3A_819 = arith.constant 1280 : index
    %swap3A_820 = arith.constant 32 : index
    %swap3A_821 = vector.load %arg2[%swap3A_819, %swap3A_820] : memref<4096x128xf32, #tpu.memory_space<vmem>>, vector<32x32xf32>
    tpu.vector_store %arg2[%swap3A_819, %swap3A_820], %slice3A_818 {strides = array<i32>} : memref<4096x128xf32, #tpu.memory_space<vmem>>, vector<32x32xf32>,
    %slice3A_822 = vector.extract_strided_slice %dot_general3A_657 {offsets = [0, 1312], sizes = [32, 32], strides = [1, 1]} : vector<32x4096xf32> to vector<32x32xf32>
    %swap3A_823 = arith.constant 1312 : index
    %swap3A_824 = arith.constant 32 : index
    %swap3A_825 = vector.load %arg2[%swap3A_823, %swap3A_824] : memref<4096x128xf32, #tpu.memory_space<vmem>>, vector<32x32xf32>
    tpu.vector_store %arg2[%swap3A_823, %swap3A_824], %slice3A_822 {strides = array<i32>} : memref<4096x128xf32, #tpu.memory_space<vmem>>, vector<32x32xf32>,
    %slice3A_826 = vector.extract_strided_slice %dot_general3A_657 {offsets = [0, 1344], sizes = [32, 32], strides = [1, 1]} : vector<32x4096xf32> to vector<32x32xf32>
    %swap3A_827 = arith.constant 1344 : index
    %swap3A_828 = arith.constant 32 : index
    %swap3A_829 = vector.load %arg2[%swap3A_827, %swap3A_828] : memref<4096x128xf32, #tpu.memory_space<vmem>>, vector<32x32xf32>
    tpu.vector_store %arg2[%swap3A_827, %swap3A_828], %slice3A_826 {strides = array<i32>} : memref<4096x128xf32, #tpu.memory_space<vmem>>, vector<32x32xf32>,
    %slice3A_830 = vector.extract_strided_slice %dot_general3A_657 {offsets = [0, 1376], sizes = [32, 32], strides = [1, 1]} : vector<32x4096xf32> to vector<32x32xf32>
    %swap3A_831 = arith.constant 1376 : index
    %swap3A_832 = arith.constant 32 : index
    %swap3A_833 = vector.load %arg2[%swap3A_831, %swap3A_832] : memref<4096x128xf32, #tpu.memory_space<vmem>>, vector<32x32xf32>
    tpu.vector_store %arg2[%swap3A_831, %swap3A_832], %slice3A_830 {strides = array<i32>} : memref<4096x128xf32, #tpu.memory_space<vmem>>, vector<32x32xf32>,
    %slice3A_834 = vector.extract_strided_slice %dot_general3A_657 {offsets = [0, 1408], sizes = [32, 32], strides = [1, 1]} : vector<32x4096xf32> to vector<32x32xf32>
    %swap3A_835 = arith.constant 1408 : index
    %swap3A_836 = arith.constant 32 : index
    %swap3A_837 = vector.load %arg2[%swap3A_835, %swap3A_836] : memref<4096x128xf32, #tpu.memory_space<vmem>>, vector<32x32xf32>
    tpu.vector_store %arg2[%swap3A_835, %swap3A_836], %slice3A_834 {strides = array<i32>} : memref<4096x128xf32, #tpu.memory_space<vmem>>, vector<32x32xf32>,
    %slice3A_838 = vector.extract_strided_slice %dot_general3A_657 {offsets = [0, 1440], sizes = [32, 32], strides = [1, 1]} : vector<32x4096xf32> to vector<32x32xf32>
    %swap3A_839 = arith.constant 1440 : index
    %swap3A_840 = arith.constant 32 : index
    %swap3A_841 = vector.load %arg2[%swap3A_839, %swap3A_840] : memref<4096x128xf32, #tpu.memory_space<vmem>>, vector<32x32xf32>
    tpu.vector_store %arg2[%swap3A_839, %swap3A_840], %slice3A_838 {strides = array<i32>} : memref<4096x128xf32, #tpu.memory_space<vmem>>, vector<32x32xf32>,
    %slice3A_842 = vector.extract_strided_slice %dot_general3A_657 {offsets = [0, 1472], sizes = [32, 32], strides = [1, 1]} : vector<32x4096xf32> to vector<32x32xf32>
    %swap3A_843 = arith.constant 1472 : index
    %swap3A_844 = arith.constant 32 : index
    %swap3A_845 = vector.load %arg2[%swap3A_843, %swap3A_844] : memref<4096x128xf32, #tpu.memory_space<vmem>>, vector<32x32xf32>
    tpu.vector_store %arg2[%swap3A_843, %swap3A_844], %slice3A_842 {strides = array<i32>} : memref<4096x128xf32, #tpu.memory_space<vmem>>, vector<32x32xf32>,
    %slice3A_846 = vector.extract_strided_slice %dot_general3A_657 {offsets = [0, 1504], sizes = [32, 32], strides = [1, 1]} : vector<32x4096xf32> to vector<32x32xf32>
    %swap3A_847 = arith.constant 1504 : index
    %swap3A_848 = arith.constant 32 : index
    %swap3A_849 = vector.load %arg2[%swap3A_847, %swap3A_848] : memref<4096x128xf32, #tpu.memory_space<vmem>>, vector<32x32xf32>
    tpu.vector_store %arg2[%swap3A_847, %swap3A_848], %slice3A_846 {strides = array<i32>} : memref<4096x128xf32, #tpu.memory_space<vmem>>, vector<32x32xf32>,
    %slice3A_850 = vector.extract_strided_slice %dot_general3A_657 {offsets = [0, 1536], sizes = [32, 32], strides = [1, 1]} : vector<32x4096xf32> to vector<32x32xf32>
    %swap3A_851 = arith.constant 1536 : index
    %swap3A_852 = arith.constant 32 : index
    %swap3A_853 = vector.load %arg2[%swap3A_851, %swap3A_852] : memref<4096x128xf32, #tpu.memory_space<vmem>>, vector<32x32xf32>
    tpu.vector_store %arg2[%swap3A_851, %swap3A_852], %slice3A_850 {strides = array<i32>} : memref<4096x128xf32, #tpu.memory_space<vmem>>, vector<32x32xf32>,
    %slice3A_854 = vector.extract_strided_slice %dot_general3A_657 {offsets = [0, 1568], sizes = [32, 32], strides = [1, 1]} : vector<32x4096xf32> to vector<32x32xf32>
    %swap3A_855 = arith.constant 1568 : index
    %swap3A_856 = arith.constant 32 : index
    %swap3A_857 = vector.load %arg2[%swap3A_855, %swap3A_856] : memref<4096x128xf32, #tpu.memory_space<vmem>>, vector<32x32xf32>
    tpu.vector_store %arg2[%swap3A_855, %swap3A_856], %slice3A_854 {strides = array<i32>} : memref<4096x128xf32, #tpu.memory_space<vmem>>, vector<32x32xf32>,
    %slice3A_858 = vector.extract_strided_slice %dot_general3A_657 {offsets = [0, 1600], sizes = [32, 32], strides = [1, 1]} : vector<32x4096xf32> to vector<32x32xf32>
    %swap3A_859 = arith.constant 1600 : index
    %swap3A_860 = arith.constant 32 : index
    %swap3A_861 = vector.load %arg2[%swap3A_859, %swap3A_860] : memref<4096x128xf32, #tpu.memory_space<vmem>>, vector<32x32xf32>
    tpu.vector_store %arg2[%swap3A_859, %swap3A_860], %slice3A_858 {strides = array<i32>} : memref<4096x128xf32, #tpu.memory_space<vmem>>, vector<32x32xf32>,
    %slice3A_862 = vector.extract_strided_slice %dot_general3A_657 {offsets = [0, 1632], sizes = [32, 32], strides = [1, 1]} : vector<32x4096xf32> to vector<32x32xf32>
    %swap3A_863 = arith.constant 1632 : index
    %swap3A_864 = arith.constant 32 : index
    %swap3A_865 = vector.load %arg2[%swap3A_863, %swap3A_864] : memref<4096x128xf32, #tpu.memory_space<vmem>>, vector<32x32xf32>
    tpu.vector_store %arg2[%swap3A_863, %swap3A_864], %slice3A_862 {strides = array<i32>} : memref<4096x128xf32, #tpu.memory_space<vmem>>, vector<32x32xf32>,
    %slice3A_866 = vector.extract_strided_slice %dot_general3A_657 {offsets = [0, 1664], sizes = [32, 32], strides = [1, 1]} : vector<32x4096xf32> to vector<32x32xf32>
    %swap3A_867 = arith.constant 1664 : index
    %swap3A_868 = arith.constant 32 : index
    %swap3A_869 = vector.load %arg2[%swap3A_867, %swap3A_868] : memref<4096x128xf32, #tpu.memory_space<vmem>>, vector<32x32xf32>
    tpu.vector_store %arg2[%swap3A_867, %swap3A_868], %slice3A_866 {strides = array<i32>} : memref<4096x128xf32, #tpu.memory_space<vmem>>, vector<32x32xf32>,
    %slice3A_870 = vector.extract_strided_slice %dot_general3A_657 {offsets = [0, 1696], sizes = [32, 32], strides = [1, 1]} : vector<32x4096xf32> to vector<32x32xf32>
    %swap3A_871 = arith.constant 1696 : index
    %swap3A_872 = arith.constant 32 : index
    %swap3A_873 = vector.load %arg2[%swap3A_871, %swap3A_872] : memref<4096x128xf32, #tpu.memory_space<vmem>>, vector<32x32xf32>
    tpu.vector_store %arg2[%swap3A_871, %swap3A_872], %slice3A_870 {strides = array<i32>} : memref<4096x128xf32, #tpu.memory_space<vmem>>, vector<32x32xf32>,
    %slice3A_874 = vector.extract_strided_slice %dot_general3A_657 {offsets = [0, 1728], sizes = [32, 32], strides = [1, 1]} : vector<32x4096xf32> to vector<32x32xf32>
    %swap3A_875 = arith.constant 1728 : index
    %swap3A_876 = arith.constant 32 : index
    %swap3A_877 = vector.load %arg2[%swap3A_875, %swap3A_876] : memref<4096x128xf32, #tpu.memory_space<vmem>>, vector<32x32xf32>
    tpu.vector_store %arg2[%swap3A_875, %swap3A_876], %slice3A_874 {strides = array<i32>} : memref<4096x128xf32, #tpu.memory_space<vmem>>, vector<32x32xf32>,
    %slice3A_878 = vector.extract_strided_slice %dot_general3A_657 {offsets = [0, 1760], sizes = [32, 32], strides = [1, 1]} : vector<32x4096xf32> to vector<32x32xf32>
    %swap3A_879 = arith.constant 1760 : index
    %swap3A_880 = arith.constant 32 : index
    %swap3A_881 = vector.load %arg2[%swap3A_879, %swap3A_880] : memref<4096x128xf32, #tpu.memory_space<vmem>>, vector<32x32xf32>
    tpu.vector_store %arg2[%swap3A_879, %swap3A_880], %slice3A_878 {strides = array<i32>} : memref<4096x128xf32, #tpu.memory_space<vmem>>, vector<32x32xf32>,
    %slice3A_882 = vector.extract_strided_slice %dot_general3A_657 {offsets = [0, 1792], sizes = [32, 32], strides = [1, 1]} : vector<32x4096xf32> to vector<32x32xf32>
    %swap3A_883 = arith.constant 1792 : index
    %swap3A_884 = arith.constant 32 : index
    %swap3A_885 = vector.load %arg2[%swap3A_883, %swap3A_884] : memref<4096x128xf32, #tpu.memory_space<vmem>>, vector<32x32xf32>
    tpu.vector_store %arg2[%swap3A_883, %swap3A_884], %slice3A_882 {strides = array<i32>} : memref<4096x128xf32, #tpu.memory_space<vmem>>, vector<32x32xf32>,
    %slice3A_886 = vector.extract_strided_slice %dot_general3A_657 {offsets = [0, 1824], sizes = [32, 32], strides = [1, 1]} : vector<32x4096xf32> to vector<32x32xf32>
    %swap3A_887 = arith.constant 1824 : index
    %swap3A_888 = arith.constant 32 : index
    %swap3A_889 = vector.load %arg2[%swap3A_887, %swap3A_888] : memref<4096x128xf32, #tpu.memory_space<vmem>>, vector<32x32xf32>
    tpu.vector_store %arg2[%swap3A_887, %swap3A_888], %slice3A_886 {strides = array<i32>} : memref<4096x128xf32, #tpu.memory_space<vmem>>, vector<32x32xf32>,
    %slice3A_890 = vector.extract_strided_slice %dot_general3A_657 {offsets = [0, 1856], sizes = [32, 32], strides = [1, 1]} : vector<32x4096xf32> to vector<32x32xf32>
    %swap3A_891 = arith.constant 1856 : index
    %swap3A_892 = arith.constant 32 : index
    %swap3A_893 = vector.load %arg2[%swap3A_891, %swap3A_892] : memref<4096x128xf32, #tpu.memory_space<vmem>>, vector<32x32xf32>
    tpu.vector_store %arg2[%swap3A_891, %swap3A_892], %slice3A_890 {strides = array<i32>} : memref<4096x128xf32, #tpu.memory_space<vmem>>, vector<32x32xf32>,
    %slice3A_894 = vector.extract_strided_slice %dot_general3A_657 {offsets = [0, 1888], sizes = [32, 32], strides = [1, 1]} : vector<32x4096xf32> to vector<32x32xf32>
    %swap3A_895 = arith.constant 1888 : index
    %swap3A_896 = arith.constant 32 : index
    %swap3A_897 = vector.load %arg2[%swap3A_895, %swap3A_896] : memref<4096x128xf32, #tpu.memory_space<vmem>>, vector<32x32xf32>
    tpu.vector_store %arg2[%swap3A_895, %swap3A_896], %slice3A_894 {strides = array<i32>} : memref<4096x128xf32, #tpu.memory_space<vmem>>, vector<32x32xf32>,
    %slice3A_898 = vector.extract_strided_slice %dot_general3A_657 {offsets = [0, 1920], sizes = [32, 32], strides = [1, 1]} : vector<32x4096xf32> to vector<32x32xf32>
    %swap3A_899 = arith.constant 1920 : index
    %swap3A_900 = arith.constant 32 : index
    %swap3A_901 = vector.load %arg2[%swap3A_899, %swap3A_900] : memref<4096x128xf32, #tpu.memory_space<vmem>>, vector<32x32xf32>
    tpu.vector_store %arg2[%swap3A_899, %swap3A_900], %slice3A_898 {strides = array<i32>} : memref<4096x128xf32, #tpu.memory_space<vmem>>, vector<32x32xf32>,
    %slice3A_902 = vector.extract_strided_slice %dot_general3A_657 {offsets = [0, 1952], sizes = [32, 32], strides = [1, 1]} : vector<32x4096xf32> to vector<32x32xf32>
    %swap3A_903 = arith.constant 1952 : index
    %swap3A_904 = arith.constant 32 : index
    %swap3A_905 = vector.load %arg2[%swap3A_903, %swap3A_904] : memref<4096x128xf32, #tpu.memory_space<vmem>>, vector<32x32xf32>
    tpu.vector_store %arg2[%swap3A_903, %swap3A_904], %slice3A_902 {strides = array<i32>} : memref<4096x128xf32, #tpu.memory_space<vmem>>, vector<32x32xf32>,
    %slice3A_906 = vector.extract_strided_slice %dot_general3A_657 {offsets = [0, 1984], sizes = [32, 32], strides = [1, 1]} : vector<32x4096xf32> to vector<32x32xf32>
    %swap3A_907 = arith.constant 1984 : index
    %swap3A_908 = arith.constant 32 : index
    %swap3A_909 = vector.load %arg2[%swap3A_907, %swap3A_908] : memref<4096x128xf32, #tpu.memory_space<vmem>>, vector<32x32xf32>
    tpu.vector_store %arg2[%swap3A_907, %swap3A_908], %slice3A_906 {strides = array<i32>} : memref<4096x128xf32, #tpu.memory_space<vmem>>, vector<32x32xf32>,
    %slice3A_910 = vector.extract_strided_slice %dot_general3A_657 {offsets = [0, 2016], sizes = [32, 32], strides = [1, 1]} : vector<32x4096xf32> to vector<32x32xf32>
    %swap3A_911 = arith.constant 2016 : index
    %swap3A_912 = arith.constant 32 : index
    %swap3A_913 = vector.load %arg2[%swap3A_911, %swap3A_912] : memref<4096x128xf32, #tpu.memory_space<vmem>>, vector<32x32xf32>
    tpu.vector_store %arg2[%swap3A_911, %swap3A_912], %slice3A_910 {strides = array<i32>} : memref<4096x128xf32, #tpu.memory_space<vmem>>, vector<32x32xf32>,
    %slice3A_914 = vector.extract_strided_slice %dot_general3A_657 {offsets = [0, 2048], sizes = [32, 32], strides = [1, 1]} : vector<32x4096xf32> to vector<32x32xf32>
    %swap3A_915 = arith.constant 2048 : index
    %swap3A_916 = arith.constant 32 : index
    %swap3A_917 = vector.load %arg2[%swap3A_915, %swap3A_916] : memref<4096x128xf32, #tpu.memory_space<vmem>>, vector<32x32xf32>
    tpu.vector_store %arg2[%swap3A_915, %swap3A_916], %slice3A_914 {strides = array<i32>} : memref<4096x128xf32, #tpu.memory_space<vmem>>, vector<32x32xf32>,
    %slice3A_918 = vector.extract_strided_slice %dot_general3A_657 {offsets = [0, 2080], sizes = [32, 32], strides = [1, 1]} : vector<32x4096xf32> to vector<32x32xf32>
    %swap3A_919 = arith.constant 2080 : index
    %swap3A_920 = arith.constant 32 : index
    %swap3A_921 = vector.load %arg2[%swap3A_919, %swap3A_920] : memref<4096x128xf32, #tpu.memory_space<vmem>>, vector<32x32xf32>
    tpu.vector_store %arg2[%swap3A_919, %swap3A_920], %slice3A_918 {strides = array<i32>} : memref<4096x128xf32, #tpu.memory_space<vmem>>, vector<32x32xf32>,
    %slice3A_922 = vector.extract_strided_slice %dot_general3A_657 {offsets = [0, 2112], sizes = [32, 32], strides = [1, 1]} : vector<32x4096xf32> to vector<32x32xf32>
    %swap3A_923 = arith.constant 2112 : index
    %swap3A_924 = arith.constant 32 : index
    %swap3A_925 = vector.load %arg2[%swap3A_923, %swap3A_924] : memref<4096x128xf32, #tpu.memory_space<vmem>>, vector<32x32xf32>
    tpu.vector_store %arg2[%swap3A_923, %swap3A_924], %slice3A_922 {strides = array<i32>} : memref<4096x128xf32, #tpu.memory_space<vmem>>, vector<32x32xf32>,
    %slice3A_926 = vector.extract_strided_slice %dot_general3A_657 {offsets = [0, 2144], sizes = [32, 32], strides = [1, 1]} : vector<32x4096xf32> to vector<32x32xf32>
    %swap3A_927 = arith.constant 2144 : index
    %swap3A_928 = arith.constant 32 : index
    %swap3A_929 = vector.load %arg2[%swap3A_927, %swap3A_928] : memref<4096x128xf32, #tpu.memory_space<vmem>>, vector<32x32xf32>
    tpu.vector_store %arg2[%swap3A_927, %swap3A_928], %slice3A_926 {strides = array<i32>} : memref<4096x128xf32, #tpu.memory_space<vmem>>, vector<32x32xf32>,
    %slice3A_930 = vector.extract_strided_slice %dot_general3A_657 {offsets = [0, 2176], sizes = [32, 32], strides = [1, 1]} : vector<32x4096xf32> to vector<32x32xf32>
    %swap3A_931 = arith.constant 2176 : index
    %swap3A_932 = arith.constant 32 : index
    %swap3A_933 = vector.load %arg2[%swap3A_931, %swap3A_932] : memref<4096x128xf32, #tpu.memory_space<vmem>>, vector<32x32xf32>
    tpu.vector_store %arg2[%swap3A_931, %swap3A_932], %slice3A_930 {strides = array<i32>} : memref<4096x128xf32, #tpu.memory_space<vmem>>, vector<32x32xf32>,
    %slice3A_934 = vector.extract_strided_slice %dot_general3A_657 {offsets = [0, 2208], sizes = [32, 32], strides = [1, 1]} : vector<32x4096xf32> to vector<32x32xf32>
    %swap3A_935 = arith.constant 2208 : index
    %swap3A_936 = arith.constant 32 : index
    %swap3A_937 = vector.load %arg2[%swap3A_935, %swap3A_936] : memref<4096x128xf32, #tpu.memory_space<vmem>>, vector<32x32xf32>
    tpu.vector_store %arg2[%swap3A_935, %swap3A_936], %slice3A_934 {strides = array<i32>} : memref<4096x128xf32, #tpu.memory_space<vmem>>, vector<32x32xf32>,
    %slice3A_938 = vector.extract_strided_slice %dot_general3A_657 {offsets = [0, 2240], sizes = [32, 32], strides = [1, 1]} : vector<32x4096xf32> to vector<32x32xf32>
    %swap3A_939 = arith.constant 2240 : index
    %swap3A_940 = arith.constant 32 : index
    %swap3A_941 = vector.load %arg2[%swap3A_939, %swap3A_940] : memref<4096x128xf32, #tpu.memory_space<vmem>>, vector<32x32xf32>
    tpu.vector_store %arg2[%swap3A_939, %swap3A_940], %slice3A_938 {strides = array<i32>} : memref<4096x128xf32, #tpu.memory_space<vmem>>, vector<32x32xf32>,
    %slice3A_942 = vector.extract_strided_slice %dot_general3A_657 {offsets = [0, 2272], sizes = [32, 32], strides = [1, 1]} : vector<32x4096xf32> to vector<32x32xf32>
    %swap3A_943 = arith.constant 2272 : index
    %swap3A_944 = arith.constant 32 : index
    %swap3A_945 = vector.load %arg2[%swap3A_943, %swap3A_944] : memref<4096x128xf32, #tpu.memory_space<vmem>>, vector<32x32xf32>
    tpu.vector_store %arg2[%swap3A_943, %swap3A_944], %slice3A_942 {strides = array<i32>} : memref<4096x128xf32, #tpu.memory_space<vmem>>, vector<32x32xf32>,
    %slice3A_946 = vector.extract_strided_slice %dot_general3A_657 {offsets = [0, 2304], sizes = [32, 32], strides = [1, 1]} : vector<32x4096xf32> to vector<32x32xf32>
    %swap3A_947 = arith.constant 2304 : index
    %swap3A_948 = arith.constant 32 : index
    %swap3A_949 = vector.load %arg2[%swap3A_947, %swap3A_948] : memref<4096x128xf32, #tpu.memory_space<vmem>>, vector<32x32xf32>
    tpu.vector_store %arg2[%swap3A_947, %swap3A_948], %slice3A_946 {strides = array<i32>} : memref<4096x128xf32, #tpu.memory_space<vmem>>, vector<32x32xf32>,
    %slice3A_950 = vector.extract_strided_slice %dot_general3A_657 {offsets = [0, 2336], sizes = [32, 32], strides = [1, 1]} : vector<32x4096xf32> to vector<32x32xf32>
    %swap3A_951 = arith.constant 2336 : index
    %swap3A_952 = arith.constant 32 : index
    %swap3A_953 = vector.load %arg2[%swap3A_951, %swap3A_952] : memref<4096x128xf32, #tpu.memory_space<vmem>>, vector<32x32xf32>
    tpu.vector_store %arg2[%swap3A_951, %swap3A_952], %slice3A_950 {strides = array<i32>} : memref<4096x128xf32, #tpu.memory_space<vmem>>, vector<32x32xf32>,
    %slice3A_954 = vector.extract_strided_slice %dot_general3A_657 {offsets = [0, 2368], sizes = [32, 32], strides = [1, 1]} : vector<32x4096xf32> to vector<32x32xf32>
    %swap3A_955 = arith.constant 2368 : index
    %swap3A_956 = arith.constant 32 : index
    %swap3A_957 = vector.load %arg2[%swap3A_955, %swap3A_956] : memref<4096x128xf32, #tpu.memory_space<vmem>>, vector<32x32xf32>
    tpu.vector_store %arg2[%swap3A_955, %swap3A_956], %slice3A_954 {strides = array<i32>} : memref<4096x128xf32, #tpu.memory_space<vmem>>, vector<32x32xf32>,
    %slice3A_958 = vector.extract_strided_slice %dot_general3A_657 {offsets = [0, 2400], sizes = [32, 32], strides = [1, 1]} : vector<32x4096xf32> to vector<32x32xf32>
    %swap3A_959 = arith.constant 2400 : index
    %swap3A_960 = arith.constant 32 : index
    %swap3A_961 = vector.load %arg2[%swap3A_959, %swap3A_960] : memref<4096x128xf32, #tpu.memory_space<vmem>>, vector<32x32xf32>
    tpu.vector_store %arg2[%swap3A_959, %swap3A_960], %slice3A_958 {strides = array<i32>} : memref<4096x128xf32, #tpu.memory_space<vmem>>, vector<32x32xf32>,
    %slice3A_962 = vector.extract_strided_slice %dot_general3A_657 {offsets = [0, 2432], sizes = [32, 32], strides = [1, 1]} : vector<32x4096xf32> to vector<32x32xf32>
    %swap3A_963 = arith.constant 2432 : index
    %swap3A_964 = arith.constant 32 : index
    %swap3A_965 = vector.load %arg2[%swap3A_963, %swap3A_964] : memref<4096x128xf32, #tpu.memory_space<vmem>>, vector<32x32xf32>
    tpu.vector_store %arg2[%swap3A_963, %swap3A_964], %slice3A_962 {strides = array<i32>} : memref<4096x128xf32, #tpu.memory_space<vmem>>, vector<32x32xf32>,
    %slice3A_966 = vector.extract_strided_slice %dot_general3A_657 {offsets = [0, 2464], sizes = [32, 32], strides = [1, 1]} : vector<32x4096xf32> to vector<32x32xf32>
    %swap3A_967 = arith.constant 2464 : index
    %swap3A_968 = arith.constant 32 : index
    %swap3A_969 = vector.load %arg2[%swap3A_967, %swap3A_968] : memref<4096x128xf32, #tpu.memory_space<vmem>>, vector<32x32xf32>
    tpu.vector_store %arg2[%swap3A_967, %swap3A_968], %slice3A_966 {strides = array<i32>} : memref<4096x128xf32, #tpu.memory_space<vmem>>, vector<32x32xf32>,
    %slice3A_970 = vector.extract_strided_slice %dot_general3A_657 {offsets = [0, 2496], sizes = [32, 32], strides = [1, 1]} : vector<32x4096xf32> to vector<32x32xf32>
    %swap3A_971 = arith.constant 2496 : index
    %swap3A_972 = arith.constant 32 : index
    %swap3A_973 = vector.load %arg2[%swap3A_971, %swap3A_972] : memref<4096x128xf32, #tpu.memory_space<vmem>>, vector<32x32xf32>
    tpu.vector_store %arg2[%swap3A_971, %swap3A_972], %slice3A_970 {strides = array<i32>} : memref<4096x128xf32, #tpu.memory_space<vmem>>, vector<32x32xf32>,
    %slice3A_974 = vector.extract_strided_slice %dot_general3A_657 {offsets = [0, 2528], sizes = [32, 32], strides = [1, 1]} : vector<32x4096xf32> to vector<32x32xf32>
    %swap3A_975 = arith.constant 2528 : index
    %swap3A_976 = arith.constant 32 : index
    %swap3A_977 = vector.load %arg2[%swap3A_975, %swap3A_976] : memref<4096x128xf32, #tpu.memory_space<vmem>>, vector<32x32xf32>
    tpu.vector_store %arg2[%swap3A_975, %swap3A_976], %slice3A_974 {strides = array<i32>} : memref<4096x128xf32, #tpu.memory_space<vmem>>, vector<32x32xf32>,
    %slice3A_978 = vector.extract_strided_slice %dot_general3A_657 {offsets = [0, 2560], sizes = [32, 32], strides = [1, 1]} : vector<32x4096xf32> to vector<32x32xf32>
    %swap3A_979 = arith.constant 2560 : index
    %swap3A_980 = arith.constant 32 : index
    %swap3A_981 = vector.load %arg2[%swap3A_979, %swap3A_980] : memref<4096x128xf32, #tpu.memory_space<vmem>>, vector<32x32xf32>
    tpu.vector_store %arg2[%swap3A_979, %swap3A_980], %slice3A_978 {strides = array<i32>} : memref<4096x128xf32, #tpu.memory_space<vmem>>, vector<32x32xf32>,
    %slice3A_982 = vector.extract_strided_slice %dot_general3A_657 {offsets = [0, 2592], sizes = [32, 32], strides = [1, 1]} : vector<32x4096xf32> to vector<32x32xf32>
    %swap3A_983 = arith.constant 2592 : index
    %swap3A_984 = arith.constant 32 : index
    %swap3A_985 = vector.load %arg2[%swap3A_983, %swap3A_984] : memref<4096x128xf32, #tpu.memory_space<vmem>>, vector<32x32xf32>
    tpu.vector_store %arg2[%swap3A_983, %swap3A_984], %slice3A_982 {strides = array<i32>} : memref<4096x128xf32, #tpu.memory_space<vmem>>, vector<32x32xf32>,
    %slice3A_986 = vector.extract_strided_slice %dot_general3A_657 {offsets = [0, 2624], sizes = [32, 32], strides = [1, 1]} : vector<32x4096xf32> to vector<32x32xf32>
    %swap3A_987 = arith.constant 2624 : index
    %swap3A_988 = arith.constant 32 : index
    %swap3A_989 = vector.load %arg2[%swap3A_987, %swap3A_988] : memref<4096x128xf32, #tpu.memory_space<vmem>>, vector<32x32xf32>
    tpu.vector_store %arg2[%swap3A_987, %swap3A_988], %slice3A_986 {strides = array<i32>} : memref<4096x128xf32, #tpu.memory_space<vmem>>, vector<32x32xf32>,
    %slice3A_990 = vector.extract_strided_slice %dot_general3A_657 {offsets = [0, 2656], sizes = [32, 32], strides = [1, 1]} : vector<32x4096xf32> to vector<32x32xf32>
    %swap3A_991 = arith.constant 2656 : index
    %swap3A_992 = arith.constant 32 : index
    %swap3A_993 = vector.load %arg2[%swap3A_991, %swap3A_992] : memref<4096x128xf32, #tpu.memory_space<vmem>>, vector<32x32xf32>
    tpu.vector_store %arg2[%swap3A_991, %swap3A_992], %slice3A_990 {strides = array<i32>} : memref<4096x128xf32, #tpu.memory_space<vmem>>, vector<32x32xf32>,
    %slice3A_994 = vector.extract_strided_slice %dot_general3A_657 {offsets = [0, 2688], sizes = [32, 32], strides = [1, 1]} : vector<32x4096xf32> to vector<32x32xf32>
    %swap3A_995 = arith.constant 2688 : index
    %swap3A_996 = arith.constant 32 : index
    %swap3A_997 = vector.load %arg2[%swap3A_995, %swap3A_996] : memref<4096x128xf32, #tpu.memory_space<vmem>>, vector<32x32xf32>
    tpu.vector_store %arg2[%swap3A_995, %swap3A_996], %slice3A_994 {strides = array<i32>} : memref<4096x128xf32, #tpu.memory_space<vmem>>, vector<32x32xf32>,
    %slice3A_998 = vector.extract_strided_slice %dot_general3A_657 {offsets = [0, 2720], sizes = [32, 32], strides = [1, 1]} : vector<32x4096xf32> to vector<32x32xf32>
    %swap3A_999 = arith.constant 2720 : index
    %swap3A_1000 = arith.constant 32 : index
    %swap3A_1001 = vector.load %arg2[%swap3A_999, %swap3A_1000] : memref<4096x128xf32, #tpu.memory_space<vmem>>, vector<32x32xf32>
    tpu.vector_store %arg2[%swap3A_999, %swap3A_1000], %slice3A_998 {strides = array<i32>} : memref<4096x128xf32, #tpu.memory_space<vmem>>, vector<32x32xf32>,
    %slice3A_1002 = vector.extract_strided_slice %dot_general3A_657 {offsets = [0, 2752], sizes = [32, 32], strides = [1, 1]} : vector<32x4096xf32> to vector<32x32xf32>
    %swap3A_1003 = arith.constant 2752 : index
    %swap3A_1004 = arith.constant 32 : index
    %swap3A_1005 = vector.load %arg2[%swap3A_1003, %swap3A_1004] : memref<4096x128xf32, #tpu.memory_space<vmem>>, vector<32x32xf32>
    tpu.vector_store %arg2[%swap3A_1003, %swap3A_1004], %slice3A_1002 {strides = array<i32>} : memref<4096x128xf32, #tpu.memory_space<vmem>>, vector<32x32xf32>,
    %slice3A_1006 = vector.extract_strided_slice %dot_general3A_657 {offsets = [0, 2784], sizes = [32, 32], strides = [1, 1]} : vector<32x4096xf32> to vector<32x32xf32>
    %swap3A_1007 = arith.constant 2784 : index
    %swap3A_1008 = arith.constant 32 : index
    %swap3A_1009 = vector.load %arg2[%swap3A_1007, %swap3A_1008] : memref<4096x128xf32, #tpu.memory_space<vmem>>, vector<32x32xf32>
    tpu.vector_store %arg2[%swap3A_1007, %swap3A_1008], %slice3A_1006 {strides = array<i32>} : memref<4096x128xf32, #tpu.memory_space<vmem>>, vector<32x32xf32>,
    %slice3A_1010 = vector.extract_strided_slice %dot_general3A_657 {offsets = [0, 2816], sizes = [32, 32], strides = [1, 1]} : vector<32x4096xf32> to vector<32x32xf32>
    %swap3A_1011 = arith.constant 2816 : index
    %swap3A_1012 = arith.constant 32 : index
    %swap3A_1013 = vector.load %arg2[%swap3A_1011, %swap3A_1012] : memref<4096x128xf32, #tpu.memory_space<vmem>>, vector<32x32xf32>
    tpu.vector_store %arg2[%swap3A_1011, %swap3A_1012], %slice3A_1010 {strides = array<i32>} : memref<4096x128xf32, #tpu.memory_space<vmem>>, vector<32x32xf32>,
    %slice3A_1014 = vector.extract_strided_slice %dot_general3A_657 {offsets = [0, 2848], sizes = [32, 32], strides = [1, 1]} : vector<32x4096xf32> to vector<32x32xf32>
    %swap3A_1015 = arith.constant 2848 : index
    %swap3A_1016 = arith.constant 32 : index
    %swap3A_1017 = vector.load %arg2[%swap3A_1015, %swap3A_1016] : memref<4096x128xf32, #tpu.memory_space<vmem>>, vector<32x32xf32>
    tpu.vector_store %arg2[%swap3A_1015, %swap3A_1016], %slice3A_1014 {strides = array<i32>} : memref<4096x128xf32, #tpu.memory_space<vmem>>, vector<32x32xf32>,
    %slice3A_1018 = vector.extract_strided_slice %dot_general3A_657 {offsets = [0, 2880], sizes = [32, 32], strides = [1, 1]} : vector<32x4096xf32> to vector<32x32xf32>
    %swap3A_1019 = arith.constant 2880 : index
    %swap3A_1020 = arith.constant 32 : index
    %swap3A_1021 = vector.load %arg2[%swap3A_1019, %swap3A_1020] : memref<4096x128xf32, #tpu.memory_space<vmem>>, vector<32x32xf32>
    tpu.vector_store %arg2[%swap3A_1019, %swap3A_1020], %slice3A_1018 {strides = array<i32>} : memref<4096x128xf32, #tpu.memory_space<vmem>>, vector<32x32xf32>,
    %slice3A_1022 = vector.extract_strided_slice %dot_general3A_657 {offsets = [0, 2912], sizes = [32, 32], strides = [1, 1]} : vector<32x4096xf32> to vector<32x32xf32>
    %swap3A_1023 = arith.constant 2912 : index
    %swap3A_1024 = arith.constant 32 : index
    %swap3A_1025 = vector.load %arg2[%swap3A_1023, %swap3A_1024] : memref<4096x128xf32, #tpu.memory_space<vmem>>, vector<32x32xf32>
    tpu.vector_store %arg2[%swap3A_1023, %swap3A_1024], %slice3A_1022 {strides = array<i32>} : memref<4096x128xf32, #tpu.memory_space<vmem>>, vector<32x32xf32>,
    %slice3A_1026 = vector.extract_strided_slice %dot_general3A_657 {offsets = [0, 2944], sizes = [32, 32], strides = [1, 1]} : vector<32x4096xf32> to vector<32x32xf32>
    %swap3A_1027 = arith.constant 2944 : index
    %swap3A_1028 = arith.constant 32 : index
    %swap3A_1029 = vector.load %arg2[%swap3A_1027, %swap3A_1028] : memref<4096x128xf32, #tpu.memory_space<vmem>>, vector<32x32xf32>
    tpu.vector_store %arg2[%swap3A_1027, %swap3A_1028], %slice3A_1026 {strides = array<i32>} : memref<4096x128xf32, #tpu.memory_space<vmem>>, vector<32x32xf32>,
    %slice3A_1030 = vector.extract_strided_slice %dot_general3A_657 {offsets = [0, 2976], sizes = [32, 32], strides = [1, 1]} : vector<32x4096xf32> to vector<32x32xf32>
    %swap3A_1031 = arith.constant 2976 : index
    %swap3A_1032 = arith.constant 32 : index
    %swap3A_1033 = vector.load %arg2[%swap3A_1031, %swap3A_1032] : memref<4096x128xf32, #tpu.memory_space<vmem>>, vector<32x32xf32>
    tpu.vector_store %arg2[%swap3A_1031, %swap3A_1032], %slice3A_1030 {strides = array<i32>} : memref<4096x128xf32, #tpu.memory_space<vmem>>, vector<32x32xf32>,
    %slice3A_1034 = vector.extract_strided_slice %dot_general3A_657 {offsets = [0, 3008], sizes = [32, 32], strides = [1, 1]} : vector<32x4096xf32> to vector<32x32xf32>
    %swap3A_1035 = arith.constant 3008 : index
    %swap3A_1036 = arith.constant 32 : index
    %swap3A_1037 = vector.load %arg2[%swap3A_1035, %swap3A_1036] : memref<4096x128xf32, #tpu.memory_space<vmem>>, vector<32x32xf32>
    tpu.vector_store %arg2[%swap3A_1035, %swap3A_1036], %slice3A_1034 {strides = array<i32>} : memref<4096x128xf32, #tpu.memory_space<vmem>>, vector<32x32xf32>,
    %slice3A_1038 = vector.extract_strided_slice %dot_general3A_657 {offsets = [0, 3040], sizes = [32, 32], strides = [1, 1]} : vector<32x4096xf32> to vector<32x32xf32>
    %swap3A_1039 = arith.constant 3040 : index
    %swap3A_1040 = arith.constant 32 : index
    %swap3A_1041 = vector.load %arg2[%swap3A_1039, %swap3A_1040] : memref<4096x128xf32, #tpu.memory_space<vmem>>, vector<32x32xf32>
    tpu.vector_store %arg2[%swap3A_1039, %swap3A_1040], %slice3A_1038 {strides = array<i32>} : memref<4096x128xf32, #tpu.memory_space<vmem>>, vector<32x32xf32>,
    %slice3A_1042 = vector.extract_strided_slice %dot_general3A_657 {offsets = [0, 3072], sizes = [32, 32], strides = [1, 1]} : vector<32x4096xf32> to vector<32x32xf32>
    %swap3A_1043 = arith.constant 3072 : index
    %swap3A_1044 = arith.constant 32 : index
    %swap3A_1045 = vector.load %arg2[%swap3A_1043, %swap3A_1044] : memref<4096x128xf32, #tpu.memory_space<vmem>>, vector<32x32xf32>
    tpu.vector_store %arg2[%swap3A_1043, %swap3A_1044], %slice3A_1042 {strides = array<i32>} : memref<4096x128xf32, #tpu.memory_space<vmem>>, vector<32x32xf32>,
    %slice3A_1046 = vector.extract_strided_slice %dot_general3A_657 {offsets = [0, 3104], sizes = [32, 32], strides = [1, 1]} : vector<32x4096xf32> to vector<32x32xf32>
    %swap3A_1047 = arith.constant 3104 : index
    %swap3A_1048 = arith.constant 32 : index
    %swap3A_1049 = vector.load %arg2[%swap3A_1047, %swap3A_1048] : memref<4096x128xf32, #tpu.memory_space<vmem>>, vector<32x32xf32>
    tpu.vector_store %arg2[%swap3A_1047, %swap3A_1048], %slice3A_1046 {strides = array<i32>} : memref<4096x128xf32, #tpu.memory_space<vmem>>, vector<32x32xf32>,
    %slice3A_1050 = vector.extract_strided_slice %dot_general3A_657 {offsets = [0, 3136], sizes = [32, 32], strides = [1, 1]} : vector<32x4096xf32> to vector<32x32xf32>
    %swap3A_1051 = arith.constant 3136 : index
    %swap3A_1052 = arith.constant 32 : index
    %swap3A_1053 = vector.load %arg2[%swap3A_1051, %swap3A_1052] : memref<4096x128xf32, #tpu.memory_space<vmem>>, vector<32x32xf32>
    tpu.vector_store %arg2[%swap3A_1051, %swap3A_1052], %slice3A_1050 {strides = array<i32>} : memref<4096x128xf32, #tpu.memory_space<vmem>>, vector<32x32xf32>,
    %slice3A_1054 = vector.extract_strided_slice %dot_general3A_657 {offsets = [0, 3168], sizes = [32, 32], strides = [1, 1]} : vector<32x4096xf32> to vector<32x32xf32>
    %swap3A_1055 = arith.constant 3168 : index
    %swap3A_1056 = arith.constant 32 : index
    %swap3A_1057 = vector.load %arg2[%swap3A_1055, %swap3A_1056] : memref<4096x128xf32, #tpu.memory_space<vmem>>, vector<32x32xf32>
    tpu.vector_store %arg2[%swap3A_1055, %swap3A_1056], %slice3A_1054 {strides = array<i32>} : memref<4096x128xf32, #tpu.memory_space<vmem>>, vector<32x32xf32>,
    %slice3A_1058 = vector.extract_strided_slice %dot_general3A_657 {offsets = [0, 3200], sizes = [32, 32], strides = [1, 1]} : vector<32x4096xf32> to vector<32x32xf32>
    %swap3A_1059 = arith.constant 3200 : index
    %swap3A_1060 = arith.constant 32 : index
    %swap3A_1061 = vector.load %arg2[%swap3A_1059, %swap3A_1060] : memref<4096x128xf32, #tpu.memory_space<vmem>>, vector<32x32xf32>
    tpu.vector_store %arg2[%swap3A_1059, %swap3A_1060], %slice3A_1058 {strides = array<i32>} : memref<4096x128xf32, #tpu.memory_space<vmem>>, vector<32x32xf32>,
    %slice3A_1062 = vector.extract_strided_slice %dot_general3A_657 {offsets = [0, 3232], sizes = [32, 32], strides = [1, 1]} : vector<32x4096xf32> to vector<32x32xf32>
    %swap3A_1063 = arith.constant 3232 : index
    %swap3A_1064 = arith.constant 32 : index
    %swap3A_1065 = vector.load %arg2[%swap3A_1063, %swap3A_1064] : memref<4096x128xf32, #tpu.memory_space<vmem>>, vector<32x32xf32>
    tpu.vector_store %arg2[%swap3A_1063, %swap3A_1064], %slice3A_1062 {strides = array<i32>} : memref<4096x128xf32, #tpu.memory_space<vmem>>, vector<32x32xf32>,
    %slice3A_1066 = vector.extract_strided_slice %dot_general3A_657 {offsets = [0, 3264], sizes = [32, 32], strides = [1, 1]} : vector<32x4096xf32> to vector<32x32xf32>
    %swap3A_1067 = arith.constant 3264 : index
    %swap3A_1068 = arith.constant 32 : index
    %swap3A_1069 = vector.load %arg2[%swap3A_1067, %swap3A_1068] : memref<4096x128xf32, #tpu.memory_space<vmem>>, vector<32x32xf32>
    tpu.vector_store %arg2[%swap3A_1067, %swap3A_1068], %slice3A_1066 {strides = array<i32>} : memref<4096x128xf32, #tpu.memory_space<vmem>>, vector<32x32xf32>,
    %slice3A_1070 = vector.extract_strided_slice %dot_general3A_657 {offsets = [0, 3296], sizes = [32, 32], strides = [1, 1]} : vector<32x4096xf32> to vector<32x32xf32>
    %swap3A_1071 = arith.constant 3296 : index
    %swap3A_1072 = arith.constant 32 : index
    %swap3A_1073 = vector.load %arg2[%swap3A_1071, %swap3A_1072] : memref<4096x128xf32, #tpu.memory_space<vmem>>, vector<32x32xf32>
    tpu.vector_store %arg2[%swap3A_1071, %swap3A_1072], %slice3A_1070 {strides = array<i32>} : memref<4096x128xf32, #tpu.memory_space<vmem>>, vector<32x32xf32>,
    %slice3A_1074 = vector.extract_strided_slice %dot_general3A_657 {offsets = [0, 3328], sizes = [32, 32], strides = [1, 1]} : vector<32x4096xf32> to vector<32x32xf32>
    %swap3A_1075 = arith.constant 3328 : index
    %swap3A_1076 = arith.constant 32 : index
    %swap3A_1077 = vector.load %arg2[%swap3A_1075, %swap3A_1076] : memref<4096x128xf32, #tpu.memory_space<vmem>>, vector<32x32xf32>
    tpu.vector_store %arg2[%swap3A_1075, %swap3A_1076], %slice3A_1074 {strides = array<i32>} : memref<4096x128xf32, #tpu.memory_space<vmem>>, vector<32x32xf32>,
    %slice3A_1078 = vector.extract_strided_slice %dot_general3A_657 {offsets = [0, 3360], sizes = [32, 32], strides = [1, 1]} : vector<32x4096xf32> to vector<32x32xf32>
    %swap3A_1079 = arith.constant 3360 : index
    %swap3A_1080 = arith.constant 32 : index
    %swap3A_1081 = vector.load %arg2[%swap3A_1079, %swap3A_1080] : memref<4096x128xf32, #tpu.memory_space<vmem>>, vector<32x32xf32>
    tpu.vector_store %arg2[%swap3A_1079, %swap3A_1080], %slice3A_1078 {strides = array<i32>} : memref<4096x128xf32, #tpu.memory_space<vmem>>, vector<32x32xf32>,
    %slice3A_1082 = vector.extract_strided_slice %dot_general3A_657 {offsets = [0, 3392], sizes = [32, 32], strides = [1, 1]} : vector<32x4096xf32> to vector<32x32xf32>
    %swap3A_1083 = arith.constant 3392 : index
    %swap3A_1084 = arith.constant 32 : index
    %swap3A_1085 = vector.load %arg2[%swap3A_1083, %swap3A_1084] : memref<4096x128xf32, #tpu.memory_space<vmem>>, vector<32x32xf32>
    tpu.vector_store %arg2[%swap3A_1083, %swap3A_1084], %slice3A_1082 {strides = array<i32>} : memref<4096x128xf32, #tpu.memory_space<vmem>>, vector<32x32xf32>,
    %slice3A_1086 = vector.extract_strided_slice %dot_general3A_657 {offsets = [0, 3424], sizes = [32, 32], strides = [1, 1]} : vector<32x4096xf32> to vector<32x32xf32>
    %swap3A_1087 = arith.constant 3424 : index
    %swap3A_1088 = arith.constant 32 : index
    %swap3A_1089 = vector.load %arg2[%swap3A_1087, %swap3A_1088] : memref<4096x128xf32, #tpu.memory_space<vmem>>, vector<32x32xf32>
    tpu.vector_store %arg2[%swap3A_1087, %swap3A_1088], %slice3A_1086 {strides = array<i32>} : memref<4096x128xf32, #tpu.memory_space<vmem>>, vector<32x32xf32>,
    %slice3A_1090 = vector.extract_strided_slice %dot_general3A_657 {offsets = [0, 3456], sizes = [32, 32], strides = [1, 1]} : vector<32x4096xf32> to vector<32x32xf32>
    %swap3A_1091 = arith.constant 3456 : index
    %swap3A_1092 = arith.constant 32 : index
    %swap3A_1093 = vector.load %arg2[%swap3A_1091, %swap3A_1092] : memref<4096x128xf32, #tpu.memory_space<vmem>>, vector<32x32xf32>
    tpu.vector_store %arg2[%swap3A_1091, %swap3A_1092], %slice3A_1090 {strides = array<i32>} : memref<4096x128xf32, #tpu.memory_space<vmem>>, vector<32x32xf32>,
    %slice3A_1094 = vector.extract_strided_slice %dot_general3A_657 {offsets = [0, 3488], sizes = [32, 32], strides = [1, 1]} : vector<32x4096xf32> to vector<32x32xf32>
    %swap3A_1095 = arith.constant 3488 : index
    %swap3A_1096 = arith.constant 32 : index
    %swap3A_1097 = vector.load %arg2[%swap3A_1095, %swap3A_1096] : memref<4096x128xf32, #tpu.memory_space<vmem>>, vector<32x32xf32>
    tpu.vector_store %arg2[%swap3A_1095, %swap3A_1096], %slice3A_1094 {strides = array<i32>} : memref<4096x128xf32, #tpu.memory_space<vmem>>, vector<32x32xf32>,
    %slice3A_1098 = vector.extract_strided_slice %dot_general3A_657 {offsets = [0, 3520], sizes = [32, 32], strides = [1, 1]} : vector<32x4096xf32> to vector<32x32xf32>
    %swap3A_1099 = arith.constant 3520 : index
    %swap3A_1100 = arith.constant 32 : index
    %swap3A_1101 = vector.load %arg2[%swap3A_1099, %swap3A_1100] : memref<4096x128xf32, #tpu.memory_space<vmem>>, vector<32x32xf32>
    tpu.vector_store %arg2[%swap3A_1099, %swap3A_1100], %slice3A_1098 {strides = array<i32>} : memref<4096x128xf32, #tpu.memory_space<vmem>>, vector<32x32xf32>,
    %slice3A_1102 = vector.extract_strided_slice %dot_general3A_657 {offsets = [0, 3552], sizes = [32, 32], strides = [1, 1]} : vector<32x4096xf32> to vector<32x32xf32>
    %swap3A_1103 = arith.constant 3552 : index
    %swap3A_1104 = arith.constant 32 : index
    %swap3A_1105 = vector.load %arg2[%swap3A_1103, %swap3A_1104] : memref<4096x128xf32, #tpu.memory_space<vmem>>, vector<32x32xf32>
    tpu.vector_store %arg2[%swap3A_1103, %swap3A_1104], %slice3A_1102 {strides = array<i32>} : memref<4096x128xf32, #tpu.memory_space<vmem>>, vector<32x32xf32>,
    %slice3A_1106 = vector.extract_strided_slice %dot_general3A_657 {offsets = [0, 3584], sizes = [32, 32], strides = [1, 1]} : vector<32x4096xf32> to vector<32x32xf32>
    %swap3A_1107 = arith.constant 3584 : index
    %swap3A_1108 = arith.constant 32 : index
    %swap3A_1109 = vector.load %arg2[%swap3A_1107, %swap3A_1108] : memref<4096x128xf32, #tpu.memory_space<vmem>>, vector<32x32xf32>
    tpu.vector_store %arg2[%swap3A_1107, %swap3A_1108], %slice3A_1106 {strides = array<i32>} : memref<4096x128xf32, #tpu.memory_space<vmem>>, vector<32x32xf32>,
    %slice3A_1110 = vector.extract_strided_slice %dot_general3A_657 {offsets = [0, 3616], sizes = [32, 32], strides = [1, 1]} : vector<32x4096xf32> to vector<32x32xf32>
    %swap3A_1111 = arith.constant 3616 : index
    %swap3A_1112 = arith.constant 32 : index
    %swap3A_1113 = vector.load %arg2[%swap3A_1111, %swap3A_1112] : memref<4096x128xf32, #tpu.memory_space<vmem>>, vector<32x32xf32>
    tpu.vector_store %arg2[%swap3A_1111, %swap3A_1112], %slice3A_1110 {strides = array<i32>} : memref<4096x128xf32, #tpu.memory_space<vmem>>, vector<32x32xf32>,
    %slice3A_1114 = vector.extract_strided_slice %dot_general3A_657 {offsets = [0, 3648], sizes = [32, 32], strides = [1, 1]} : vector<32x4096xf32> to vector<32x32xf32>
    %swap3A_1115 = arith.constant 3648 : index
    %swap3A_1116 = arith.constant 32 : index
    %swap3A_1117 = vector.load %arg2[%swap3A_1115, %swap3A_1116] : memref<4096x128xf32, #tpu.memory_space<vmem>>, vector<32x32xf32>
    tpu.vector_store %arg2[%swap3A_1115, %swap3A_1116], %slice3A_1114 {strides = array<i32>} : memref<4096x128xf32, #tpu.memory_space<vmem>>, vector<32x32xf32>,
    %slice3A_1118 = vector.extract_strided_slice %dot_general3A_657 {offsets = [0, 3680], sizes = [32, 32], strides = [1, 1]} : vector<32x4096xf32> to vector<32x32xf32>
    %swap3A_1119 = arith.constant 3680 : index
    %swap3A_1120 = arith.constant 32 : index
    %swap3A_1121 = vector.load %arg2[%swap3A_1119, %swap3A_1120] : memref<4096x128xf32, #tpu.memory_space<vmem>>, vector<32x32xf32>
    tpu.vector_store %arg2[%swap3A_1119, %swap3A_1120], %slice3A_1118 {strides = array<i32>} : memref<4096x128xf32, #tpu.memory_space<vmem>>, vector<32x32xf32>,
    %slice3A_1122 = vector.extract_strided_slice %dot_general3A_657 {offsets = [0, 3712], sizes = [32, 32], strides = [1, 1]} : vector<32x4096xf32> to vector<32x32xf32>
    %swap3A_1123 = arith.constant 3712 : index
    %swap3A_1124 = arith.constant 32 : index
    %swap3A_1125 = vector.load %arg2[%swap3A_1123, %swap3A_1124] : memref<4096x128xf32, #tpu.memory_space<vmem>>, vector<32x32xf32>
    tpu.vector_store %arg2[%swap3A_1123, %swap3A_1124], %slice3A_1122 {strides = array<i32>} : memref<4096x128xf32, #tpu.memory_space<vmem>>, vector<32x32xf32>,
    %slice3A_1126 = vector.extract_strided_slice %dot_general3A_657 {offsets = [0, 3744], sizes = [32, 32], strides = [1, 1]} : vector<32x4096xf32> to vector<32x32xf32>
    %swap3A_1127 = arith.constant 3744 : index
    %swap3A_1128 = arith.constant 32 : index
    %swap3A_1129 = vector.load %arg2[%swap3A_1127, %swap3A_1128] : memref<4096x128xf32, #tpu.memory_space<vmem>>, vector<32x32xf32>
    tpu.vector_store %arg2[%swap3A_1127, %swap3A_1128], %slice3A_1126 {strides = array<i32>} : memref<4096x128xf32, #tpu.memory_space<vmem>>, vector<32x32xf32>,
    %slice3A_1130 = vector.extract_strided_slice %dot_general3A_657 {offsets = [0, 3776], sizes = [32, 32], strides = [1, 1]} : vector<32x4096xf32> to vector<32x32xf32>
    %swap3A_1131 = arith.constant 3776 : index
    %swap3A_1132 = arith.constant 32 : index
    %swap3A_1133 = vector.load %arg2[%swap3A_1131, %swap3A_1132] : memref<4096x128xf32, #tpu.memory_space<vmem>>, vector<32x32xf32>
    tpu.vector_store %arg2[%swap3A_1131, %swap3A_1132], %slice3A_1130 {strides = array<i32>} : memref<4096x128xf32, #tpu.memory_space<vmem>>, vector<32x32xf32>,
    %slice3A_1134 = vector.extract_strided_slice %dot_general3A_657 {offsets = [0, 3808], sizes = [32, 32], strides = [1, 1]} : vector<32x4096xf32> to vector<32x32xf32>
    %swap3A_1135 = arith.constant 3808 : index
    %swap3A_1136 = arith.constant 32 : index
    %swap3A_1137 = vector.load %arg2[%swap3A_1135, %swap3A_1136] : memref<4096x128xf32, #tpu.memory_space<vmem>>, vector<32x32xf32>
    tpu.vector_store %arg2[%swap3A_1135, %swap3A_1136], %slice3A_1134 {strides = array<i32>} : memref<4096x128xf32, #tpu.memory_space<vmem>>, vector<32x32xf32>,
    %slice3A_1138 = vector.extract_strided_slice %dot_general3A_657 {offsets = [0, 3840], sizes = [32, 32], strides = [1, 1]} : vector<32x4096xf32> to vector<32x32xf32>
    %swap3A_1139 = arith.constant 3840 : index
    %swap3A_1140 = arith.constant 32 : index
    %swap3A_1141 = vector.load %arg2[%swap3A_1139, %swap3A_1140] : memref<4096x128xf32, #tpu.memory_space<vmem>>, vector<32x32xf32>
    tpu.vector_store %arg2[%swap3A_1139, %swap3A_1140], %slice3A_1138 {strides = array<i32>} : memref<4096x128xf32, #tpu.memory_space<vmem>>, vector<32x32xf32>,
    %slice3A_1142 = vector.extract_strided_slice %dot_general3A_657 {offsets = [0, 3872], sizes = [32, 32], strides = [1, 1]} : vector<32x4096xf32> to vector<32x32xf32>
    %swap3A_1143 = arith.constant 3872 : index
    %swap3A_1144 = arith.constant 32 : index
    %swap3A_1145 = vector.load %arg2[%swap3A_1143, %swap3A_1144] : memref<4096x128xf32, #tpu.memory_space<vmem>>, vector<32x32xf32>
    tpu.vector_store %arg2[%swap3A_1143, %swap3A_1144], %slice3A_1142 {strides = array<i32>} : memref<4096x128xf32, #tpu.memory_space<vmem>>, vector<32x32xf32>,
    %slice3A_1146 = vector.extract_strided_slice %dot_general3A_657 {offsets = [0, 3904], sizes = [32, 32], strides = [1, 1]} : vector<32x4096xf32> to vector<32x32xf32>
    %swap3A_1147 = arith.constant 3904 : index
    %swap3A_1148 = arith.constant 32 : index
    %swap3A_1149 = vector.load %arg2[%swap3A_1147, %swap3A_1148] : memref<4096x128xf32, #tpu.memory_space<vmem>>, vector<32x32xf32>
    tpu.vector_store %arg2[%swap3A_1147, %swap3A_1148], %slice3A_1146 {strides = array<i32>} : memref<4096x128xf32, #tpu.memory_space<vmem>>, vector<32x32xf32>,
    %slice3A_1150 = vector.extract_strided_slice %dot_general3A_657 {offsets = [0, 3936], sizes = [32, 32], strides = [1, 1]} : vector<32x4096xf32> to vector<32x32xf32>
    %swap3A_1151 = arith.constant 3936 : index
    %swap3A_1152 = arith.constant 32 : index
    %swap3A_1153 = vector.load %arg2[%swap3A_1151, %swap3A_1152] : memref<4096x128xf32, #tpu.memory_space<vmem>>, vector<32x32xf32>
    tpu.vector_store %arg2[%swap3A_1151, %swap3A_1152], %slice3A_1150 {strides = array<i32>} : memref<4096x128xf32, #tpu.memory_space<vmem>>, vector<32x32xf32>,
    %slice3A_1154 = vector.extract_strided_slice %dot_general3A_657 {offsets = [0, 3968], sizes = [32, 32], strides = [1, 1]} : vector<32x4096xf32> to vector<32x32xf32>
    %swap3A_1155 = arith.constant 3968 : index
    %swap3A_1156 = arith.constant 32 : index
    %swap3A_1157 = vector.load %arg2[%swap3A_1155, %swap3A_1156] : memref<4096x128xf32, #tpu.memory_space<vmem>>, vector<32x32xf32>
    tpu.vector_store %arg2[%swap3A_1155, %swap3A_1156], %slice3A_1154 {strides = array<i32>} : memref<4096x128xf32, #tpu.memory_space<vmem>>, vector<32x32xf32>,
    %slice3A_1158 = vector.extract_strided_slice %dot_general3A_657 {offsets = [0, 4000], sizes = [32, 32], strides = [1, 1]} : vector<32x4096xf32> to vector<32x32xf32>
    %swap3A_1159 = arith.constant 4000 : index
    %swap3A_1160 = arith.constant 32 : index
    %swap3A_1161 = vector.load %arg2[%swap3A_1159, %swap3A_1160] : memref<4096x128xf32, #tpu.memory_space<vmem>>, vector<32x32xf32>
    tpu.vector_store %arg2[%swap3A_1159, %swap3A_1160], %slice3A_1158 {strides = array<i32>} : memref<4096x128xf32, #tpu.memory_space<vmem>>, vector<32x32xf32>,
    %slice3A_1162 = vector.extract_strided_slice %dot_general3A_657 {offsets = [0, 4032], sizes = [32, 32], strides = [1, 1]} : vector<32x4096xf32> to vector<32x32xf32>
    %swap3A_1163 = arith.constant 4032 : index
    %swap3A_1164 = arith.constant 32 : index
    %swap3A_1165 = vector.load %arg2[%swap3A_1163, %swap3A_1164] : memref<4096x128xf32, #tpu.memory_space<vmem>>, vector<32x32xf32>
    tpu.vector_store %arg2[%swap3A_1163, %swap3A_1164], %slice3A_1162 {strides = array<i32>} : memref<4096x128xf32, #tpu.memory_space<vmem>>, vector<32x32xf32>,
    %slice3A_1166 = vector.extract_strided_slice %dot_general3A_657 {offsets = [0, 4064], sizes = [32, 32], strides = [1, 1]} : vector<32x4096xf32> to vector<32x32xf32>
    %swap3A_1167 = arith.constant 4064 : index
    %swap3A_1168 = arith.constant 32 : index
    %swap3A_1169 = vector.load %arg2[%swap3A_1167, %swap3A_1168] : memref<4096x128xf32, #tpu.memory_space<vmem>>, vector<32x32xf32>
    tpu.vector_store %arg2[%swap3A_1167, %swap3A_1168], %slice3A_1166 {strides = array<i32>} : memref<4096x128xf32, #tpu.memory_space<vmem>>, vector<32x32xf32>,
    %mul3A_1170 = arith.constant 4 : i32
    %mul3A_1171 = vector.broadcast %mul3A_1170 : i32 to vector<32x128xi32>
    %mul3A_1172 = arith.muli %mul3A_1171, %iota3A : vector<32x128xi32>
    %add3A_1173 = arith.constant 2 : i32
    %add3A_1174 = vector.broadcast %add3A_1173 : i32 to vector<32x128xi32>
    %add3A_1175 = arith.addi %mul3A_1172, %add3A_1174 : vector<32x128xi32>
    %eq3A_1176 = arith.cmpi eq, %iota3A_129, %add3A_1175 : vector<32x128xi32>
    %convert_element_type3A_1177 = arith.extui %eq3A_1176 : vector<32x128xi1> to vector<32x128xi32>
    %convert_element_type3A_1178 = arith.sitofp %convert_element_type3A_1177 : vector<32x128xi32> to vector<32x128xf32>
    %dot_general3A_1179 = arith.constant dense<0.000000e+00> : vector<32x4096xf32>
    %dot_general3A_1180 = tpu.matmul %convert_element_type3A_1178, %concatenate3A, %dot_general3A_1179 {dimension_numbers = #tpu.dot_dimension_numbers<[1], [0], [0], [1], [0, 0, 1, 1], [], []>, transpose_lhs_hint = false} : vector<32x128xf32>, vector<128x4096xf32>, vector<32x4096xf32> -> vector<32x4096xf32>
    %slice3A_1181 = vector.extract_strided_slice %dot_general3A_1180 {offsets = [0, 0], sizes = [32, 32], strides = [1, 1]} : vector<32x4096xf32> to vector<32x32xf32>
    %swap3A_1182 = arith.constant 0 : index
    %swap3A_1183 = arith.constant 64 : index
    %swap3A_1184 = vector.load %arg2[%swap3A_1182, %swap3A_1183] : memref<4096x128xf32, #tpu.memory_space<vmem>>, vector<32x32xf32>
    tpu.vector_store %arg2[%swap3A_1182, %swap3A_1183], %slice3A_1181 {strides = array<i32>} : memref<4096x128xf32, #tpu.memory_space<vmem>>, vector<32x32xf32>,
    %slice3A_1185 = vector.extract_strided_slice %dot_general3A_1180 {offsets = [0, 32], sizes = [32, 32], strides = [1, 1]} : vector<32x4096xf32> to vector<32x32xf32>
    %swap3A_1186 = arith.constant 32 : index
    %swap3A_1187 = arith.constant 64 : index
    %swap3A_1188 = vector.load %arg2[%swap3A_1186, %swap3A_1187] : memref<4096x128xf32, #tpu.memory_space<vmem>>, vector<32x32xf32>
    tpu.vector_store %arg2[%swap3A_1186, %swap3A_1187], %slice3A_1185 {strides = array<i32>} : memref<4096x128xf32, #tpu.memory_space<vmem>>, vector<32x32xf32>,
    %slice3A_1189 = vector.extract_strided_slice %dot_general3A_1180 {offsets = [0, 64], sizes = [32, 32], strides = [1, 1]} : vector<32x4096xf32> to vector<32x32xf32>
    %swap3A_1190 = arith.constant 64 : index
    %swap3A_1191 = arith.constant 64 : index
    %swap3A_1192 = vector.load %arg2[%swap3A_1190, %swap3A_1191] : memref<4096x128xf32, #tpu.memory_space<vmem>>, vector<32x32xf32>
    tpu.vector_store %arg2[%swap3A_1190, %swap3A_1191], %slice3A_1189 {strides = array<i32>} : memref<4096x128xf32, #tpu.memory_space<vmem>>, vector<32x32xf32>,
    %slice3A_1193 = vector.extract_strided_slice %dot_general3A_1180 {offsets = [0, 96], sizes = [32, 32], strides = [1, 1]} : vector<32x4096xf32> to vector<32x32xf32>
    %swap3A_1194 = arith.constant 96 : index
    %swap3A_1195 = arith.constant 64 : index
    %swap3A_1196 = vector.load %arg2[%swap3A_1194, %swap3A_1195] : memref<4096x128xf32, #tpu.memory_space<vmem>>, vector<32x32xf32>
    tpu.vector_store %arg2[%swap3A_1194, %swap3A_1195], %slice3A_1193 {strides = array<i32>} : memref<4096x128xf32, #tpu.memory_space<vmem>>, vector<32x32xf32>,
    %slice3A_1197 = vector.extract_strided_slice %dot_general3A_1180 {offsets = [0, 128], sizes = [32, 32], strides = [1, 1]} : vector<32x4096xf32> to vector<32x32xf32>
    %swap3A_1198 = arith.constant 128 : index
    %swap3A_1199 = arith.constant 64 : index
    %swap3A_1200 = vector.load %arg2[%swap3A_1198, %swap3A_1199] : memref<4096x128xf32, #tpu.memory_space<vmem>>, vector<32x32xf32>
    tpu.vector_store %arg2[%swap3A_1198, %swap3A_1199], %slice3A_1197 {strides = array<i32>} : memref<4096x128xf32, #tpu.memory_space<vmem>>, vector<32x32xf32>,
    %slice3A_1201 = vector.extract_strided_slice %dot_general3A_1180 {offsets = [0, 160], sizes = [32, 32], strides = [1, 1]} : vector<32x4096xf32> to vector<32x32xf32>
    %swap3A_1202 = arith.constant 160 : index
    %swap3A_1203 = arith.constant 64 : index
    %swap3A_1204 = vector.load %arg2[%swap3A_1202, %swap3A_1203] : memref<4096x128xf32, #tpu.memory_space<vmem>>, vector<32x32xf32>
    tpu.vector_store %arg2[%swap3A_1202, %swap3A_1203], %slice3A_1201 {strides = array<i32>} : memref<4096x128xf32, #tpu.memory_space<vmem>>, vector<32x32xf32>,
    %slice3A_1205 = vector.extract_strided_slice %dot_general3A_1180 {offsets = [0, 192], sizes = [32, 32], strides = [1, 1]} : vector<32x4096xf32> to vector<32x32xf32>
    %swap3A_1206 = arith.constant 192 : index
    %swap3A_1207 = arith.constant 64 : index
    %swap3A_1208 = vector.load %arg2[%swap3A_1206, %swap3A_1207] : memref<4096x128xf32, #tpu.memory_space<vmem>>, vector<32x32xf32>
    tpu.vector_store %arg2[%swap3A_1206, %swap3A_1207], %slice3A_1205 {strides = array<i32>} : memref<4096x128xf32, #tpu.memory_space<vmem>>, vector<32x32xf32>,
    %slice3A_1209 = vector.extract_strided_slice %dot_general3A_1180 {offsets = [0, 224], sizes = [32, 32], strides = [1, 1]} : vector<32x4096xf32> to vector<32x32xf32>
    %swap3A_1210 = arith.constant 224 : index
    %swap3A_1211 = arith.constant 64 : index
    %swap3A_1212 = vector.load %arg2[%swap3A_1210, %swap3A_1211] : memref<4096x128xf32, #tpu.memory_space<vmem>>, vector<32x32xf32>
    tpu.vector_store %arg2[%swap3A_1210, %swap3A_1211], %slice3A_1209 {strides = array<i32>} : memref<4096x128xf32, #tpu.memory_space<vmem>>, vector<32x32xf32>,
    %slice3A_1213 = vector.extract_strided_slice %dot_general3A_1180 {offsets = [0, 256], sizes = [32, 32], strides = [1, 1]} : vector<32x4096xf32> to vector<32x32xf32>
    %swap3A_1214 = arith.constant 256 : index
    %swap3A_1215 = arith.constant 64 : index
    %swap3A_1216 = vector.load %arg2[%swap3A_1214, %swap3A_1215] : memref<4096x128xf32, #tpu.memory_space<vmem>>, vector<32x32xf32>
    tpu.vector_store %arg2[%swap3A_1214, %swap3A_1215], %slice3A_1213 {strides = array<i32>} : memref<4096x128xf32, #tpu.memory_space<vmem>>, vector<32x32xf32>,
    %slice3A_1217 = vector.extract_strided_slice %dot_general3A_1180 {offsets = [0, 288], sizes = [32, 32], strides = [1, 1]} : vector<32x4096xf32> to vector<32x32xf32>
    %swap3A_1218 = arith.constant 288 : index
    %swap3A_1219 = arith.constant 64 : index
    %swap3A_1220 = vector.load %arg2[%swap3A_1218, %swap3A_1219] : memref<4096x128xf32, #tpu.memory_space<vmem>>, vector<32x32xf32>
    tpu.vector_store %arg2[%swap3A_1218, %swap3A_1219], %slice3A_1217 {strides = array<i32>} : memref<4096x128xf32, #tpu.memory_space<vmem>>, vector<32x32xf32>,
    %slice3A_1221 = vector.extract_strided_slice %dot_general3A_1180 {offsets = [0, 320], sizes = [32, 32], strides = [1, 1]} : vector<32x4096xf32> to vector<32x32xf32>
    %swap3A_1222 = arith.constant 320 : index
    %swap3A_1223 = arith.constant 64 : index
    %swap3A_1224 = vector.load %arg2[%swap3A_1222, %swap3A_1223] : memref<4096x128xf32, #tpu.memory_space<vmem>>, vector<32x32xf32>
    tpu.vector_store %arg2[%swap3A_1222, %swap3A_1223], %slice3A_1221 {strides = array<i32>} : memref<4096x128xf32, #tpu.memory_space<vmem>>, vector<32x32xf32>,
    %slice3A_1225 = vector.extract_strided_slice %dot_general3A_1180 {offsets = [0, 352], sizes = [32, 32], strides = [1, 1]} : vector<32x4096xf32> to vector<32x32xf32>
    %swap3A_1226 = arith.constant 352 : index
    %swap3A_1227 = arith.constant 64 : index
    %swap3A_1228 = vector.load %arg2[%swap3A_1226, %swap3A_1227] : memref<4096x128xf32, #tpu.memory_space<vmem>>, vector<32x32xf32>
    tpu.vector_store %arg2[%swap3A_1226, %swap3A_1227], %slice3A_1225 {strides = array<i32>} : memref<4096x128xf32, #tpu.memory_space<vmem>>, vector<32x32xf32>,
    %slice3A_1229 = vector.extract_strided_slice %dot_general3A_1180 {offsets = [0, 384], sizes = [32, 32], strides = [1, 1]} : vector<32x4096xf32> to vector<32x32xf32>
    %swap3A_1230 = arith.constant 384 : index
    %swap3A_1231 = arith.constant 64 : index
    %swap3A_1232 = vector.load %arg2[%swap3A_1230, %swap3A_1231] : memref<4096x128xf32, #tpu.memory_space<vmem>>, vector<32x32xf32>
    tpu.vector_store %arg2[%swap3A_1230, %swap3A_1231], %slice3A_1229 {strides = array<i32>} : memref<4096x128xf32, #tpu.memory_space<vmem>>, vector<32x32xf32>,
    %slice3A_1233 = vector.extract_strided_slice %dot_general3A_1180 {offsets = [0, 416], sizes = [32, 32], strides = [1, 1]} : vector<32x4096xf32> to vector<32x32xf32>
    %swap3A_1234 = arith.constant 416 : index
    %swap3A_1235 = arith.constant 64 : index
    %swap3A_1236 = vector.load %arg2[%swap3A_1234, %swap3A_1235] : memref<4096x128xf32, #tpu.memory_space<vmem>>, vector<32x32xf32>
    tpu.vector_store %arg2[%swap3A_1234, %swap3A_1235], %slice3A_1233 {strides = array<i32>} : memref<4096x128xf32, #tpu.memory_space<vmem>>, vector<32x32xf32>,
    %slice3A_1237 = vector.extract_strided_slice %dot_general3A_1180 {offsets = [0, 448], sizes = [32, 32], strides = [1, 1]} : vector<32x4096xf32> to vector<32x32xf32>
    %swap3A_1238 = arith.constant 448 : index
    %swap3A_1239 = arith.constant 64 : index
    %swap3A_1240 = vector.load %arg2[%swap3A_1238, %swap3A_1239] : memref<4096x128xf32, #tpu.memory_space<vmem>>, vector<32x32xf32>
    tpu.vector_store %arg2[%swap3A_1238, %swap3A_1239], %slice3A_1237 {strides = array<i32>} : memref<4096x128xf32, #tpu.memory_space<vmem>>, vector<32x32xf32>,
    %slice3A_1241 = vector.extract_strided_slice %dot_general3A_1180 {offsets = [0, 480], sizes = [32, 32], strides = [1, 1]} : vector<32x4096xf32> to vector<32x32xf32>
    %swap3A_1242 = arith.constant 480 : index
    %swap3A_1243 = arith.constant 64 : index
    %swap3A_1244 = vector.load %arg2[%swap3A_1242, %swap3A_1243] : memref<4096x128xf32, #tpu.memory_space<vmem>>, vector<32x32xf32>
    tpu.vector_store %arg2[%swap3A_1242, %swap3A_1243], %slice3A_1241 {strides = array<i32>} : memref<4096x128xf32, #tpu.memory_space<vmem>>, vector<32x32xf32>,
    %slice3A_1245 = vector.extract_strided_slice %dot_general3A_1180 {offsets = [0, 512], sizes = [32, 32], strides = [1, 1]} : vector<32x4096xf32> to vector<32x32xf32>
    %swap3A_1246 = arith.constant 512 : index
    %swap3A_1247 = arith.constant 64 : index
    %swap3A_1248 = vector.load %arg2[%swap3A_1246, %swap3A_1247] : memref<4096x128xf32, #tpu.memory_space<vmem>>, vector<32x32xf32>
    tpu.vector_store %arg2[%swap3A_1246, %swap3A_1247], %slice3A_1245 {strides = array<i32>} : memref<4096x128xf32, #tpu.memory_space<vmem>>, vector<32x32xf32>,
    %slice3A_1249 = vector.extract_strided_slice %dot_general3A_1180 {offsets = [0, 544], sizes = [32, 32], strides = [1, 1]} : vector<32x4096xf32> to vector<32x32xf32>
    %swap3A_1250 = arith.constant 544 : index
    %swap3A_1251 = arith.constant 64 : index
    %swap3A_1252 = vector.load %arg2[%swap3A_1250, %swap3A_1251] : memref<4096x128xf32, #tpu.memory_space<vmem>>, vector<32x32xf32>
    tpu.vector_store %arg2[%swap3A_1250, %swap3A_1251], %slice3A_1249 {strides = array<i32>} : memref<4096x128xf32, #tpu.memory_space<vmem>>, vector<32x32xf32>,
    %slice3A_1253 = vector.extract_strided_slice %dot_general3A_1180 {offsets = [0, 576], sizes = [32, 32], strides = [1, 1]} : vector<32x4096xf32> to vector<32x32xf32>
    %swap3A_1254 = arith.constant 576 : index
    %swap3A_1255 = arith.constant 64 : index
    %swap3A_1256 = vector.load %arg2[%swap3A_1254, %swap3A_1255] : memref<4096x128xf32, #tpu.memory_space<vmem>>, vector<32x32xf32>
    tpu.vector_store %arg2[%swap3A_1254, %swap3A_1255], %slice3A_1253 {strides = array<i32>} : memref<4096x128xf32, #tpu.memory_space<vmem>>, vector<32x32xf32>,
    %slice3A_1257 = vector.extract_strided_slice %dot_general3A_1180 {offsets = [0, 608], sizes = [32, 32], strides = [1, 1]} : vector<32x4096xf32> to vector<32x32xf32>
    %swap3A_1258 = arith.constant 608 : index
    %swap3A_1259 = arith.constant 64 : index
    %swap3A_1260 = vector.load %arg2[%swap3A_1258, %swap3A_1259] : memref<4096x128xf32, #tpu.memory_space<vmem>>, vector<32x32xf32>
    tpu.vector_store %arg2[%swap3A_1258, %swap3A_1259], %slice3A_1257 {strides = array<i32>} : memref<4096x128xf32, #tpu.memory_space<vmem>>, vector<32x32xf32>,
    %slice3A_1261 = vector.extract_strided_slice %dot_general3A_1180 {offsets = [0, 640], sizes = [32, 32], strides = [1, 1]} : vector<32x4096xf32> to vector<32x32xf32>
    %swap3A_1262 = arith.constant 640 : index
    %swap3A_1263 = arith.constant 64 : index
    %swap3A_1264 = vector.load %arg2[%swap3A_1262, %swap3A_1263] : memref<4096x128xf32, #tpu.memory_space<vmem>>, vector<32x32xf32>
    tpu.vector_store %arg2[%swap3A_1262, %swap3A_1263], %slice3A_1261 {strides = array<i32>} : memref<4096x128xf32, #tpu.memory_space<vmem>>, vector<32x32xf32>,
    %slice3A_1265 = vector.extract_strided_slice %dot_general3A_1180 {offsets = [0, 672], sizes = [32, 32], strides = [1, 1]} : vector<32x4096xf32> to vector<32x32xf32>
    %swap3A_1266 = arith.constant 672 : index
    %swap3A_1267 = arith.constant 64 : index
    %swap3A_1268 = vector.load %arg2[%swap3A_1266, %swap3A_1267] : memref<4096x128xf32, #tpu.memory_space<vmem>>, vector<32x32xf32>
    tpu.vector_store %arg2[%swap3A_1266, %swap3A_1267], %slice3A_1265 {strides = array<i32>} : memref<4096x128xf32, #tpu.memory_space<vmem>>, vector<32x32xf32>,
    %slice3A_1269 = vector.extract_strided_slice %dot_general3A_1180 {offsets = [0, 704], sizes = [32, 32], strides = [1, 1]} : vector<32x4096xf32> to vector<32x32xf32>
    %swap3A_1270 = arith.constant 704 : index
    %swap3A_1271 = arith.constant 64 : index
    %swap3A_1272 = vector.load %arg2[%swap3A_1270, %swap3A_1271] : memref<4096x128xf32, #tpu.memory_space<vmem>>, vector<32x32xf32>
    tpu.vector_store %arg2[%swap3A_1270, %swap3A_1271], %slice3A_1269 {strides = array<i32>} : memref<4096x128xf32, #tpu.memory_space<vmem>>, vector<32x32xf32>,
    %slice3A_1273 = vector.extract_strided_slice %dot_general3A_1180 {offsets = [0, 736], sizes = [32, 32], strides = [1, 1]} : vector<32x4096xf32> to vector<32x32xf32>
    %swap3A_1274 = arith.constant 736 : index
    %swap3A_1275 = arith.constant 64 : index
    %swap3A_1276 = vector.load %arg2[%swap3A_1274, %swap3A_1275] : memref<4096x128xf32, #tpu.memory_space<vmem>>, vector<32x32xf32>
    tpu.vector_store %arg2[%swap3A_1274, %swap3A_1275], %slice3A_1273 {strides = array<i32>} : memref<4096x128xf32, #tpu.memory_space<vmem>>, vector<32x32xf32>,
    %slice3A_1277 = vector.extract_strided_slice %dot_general3A_1180 {offsets = [0, 768], sizes = [32, 32], strides = [1, 1]} : vector<32x4096xf32> to vector<32x32xf32>
    %swap3A_1278 = arith.constant 768 : index
    %swap3A_1279 = arith.constant 64 : index
    %swap3A_1280 = vector.load %arg2[%swap3A_1278, %swap3A_1279] : memref<4096x128xf32, #tpu.memory_space<vmem>>, vector<32x32xf32>
    tpu.vector_store %arg2[%swap3A_1278, %swap3A_1279], %slice3A_1277 {strides = array<i32>} : memref<4096x128xf32, #tpu.memory_space<vmem>>, vector<32x32xf32>,
    %slice3A_1281 = vector.extract_strided_slice %dot_general3A_1180 {offsets = [0, 800], sizes = [32, 32], strides = [1, 1]} : vector<32x4096xf32> to vector<32x32xf32>
    %swap3A_1282 = arith.constant 800 : index
    %swap3A_1283 = arith.constant 64 : index
    %swap3A_1284 = vector.load %arg2[%swap3A_1282, %swap3A_1283] : memref<4096x128xf32, #tpu.memory_space<vmem>>, vector<32x32xf32>
    tpu.vector_store %arg2[%swap3A_1282, %swap3A_1283], %slice3A_1281 {strides = array<i32>} : memref<4096x128xf32, #tpu.memory_space<vmem>>, vector<32x32xf32>,
    %slice3A_1285 = vector.extract_strided_slice %dot_general3A_1180 {offsets = [0, 832], sizes = [32, 32], strides = [1, 1]} : vector<32x4096xf32> to vector<32x32xf32>
    %swap3A_1286 = arith.constant 832 : index
    %swap3A_1287 = arith.constant 64 : index
    %swap3A_1288 = vector.load %arg2[%swap3A_1286, %swap3A_1287] : memref<4096x128xf32, #tpu.memory_space<vmem>>, vector<32x32xf32>
    tpu.vector_store %arg2[%swap3A_1286, %swap3A_1287], %slice3A_1285 {strides = array<i32>} : memref<4096x128xf32, #tpu.memory_space<vmem>>, vector<32x32xf32>,
    %slice3A_1289 = vector.extract_strided_slice %dot_general3A_1180 {offsets = [0, 864], sizes = [32, 32], strides = [1, 1]} : vector<32x4096xf32> to vector<32x32xf32>
    %swap3A_1290 = arith.constant 864 : index
    %swap3A_1291 = arith.constant 64 : index
    %swap3A_1292 = vector.load %arg2[%swap3A_1290, %swap3A_1291] : memref<4096x128xf32, #tpu.memory_space<vmem>>, vector<32x32xf32>
    tpu.vector_store %arg2[%swap3A_1290, %swap3A_1291], %slice3A_1289 {strides = array<i32>} : memref<4096x128xf32, #tpu.memory_space<vmem>>, vector<32x32xf32>,
    %slice3A_1293 = vector.extract_strided_slice %dot_general3A_1180 {offsets = [0, 896], sizes = [32, 32], strides = [1, 1]} : vector<32x4096xf32> to vector<32x32xf32>
    %swap3A_1294 = arith.constant 896 : index
    %swap3A_1295 = arith.constant 64 : index
    %swap3A_1296 = vector.load %arg2[%swap3A_1294, %swap3A_1295] : memref<4096x128xf32, #tpu.memory_space<vmem>>, vector<32x32xf32>
    tpu.vector_store %arg2[%swap3A_1294, %swap3A_1295], %slice3A_1293 {strides = array<i32>} : memref<4096x128xf32, #tpu.memory_space<vmem>>, vector<32x32xf32>,
    %slice3A_1297 = vector.extract_strided_slice %dot_general3A_1180 {offsets = [0, 928], sizes = [32, 32], strides = [1, 1]} : vector<32x4096xf32> to vector<32x32xf32>
    %swap3A_1298 = arith.constant 928 : index
    %swap3A_1299 = arith.constant 64 : index
    %swap3A_1300 = vector.load %arg2[%swap3A_1298, %swap3A_1299] : memref<4096x128xf32, #tpu.memory_space<vmem>>, vector<32x32xf32>
    tpu.vector_store %arg2[%swap3A_1298, %swap3A_1299], %slice3A_1297 {strides = array<i32>} : memref<4096x128xf32, #tpu.memory_space<vmem>>, vector<32x32xf32>,
    %slice3A_1301 = vector.extract_strided_slice %dot_general3A_1180 {offsets = [0, 960], sizes = [32, 32], strides = [1, 1]} : vector<32x4096xf32> to vector<32x32xf32>
    %swap3A_1302 = arith.constant 960 : index
    %swap3A_1303 = arith.constant 64 : index
    %swap3A_1304 = vector.load %arg2[%swap3A_1302, %swap3A_1303] : memref<4096x128xf32, #tpu.memory_space<vmem>>, vector<32x32xf32>
    tpu.vector_store %arg2[%swap3A_1302, %swap3A_1303], %slice3A_1301 {strides = array<i32>} : memref<4096x128xf32, #tpu.memory_space<vmem>>, vector<32x32xf32>,
    %slice3A_1305 = vector.extract_strided_slice %dot_general3A_1180 {offsets = [0, 992], sizes = [32, 32], strides = [1, 1]} : vector<32x4096xf32> to vector<32x32xf32>
    %swap3A_1306 = arith.constant 992 : index
    %swap3A_1307 = arith.constant 64 : index
    %swap3A_1308 = vector.load %arg2[%swap3A_1306, %swap3A_1307] : memref<4096x128xf32, #tpu.memory_space<vmem>>, vector<32x32xf32>
    tpu.vector_store %arg2[%swap3A_1306, %swap3A_1307], %slice3A_1305 {strides = array<i32>} : memref<4096x128xf32, #tpu.memory_space<vmem>>, vector<32x32xf32>,
    %slice3A_1309 = vector.extract_strided_slice %dot_general3A_1180 {offsets = [0, 1024], sizes = [32, 32], strides = [1, 1]} : vector<32x4096xf32> to vector<32x32xf32>
    %swap3A_1310 = arith.constant 1024 : index
    %swap3A_1311 = arith.constant 64 : index
    %swap3A_1312 = vector.load %arg2[%swap3A_1310, %swap3A_1311] : memref<4096x128xf32, #tpu.memory_space<vmem>>, vector<32x32xf32>
    tpu.vector_store %arg2[%swap3A_1310, %swap3A_1311], %slice3A_1309 {strides = array<i32>} : memref<4096x128xf32, #tpu.memory_space<vmem>>, vector<32x32xf32>,
    %slice3A_1313 = vector.extract_strided_slice %dot_general3A_1180 {offsets = [0, 1056], sizes = [32, 32], strides = [1, 1]} : vector<32x4096xf32> to vector<32x32xf32>
    %swap3A_1314 = arith.constant 1056 : index
    %swap3A_1315 = arith.constant 64 : index
    %swap3A_1316 = vector.load %arg2[%swap3A_1314, %swap3A_1315] : memref<4096x128xf32, #tpu.memory_space<vmem>>, vector<32x32xf32>
    tpu.vector_store %arg2[%swap3A_1314, %swap3A_1315], %slice3A_1313 {strides = array<i32>} : memref<4096x128xf32, #tpu.memory_space<vmem>>, vector<32x32xf32>,
    %slice3A_1317 = vector.extract_strided_slice %dot_general3A_1180 {offsets = [0, 1088], sizes = [32, 32], strides = [1, 1]} : vector<32x4096xf32> to vector<32x32xf32>
    %swap3A_1318 = arith.constant 1088 : index
    %swap3A_1319 = arith.constant 64 : index
    %swap3A_1320 = vector.load %arg2[%swap3A_1318, %swap3A_1319] : memref<4096x128xf32, #tpu.memory_space<vmem>>, vector<32x32xf32>
    tpu.vector_store %arg2[%swap3A_1318, %swap3A_1319], %slice3A_1317 {strides = array<i32>} : memref<4096x128xf32, #tpu.memory_space<vmem>>, vector<32x32xf32>,
    %slice3A_1321 = vector.extract_strided_slice %dot_general3A_1180 {offsets = [0, 1120], sizes = [32, 32], strides = [1, 1]} : vector<32x4096xf32> to vector<32x32xf32>
    %swap3A_1322 = arith.constant 1120 : index
    %swap3A_1323 = arith.constant 64 : index
    %swap3A_1324 = vector.load %arg2[%swap3A_1322, %swap3A_1323] : memref<4096x128xf32, #tpu.memory_space<vmem>>, vector<32x32xf32>
    tpu.vector_store %arg2[%swap3A_1322, %swap3A_1323], %slice3A_1321 {strides = array<i32>} : memref<4096x128xf32, #tpu.memory_space<vmem>>, vector<32x32xf32>,
    %slice3A_1325 = vector.extract_strided_slice %dot_general3A_1180 {offsets = [0, 1152], sizes = [32, 32], strides = [1, 1]} : vector<32x4096xf32> to vector<32x32xf32>
    %swap3A_1326 = arith.constant 1152 : index
    %swap3A_1327 = arith.constant 64 : index
    %swap3A_1328 = vector.load %arg2[%swap3A_1326, %swap3A_1327] : memref<4096x128xf32, #tpu.memory_space<vmem>>, vector<32x32xf32>
    tpu.vector_store %arg2[%swap3A_1326, %swap3A_1327], %slice3A_1325 {strides = array<i32>} : memref<4096x128xf32, #tpu.memory_space<vmem>>, vector<32x32xf32>,
    %slice3A_1329 = vector.extract_strided_slice %dot_general3A_1180 {offsets = [0, 1184], sizes = [32, 32], strides = [1, 1]} : vector<32x4096xf32> to vector<32x32xf32>
    %swap3A_1330 = arith.constant 1184 : index
    %swap3A_1331 = arith.constant 64 : index
    %swap3A_1332 = vector.load %arg2[%swap3A_1330, %swap3A_1331] : memref<4096x128xf32, #tpu.memory_space<vmem>>, vector<32x32xf32>
    tpu.vector_store %arg2[%swap3A_1330, %swap3A_1331], %slice3A_1329 {strides = array<i32>} : memref<4096x128xf32, #tpu.memory_space<vmem>>, vector<32x32xf32>,
    %slice3A_1333 = vector.extract_strided_slice %dot_general3A_1180 {offsets = [0, 1216], sizes = [32, 32], strides = [1, 1]} : vector<32x4096xf32> to vector<32x32xf32>
    %swap3A_1334 = arith.constant 1216 : index
    %swap3A_1335 = arith.constant 64 : index
    %swap3A_1336 = vector.load %arg2[%swap3A_1334, %swap3A_1335] : memref<4096x128xf32, #tpu.memory_space<vmem>>, vector<32x32xf32>
    tpu.vector_store %arg2[%swap3A_1334, %swap3A_1335], %slice3A_1333 {strides = array<i32>} : memref<4096x128xf32, #tpu.memory_space<vmem>>, vector<32x32xf32>,
    %slice3A_1337 = vector.extract_strided_slice %dot_general3A_1180 {offsets = [0, 1248], sizes = [32, 32], strides = [1, 1]} : vector<32x4096xf32> to vector<32x32xf32>
    %swap3A_1338 = arith.constant 1248 : index
    %swap3A_1339 = arith.constant 64 : index
    %swap3A_1340 = vector.load %arg2[%swap3A_1338, %swap3A_1339] : memref<4096x128xf32, #tpu.memory_space<vmem>>, vector<32x32xf32>
    tpu.vector_store %arg2[%swap3A_1338, %swap3A_1339], %slice3A_1337 {strides = array<i32>} : memref<4096x128xf32, #tpu.memory_space<vmem>>, vector<32x32xf32>,
    %slice3A_1341 = vector.extract_strided_slice %dot_general3A_1180 {offsets = [0, 1280], sizes = [32, 32], strides = [1, 1]} : vector<32x4096xf32> to vector<32x32xf32>
    %swap3A_1342 = arith.constant 1280 : index
    %swap3A_1343 = arith.constant 64 : index
    %swap3A_1344 = vector.load %arg2[%swap3A_1342, %swap3A_1343] : memref<4096x128xf32, #tpu.memory_space<vmem>>, vector<32x32xf32>
    tpu.vector_store %arg2[%swap3A_1342, %swap3A_1343], %slice3A_1341 {strides = array<i32>} : memref<4096x128xf32, #tpu.memory_space<vmem>>, vector<32x32xf32>,
    %slice3A_1345 = vector.extract_strided_slice %dot_general3A_1180 {offsets = [0, 1312], sizes = [32, 32], strides = [1, 1]} : vector<32x4096xf32> to vector<32x32xf32>
    %swap3A_1346 = arith.constant 1312 : index
    %swap3A_1347 = arith.constant 64 : index
    %swap3A_1348 = vector.load %arg2[%swap3A_1346, %swap3A_1347] : memref<4096x128xf32, #tpu.memory_space<vmem>>, vector<32x32xf32>
    tpu.vector_store %arg2[%swap3A_1346, %swap3A_1347], %slice3A_1345 {strides = array<i32>} : memref<4096x128xf32, #tpu.memory_space<vmem>>, vector<32x32xf32>,
    %slice3A_1349 = vector.extract_strided_slice %dot_general3A_1180 {offsets = [0, 1344], sizes = [32, 32], strides = [1, 1]} : vector<32x4096xf32> to vector<32x32xf32>
    %swap3A_1350 = arith.constant 1344 : index
    %swap3A_1351 = arith.constant 64 : index
    %swap3A_1352 = vector.load %arg2[%swap3A_1350, %swap3A_1351] : memref<4096x128xf32, #tpu.memory_space<vmem>>, vector<32x32xf32>
    tpu.vector_store %arg2[%swap3A_1350, %swap3A_1351], %slice3A_1349 {strides = array<i32>} : memref<4096x128xf32, #tpu.memory_space<vmem>>, vector<32x32xf32>,
    %slice3A_1353 = vector.extract_strided_slice %dot_general3A_1180 {offsets = [0, 1376], sizes = [32, 32], strides = [1, 1]} : vector<32x4096xf32> to vector<32x32xf32>
    %swap3A_1354 = arith.constant 1376 : index
    %swap3A_1355 = arith.constant 64 : index
    %swap3A_1356 = vector.load %arg2[%swap3A_1354, %swap3A_1355] : memref<4096x128xf32, #tpu.memory_space<vmem>>, vector<32x32xf32>
    tpu.vector_store %arg2[%swap3A_1354, %swap3A_1355], %slice3A_1353 {strides = array<i32>} : memref<4096x128xf32, #tpu.memory_space<vmem>>, vector<32x32xf32>,
    %slice3A_1357 = vector.extract_strided_slice %dot_general3A_1180 {offsets = [0, 1408], sizes = [32, 32], strides = [1, 1]} : vector<32x4096xf32> to vector<32x32xf32>
    %swap3A_1358 = arith.constant 1408 : index
    %swap3A_1359 = arith.constant 64 : index
    %swap3A_1360 = vector.load %arg2[%swap3A_1358, %swap3A_1359] : memref<4096x128xf32, #tpu.memory_space<vmem>>, vector<32x32xf32>
    tpu.vector_store %arg2[%swap3A_1358, %swap3A_1359], %slice3A_1357 {strides = array<i32>} : memref<4096x128xf32, #tpu.memory_space<vmem>>, vector<32x32xf32>,
    %slice3A_1361 = vector.extract_strided_slice %dot_general3A_1180 {offsets = [0, 1440], sizes = [32, 32], strides = [1, 1]} : vector<32x4096xf32> to vector<32x32xf32>
    %swap3A_1362 = arith.constant 1440 : index
    %swap3A_1363 = arith.constant 64 : index
    %swap3A_1364 = vector.load %arg2[%swap3A_1362, %swap3A_1363] : memref<4096x128xf32, #tpu.memory_space<vmem>>, vector<32x32xf32>
    tpu.vector_store %arg2[%swap3A_1362, %swap3A_1363], %slice3A_1361 {strides = array<i32>} : memref<4096x128xf32, #tpu.memory_space<vmem>>, vector<32x32xf32>,
    %slice3A_1365 = vector.extract_strided_slice %dot_general3A_1180 {offsets = [0, 1472], sizes = [32, 32], strides = [1, 1]} : vector<32x4096xf32> to vector<32x32xf32>
    %swap3A_1366 = arith.constant 1472 : index
    %swap3A_1367 = arith.constant 64 : index
    %swap3A_1368 = vector.load %arg2[%swap3A_1366, %swap3A_1367] : memref<4096x128xf32, #tpu.memory_space<vmem>>, vector<32x32xf32>
    tpu.vector_store %arg2[%swap3A_1366, %swap3A_1367], %slice3A_1365 {strides = array<i32>} : memref<4096x128xf32, #tpu.memory_space<vmem>>, vector<32x32xf32>,
    %slice3A_1369 = vector.extract_strided_slice %dot_general3A_1180 {offsets = [0, 1504], sizes = [32, 32], strides = [1, 1]} : vector<32x4096xf32> to vector<32x32xf32>
    %swap3A_1370 = arith.constant 1504 : index
    %swap3A_1371 = arith.constant 64 : index
    %swap3A_1372 = vector.load %arg2[%swap3A_1370, %swap3A_1371] : memref<4096x128xf32, #tpu.memory_space<vmem>>, vector<32x32xf32>
    tpu.vector_store %arg2[%swap3A_1370, %swap3A_1371], %slice3A_1369 {strides = array<i32>} : memref<4096x128xf32, #tpu.memory_space<vmem>>, vector<32x32xf32>,
    %slice3A_1373 = vector.extract_strided_slice %dot_general3A_1180 {offsets = [0, 1536], sizes = [32, 32], strides = [1, 1]} : vector<32x4096xf32> to vector<32x32xf32>
    %swap3A_1374 = arith.constant 1536 : index
    %swap3A_1375 = arith.constant 64 : index
    %swap3A_1376 = vector.load %arg2[%swap3A_1374, %swap3A_1375] : memref<4096x128xf32, #tpu.memory_space<vmem>>, vector<32x32xf32>
    tpu.vector_store %arg2[%swap3A_1374, %swap3A_1375], %slice3A_1373 {strides = array<i32>} : memref<4096x128xf32, #tpu.memory_space<vmem>>, vector<32x32xf32>,
    %slice3A_1377 = vector.extract_strided_slice %dot_general3A_1180 {offsets = [0, 1568], sizes = [32, 32], strides = [1, 1]} : vector<32x4096xf32> to vector<32x32xf32>
    %swap3A_1378 = arith.constant 1568 : index
    %swap3A_1379 = arith.constant 64 : index
    %swap3A_1380 = vector.load %arg2[%swap3A_1378, %swap3A_1379] : memref<4096x128xf32, #tpu.memory_space<vmem>>, vector<32x32xf32>
    tpu.vector_store %arg2[%swap3A_1378, %swap3A_1379], %slice3A_1377 {strides = array<i32>} : memref<4096x128xf32, #tpu.memory_space<vmem>>, vector<32x32xf32>,
    %slice3A_1381 = vector.extract_strided_slice %dot_general3A_1180 {offsets = [0, 1600], sizes = [32, 32], strides = [1, 1]} : vector<32x4096xf32> to vector<32x32xf32>
    %swap3A_1382 = arith.constant 1600 : index
    %swap3A_1383 = arith.constant 64 : index
    %swap3A_1384 = vector.load %arg2[%swap3A_1382, %swap3A_1383] : memref<4096x128xf32, #tpu.memory_space<vmem>>, vector<32x32xf32>
    tpu.vector_store %arg2[%swap3A_1382, %swap3A_1383], %slice3A_1381 {strides = array<i32>} : memref<4096x128xf32, #tpu.memory_space<vmem>>, vector<32x32xf32>,
    %slice3A_1385 = vector.extract_strided_slice %dot_general3A_1180 {offsets = [0, 1632], sizes = [32, 32], strides = [1, 1]} : vector<32x4096xf32> to vector<32x32xf32>
    %swap3A_1386 = arith.constant 1632 : index
    %swap3A_1387 = arith.constant 64 : index
    %swap3A_1388 = vector.load %arg2[%swap3A_1386, %swap3A_1387] : memref<4096x128xf32, #tpu.memory_space<vmem>>, vector<32x32xf32>
    tpu.vector_store %arg2[%swap3A_1386, %swap3A_1387], %slice3A_1385 {strides = array<i32>} : memref<4096x128xf32, #tpu.memory_space<vmem>>, vector<32x32xf32>,
    %slice3A_1389 = vector.extract_strided_slice %dot_general3A_1180 {offsets = [0, 1664], sizes = [32, 32], strides = [1, 1]} : vector<32x4096xf32> to vector<32x32xf32>
    %swap3A_1390 = arith.constant 1664 : index
    %swap3A_1391 = arith.constant 64 : index
    %swap3A_1392 = vector.load %arg2[%swap3A_1390, %swap3A_1391] : memref<4096x128xf32, #tpu.memory_space<vmem>>, vector<32x32xf32>
    tpu.vector_store %arg2[%swap3A_1390, %swap3A_1391], %slice3A_1389 {strides = array<i32>} : memref<4096x128xf32, #tpu.memory_space<vmem>>, vector<32x32xf32>,
    %slice3A_1393 = vector.extract_strided_slice %dot_general3A_1180 {offsets = [0, 1696], sizes = [32, 32], strides = [1, 1]} : vector<32x4096xf32> to vector<32x32xf32>
    %swap3A_1394 = arith.constant 1696 : index
    %swap3A_1395 = arith.constant 64 : index
    %swap3A_1396 = vector.load %arg2[%swap3A_1394, %swap3A_1395] : memref<4096x128xf32, #tpu.memory_space<vmem>>, vector<32x32xf32>
    tpu.vector_store %arg2[%swap3A_1394, %swap3A_1395], %slice3A_1393 {strides = array<i32>} : memref<4096x128xf32, #tpu.memory_space<vmem>>, vector<32x32xf32>,
    %slice3A_1397 = vector.extract_strided_slice %dot_general3A_1180 {offsets = [0, 1728], sizes = [32, 32], strides = [1, 1]} : vector<32x4096xf32> to vector<32x32xf32>
    %swap3A_1398 = arith.constant 1728 : index
    %swap3A_1399 = arith.constant 64 : index
    %swap3A_1400 = vector.load %arg2[%swap3A_1398, %swap3A_1399] : memref<4096x128xf32, #tpu.memory_space<vmem>>, vector<32x32xf32>
    tpu.vector_store %arg2[%swap3A_1398, %swap3A_1399], %slice3A_1397 {strides = array<i32>} : memref<4096x128xf32, #tpu.memory_space<vmem>>, vector<32x32xf32>,
    %slice3A_1401 = vector.extract_strided_slice %dot_general3A_1180 {offsets = [0, 1760], sizes = [32, 32], strides = [1, 1]} : vector<32x4096xf32> to vector<32x32xf32>
    %swap3A_1402 = arith.constant 1760 : index
    %swap3A_1403 = arith.constant 64 : index
    %swap3A_1404 = vector.load %arg2[%swap3A_1402, %swap3A_1403] : memref<4096x128xf32, #tpu.memory_space<vmem>>, vector<32x32xf32>
    tpu.vector_store %arg2[%swap3A_1402, %swap3A_1403], %slice3A_1401 {strides = array<i32>} : memref<4096x128xf32, #tpu.memory_space<vmem>>, vector<32x32xf32>,
    %slice3A_1405 = vector.extract_strided_slice %dot_general3A_1180 {offsets = [0, 1792], sizes = [32, 32], strides = [1, 1]} : vector<32x4096xf32> to vector<32x32xf32>
    %swap3A_1406 = arith.constant 1792 : index
    %swap3A_1407 = arith.constant 64 : index
    %swap3A_1408 = vector.load %arg2[%swap3A_1406, %swap3A_1407] : memref<4096x128xf32, #tpu.memory_space<vmem>>, vector<32x32xf32>
    tpu.vector_store %arg2[%swap3A_1406, %swap3A_1407], %slice3A_1405 {strides = array<i32>} : memref<4096x128xf32, #tpu.memory_space<vmem>>, vector<32x32xf32>,
    %slice3A_1409 = vector.extract_strided_slice %dot_general3A_1180 {offsets = [0, 1824], sizes = [32, 32], strides = [1, 1]} : vector<32x4096xf32> to vector<32x32xf32>
    %swap3A_1410 = arith.constant 1824 : index
    %swap3A_1411 = arith.constant 64 : index
    %swap3A_1412 = vector.load %arg2[%swap3A_1410, %swap3A_1411] : memref<4096x128xf32, #tpu.memory_space<vmem>>, vector<32x32xf32>
    tpu.vector_store %arg2[%swap3A_1410, %swap3A_1411], %slice3A_1409 {strides = array<i32>} : memref<4096x128xf32, #tpu.memory_space<vmem>>, vector<32x32xf32>,
    %slice3A_1413 = vector.extract_strided_slice %dot_general3A_1180 {offsets = [0, 1856], sizes = [32, 32], strides = [1, 1]} : vector<32x4096xf32> to vector<32x32xf32>
    %swap3A_1414 = arith.constant 1856 : index
    %swap3A_1415 = arith.constant 64 : index
    %swap3A_1416 = vector.load %arg2[%swap3A_1414, %swap3A_1415] : memref<4096x128xf32, #tpu.memory_space<vmem>>, vector<32x32xf32>
    tpu.vector_store %arg2[%swap3A_1414, %swap3A_1415], %slice3A_1413 {strides = array<i32>} : memref<4096x128xf32, #tpu.memory_space<vmem>>, vector<32x32xf32>,
    %slice3A_1417 = vector.extract_strided_slice %dot_general3A_1180 {offsets = [0, 1888], sizes = [32, 32], strides = [1, 1]} : vector<32x4096xf32> to vector<32x32xf32>
    %swap3A_1418 = arith.constant 1888 : index
    %swap3A_1419 = arith.constant 64 : index
    %swap3A_1420 = vector.load %arg2[%swap3A_1418, %swap3A_1419] : memref<4096x128xf32, #tpu.memory_space<vmem>>, vector<32x32xf32>
    tpu.vector_store %arg2[%swap3A_1418, %swap3A_1419], %slice3A_1417 {strides = array<i32>} : memref<4096x128xf32, #tpu.memory_space<vmem>>, vector<32x32xf32>,
    %slice3A_1421 = vector.extract_strided_slice %dot_general3A_1180 {offsets = [0, 1920], sizes = [32, 32], strides = [1, 1]} : vector<32x4096xf32> to vector<32x32xf32>
    %swap3A_1422 = arith.constant 1920 : index
    %swap3A_1423 = arith.constant 64 : index
    %swap3A_1424 = vector.load %arg2[%swap3A_1422, %swap3A_1423] : memref<4096x128xf32, #tpu.memory_space<vmem>>, vector<32x32xf32>
    tpu.vector_store %arg2[%swap3A_1422, %swap3A_1423], %slice3A_1421 {strides = array<i32>} : memref<4096x128xf32, #tpu.memory_space<vmem>>, vector<32x32xf32>,
    %slice3A_1425 = vector.extract_strided_slice %dot_general3A_1180 {offsets = [0, 1952], sizes = [32, 32], strides = [1, 1]} : vector<32x4096xf32> to vector<32x32xf32>
    %swap3A_1426 = arith.constant 1952 : index
    %swap3A_1427 = arith.constant 64 : index
    %swap3A_1428 = vector.load %arg2[%swap3A_1426, %swap3A_1427] : memref<4096x128xf32, #tpu.memory_space<vmem>>, vector<32x32xf32>
    tpu.vector_store %arg2[%swap3A_1426, %swap3A_1427], %slice3A_1425 {strides = array<i32>} : memref<4096x128xf32, #tpu.memory_space<vmem>>, vector<32x32xf32>,
    %slice3A_1429 = vector.extract_strided_slice %dot_general3A_1180 {offsets = [0, 1984], sizes = [32, 32], strides = [1, 1]} : vector<32x4096xf32> to vector<32x32xf32>
    %swap3A_1430 = arith.constant 1984 : index
    %swap3A_1431 = arith.constant 64 : index
    %swap3A_1432 = vector.load %arg2[%swap3A_1430, %swap3A_1431] : memref<4096x128xf32, #tpu.memory_space<vmem>>, vector<32x32xf32>
    tpu.vector_store %arg2[%swap3A_1430, %swap3A_1431], %slice3A_1429 {strides = array<i32>} : memref<4096x128xf32, #tpu.memory_space<vmem>>, vector<32x32xf32>,
    %slice3A_1433 = vector.extract_strided_slice %dot_general3A_1180 {offsets = [0, 2016], sizes = [32, 32], strides = [1, 1]} : vector<32x4096xf32> to vector<32x32xf32>
    %swap3A_1434 = arith.constant 2016 : index
    %swap3A_1435 = arith.constant 64 : index
    %swap3A_1436 = vector.load %arg2[%swap3A_1434, %swap3A_1435] : memref<4096x128xf32, #tpu.memory_space<vmem>>, vector<32x32xf32>
    tpu.vector_store %arg2[%swap3A_1434, %swap3A_1435], %slice3A_1433 {strides = array<i32>} : memref<4096x128xf32, #tpu.memory_space<vmem>>, vector<32x32xf32>,
    %slice3A_1437 = vector.extract_strided_slice %dot_general3A_1180 {offsets = [0, 2048], sizes = [32, 32], strides = [1, 1]} : vector<32x4096xf32> to vector<32x32xf32>
    %swap3A_1438 = arith.constant 2048 : index
    %swap3A_1439 = arith.constant 64 : index
    %swap3A_1440 = vector.load %arg2[%swap3A_1438, %swap3A_1439] : memref<4096x128xf32, #tpu.memory_space<vmem>>, vector<32x32xf32>
    tpu.vector_store %arg2[%swap3A_1438, %swap3A_1439], %slice3A_1437 {strides = array<i32>} : memref<4096x128xf32, #tpu.memory_space<vmem>>, vector<32x32xf32>,
    %slice3A_1441 = vector.extract_strided_slice %dot_general3A_1180 {offsets = [0, 2080], sizes = [32, 32], strides = [1, 1]} : vector<32x4096xf32> to vector<32x32xf32>
    %swap3A_1442 = arith.constant 2080 : index
    %swap3A_1443 = arith.constant 64 : index
    %swap3A_1444 = vector.load %arg2[%swap3A_1442, %swap3A_1443] : memref<4096x128xf32, #tpu.memory_space<vmem>>, vector<32x32xf32>
    tpu.vector_store %arg2[%swap3A_1442, %swap3A_1443], %slice3A_1441 {strides = array<i32>} : memref<4096x128xf32, #tpu.memory_space<vmem>>, vector<32x32xf32>,
    %slice3A_1445 = vector.extract_strided_slice %dot_general3A_1180 {offsets = [0, 2112], sizes = [32, 32], strides = [1, 1]} : vector<32x4096xf32> to vector<32x32xf32>
    %swap3A_1446 = arith.constant 2112 : index
    %swap3A_1447 = arith.constant 64 : index
    %swap3A_1448 = vector.load %arg2[%swap3A_1446, %swap3A_1447] : memref<4096x128xf32, #tpu.memory_space<vmem>>, vector<32x32xf32>
    tpu.vector_store %arg2[%swap3A_1446, %swap3A_1447], %slice3A_1445 {strides = array<i32>} : memref<4096x128xf32, #tpu.memory_space<vmem>>, vector<32x32xf32>,
    %slice3A_1449 = vector.extract_strided_slice %dot_general3A_1180 {offsets = [0, 2144], sizes = [32, 32], strides = [1, 1]} : vector<32x4096xf32> to vector<32x32xf32>
    %swap3A_1450 = arith.constant 2144 : index
    %swap3A_1451 = arith.constant 64 : index
    %swap3A_1452 = vector.load %arg2[%swap3A_1450, %swap3A_1451] : memref<4096x128xf32, #tpu.memory_space<vmem>>, vector<32x32xf32>
    tpu.vector_store %arg2[%swap3A_1450, %swap3A_1451], %slice3A_1449 {strides = array<i32>} : memref<4096x128xf32, #tpu.memory_space<vmem>>, vector<32x32xf32>,
    %slice3A_1453 = vector.extract_strided_slice %dot_general3A_1180 {offsets = [0, 2176], sizes = [32, 32], strides = [1, 1]} : vector<32x4096xf32> to vector<32x32xf32>
    %swap3A_1454 = arith.constant 2176 : index
    %swap3A_1455 = arith.constant 64 : index
    %swap3A_1456 = vector.load %arg2[%swap3A_1454, %swap3A_1455] : memref<4096x128xf32, #tpu.memory_space<vmem>>, vector<32x32xf32>
    tpu.vector_store %arg2[%swap3A_1454, %swap3A_1455], %slice3A_1453 {strides = array<i32>} : memref<4096x128xf32, #tpu.memory_space<vmem>>, vector<32x32xf32>,
    %slice3A_1457 = vector.extract_strided_slice %dot_general3A_1180 {offsets = [0, 2208], sizes = [32, 32], strides = [1, 1]} : vector<32x4096xf32> to vector<32x32xf32>
    %swap3A_1458 = arith.constant 2208 : index
    %swap3A_1459 = arith.constant 64 : index
    %swap3A_1460 = vector.load %arg2[%swap3A_1458, %swap3A_1459] : memref<4096x128xf32, #tpu.memory_space<vmem>>, vector<32x32xf32>
    tpu.vector_store %arg2[%swap3A_1458, %swap3A_1459], %slice3A_1457 {strides = array<i32>} : memref<4096x128xf32, #tpu.memory_space<vmem>>, vector<32x32xf32>,
    %slice3A_1461 = vector.extract_strided_slice %dot_general3A_1180 {offsets = [0, 2240], sizes = [32, 32], strides = [1, 1]} : vector<32x4096xf32> to vector<32x32xf32>
    %swap3A_1462 = arith.constant 2240 : index
    %swap3A_1463 = arith.constant 64 : index
    %swap3A_1464 = vector.load %arg2[%swap3A_1462, %swap3A_1463] : memref<4096x128xf32, #tpu.memory_space<vmem>>, vector<32x32xf32>
    tpu.vector_store %arg2[%swap3A_1462, %swap3A_1463], %slice3A_1461 {strides = array<i32>} : memref<4096x128xf32, #tpu.memory_space<vmem>>, vector<32x32xf32>,
    %slice3A_1465 = vector.extract_strided_slice %dot_general3A_1180 {offsets = [0, 2272], sizes = [32, 32], strides = [1, 1]} : vector<32x4096xf32> to vector<32x32xf32>
    %swap3A_1466 = arith.constant 2272 : index
    %swap3A_1467 = arith.constant 64 : index
    %swap3A_1468 = vector.load %arg2[%swap3A_1466, %swap3A_1467] : memref<4096x128xf32, #tpu.memory_space<vmem>>, vector<32x32xf32>
    tpu.vector_store %arg2[%swap3A_1466, %swap3A_1467], %slice3A_1465 {strides = array<i32>} : memref<4096x128xf32, #tpu.memory_space<vmem>>, vector<32x32xf32>,
    %slice3A_1469 = vector.extract_strided_slice %dot_general3A_1180 {offsets = [0, 2304], sizes = [32, 32], strides = [1, 1]} : vector<32x4096xf32> to vector<32x32xf32>
    %swap3A_1470 = arith.constant 2304 : index
    %swap3A_1471 = arith.constant 64 : index
    %swap3A_1472 = vector.load %arg2[%swap3A_1470, %swap3A_1471] : memref<4096x128xf32, #tpu.memory_space<vmem>>, vector<32x32xf32>
    tpu.vector_store %arg2[%swap3A_1470, %swap3A_1471], %slice3A_1469 {strides = array<i32>} : memref<4096x128xf32, #tpu.memory_space<vmem>>, vector<32x32xf32>,
    %slice3A_1473 = vector.extract_strided_slice %dot_general3A_1180 {offsets = [0, 2336], sizes = [32, 32], strides = [1, 1]} : vector<32x4096xf32> to vector<32x32xf32>
    %swap3A_1474 = arith.constant 2336 : index
    %swap3A_1475 = arith.constant 64 : index
    %swap3A_1476 = vector.load %arg2[%swap3A_1474, %swap3A_1475] : memref<4096x128xf32, #tpu.memory_space<vmem>>, vector<32x32xf32>
    tpu.vector_store %arg2[%swap3A_1474, %swap3A_1475], %slice3A_1473 {strides = array<i32>} : memref<4096x128xf32, #tpu.memory_space<vmem>>, vector<32x32xf32>,
    %slice3A_1477 = vector.extract_strided_slice %dot_general3A_1180 {offsets = [0, 2368], sizes = [32, 32], strides = [1, 1]} : vector<32x4096xf32> to vector<32x32xf32>
    %swap3A_1478 = arith.constant 2368 : index
    %swap3A_1479 = arith.constant 64 : index
    %swap3A_1480 = vector.load %arg2[%swap3A_1478, %swap3A_1479] : memref<4096x128xf32, #tpu.memory_space<vmem>>, vector<32x32xf32>
    tpu.vector_store %arg2[%swap3A_1478, %swap3A_1479], %slice3A_1477 {strides = array<i32>} : memref<4096x128xf32, #tpu.memory_space<vmem>>, vector<32x32xf32>,
    %slice3A_1481 = vector.extract_strided_slice %dot_general3A_1180 {offsets = [0, 2400], sizes = [32, 32], strides = [1, 1]} : vector<32x4096xf32> to vector<32x32xf32>
    %swap3A_1482 = arith.constant 2400 : index
    %swap3A_1483 = arith.constant 64 : index
    %swap3A_1484 = vector.load %arg2[%swap3A_1482, %swap3A_1483] : memref<4096x128xf32, #tpu.memory_space<vmem>>, vector<32x32xf32>
    tpu.vector_store %arg2[%swap3A_1482, %swap3A_1483], %slice3A_1481 {strides = array<i32>} : memref<4096x128xf32, #tpu.memory_space<vmem>>, vector<32x32xf32>,
    %slice3A_1485 = vector.extract_strided_slice %dot_general3A_1180 {offsets = [0, 2432], sizes = [32, 32], strides = [1, 1]} : vector<32x4096xf32> to vector<32x32xf32>
    %swap3A_1486 = arith.constant 2432 : index
    %swap3A_1487 = arith.constant 64 : index
    %swap3A_1488 = vector.load %arg2[%swap3A_1486, %swap3A_1487] : memref<4096x128xf32, #tpu.memory_space<vmem>>, vector<32x32xf32>
    tpu.vector_store %arg2[%swap3A_1486, %swap3A_1487], %slice3A_1485 {strides = array<i32>} : memref<4096x128xf32, #tpu.memory_space<vmem>>, vector<32x32xf32>,
    %slice3A_1489 = vector.extract_strided_slice %dot_general3A_1180 {offsets = [0, 2464], sizes = [32, 32], strides = [1, 1]} : vector<32x4096xf32> to vector<32x32xf32>
    %swap3A_1490 = arith.constant 2464 : index
    %swap3A_1491 = arith.constant 64 : index
    %swap3A_1492 = vector.load %arg2[%swap3A_1490, %swap3A_1491] : memref<4096x128xf32, #tpu.memory_space<vmem>>, vector<32x32xf32>
    tpu.vector_store %arg2[%swap3A_1490, %swap3A_1491], %slice3A_1489 {strides = array<i32>} : memref<4096x128xf32, #tpu.memory_space<vmem>>, vector<32x32xf32>,
    %slice3A_1493 = vector.extract_strided_slice %dot_general3A_1180 {offsets = [0, 2496], sizes = [32, 32], strides = [1, 1]} : vector<32x4096xf32> to vector<32x32xf32>
    %swap3A_1494 = arith.constant 2496 : index
    %swap3A_1495 = arith.constant 64 : index
    %swap3A_1496 = vector.load %arg2[%swap3A_1494, %swap3A_1495] : memref<4096x128xf32, #tpu.memory_space<vmem>>, vector<32x32xf32>
    tpu.vector_store %arg2[%swap3A_1494, %swap3A_1495], %slice3A_1493 {strides = array<i32>} : memref<4096x128xf32, #tpu.memory_space<vmem>>, vector<32x32xf32>,
    %slice3A_1497 = vector.extract_strided_slice %dot_general3A_1180 {offsets = [0, 2528], sizes = [32, 32], strides = [1, 1]} : vector<32x4096xf32> to vector<32x32xf32>
    %swap3A_1498 = arith.constant 2528 : index
    %swap3A_1499 = arith.constant 64 : index
    %swap3A_1500 = vector.load %arg2[%swap3A_1498, %swap3A_1499] : memref<4096x128xf32, #tpu.memory_space<vmem>>, vector<32x32xf32>
    tpu.vector_store %arg2[%swap3A_1498, %swap3A_1499], %slice3A_1497 {strides = array<i32>} : memref<4096x128xf32, #tpu.memory_space<vmem>>, vector<32x32xf32>,
    %slice3A_1501 = vector.extract_strided_slice %dot_general3A_1180 {offsets = [0, 2560], sizes = [32, 32], strides = [1, 1]} : vector<32x4096xf32> to vector<32x32xf32>
    %swap3A_1502 = arith.constant 2560 : index
    %swap3A_1503 = arith.constant 64 : index
    %swap3A_1504 = vector.load %arg2[%swap3A_1502, %swap3A_1503] : memref<4096x128xf32, #tpu.memory_space<vmem>>, vector<32x32xf32>
    tpu.vector_store %arg2[%swap3A_1502, %swap3A_1503], %slice3A_1501 {strides = array<i32>} : memref<4096x128xf32, #tpu.memory_space<vmem>>, vector<32x32xf32>,
    %slice3A_1505 = vector.extract_strided_slice %dot_general3A_1180 {offsets = [0, 2592], sizes = [32, 32], strides = [1, 1]} : vector<32x4096xf32> to vector<32x32xf32>
    %swap3A_1506 = arith.constant 2592 : index
    %swap3A_1507 = arith.constant 64 : index
    %swap3A_1508 = vector.load %arg2[%swap3A_1506, %swap3A_1507] : memref<4096x128xf32, #tpu.memory_space<vmem>>, vector<32x32xf32>
    tpu.vector_store %arg2[%swap3A_1506, %swap3A_1507], %slice3A_1505 {strides = array<i32>} : memref<4096x128xf32, #tpu.memory_space<vmem>>, vector<32x32xf32>,
    %slice3A_1509 = vector.extract_strided_slice %dot_general3A_1180 {offsets = [0, 2624], sizes = [32, 32], strides = [1, 1]} : vector<32x4096xf32> to vector<32x32xf32>
    %swap3A_1510 = arith.constant 2624 : index
    %swap3A_1511 = arith.constant 64 : index
    %swap3A_1512 = vector.load %arg2[%swap3A_1510, %swap3A_1511] : memref<4096x128xf32, #tpu.memory_space<vmem>>, vector<32x32xf32>
    tpu.vector_store %arg2[%swap3A_1510, %swap3A_1511], %slice3A_1509 {strides = array<i32>} : memref<4096x128xf32, #tpu.memory_space<vmem>>, vector<32x32xf32>,
    %slice3A_1513 = vector.extract_strided_slice %dot_general3A_1180 {offsets = [0, 2656], sizes = [32, 32], strides = [1, 1]} : vector<32x4096xf32> to vector<32x32xf32>
    %swap3A_1514 = arith.constant 2656 : index
    %swap3A_1515 = arith.constant 64 : index
    %swap3A_1516 = vector.load %arg2[%swap3A_1514, %swap3A_1515] : memref<4096x128xf32, #tpu.memory_space<vmem>>, vector<32x32xf32>
    tpu.vector_store %arg2[%swap3A_1514, %swap3A_1515], %slice3A_1513 {strides = array<i32>} : memref<4096x128xf32, #tpu.memory_space<vmem>>, vector<32x32xf32>,
    %slice3A_1517 = vector.extract_strided_slice %dot_general3A_1180 {offsets = [0, 2688], sizes = [32, 32], strides = [1, 1]} : vector<32x4096xf32> to vector<32x32xf32>
    %swap3A_1518 = arith.constant 2688 : index
    %swap3A_1519 = arith.constant 64 : index
    %swap3A_1520 = vector.load %arg2[%swap3A_1518, %swap3A_1519] : memref<4096x128xf32, #tpu.memory_space<vmem>>, vector<32x32xf32>
    tpu.vector_store %arg2[%swap3A_1518, %swap3A_1519], %slice3A_1517 {strides = array<i32>} : memref<4096x128xf32, #tpu.memory_space<vmem>>, vector<32x32xf32>,
    %slice3A_1521 = vector.extract_strided_slice %dot_general3A_1180 {offsets = [0, 2720], sizes = [32, 32], strides = [1, 1]} : vector<32x4096xf32> to vector<32x32xf32>
    %swap3A_1522 = arith.constant 2720 : index
    %swap3A_1523 = arith.constant 64 : index
    %swap3A_1524 = vector.load %arg2[%swap3A_1522, %swap3A_1523] : memref<4096x128xf32, #tpu.memory_space<vmem>>, vector<32x32xf32>
    tpu.vector_store %arg2[%swap3A_1522, %swap3A_1523], %slice3A_1521 {strides = array<i32>} : memref<4096x128xf32, #tpu.memory_space<vmem>>, vector<32x32xf32>,
    %slice3A_1525 = vector.extract_strided_slice %dot_general3A_1180 {offsets = [0, 2752], sizes = [32, 32], strides = [1, 1]} : vector<32x4096xf32> to vector<32x32xf32>
    %swap3A_1526 = arith.constant 2752 : index
    %swap3A_1527 = arith.constant 64 : index
    %swap3A_1528 = vector.load %arg2[%swap3A_1526, %swap3A_1527] : memref<4096x128xf32, #tpu.memory_space<vmem>>, vector<32x32xf32>
    tpu.vector_store %arg2[%swap3A_1526, %swap3A_1527], %slice3A_1525 {strides = array<i32>} : memref<4096x128xf32, #tpu.memory_space<vmem>>, vector<32x32xf32>,
    %slice3A_1529 = vector.extract_strided_slice %dot_general3A_1180 {offsets = [0, 2784], sizes = [32, 32], strides = [1, 1]} : vector<32x4096xf32> to vector<32x32xf32>
    %swap3A_1530 = arith.constant 2784 : index
    %swap3A_1531 = arith.constant 64 : index
    %swap3A_1532 = vector.load %arg2[%swap3A_1530, %swap3A_1531] : memref<4096x128xf32, #tpu.memory_space<vmem>>, vector<32x32xf32>
    tpu.vector_store %arg2[%swap3A_1530, %swap3A_1531], %slice3A_1529 {strides = array<i32>} : memref<4096x128xf32, #tpu.memory_space<vmem>>, vector<32x32xf32>,
    %slice3A_1533 = vector.extract_strided_slice %dot_general3A_1180 {offsets = [0, 2816], sizes = [32, 32], strides = [1, 1]} : vector<32x4096xf32> to vector<32x32xf32>
    %swap3A_1534 = arith.constant 2816 : index
    %swap3A_1535 = arith.constant 64 : index
    %swap3A_1536 = vector.load %arg2[%swap3A_1534, %swap3A_1535] : memref<4096x128xf32, #tpu.memory_space<vmem>>, vector<32x32xf32>
    tpu.vector_store %arg2[%swap3A_1534, %swap3A_1535], %slice3A_1533 {strides = array<i32>} : memref<4096x128xf32, #tpu.memory_space<vmem>>, vector<32x32xf32>,
    %slice3A_1537 = vector.extract_strided_slice %dot_general3A_1180 {offsets = [0, 2848], sizes = [32, 32], strides = [1, 1]} : vector<32x4096xf32> to vector<32x32xf32>
    %swap3A_1538 = arith.constant 2848 : index
    %swap3A_1539 = arith.constant 64 : index
    %swap3A_1540 = vector.load %arg2[%swap3A_1538, %swap3A_1539] : memref<4096x128xf32, #tpu.memory_space<vmem>>, vector<32x32xf32>
    tpu.vector_store %arg2[%swap3A_1538, %swap3A_1539], %slice3A_1537 {strides = array<i32>} : memref<4096x128xf32, #tpu.memory_space<vmem>>, vector<32x32xf32>,
    %slice3A_1541 = vector.extract_strided_slice %dot_general3A_1180 {offsets = [0, 2880], sizes = [32, 32], strides = [1, 1]} : vector<32x4096xf32> to vector<32x32xf32>
    %swap3A_1542 = arith.constant 2880 : index
    %swap3A_1543 = arith.constant 64 : index
    %swap3A_1544 = vector.load %arg2[%swap3A_1542, %swap3A_1543] : memref<4096x128xf32, #tpu.memory_space<vmem>>, vector<32x32xf32>
    tpu.vector_store %arg2[%swap3A_1542, %swap3A_1543], %slice3A_1541 {strides = array<i32>} : memref<4096x128xf32, #tpu.memory_space<vmem>>, vector<32x32xf32>,
    %slice3A_1545 = vector.extract_strided_slice %dot_general3A_1180 {offsets = [0, 2912], sizes = [32, 32], strides = [1, 1]} : vector<32x4096xf32> to vector<32x32xf32>
    %swap3A_1546 = arith.constant 2912 : index
    %swap3A_1547 = arith.constant 64 : index
    %swap3A_1548 = vector.load %arg2[%swap3A_1546, %swap3A_1547] : memref<4096x128xf32, #tpu.memory_space<vmem>>, vector<32x32xf32>
    tpu.vector_store %arg2[%swap3A_1546, %swap3A_1547], %slice3A_1545 {strides = array<i32>} : memref<4096x128xf32, #tpu.memory_space<vmem>>, vector<32x32xf32>,
    %slice3A_1549 = vector.extract_strided_slice %dot_general3A_1180 {offsets = [0, 2944], sizes = [32, 32], strides = [1, 1]} : vector<32x4096xf32> to vector<32x32xf32>
    %swap3A_1550 = arith.constant 2944 : index
    %swap3A_1551 = arith.constant 64 : index
    %swap3A_1552 = vector.load %arg2[%swap3A_1550, %swap3A_1551] : memref<4096x128xf32, #tpu.memory_space<vmem>>, vector<32x32xf32>
    tpu.vector_store %arg2[%swap3A_1550, %swap3A_1551], %slice3A_1549 {strides = array<i32>} : memref<4096x128xf32, #tpu.memory_space<vmem>>, vector<32x32xf32>,
    %slice3A_1553 = vector.extract_strided_slice %dot_general3A_1180 {offsets = [0, 2976], sizes = [32, 32], strides = [1, 1]} : vector<32x4096xf32> to vector<32x32xf32>
    %swap3A_1554 = arith.constant 2976 : index
    %swap3A_1555 = arith.constant 64 : index
    %swap3A_1556 = vector.load %arg2[%swap3A_1554, %swap3A_1555] : memref<4096x128xf32, #tpu.memory_space<vmem>>, vector<32x32xf32>
    tpu.vector_store %arg2[%swap3A_1554, %swap3A_1555], %slice3A_1553 {strides = array<i32>} : memref<4096x128xf32, #tpu.memory_space<vmem>>, vector<32x32xf32>,
    %slice3A_1557 = vector.extract_strided_slice %dot_general3A_1180 {offsets = [0, 3008], sizes = [32, 32], strides = [1, 1]} : vector<32x4096xf32> to vector<32x32xf32>
    %swap3A_1558 = arith.constant 3008 : index
    %swap3A_1559 = arith.constant 64 : index
    %swap3A_1560 = vector.load %arg2[%swap3A_1558, %swap3A_1559] : memref<4096x128xf32, #tpu.memory_space<vmem>>, vector<32x32xf32>
    tpu.vector_store %arg2[%swap3A_1558, %swap3A_1559], %slice3A_1557 {strides = array<i32>} : memref<4096x128xf32, #tpu.memory_space<vmem>>, vector<32x32xf32>,
    %slice3A_1561 = vector.extract_strided_slice %dot_general3A_1180 {offsets = [0, 3040], sizes = [32, 32], strides = [1, 1]} : vector<32x4096xf32> to vector<32x32xf32>
    %swap3A_1562 = arith.constant 3040 : index
    %swap3A_1563 = arith.constant 64 : index
    %swap3A_1564 = vector.load %arg2[%swap3A_1562, %swap3A_1563] : memref<4096x128xf32, #tpu.memory_space<vmem>>, vector<32x32xf32>
    tpu.vector_store %arg2[%swap3A_1562, %swap3A_1563], %slice3A_1561 {strides = array<i32>} : memref<4096x128xf32, #tpu.memory_space<vmem>>, vector<32x32xf32>,
    %slice3A_1565 = vector.extract_strided_slice %dot_general3A_1180 {offsets = [0, 3072], sizes = [32, 32], strides = [1, 1]} : vector<32x4096xf32> to vector<32x32xf32>
    %swap3A_1566 = arith.constant 3072 : index
    %swap3A_1567 = arith.constant 64 : index
    %swap3A_1568 = vector.load %arg2[%swap3A_1566, %swap3A_1567] : memref<4096x128xf32, #tpu.memory_space<vmem>>, vector<32x32xf32>
    tpu.vector_store %arg2[%swap3A_1566, %swap3A_1567], %slice3A_1565 {strides = array<i32>} : memref<4096x128xf32, #tpu.memory_space<vmem>>, vector<32x32xf32>,
    %slice3A_1569 = vector.extract_strided_slice %dot_general3A_1180 {offsets = [0, 3104], sizes = [32, 32], strides = [1, 1]} : vector<32x4096xf32> to vector<32x32xf32>
    %swap3A_1570 = arith.constant 3104 : index
    %swap3A_1571 = arith.constant 64 : index
    %swap3A_1572 = vector.load %arg2[%swap3A_1570, %swap3A_1571] : memref<4096x128xf32, #tpu.memory_space<vmem>>, vector<32x32xf32>
    tpu.vector_store %arg2[%swap3A_1570, %swap3A_1571], %slice3A_1569 {strides = array<i32>} : memref<4096x128xf32, #tpu.memory_space<vmem>>, vector<32x32xf32>,
    %slice3A_1573 = vector.extract_strided_slice %dot_general3A_1180 {offsets = [0, 3136], sizes = [32, 32], strides = [1, 1]} : vector<32x4096xf32> to vector<32x32xf32>
    %swap3A_1574 = arith.constant 3136 : index
    %swap3A_1575 = arith.constant 64 : index
    %swap3A_1576 = vector.load %arg2[%swap3A_1574, %swap3A_1575] : memref<4096x128xf32, #tpu.memory_space<vmem>>, vector<32x32xf32>
    tpu.vector_store %arg2[%swap3A_1574, %swap3A_1575], %slice3A_1573 {strides = array<i32>} : memref<4096x128xf32, #tpu.memory_space<vmem>>, vector<32x32xf32>,
    %slice3A_1577 = vector.extract_strided_slice %dot_general3A_1180 {offsets = [0, 3168], sizes = [32, 32], strides = [1, 1]} : vector<32x4096xf32> to vector<32x32xf32>
    %swap3A_1578 = arith.constant 3168 : index
    %swap3A_1579 = arith.constant 64 : index
    %swap3A_1580 = vector.load %arg2[%swap3A_1578, %swap3A_1579] : memref<4096x128xf32, #tpu.memory_space<vmem>>, vector<32x32xf32>
    tpu.vector_store %arg2[%swap3A_1578, %swap3A_1579], %slice3A_1577 {strides = array<i32>} : memref<4096x128xf32, #tpu.memory_space<vmem>>, vector<32x32xf32>,
    %slice3A_1581 = vector.extract_strided_slice %dot_general3A_1180 {offsets = [0, 3200], sizes = [32, 32], strides = [1, 1]} : vector<32x4096xf32> to vector<32x32xf32>
    %swap3A_1582 = arith.constant 3200 : index
    %swap3A_1583 = arith.constant 64 : index
    %swap3A_1584 = vector.load %arg2[%swap3A_1582, %swap3A_1583] : memref<4096x128xf32, #tpu.memory_space<vmem>>, vector<32x32xf32>
    tpu.vector_store %arg2[%swap3A_1582, %swap3A_1583], %slice3A_1581 {strides = array<i32>} : memref<4096x128xf32, #tpu.memory_space<vmem>>, vector<32x32xf32>,
    %slice3A_1585 = vector.extract_strided_slice %dot_general3A_1180 {offsets = [0, 3232], sizes = [32, 32], strides = [1, 1]} : vector<32x4096xf32> to vector<32x32xf32>
    %swap3A_1586 = arith.constant 3232 : index
    %swap3A_1587 = arith.constant 64 : index
    %swap3A_1588 = vector.load %arg2[%swap3A_1586, %swap3A_1587] : memref<4096x128xf32, #tpu.memory_space<vmem>>, vector<32x32xf32>
    tpu.vector_store %arg2[%swap3A_1586, %swap3A_1587], %slice3A_1585 {strides = array<i32>} : memref<4096x128xf32, #tpu.memory_space<vmem>>, vector<32x32xf32>,
    %slice3A_1589 = vector.extract_strided_slice %dot_general3A_1180 {offsets = [0, 3264], sizes = [32, 32], strides = [1, 1]} : vector<32x4096xf32> to vector<32x32xf32>
    %swap3A_1590 = arith.constant 3264 : index
    %swap3A_1591 = arith.constant 64 : index
    %swap3A_1592 = vector.load %arg2[%swap3A_1590, %swap3A_1591] : memref<4096x128xf32, #tpu.memory_space<vmem>>, vector<32x32xf32>
    tpu.vector_store %arg2[%swap3A_1590, %swap3A_1591], %slice3A_1589 {strides = array<i32>} : memref<4096x128xf32, #tpu.memory_space<vmem>>, vector<32x32xf32>,
    %slice3A_1593 = vector.extract_strided_slice %dot_general3A_1180 {offsets = [0, 3296], sizes = [32, 32], strides = [1, 1]} : vector<32x4096xf32> to vector<32x32xf32>
    %swap3A_1594 = arith.constant 3296 : index
    %swap3A_1595 = arith.constant 64 : index
    %swap3A_1596 = vector.load %arg2[%swap3A_1594, %swap3A_1595] : memref<4096x128xf32, #tpu.memory_space<vmem>>, vector<32x32xf32>
    tpu.vector_store %arg2[%swap3A_1594, %swap3A_1595], %slice3A_1593 {strides = array<i32>} : memref<4096x128xf32, #tpu.memory_space<vmem>>, vector<32x32xf32>,
    %slice3A_1597 = vector.extract_strided_slice %dot_general3A_1180 {offsets = [0, 3328], sizes = [32, 32], strides = [1, 1]} : vector<32x4096xf32> to vector<32x32xf32>
    %swap3A_1598 = arith.constant 3328 : index
    %swap3A_1599 = arith.constant 64 : index
    %swap3A_1600 = vector.load %arg2[%swap3A_1598, %swap3A_1599] : memref<4096x128xf32, #tpu.memory_space<vmem>>, vector<32x32xf32>
    tpu.vector_store %arg2[%swap3A_1598, %swap3A_1599], %slice3A_1597 {strides = array<i32>} : memref<4096x128xf32, #tpu.memory_space<vmem>>, vector<32x32xf32>,
    %slice3A_1601 = vector.extract_strided_slice %dot_general3A_1180 {offsets = [0, 3360], sizes = [32, 32], strides = [1, 1]} : vector<32x4096xf32> to vector<32x32xf32>
    %swap3A_1602 = arith.constant 3360 : index
    %swap3A_1603 = arith.constant 64 : index
    %swap3A_1604 = vector.load %arg2[%swap3A_1602, %swap3A_1603] : memref<4096x128xf32, #tpu.memory_space<vmem>>, vector<32x32xf32>
    tpu.vector_store %arg2[%swap3A_1602, %swap3A_1603], %slice3A_1601 {strides = array<i32>} : memref<4096x128xf32, #tpu.memory_space<vmem>>, vector<32x32xf32>,
    %slice3A_1605 = vector.extract_strided_slice %dot_general3A_1180 {offsets = [0, 3392], sizes = [32, 32], strides = [1, 1]} : vector<32x4096xf32> to vector<32x32xf32>
    %swap3A_1606 = arith.constant 3392 : index
    %swap3A_1607 = arith.constant 64 : index
    %swap3A_1608 = vector.load %arg2[%swap3A_1606, %swap3A_1607] : memref<4096x128xf32, #tpu.memory_space<vmem>>, vector<32x32xf32>
    tpu.vector_store %arg2[%swap3A_1606, %swap3A_1607], %slice3A_1605 {strides = array<i32>} : memref<4096x128xf32, #tpu.memory_space<vmem>>, vector<32x32xf32>,
    %slice3A_1609 = vector.extract_strided_slice %dot_general3A_1180 {offsets = [0, 3424], sizes = [32, 32], strides = [1, 1]} : vector<32x4096xf32> to vector<32x32xf32>
    %swap3A_1610 = arith.constant 3424 : index
    %swap3A_1611 = arith.constant 64 : index
    %swap3A_1612 = vector.load %arg2[%swap3A_1610, %swap3A_1611] : memref<4096x128xf32, #tpu.memory_space<vmem>>, vector<32x32xf32>
    tpu.vector_store %arg2[%swap3A_1610, %swap3A_1611], %slice3A_1609 {strides = array<i32>} : memref<4096x128xf32, #tpu.memory_space<vmem>>, vector<32x32xf32>,
    %slice3A_1613 = vector.extract_strided_slice %dot_general3A_1180 {offsets = [0, 3456], sizes = [32, 32], strides = [1, 1]} : vector<32x4096xf32> to vector<32x32xf32>
    %swap3A_1614 = arith.constant 3456 : index
    %swap3A_1615 = arith.constant 64 : index
    %swap3A_1616 = vector.load %arg2[%swap3A_1614, %swap3A_1615] : memref<4096x128xf32, #tpu.memory_space<vmem>>, vector<32x32xf32>
    tpu.vector_store %arg2[%swap3A_1614, %swap3A_1615], %slice3A_1613 {strides = array<i32>} : memref<4096x128xf32, #tpu.memory_space<vmem>>, vector<32x32xf32>,
    %slice3A_1617 = vector.extract_strided_slice %dot_general3A_1180 {offsets = [0, 3488], sizes = [32, 32], strides = [1, 1]} : vector<32x4096xf32> to vector<32x32xf32>
    %swap3A_1618 = arith.constant 3488 : index
    %swap3A_1619 = arith.constant 64 : index
    %swap3A_1620 = vector.load %arg2[%swap3A_1618, %swap3A_1619] : memref<4096x128xf32, #tpu.memory_space<vmem>>, vector<32x32xf32>
    tpu.vector_store %arg2[%swap3A_1618, %swap3A_1619], %slice3A_1617 {strides = array<i32>} : memref<4096x128xf32, #tpu.memory_space<vmem>>, vector<32x32xf32>,
    %slice3A_1621 = vector.extract_strided_slice %dot_general3A_1180 {offsets = [0, 3520], sizes = [32, 32], strides = [1, 1]} : vector<32x4096xf32> to vector<32x32xf32>
    %swap3A_1622 = arith.constant 3520 : index
    %swap3A_1623 = arith.constant 64 : index
    %swap3A_1624 = vector.load %arg2[%swap3A_1622, %swap3A_1623] : memref<4096x128xf32, #tpu.memory_space<vmem>>, vector<32x32xf32>
    tpu.vector_store %arg2[%swap3A_1622, %swap3A_1623], %slice3A_1621 {strides = array<i32>} : memref<4096x128xf32, #tpu.memory_space<vmem>>, vector<32x32xf32>,
    %slice3A_1625 = vector.extract_strided_slice %dot_general3A_1180 {offsets = [0, 3552], sizes = [32, 32], strides = [1, 1]} : vector<32x4096xf32> to vector<32x32xf32>
    %swap3A_1626 = arith.constant 3552 : index
    %swap3A_1627 = arith.constant 64 : index
    %swap3A_1628 = vector.load %arg2[%swap3A_1626, %swap3A_1627] : memref<4096x128xf32, #tpu.memory_space<vmem>>, vector<32x32xf32>
    tpu.vector_store %arg2[%swap3A_1626, %swap3A_1627], %slice3A_1625 {strides = array<i32>} : memref<4096x128xf32, #tpu.memory_space<vmem>>, vector<32x32xf32>,
    %slice3A_1629 = vector.extract_strided_slice %dot_general3A_1180 {offsets = [0, 3584], sizes = [32, 32], strides = [1, 1]} : vector<32x4096xf32> to vector<32x32xf32>
    %swap3A_1630 = arith.constant 3584 : index
    %swap3A_1631 = arith.constant 64 : index
    %swap3A_1632 = vector.load %arg2[%swap3A_1630, %swap3A_1631] : memref<4096x128xf32, #tpu.memory_space<vmem>>, vector<32x32xf32>
    tpu.vector_store %arg2[%swap3A_1630, %swap3A_1631], %slice3A_1629 {strides = array<i32>} : memref<4096x128xf32, #tpu.memory_space<vmem>>, vector<32x32xf32>,
    %slice3A_1633 = vector.extract_strided_slice %dot_general3A_1180 {offsets = [0, 3616], sizes = [32, 32], strides = [1, 1]} : vector<32x4096xf32> to vector<32x32xf32>
    %swap3A_1634 = arith.constant 3616 : index
    %swap3A_1635 = arith.constant 64 : index
    %swap3A_1636 = vector.load %arg2[%swap3A_1634, %swap3A_1635] : memref<4096x128xf32, #tpu.memory_space<vmem>>, vector<32x32xf32>
    tpu.vector_store %arg2[%swap3A_1634, %swap3A_1635], %slice3A_1633 {strides = array<i32>} : memref<4096x128xf32, #tpu.memory_space<vmem>>, vector<32x32xf32>,
    %slice3A_1637 = vector.extract_strided_slice %dot_general3A_1180 {offsets = [0, 3648], sizes = [32, 32], strides = [1, 1]} : vector<32x4096xf32> to vector<32x32xf32>
    %swap3A_1638 = arith.constant 3648 : index
    %swap3A_1639 = arith.constant 64 : index
    %swap3A_1640 = vector.load %arg2[%swap3A_1638, %swap3A_1639] : memref<4096x128xf32, #tpu.memory_space<vmem>>, vector<32x32xf32>
    tpu.vector_store %arg2[%swap3A_1638, %swap3A_1639], %slice3A_1637 {strides = array<i32>} : memref<4096x128xf32, #tpu.memory_space<vmem>>, vector<32x32xf32>,
    %slice3A_1641 = vector.extract_strided_slice %dot_general3A_1180 {offsets = [0, 3680], sizes = [32, 32], strides = [1, 1]} : vector<32x4096xf32> to vector<32x32xf32>
    %swap3A_1642 = arith.constant 3680 : index
    %swap3A_1643 = arith.constant 64 : index
    %swap3A_1644 = vector.load %arg2[%swap3A_1642, %swap3A_1643] : memref<4096x128xf32, #tpu.memory_space<vmem>>, vector<32x32xf32>
    tpu.vector_store %arg2[%swap3A_1642, %swap3A_1643], %slice3A_1641 {strides = array<i32>} : memref<4096x128xf32, #tpu.memory_space<vmem>>, vector<32x32xf32>,
    %slice3A_1645 = vector.extract_strided_slice %dot_general3A_1180 {offsets = [0, 3712], sizes = [32, 32], strides = [1, 1]} : vector<32x4096xf32> to vector<32x32xf32>
    %swap3A_1646 = arith.constant 3712 : index
    %swap3A_1647 = arith.constant 64 : index
    %swap3A_1648 = vector.load %arg2[%swap3A_1646, %swap3A_1647] : memref<4096x128xf32, #tpu.memory_space<vmem>>, vector<32x32xf32>
    tpu.vector_store %arg2[%swap3A_1646, %swap3A_1647], %slice3A_1645 {strides = array<i32>} : memref<4096x128xf32, #tpu.memory_space<vmem>>, vector<32x32xf32>,
    %slice3A_1649 = vector.extract_strided_slice %dot_general3A_1180 {offsets = [0, 3744], sizes = [32, 32], strides = [1, 1]} : vector<32x4096xf32> to vector<32x32xf32>
    %swap3A_1650 = arith.constant 3744 : index
    %swap3A_1651 = arith.constant 64 : index
    %swap3A_1652 = vector.load %arg2[%swap3A_1650, %swap3A_1651] : memref<4096x128xf32, #tpu.memory_space<vmem>>, vector<32x32xf32>
    tpu.vector_store %arg2[%swap3A_1650, %swap3A_1651], %slice3A_1649 {strides = array<i32>} : memref<4096x128xf32, #tpu.memory_space<vmem>>, vector<32x32xf32>,
    %slice3A_1653 = vector.extract_strided_slice %dot_general3A_1180 {offsets = [0, 3776], sizes = [32, 32], strides = [1, 1]} : vector<32x4096xf32> to vector<32x32xf32>
    %swap3A_1654 = arith.constant 3776 : index
    %swap3A_1655 = arith.constant 64 : index
    %swap3A_1656 = vector.load %arg2[%swap3A_1654, %swap3A_1655] : memref<4096x128xf32, #tpu.memory_space<vmem>>, vector<32x32xf32>
    tpu.vector_store %arg2[%swap3A_1654, %swap3A_1655], %slice3A_1653 {strides = array<i32>} : memref<4096x128xf32, #tpu.memory_space<vmem>>, vector<32x32xf32>,
    %slice3A_1657 = vector.extract_strided_slice %dot_general3A_1180 {offsets = [0, 3808], sizes = [32, 32], strides = [1, 1]} : vector<32x4096xf32> to vector<32x32xf32>
    %swap3A_1658 = arith.constant 3808 : index
    %swap3A_1659 = arith.constant 64 : index
    %swap3A_1660 = vector.load %arg2[%swap3A_1658, %swap3A_1659] : memref<4096x128xf32, #tpu.memory_space<vmem>>, vector<32x32xf32>
    tpu.vector_store %arg2[%swap3A_1658, %swap3A_1659], %slice3A_1657 {strides = array<i32>} : memref<4096x128xf32, #tpu.memory_space<vmem>>, vector<32x32xf32>,
    %slice3A_1661 = vector.extract_strided_slice %dot_general3A_1180 {offsets = [0, 3840], sizes = [32, 32], strides = [1, 1]} : vector<32x4096xf32> to vector<32x32xf32>
    %swap3A_1662 = arith.constant 3840 : index
    %swap3A_1663 = arith.constant 64 : index
    %swap3A_1664 = vector.load %arg2[%swap3A_1662, %swap3A_1663] : memref<4096x128xf32, #tpu.memory_space<vmem>>, vector<32x32xf32>
    tpu.vector_store %arg2[%swap3A_1662, %swap3A_1663], %slice3A_1661 {strides = array<i32>} : memref<4096x128xf32, #tpu.memory_space<vmem>>, vector<32x32xf32>,
    %slice3A_1665 = vector.extract_strided_slice %dot_general3A_1180 {offsets = [0, 3872], sizes = [32, 32], strides = [1, 1]} : vector<32x4096xf32> to vector<32x32xf32>
    %swap3A_1666 = arith.constant 3872 : index
    %swap3A_1667 = arith.constant 64 : index
    %swap3A_1668 = vector.load %arg2[%swap3A_1666, %swap3A_1667] : memref<4096x128xf32, #tpu.memory_space<vmem>>, vector<32x32xf32>
    tpu.vector_store %arg2[%swap3A_1666, %swap3A_1667], %slice3A_1665 {strides = array<i32>} : memref<4096x128xf32, #tpu.memory_space<vmem>>, vector<32x32xf32>,
    %slice3A_1669 = vector.extract_strided_slice %dot_general3A_1180 {offsets = [0, 3904], sizes = [32, 32], strides = [1, 1]} : vector<32x4096xf32> to vector<32x32xf32>
    %swap3A_1670 = arith.constant 3904 : index
    %swap3A_1671 = arith.constant 64 : index
    %swap3A_1672 = vector.load %arg2[%swap3A_1670, %swap3A_1671] : memref<4096x128xf32, #tpu.memory_space<vmem>>, vector<32x32xf32>
    tpu.vector_store %arg2[%swap3A_1670, %swap3A_1671], %slice3A_1669 {strides = array<i32>} : memref<4096x128xf32, #tpu.memory_space<vmem>>, vector<32x32xf32>,
    %slice3A_1673 = vector.extract_strided_slice %dot_general3A_1180 {offsets = [0, 3936], sizes = [32, 32], strides = [1, 1]} : vector<32x4096xf32> to vector<32x32xf32>
    %swap3A_1674 = arith.constant 3936 : index
    %swap3A_1675 = arith.constant 64 : index
    %swap3A_1676 = vector.load %arg2[%swap3A_1674, %swap3A_1675] : memref<4096x128xf32, #tpu.memory_space<vmem>>, vector<32x32xf32>
    tpu.vector_store %arg2[%swap3A_1674, %swap3A_1675], %slice3A_1673 {strides = array<i32>} : memref<4096x128xf32, #tpu.memory_space<vmem>>, vector<32x32xf32>,
    %slice3A_1677 = vector.extract_strided_slice %dot_general3A_1180 {offsets = [0, 3968], sizes = [32, 32], strides = [1, 1]} : vector<32x4096xf32> to vector<32x32xf32>
    %swap3A_1678 = arith.constant 3968 : index
    %swap3A_1679 = arith.constant 64 : index
    %swap3A_1680 = vector.load %arg2[%swap3A_1678, %swap3A_1679] : memref<4096x128xf32, #tpu.memory_space<vmem>>, vector<32x32xf32>
    tpu.vector_store %arg2[%swap3A_1678, %swap3A_1679], %slice3A_1677 {strides = array<i32>} : memref<4096x128xf32, #tpu.memory_space<vmem>>, vector<32x32xf32>,
    %slice3A_1681 = vector.extract_strided_slice %dot_general3A_1180 {offsets = [0, 4000], sizes = [32, 32], strides = [1, 1]} : vector<32x4096xf32> to vector<32x32xf32>
    %swap3A_1682 = arith.constant 4000 : index
    %swap3A_1683 = arith.constant 64 : index
    %swap3A_1684 = vector.load %arg2[%swap3A_1682, %swap3A_1683] : memref<4096x128xf32, #tpu.memory_space<vmem>>, vector<32x32xf32>
    tpu.vector_store %arg2[%swap3A_1682, %swap3A_1683], %slice3A_1681 {strides = array<i32>} : memref<4096x128xf32, #tpu.memory_space<vmem>>, vector<32x32xf32>,
    %slice3A_1685 = vector.extract_strided_slice %dot_general3A_1180 {offsets = [0, 4032], sizes = [32, 32], strides = [1, 1]} : vector<32x4096xf32> to vector<32x32xf32>
    %swap3A_1686 = arith.constant 4032 : index
    %swap3A_1687 = arith.constant 64 : index
    %swap3A_1688 = vector.load %arg2[%swap3A_1686, %swap3A_1687] : memref<4096x128xf32, #tpu.memory_space<vmem>>, vector<32x32xf32>
    tpu.vector_store %arg2[%swap3A_1686, %swap3A_1687], %slice3A_1685 {strides = array<i32>} : memref<4096x128xf32, #tpu.memory_space<vmem>>, vector<32x32xf32>,
    %slice3A_1689 = vector.extract_strided_slice %dot_general3A_1180 {offsets = [0, 4064], sizes = [32, 32], strides = [1, 1]} : vector<32x4096xf32> to vector<32x32xf32>
    %swap3A_1690 = arith.constant 4064 : index
    %swap3A_1691 = arith.constant 64 : index
    %swap3A_1692 = vector.load %arg2[%swap3A_1690, %swap3A_1691] : memref<4096x128xf32, #tpu.memory_space<vmem>>, vector<32x32xf32>
    tpu.vector_store %arg2[%swap3A_1690, %swap3A_1691], %slice3A_1689 {strides = array<i32>} : memref<4096x128xf32, #tpu.memory_space<vmem>>, vector<32x32xf32>,
    %mul3A_1693 = arith.constant 4 : i32
    %mul3A_1694 = vector.broadcast %mul3A_1693 : i32 to vector<32x128xi32>
    %mul3A_1695 = arith.muli %mul3A_1694, %iota3A : vector<32x128xi32>
    %add3A_1696 = arith.constant 3 : i32
    %add3A_1697 = vector.broadcast %add3A_1696 : i32 to vector<32x128xi32>
    %add3A_1698 = arith.addi %mul3A_1695, %add3A_1697 : vector<32x128xi32>
    %eq3A_1699 = arith.cmpi eq, %iota3A_129, %add3A_1698 : vector<32x128xi32>
    %convert_element_type3A_1700 = arith.extui %eq3A_1699 : vector<32x128xi1> to vector<32x128xi32>
    %convert_element_type3A_1701 = arith.sitofp %convert_element_type3A_1700 : vector<32x128xi32> to vector<32x128xf32>
    %dot_general3A_1702 = arith.constant dense<0.000000e+00> : vector<32x4096xf32>
    %dot_general3A_1703 = tpu.matmul %convert_element_type3A_1701, %concatenate3A, %dot_general3A_1702 {dimension_numbers = #tpu.dot_dimension_numbers<[1], [0], [0], [1], [0, 0, 1, 1], [], []>, transpose_lhs_hint = false} : vector<32x128xf32>, vector<128x4096xf32>, vector<32x4096xf32> -> vector<32x4096xf32>
    %slice3A_1704 = vector.extract_strided_slice %dot_general3A_1703 {offsets = [0, 0], sizes = [32, 32], strides = [1, 1]} : vector<32x4096xf32> to vector<32x32xf32>
    %swap3A_1705 = arith.constant 0 : index
    %swap3A_1706 = arith.constant 96 : index
    %swap3A_1707 = vector.load %arg2[%swap3A_1705, %swap3A_1706] : memref<4096x128xf32, #tpu.memory_space<vmem>>, vector<32x32xf32>
    tpu.vector_store %arg2[%swap3A_1705, %swap3A_1706], %slice3A_1704 {strides = array<i32>} : memref<4096x128xf32, #tpu.memory_space<vmem>>, vector<32x32xf32>,
    %slice3A_1708 = vector.extract_strided_slice %dot_general3A_1703 {offsets = [0, 32], sizes = [32, 32], strides = [1, 1]} : vector<32x4096xf32> to vector<32x32xf32>
    %swap3A_1709 = arith.constant 32 : index
    %swap3A_1710 = arith.constant 96 : index
    %swap3A_1711 = vector.load %arg2[%swap3A_1709, %swap3A_1710] : memref<4096x128xf32, #tpu.memory_space<vmem>>, vector<32x32xf32>
    tpu.vector_store %arg2[%swap3A_1709, %swap3A_1710], %slice3A_1708 {strides = array<i32>} : memref<4096x128xf32, #tpu.memory_space<vmem>>, vector<32x32xf32>,
    %slice3A_1712 = vector.extract_strided_slice %dot_general3A_1703 {offsets = [0, 64], sizes = [32, 32], strides = [1, 1]} : vector<32x4096xf32> to vector<32x32xf32>
    %swap3A_1713 = arith.constant 64 : index
    %swap3A_1714 = arith.constant 96 : index
    %swap3A_1715 = vector.load %arg2[%swap3A_1713, %swap3A_1714] : memref<4096x128xf32, #tpu.memory_space<vmem>>, vector<32x32xf32>
    tpu.vector_store %arg2[%swap3A_1713, %swap3A_1714], %slice3A_1712 {strides = array<i32>} : memref<4096x128xf32, #tpu.memory_space<vmem>>, vector<32x32xf32>,
    %slice3A_1716 = vector.extract_strided_slice %dot_general3A_1703 {offsets = [0, 96], sizes = [32, 32], strides = [1, 1]} : vector<32x4096xf32> to vector<32x32xf32>
    %swap3A_1717 = arith.constant 96 : index
    %swap3A_1718 = arith.constant 96 : index
    %swap3A_1719 = vector.load %arg2[%swap3A_1717, %swap3A_1718] : memref<4096x128xf32, #tpu.memory_space<vmem>>, vector<32x32xf32>
    tpu.vector_store %arg2[%swap3A_1717, %swap3A_1718], %slice3A_1716 {strides = array<i32>} : memref<4096x128xf32, #tpu.memory_space<vmem>>, vector<32x32xf32>,
    %slice3A_1720 = vector.extract_strided_slice %dot_general3A_1703 {offsets = [0, 128], sizes = [32, 32], strides = [1, 1]} : vector<32x4096xf32> to vector<32x32xf32>
    %swap3A_1721 = arith.constant 128 : index
    %swap3A_1722 = arith.constant 96 : index
    %swap3A_1723 = vector.load %arg2[%swap3A_1721, %swap3A_1722] : memref<4096x128xf32, #tpu.memory_space<vmem>>, vector<32x32xf32>
    tpu.vector_store %arg2[%swap3A_1721, %swap3A_1722], %slice3A_1720 {strides = array<i32>} : memref<4096x128xf32, #tpu.memory_space<vmem>>, vector<32x32xf32>,
    %slice3A_1724 = vector.extract_strided_slice %dot_general3A_1703 {offsets = [0, 160], sizes = [32, 32], strides = [1, 1]} : vector<32x4096xf32> to vector<32x32xf32>
    %swap3A_1725 = arith.constant 160 : index
    %swap3A_1726 = arith.constant 96 : index
    %swap3A_1727 = vector.load %arg2[%swap3A_1725, %swap3A_1726] : memref<4096x128xf32, #tpu.memory_space<vmem>>, vector<32x32xf32>
    tpu.vector_store %arg2[%swap3A_1725, %swap3A_1726], %slice3A_1724 {strides = array<i32>} : memref<4096x128xf32, #tpu.memory_space<vmem>>, vector<32x32xf32>,
    %slice3A_1728 = vector.extract_strided_slice %dot_general3A_1703 {offsets = [0, 192], sizes = [32, 32], strides = [1, 1]} : vector<32x4096xf32> to vector<32x32xf32>
    %swap3A_1729 = arith.constant 192 : index
    %swap3A_1730 = arith.constant 96 : index
    %swap3A_1731 = vector.load %arg2[%swap3A_1729, %swap3A_1730] : memref<4096x128xf32, #tpu.memory_space<vmem>>, vector<32x32xf32>
    tpu.vector_store %arg2[%swap3A_1729, %swap3A_1730], %slice3A_1728 {strides = array<i32>} : memref<4096x128xf32, #tpu.memory_space<vmem>>, vector<32x32xf32>,
    %slice3A_1732 = vector.extract_strided_slice %dot_general3A_1703 {offsets = [0, 224], sizes = [32, 32], strides = [1, 1]} : vector<32x4096xf32> to vector<32x32xf32>
    %swap3A_1733 = arith.constant 224 : index
    %swap3A_1734 = arith.constant 96 : index
    %swap3A_1735 = vector.load %arg2[%swap3A_1733, %swap3A_1734] : memref<4096x128xf32, #tpu.memory_space<vmem>>, vector<32x32xf32>
    tpu.vector_store %arg2[%swap3A_1733, %swap3A_1734], %slice3A_1732 {strides = array<i32>} : memref<4096x128xf32, #tpu.memory_space<vmem>>, vector<32x32xf32>,
    %slice3A_1736 = vector.extract_strided_slice %dot_general3A_1703 {offsets = [0, 256], sizes = [32, 32], strides = [1, 1]} : vector<32x4096xf32> to vector<32x32xf32>
    %swap3A_1737 = arith.constant 256 : index
    %swap3A_1738 = arith.constant 96 : index
    %swap3A_1739 = vector.load %arg2[%swap3A_1737, %swap3A_1738] : memref<4096x128xf32, #tpu.memory_space<vmem>>, vector<32x32xf32>
    tpu.vector_store %arg2[%swap3A_1737, %swap3A_1738], %slice3A_1736 {strides = array<i32>} : memref<4096x128xf32, #tpu.memory_space<vmem>>, vector<32x32xf32>,
    %slice3A_1740 = vector.extract_strided_slice %dot_general3A_1703 {offsets = [0, 288], sizes = [32, 32], strides = [1, 1]} : vector<32x4096xf32> to vector<32x32xf32>
    %swap3A_1741 = arith.constant 288 : index
    %swap3A_1742 = arith.constant 96 : index
    %swap3A_1743 = vector.load %arg2[%swap3A_1741, %swap3A_1742] : memref<4096x128xf32, #tpu.memory_space<vmem>>, vector<32x32xf32>
    tpu.vector_store %arg2[%swap3A_1741, %swap3A_1742], %slice3A_1740 {strides = array<i32>} : memref<4096x128xf32, #tpu.memory_space<vmem>>, vector<32x32xf32>,
    %slice3A_1744 = vector.extract_strided_slice %dot_general3A_1703 {offsets = [0, 320], sizes = [32, 32], strides = [1, 1]} : vector<32x4096xf32> to vector<32x32xf32>
    %swap3A_1745 = arith.constant 320 : index
    %swap3A_1746 = arith.constant 96 : index
    %swap3A_1747 = vector.load %arg2[%swap3A_1745, %swap3A_1746] : memref<4096x128xf32, #tpu.memory_space<vmem>>, vector<32x32xf32>
    tpu.vector_store %arg2[%swap3A_1745, %swap3A_1746], %slice3A_1744 {strides = array<i32>} : memref<4096x128xf32, #tpu.memory_space<vmem>>, vector<32x32xf32>,
    %slice3A_1748 = vector.extract_strided_slice %dot_general3A_1703 {offsets = [0, 352], sizes = [32, 32], strides = [1, 1]} : vector<32x4096xf32> to vector<32x32xf32>
    %swap3A_1749 = arith.constant 352 : index
    %swap3A_1750 = arith.constant 96 : index
    %swap3A_1751 = vector.load %arg2[%swap3A_1749, %swap3A_1750] : memref<4096x128xf32, #tpu.memory_space<vmem>>, vector<32x32xf32>
    tpu.vector_store %arg2[%swap3A_1749, %swap3A_1750], %slice3A_1748 {strides = array<i32>} : memref<4096x128xf32, #tpu.memory_space<vmem>>, vector<32x32xf32>,
    %slice3A_1752 = vector.extract_strided_slice %dot_general3A_1703 {offsets = [0, 384], sizes = [32, 32], strides = [1, 1]} : vector<32x4096xf32> to vector<32x32xf32>
    %swap3A_1753 = arith.constant 384 : index
    %swap3A_1754 = arith.constant 96 : index
    %swap3A_1755 = vector.load %arg2[%swap3A_1753, %swap3A_1754] : memref<4096x128xf32, #tpu.memory_space<vmem>>, vector<32x32xf32>
    tpu.vector_store %arg2[%swap3A_1753, %swap3A_1754], %slice3A_1752 {strides = array<i32>} : memref<4096x128xf32, #tpu.memory_space<vmem>>, vector<32x32xf32>,
    %slice3A_1756 = vector.extract_strided_slice %dot_general3A_1703 {offsets = [0, 416], sizes = [32, 32], strides = [1, 1]} : vector<32x4096xf32> to vector<32x32xf32>
    %swap3A_1757 = arith.constant 416 : index
    %swap3A_1758 = arith.constant 96 : index
    %swap3A_1759 = vector.load %arg2[%swap3A_1757, %swap3A_1758] : memref<4096x128xf32, #tpu.memory_space<vmem>>, vector<32x32xf32>
    tpu.vector_store %arg2[%swap3A_1757, %swap3A_1758], %slice3A_1756 {strides = array<i32>} : memref<4096x128xf32, #tpu.memory_space<vmem>>, vector<32x32xf32>,
    %slice3A_1760 = vector.extract_strided_slice %dot_general3A_1703 {offsets = [0, 448], sizes = [32, 32], strides = [1, 1]} : vector<32x4096xf32> to vector<32x32xf32>
    %swap3A_1761 = arith.constant 448 : index
    %swap3A_1762 = arith.constant 96 : index
    %swap3A_1763 = vector.load %arg2[%swap3A_1761, %swap3A_1762] : memref<4096x128xf32, #tpu.memory_space<vmem>>, vector<32x32xf32>
    tpu.vector_store %arg2[%swap3A_1761, %swap3A_1762], %slice3A_1760 {strides = array<i32>} : memref<4096x128xf32, #tpu.memory_space<vmem>>, vector<32x32xf32>,
    %slice3A_1764 = vector.extract_strided_slice %dot_general3A_1703 {offsets = [0, 480], sizes = [32, 32], strides = [1, 1]} : vector<32x4096xf32> to vector<32x32xf32>
    %swap3A_1765 = arith.constant 480 : index
    %swap3A_1766 = arith.constant 96 : index
    %swap3A_1767 = vector.load %arg2[%swap3A_1765, %swap3A_1766] : memref<4096x128xf32, #tpu.memory_space<vmem>>, vector<32x32xf32>
    tpu.vector_store %arg2[%swap3A_1765, %swap3A_1766], %slice3A_1764 {strides = array<i32>} : memref<4096x128xf32, #tpu.memory_space<vmem>>, vector<32x32xf32>,
    %slice3A_1768 = vector.extract_strided_slice %dot_general3A_1703 {offsets = [0, 512], sizes = [32, 32], strides = [1, 1]} : vector<32x4096xf32> to vector<32x32xf32>
    %swap3A_1769 = arith.constant 512 : index
    %swap3A_1770 = arith.constant 96 : index
    %swap3A_1771 = vector.load %arg2[%swap3A_1769, %swap3A_1770] : memref<4096x128xf32, #tpu.memory_space<vmem>>, vector<32x32xf32>
    tpu.vector_store %arg2[%swap3A_1769, %swap3A_1770], %slice3A_1768 {strides = array<i32>} : memref<4096x128xf32, #tpu.memory_space<vmem>>, vector<32x32xf32>,
    %slice3A_1772 = vector.extract_strided_slice %dot_general3A_1703 {offsets = [0, 544], sizes = [32, 32], strides = [1, 1]} : vector<32x4096xf32> to vector<32x32xf32>
    %swap3A_1773 = arith.constant 544 : index
    %swap3A_1774 = arith.constant 96 : index
    %swap3A_1775 = vector.load %arg2[%swap3A_1773, %swap3A_1774] : memref<4096x128xf32, #tpu.memory_space<vmem>>, vector<32x32xf32>
    tpu.vector_store %arg2[%swap3A_1773, %swap3A_1774], %slice3A_1772 {strides = array<i32>} : memref<4096x128xf32, #tpu.memory_space<vmem>>, vector<32x32xf32>,
    %slice3A_1776 = vector.extract_strided_slice %dot_general3A_1703 {offsets = [0, 576], sizes = [32, 32], strides = [1, 1]} : vector<32x4096xf32> to vector<32x32xf32>
    %swap3A_1777 = arith.constant 576 : index
    %swap3A_1778 = arith.constant 96 : index
    %swap3A_1779 = vector.load %arg2[%swap3A_1777, %swap3A_1778] : memref<4096x128xf32, #tpu.memory_space<vmem>>, vector<32x32xf32>
    tpu.vector_store %arg2[%swap3A_1777, %swap3A_1778], %slice3A_1776 {strides = array<i32>} : memref<4096x128xf32, #tpu.memory_space<vmem>>, vector<32x32xf32>,
    %slice3A_1780 = vector.extract_strided_slice %dot_general3A_1703 {offsets = [0, 608], sizes = [32, 32], strides = [1, 1]} : vector<32x4096xf32> to vector<32x32xf32>
    %swap3A_1781 = arith.constant 608 : index
    %swap3A_1782 = arith.constant 96 : index
    %swap3A_1783 = vector.load %arg2[%swap3A_1781, %swap3A_1782] : memref<4096x128xf32, #tpu.memory_space<vmem>>, vector<32x32xf32>
    tpu.vector_store %arg2[%swap3A_1781, %swap3A_1782], %slice3A_1780 {strides = array<i32>} : memref<4096x128xf32, #tpu.memory_space<vmem>>, vector<32x32xf32>,
    %slice3A_1784 = vector.extract_strided_slice %dot_general3A_1703 {offsets = [0, 640], sizes = [32, 32], strides = [1, 1]} : vector<32x4096xf32> to vector<32x32xf32>
    %swap3A_1785 = arith.constant 640 : index
    %swap3A_1786 = arith.constant 96 : index
    %swap3A_1787 = vector.load %arg2[%swap3A_1785, %swap3A_1786] : memref<4096x128xf32, #tpu.memory_space<vmem>>, vector<32x32xf32>
    tpu.vector_store %arg2[%swap3A_1785, %swap3A_1786], %slice3A_1784 {strides = array<i32>} : memref<4096x128xf32, #tpu.memory_space<vmem>>, vector<32x32xf32>,
    %slice3A_1788 = vector.extract_strided_slice %dot_general3A_1703 {offsets = [0, 672], sizes = [32, 32], strides = [1, 1]} : vector<32x4096xf32> to vector<32x32xf32>
    %swap3A_1789 = arith.constant 672 : index
    %swap3A_1790 = arith.constant 96 : index
    %swap3A_1791 = vector.load %arg2[%swap3A_1789, %swap3A_1790] : memref<4096x128xf32, #tpu.memory_space<vmem>>, vector<32x32xf32>
    tpu.vector_store %arg2[%swap3A_1789, %swap3A_1790], %slice3A_1788 {strides = array<i32>} : memref<4096x128xf32, #tpu.memory_space<vmem>>, vector<32x32xf32>,
    %slice3A_1792 = vector.extract_strided_slice %dot_general3A_1703 {offsets = [0, 704], sizes = [32, 32], strides = [1, 1]} : vector<32x4096xf32> to vector<32x32xf32>
    %swap3A_1793 = arith.constant 704 : index
    %swap3A_1794 = arith.constant 96 : index
    %swap3A_1795 = vector.load %arg2[%swap3A_1793, %swap3A_1794] : memref<4096x128xf32, #tpu.memory_space<vmem>>, vector<32x32xf32>
    tpu.vector_store %arg2[%swap3A_1793, %swap3A_1794], %slice3A_1792 {strides = array<i32>} : memref<4096x128xf32, #tpu.memory_space<vmem>>, vector<32x32xf32>,
    %slice3A_1796 = vector.extract_strided_slice %dot_general3A_1703 {offsets = [0, 736], sizes = [32, 32], strides = [1, 1]} : vector<32x4096xf32> to vector<32x32xf32>
    %swap3A_1797 = arith.constant 736 : index
    %swap3A_1798 = arith.constant 96 : index
    %swap3A_1799 = vector.load %arg2[%swap3A_1797, %swap3A_1798] : memref<4096x128xf32, #tpu.memory_space<vmem>>, vector<32x32xf32>
    tpu.vector_store %arg2[%swap3A_1797, %swap3A_1798], %slice3A_1796 {strides = array<i32>} : memref<4096x128xf32, #tpu.memory_space<vmem>>, vector<32x32xf32>,
    %slice3A_1800 = vector.extract_strided_slice %dot_general3A_1703 {offsets = [0, 768], sizes = [32, 32], strides = [1, 1]} : vector<32x4096xf32> to vector<32x32xf32>
    %swap3A_1801 = arith.constant 768 : index
    %swap3A_1802 = arith.constant 96 : index
    %swap3A_1803 = vector.load %arg2[%swap3A_1801, %swap3A_1802] : memref<4096x128xf32, #tpu.memory_space<vmem>>, vector<32x32xf32>
    tpu.vector_store %arg2[%swap3A_1801, %swap3A_1802], %slice3A_1800 {strides = array<i32>} : memref<4096x128xf32, #tpu.memory_space<vmem>>, vector<32x32xf32>,
    %slice3A_1804 = vector.extract_strided_slice %dot_general3A_1703 {offsets = [0, 800], sizes = [32, 32], strides = [1, 1]} : vector<32x4096xf32> to vector<32x32xf32>
    %swap3A_1805 = arith.constant 800 : index
    %swap3A_1806 = arith.constant 96 : index
    %swap3A_1807 = vector.load %arg2[%swap3A_1805, %swap3A_1806] : memref<4096x128xf32, #tpu.memory_space<vmem>>, vector<32x32xf32>
    tpu.vector_store %arg2[%swap3A_1805, %swap3A_1806], %slice3A_1804 {strides = array<i32>} : memref<4096x128xf32, #tpu.memory_space<vmem>>, vector<32x32xf32>,
    %slice3A_1808 = vector.extract_strided_slice %dot_general3A_1703 {offsets = [0, 832], sizes = [32, 32], strides = [1, 1]} : vector<32x4096xf32> to vector<32x32xf32>
    %swap3A_1809 = arith.constant 832 : index
    %swap3A_1810 = arith.constant 96 : index
    %swap3A_1811 = vector.load %arg2[%swap3A_1809, %swap3A_1810] : memref<4096x128xf32, #tpu.memory_space<vmem>>, vector<32x32xf32>
    tpu.vector_store %arg2[%swap3A_1809, %swap3A_1810], %slice3A_1808 {strides = array<i32>} : memref<4096x128xf32, #tpu.memory_space<vmem>>, vector<32x32xf32>,
    %slice3A_1812 = vector.extract_strided_slice %dot_general3A_1703 {offsets = [0, 864], sizes = [32, 32], strides = [1, 1]} : vector<32x4096xf32> to vector<32x32xf32>
    %swap3A_1813 = arith.constant 864 : index
    %swap3A_1814 = arith.constant 96 : index
    %swap3A_1815 = vector.load %arg2[%swap3A_1813, %swap3A_1814] : memref<4096x128xf32, #tpu.memory_space<vmem>>, vector<32x32xf32>
    tpu.vector_store %arg2[%swap3A_1813, %swap3A_1814], %slice3A_1812 {strides = array<i32>} : memref<4096x128xf32, #tpu.memory_space<vmem>>, vector<32x32xf32>,
    %slice3A_1816 = vector.extract_strided_slice %dot_general3A_1703 {offsets = [0, 896], sizes = [32, 32], strides = [1, 1]} : vector<32x4096xf32> to vector<32x32xf32>
    %swap3A_1817 = arith.constant 896 : index
    %swap3A_1818 = arith.constant 96 : index
    %swap3A_1819 = vector.load %arg2[%swap3A_1817, %swap3A_1818] : memref<4096x128xf32, #tpu.memory_space<vmem>>, vector<32x32xf32>
    tpu.vector_store %arg2[%swap3A_1817, %swap3A_1818], %slice3A_1816 {strides = array<i32>} : memref<4096x128xf32, #tpu.memory_space<vmem>>, vector<32x32xf32>,
    %slice3A_1820 = vector.extract_strided_slice %dot_general3A_1703 {offsets = [0, 928], sizes = [32, 32], strides = [1, 1]} : vector<32x4096xf32> to vector<32x32xf32>
    %swap3A_1821 = arith.constant 928 : index
    %swap3A_1822 = arith.constant 96 : index
    %swap3A_1823 = vector.load %arg2[%swap3A_1821, %swap3A_1822] : memref<4096x128xf32, #tpu.memory_space<vmem>>, vector<32x32xf32>
    tpu.vector_store %arg2[%swap3A_1821, %swap3A_1822], %slice3A_1820 {strides = array<i32>} : memref<4096x128xf32, #tpu.memory_space<vmem>>, vector<32x32xf32>,
    %slice3A_1824 = vector.extract_strided_slice %dot_general3A_1703 {offsets = [0, 960], sizes = [32, 32], strides = [1, 1]} : vector<32x4096xf32> to vector<32x32xf32>
    %swap3A_1825 = arith.constant 960 : index
    %swap3A_1826 = arith.constant 96 : index
    %swap3A_1827 = vector.load %arg2[%swap3A_1825, %swap3A_1826] : memref<4096x128xf32, #tpu.memory_space<vmem>>, vector<32x32xf32>
    tpu.vector_store %arg2[%swap3A_1825, %swap3A_1826], %slice3A_1824 {strides = array<i32>} : memref<4096x128xf32, #tpu.memory_space<vmem>>, vector<32x32xf32>,
    %slice3A_1828 = vector.extract_strided_slice %dot_general3A_1703 {offsets = [0, 992], sizes = [32, 32], strides = [1, 1]} : vector<32x4096xf32> to vector<32x32xf32>
    %swap3A_1829 = arith.constant 992 : index
    %swap3A_1830 = arith.constant 96 : index
    %swap3A_1831 = vector.load %arg2[%swap3A_1829, %swap3A_1830] : memref<4096x128xf32, #tpu.memory_space<vmem>>, vector<32x32xf32>
    tpu.vector_store %arg2[%swap3A_1829, %swap3A_1830], %slice3A_1828 {strides = array<i32>} : memref<4096x128xf32, #tpu.memory_space<vmem>>, vector<32x32xf32>,
    %slice3A_1832 = vector.extract_strided_slice %dot_general3A_1703 {offsets = [0, 1024], sizes = [32, 32], strides = [1, 1]} : vector<32x4096xf32> to vector<32x32xf32>
    %swap3A_1833 = arith.constant 1024 : index
    %swap3A_1834 = arith.constant 96 : index
    %swap3A_1835 = vector.load %arg2[%swap3A_1833, %swap3A_1834] : memref<4096x128xf32, #tpu.memory_space<vmem>>, vector<32x32xf32>
    tpu.vector_store %arg2[%swap3A_1833, %swap3A_1834], %slice3A_1832 {strides = array<i32>} : memref<4096x128xf32, #tpu.memory_space<vmem>>, vector<32x32xf32>,
    %slice3A_1836 = vector.extract_strided_slice %dot_general3A_1703 {offsets = [0, 1056], sizes = [32, 32], strides = [1, 1]} : vector<32x4096xf32> to vector<32x32xf32>
    %swap3A_1837 = arith.constant 1056 : index
    %swap3A_1838 = arith.constant 96 : index
    %swap3A_1839 = vector.load %arg2[%swap3A_1837, %swap3A_1838] : memref<4096x128xf32, #tpu.memory_space<vmem>>, vector<32x32xf32>
    tpu.vector_store %arg2[%swap3A_1837, %swap3A_1838], %slice3A_1836 {strides = array<i32>} : memref<4096x128xf32, #tpu.memory_space<vmem>>, vector<32x32xf32>,
    %slice3A_1840 = vector.extract_strided_slice %dot_general3A_1703 {offsets = [0, 1088], sizes = [32, 32], strides = [1, 1]} : vector<32x4096xf32> to vector<32x32xf32>
    %swap3A_1841 = arith.constant 1088 : index
    %swap3A_1842 = arith.constant 96 : index
    %swap3A_1843 = vector.load %arg2[%swap3A_1841, %swap3A_1842] : memref<4096x128xf32, #tpu.memory_space<vmem>>, vector<32x32xf32>
    tpu.vector_store %arg2[%swap3A_1841, %swap3A_1842], %slice3A_1840 {strides = array<i32>} : memref<4096x128xf32, #tpu.memory_space<vmem>>, vector<32x32xf32>,
    %slice3A_1844 = vector.extract_strided_slice %dot_general3A_1703 {offsets = [0, 1120], sizes = [32, 32], strides = [1, 1]} : vector<32x4096xf32> to vector<32x32xf32>
    %swap3A_1845 = arith.constant 1120 : index
    %swap3A_1846 = arith.constant 96 : index
    %swap3A_1847 = vector.load %arg2[%swap3A_1845, %swap3A_1846] : memref<4096x128xf32, #tpu.memory_space<vmem>>, vector<32x32xf32>
    tpu.vector_store %arg2[%swap3A_1845, %swap3A_1846], %slice3A_1844 {strides = array<i32>} : memref<4096x128xf32, #tpu.memory_space<vmem>>, vector<32x32xf32>,
    %slice3A_1848 = vector.extract_strided_slice %dot_general3A_1703 {offsets = [0, 1152], sizes = [32, 32], strides = [1, 1]} : vector<32x4096xf32> to vector<32x32xf32>
    %swap3A_1849 = arith.constant 1152 : index
    %swap3A_1850 = arith.constant 96 : index
    %swap3A_1851 = vector.load %arg2[%swap3A_1849, %swap3A_1850] : memref<4096x128xf32, #tpu.memory_space<vmem>>, vector<32x32xf32>
    tpu.vector_store %arg2[%swap3A_1849, %swap3A_1850], %slice3A_1848 {strides = array<i32>} : memref<4096x128xf32, #tpu.memory_space<vmem>>, vector<32x32xf32>,
    %slice3A_1852 = vector.extract_strided_slice %dot_general3A_1703 {offsets = [0, 1184], sizes = [32, 32], strides = [1, 1]} : vector<32x4096xf32> to vector<32x32xf32>
    %swap3A_1853 = arith.constant 1184 : index
    %swap3A_1854 = arith.constant 96 : index
    %swap3A_1855 = vector.load %arg2[%swap3A_1853, %swap3A_1854] : memref<4096x128xf32, #tpu.memory_space<vmem>>, vector<32x32xf32>
    tpu.vector_store %arg2[%swap3A_1853, %swap3A_1854], %slice3A_1852 {strides = array<i32>} : memref<4096x128xf32, #tpu.memory_space<vmem>>, vector<32x32xf32>,
    %slice3A_1856 = vector.extract_strided_slice %dot_general3A_1703 {offsets = [0, 1216], sizes = [32, 32], strides = [1, 1]} : vector<32x4096xf32> to vector<32x32xf32>
    %swap3A_1857 = arith.constant 1216 : index
    %swap3A_1858 = arith.constant 96 : index
    %swap3A_1859 = vector.load %arg2[%swap3A_1857, %swap3A_1858] : memref<4096x128xf32, #tpu.memory_space<vmem>>, vector<32x32xf32>
    tpu.vector_store %arg2[%swap3A_1857, %swap3A_1858], %slice3A_1856 {strides = array<i32>} : memref<4096x128xf32, #tpu.memory_space<vmem>>, vector<32x32xf32>,
    %slice3A_1860 = vector.extract_strided_slice %dot_general3A_1703 {offsets = [0, 1248], sizes = [32, 32], strides = [1, 1]} : vector<32x4096xf32> to vector<32x32xf32>
    %swap3A_1861 = arith.constant 1248 : index
    %swap3A_1862 = arith.constant 96 : index
    %swap3A_1863 = vector.load %arg2[%swap3A_1861, %swap3A_1862] : memref<4096x128xf32, #tpu.memory_space<vmem>>, vector<32x32xf32>
    tpu.vector_store %arg2[%swap3A_1861, %swap3A_1862], %slice3A_1860 {strides = array<i32>} : memref<4096x128xf32, #tpu.memory_space<vmem>>, vector<32x32xf32>,
    %slice3A_1864 = vector.extract_strided_slice %dot_general3A_1703 {offsets = [0, 1280], sizes = [32, 32], strides = [1, 1]} : vector<32x4096xf32> to vector<32x32xf32>
    %swap3A_1865 = arith.constant 1280 : index
    %swap3A_1866 = arith.constant 96 : index
    %swap3A_1867 = vector.load %arg2[%swap3A_1865, %swap3A_1866] : memref<4096x128xf32, #tpu.memory_space<vmem>>, vector<32x32xf32>
    tpu.vector_store %arg2[%swap3A_1865, %swap3A_1866], %slice3A_1864 {strides = array<i32>} : memref<4096x128xf32, #tpu.memory_space<vmem>>, vector<32x32xf32>,
    %slice3A_1868 = vector.extract_strided_slice %dot_general3A_1703 {offsets = [0, 1312], sizes = [32, 32], strides = [1, 1]} : vector<32x4096xf32> to vector<32x32xf32>
    %swap3A_1869 = arith.constant 1312 : index
    %swap3A_1870 = arith.constant 96 : index
    %swap3A_1871 = vector.load %arg2[%swap3A_1869, %swap3A_1870] : memref<4096x128xf32, #tpu.memory_space<vmem>>, vector<32x32xf32>
    tpu.vector_store %arg2[%swap3A_1869, %swap3A_1870], %slice3A_1868 {strides = array<i32>} : memref<4096x128xf32, #tpu.memory_space<vmem>>, vector<32x32xf32>,
    %slice3A_1872 = vector.extract_strided_slice %dot_general3A_1703 {offsets = [0, 1344], sizes = [32, 32], strides = [1, 1]} : vector<32x4096xf32> to vector<32x32xf32>
    %swap3A_1873 = arith.constant 1344 : index
    %swap3A_1874 = arith.constant 96 : index
    %swap3A_1875 = vector.load %arg2[%swap3A_1873, %swap3A_1874] : memref<4096x128xf32, #tpu.memory_space<vmem>>, vector<32x32xf32>
    tpu.vector_store %arg2[%swap3A_1873, %swap3A_1874], %slice3A_1872 {strides = array<i32>} : memref<4096x128xf32, #tpu.memory_space<vmem>>, vector<32x32xf32>,
    %slice3A_1876 = vector.extract_strided_slice %dot_general3A_1703 {offsets = [0, 1376], sizes = [32, 32], strides = [1, 1]} : vector<32x4096xf32> to vector<32x32xf32>
    %swap3A_1877 = arith.constant 1376 : index
    %swap3A_1878 = arith.constant 96 : index
    %swap3A_1879 = vector.load %arg2[%swap3A_1877, %swap3A_1878] : memref<4096x128xf32, #tpu.memory_space<vmem>>, vector<32x32xf32>
    tpu.vector_store %arg2[%swap3A_1877, %swap3A_1878], %slice3A_1876 {strides = array<i32>} : memref<4096x128xf32, #tpu.memory_space<vmem>>, vector<32x32xf32>,
    %slice3A_1880 = vector.extract_strided_slice %dot_general3A_1703 {offsets = [0, 1408], sizes = [32, 32], strides = [1, 1]} : vector<32x4096xf32> to vector<32x32xf32>
    %swap3A_1881 = arith.constant 1408 : index
    %swap3A_1882 = arith.constant 96 : index
    %swap3A_1883 = vector.load %arg2[%swap3A_1881, %swap3A_1882] : memref<4096x128xf32, #tpu.memory_space<vmem>>, vector<32x32xf32>
    tpu.vector_store %arg2[%swap3A_1881, %swap3A_1882], %slice3A_1880 {strides = array<i32>} : memref<4096x128xf32, #tpu.memory_space<vmem>>, vector<32x32xf32>,
    %slice3A_1884 = vector.extract_strided_slice %dot_general3A_1703 {offsets = [0, 1440], sizes = [32, 32], strides = [1, 1]} : vector<32x4096xf32> to vector<32x32xf32>
    %swap3A_1885 = arith.constant 1440 : index
    %swap3A_1886 = arith.constant 96 : index
    %swap3A_1887 = vector.load %arg2[%swap3A_1885, %swap3A_1886] : memref<4096x128xf32, #tpu.memory_space<vmem>>, vector<32x32xf32>
    tpu.vector_store %arg2[%swap3A_1885, %swap3A_1886], %slice3A_1884 {strides = array<i32>} : memref<4096x128xf32, #tpu.memory_space<vmem>>, vector<32x32xf32>,
    %slice3A_1888 = vector.extract_strided_slice %dot_general3A_1703 {offsets = [0, 1472], sizes = [32, 32], strides = [1, 1]} : vector<32x4096xf32> to vector<32x32xf32>
    %swap3A_1889 = arith.constant 1472 : index
    %swap3A_1890 = arith.constant 96 : index
    %swap3A_1891 = vector.load %arg2[%swap3A_1889, %swap3A_1890] : memref<4096x128xf32, #tpu.memory_space<vmem>>, vector<32x32xf32>
    tpu.vector_store %arg2[%swap3A_1889, %swap3A_1890], %slice3A_1888 {strides = array<i32>} : memref<4096x128xf32, #tpu.memory_space<vmem>>, vector<32x32xf32>,
    %slice3A_1892 = vector.extract_strided_slice %dot_general3A_1703 {offsets = [0, 1504], sizes = [32, 32], strides = [1, 1]} : vector<32x4096xf32> to vector<32x32xf32>
    %swap3A_1893 = arith.constant 1504 : index
    %swap3A_1894 = arith.constant 96 : index
    %swap3A_1895 = vector.load %arg2[%swap3A_1893, %swap3A_1894] : memref<4096x128xf32, #tpu.memory_space<vmem>>, vector<32x32xf32>
    tpu.vector_store %arg2[%swap3A_1893, %swap3A_1894], %slice3A_1892 {strides = array<i32>} : memref<4096x128xf32, #tpu.memory_space<vmem>>, vector<32x32xf32>,
    %slice3A_1896 = vector.extract_strided_slice %dot_general3A_1703 {offsets = [0, 1536], sizes = [32, 32], strides = [1, 1]} : vector<32x4096xf32> to vector<32x32xf32>
    %swap3A_1897 = arith.constant 1536 : index
    %swap3A_1898 = arith.constant 96 : index
    %swap3A_1899 = vector.load %arg2[%swap3A_1897, %swap3A_1898] : memref<4096x128xf32, #tpu.memory_space<vmem>>, vector<32x32xf32>
    tpu.vector_store %arg2[%swap3A_1897, %swap3A_1898], %slice3A_1896 {strides = array<i32>} : memref<4096x128xf32, #tpu.memory_space<vmem>>, vector<32x32xf32>,
    %slice3A_1900 = vector.extract_strided_slice %dot_general3A_1703 {offsets = [0, 1568], sizes = [32, 32], strides = [1, 1]} : vector<32x4096xf32> to vector<32x32xf32>
    %swap3A_1901 = arith.constant 1568 : index
    %swap3A_1902 = arith.constant 96 : index
    %swap3A_1903 = vector.load %arg2[%swap3A_1901, %swap3A_1902] : memref<4096x128xf32, #tpu.memory_space<vmem>>, vector<32x32xf32>
    tpu.vector_store %arg2[%swap3A_1901, %swap3A_1902], %slice3A_1900 {strides = array<i32>} : memref<4096x128xf32, #tpu.memory_space<vmem>>, vector<32x32xf32>,
    %slice3A_1904 = vector.extract_strided_slice %dot_general3A_1703 {offsets = [0, 1600], sizes = [32, 32], strides = [1, 1]} : vector<32x4096xf32> to vector<32x32xf32>
    %swap3A_1905 = arith.constant 1600 : index
    %swap3A_1906 = arith.constant 96 : index
    %swap3A_1907 = vector.load %arg2[%swap3A_1905, %swap3A_1906] : memref<4096x128xf32, #tpu.memory_space<vmem>>, vector<32x32xf32>
    tpu.vector_store %arg2[%swap3A_1905, %swap3A_1906], %slice3A_1904 {strides = array<i32>} : memref<4096x128xf32, #tpu.memory_space<vmem>>, vector<32x32xf32>,
    %slice3A_1908 = vector.extract_strided_slice %dot_general3A_1703 {offsets = [0, 1632], sizes = [32, 32], strides = [1, 1]} : vector<32x4096xf32> to vector<32x32xf32>
    %swap3A_1909 = arith.constant 1632 : index
    %swap3A_1910 = arith.constant 96 : index
    %swap3A_1911 = vector.load %arg2[%swap3A_1909, %swap3A_1910] : memref<4096x128xf32, #tpu.memory_space<vmem>>, vector<32x32xf32>
    tpu.vector_store %arg2[%swap3A_1909, %swap3A_1910], %slice3A_1908 {strides = array<i32>} : memref<4096x128xf32, #tpu.memory_space<vmem>>, vector<32x32xf32>,
    %slice3A_1912 = vector.extract_strided_slice %dot_general3A_1703 {offsets = [0, 1664], sizes = [32, 32], strides = [1, 1]} : vector<32x4096xf32> to vector<32x32xf32>
    %swap3A_1913 = arith.constant 1664 : index
    %swap3A_1914 = arith.constant 96 : index
    %swap3A_1915 = vector.load %arg2[%swap3A_1913, %swap3A_1914] : memref<4096x128xf32, #tpu.memory_space<vmem>>, vector<32x32xf32>
    tpu.vector_store %arg2[%swap3A_1913, %swap3A_1914], %slice3A_1912 {strides = array<i32>} : memref<4096x128xf32, #tpu.memory_space<vmem>>, vector<32x32xf32>,
    %slice3A_1916 = vector.extract_strided_slice %dot_general3A_1703 {offsets = [0, 1696], sizes = [32, 32], strides = [1, 1]} : vector<32x4096xf32> to vector<32x32xf32>
    %swap3A_1917 = arith.constant 1696 : index
    %swap3A_1918 = arith.constant 96 : index
    %swap3A_1919 = vector.load %arg2[%swap3A_1917, %swap3A_1918] : memref<4096x128xf32, #tpu.memory_space<vmem>>, vector<32x32xf32>
    tpu.vector_store %arg2[%swap3A_1917, %swap3A_1918], %slice3A_1916 {strides = array<i32>} : memref<4096x128xf32, #tpu.memory_space<vmem>>, vector<32x32xf32>,
    %slice3A_1920 = vector.extract_strided_slice %dot_general3A_1703 {offsets = [0, 1728], sizes = [32, 32], strides = [1, 1]} : vector<32x4096xf32> to vector<32x32xf32>
    %swap3A_1921 = arith.constant 1728 : index
    %swap3A_1922 = arith.constant 96 : index
    %swap3A_1923 = vector.load %arg2[%swap3A_1921, %swap3A_1922] : memref<4096x128xf32, #tpu.memory_space<vmem>>, vector<32x32xf32>
    tpu.vector_store %arg2[%swap3A_1921, %swap3A_1922], %slice3A_1920 {strides = array<i32>} : memref<4096x128xf32, #tpu.memory_space<vmem>>, vector<32x32xf32>,
    %slice3A_1924 = vector.extract_strided_slice %dot_general3A_1703 {offsets = [0, 1760], sizes = [32, 32], strides = [1, 1]} : vector<32x4096xf32> to vector<32x32xf32>
    %swap3A_1925 = arith.constant 1760 : index
    %swap3A_1926 = arith.constant 96 : index
    %swap3A_1927 = vector.load %arg2[%swap3A_1925, %swap3A_1926] : memref<4096x128xf32, #tpu.memory_space<vmem>>, vector<32x32xf32>
    tpu.vector_store %arg2[%swap3A_1925, %swap3A_1926], %slice3A_1924 {strides = array<i32>} : memref<4096x128xf32, #tpu.memory_space<vmem>>, vector<32x32xf32>,
    %slice3A_1928 = vector.extract_strided_slice %dot_general3A_1703 {offsets = [0, 1792], sizes = [32, 32], strides = [1, 1]} : vector<32x4096xf32> to vector<32x32xf32>
    %swap3A_1929 = arith.constant 1792 : index
    %swap3A_1930 = arith.constant 96 : index
    %swap3A_1931 = vector.load %arg2[%swap3A_1929, %swap3A_1930] : memref<4096x128xf32, #tpu.memory_space<vmem>>, vector<32x32xf32>
    tpu.vector_store %arg2[%swap3A_1929, %swap3A_1930], %slice3A_1928 {strides = array<i32>} : memref<4096x128xf32, #tpu.memory_space<vmem>>, vector<32x32xf32>,
    %slice3A_1932 = vector.extract_strided_slice %dot_general3A_1703 {offsets = [0, 1824], sizes = [32, 32], strides = [1, 1]} : vector<32x4096xf32> to vector<32x32xf32>
    %swap3A_1933 = arith.constant 1824 : index
    %swap3A_1934 = arith.constant 96 : index
    %swap3A_1935 = vector.load %arg2[%swap3A_1933, %swap3A_1934] : memref<4096x128xf32, #tpu.memory_space<vmem>>, vector<32x32xf32>
    tpu.vector_store %arg2[%swap3A_1933, %swap3A_1934], %slice3A_1932 {strides = array<i32>} : memref<4096x128xf32, #tpu.memory_space<vmem>>, vector<32x32xf32>,
    %slice3A_1936 = vector.extract_strided_slice %dot_general3A_1703 {offsets = [0, 1856], sizes = [32, 32], strides = [1, 1]} : vector<32x4096xf32> to vector<32x32xf32>
    %swap3A_1937 = arith.constant 1856 : index
    %swap3A_1938 = arith.constant 96 : index
    %swap3A_1939 = vector.load %arg2[%swap3A_1937, %swap3A_1938] : memref<4096x128xf32, #tpu.memory_space<vmem>>, vector<32x32xf32>
    tpu.vector_store %arg2[%swap3A_1937, %swap3A_1938], %slice3A_1936 {strides = array<i32>} : memref<4096x128xf32, #tpu.memory_space<vmem>>, vector<32x32xf32>,
    %slice3A_1940 = vector.extract_strided_slice %dot_general3A_1703 {offsets = [0, 1888], sizes = [32, 32], strides = [1, 1]} : vector<32x4096xf32> to vector<32x32xf32>
    %swap3A_1941 = arith.constant 1888 : index
    %swap3A_1942 = arith.constant 96 : index
    %swap3A_1943 = vector.load %arg2[%swap3A_1941, %swap3A_1942] : memref<4096x128xf32, #tpu.memory_space<vmem>>, vector<32x32xf32>
    tpu.vector_store %arg2[%swap3A_1941, %swap3A_1942], %slice3A_1940 {strides = array<i32>} : memref<4096x128xf32, #tpu.memory_space<vmem>>, vector<32x32xf32>,
    %slice3A_1944 = vector.extract_strided_slice %dot_general3A_1703 {offsets = [0, 1920], sizes = [32, 32], strides = [1, 1]} : vector<32x4096xf32> to vector<32x32xf32>
    %swap3A_1945 = arith.constant 1920 : index
    %swap3A_1946 = arith.constant 96 : index
    %swap3A_1947 = vector.load %arg2[%swap3A_1945, %swap3A_1946] : memref<4096x128xf32, #tpu.memory_space<vmem>>, vector<32x32xf32>
    tpu.vector_store %arg2[%swap3A_1945, %swap3A_1946], %slice3A_1944 {strides = array<i32>} : memref<4096x128xf32, #tpu.memory_space<vmem>>, vector<32x32xf32>,
    %slice3A_1948 = vector.extract_strided_slice %dot_general3A_1703 {offsets = [0, 1952], sizes = [32, 32], strides = [1, 1]} : vector<32x4096xf32> to vector<32x32xf32>
    %swap3A_1949 = arith.constant 1952 : index
    %swap3A_1950 = arith.constant 96 : index
    %swap3A_1951 = vector.load %arg2[%swap3A_1949, %swap3A_1950] : memref<4096x128xf32, #tpu.memory_space<vmem>>, vector<32x32xf32>
    tpu.vector_store %arg2[%swap3A_1949, %swap3A_1950], %slice3A_1948 {strides = array<i32>} : memref<4096x128xf32, #tpu.memory_space<vmem>>, vector<32x32xf32>,
    %slice3A_1952 = vector.extract_strided_slice %dot_general3A_1703 {offsets = [0, 1984], sizes = [32, 32], strides = [1, 1]} : vector<32x4096xf32> to vector<32x32xf32>
    %swap3A_1953 = arith.constant 1984 : index
    %swap3A_1954 = arith.constant 96 : index
    %swap3A_1955 = vector.load %arg2[%swap3A_1953, %swap3A_1954] : memref<4096x128xf32, #tpu.memory_space<vmem>>, vector<32x32xf32>
    tpu.vector_store %arg2[%swap3A_1953, %swap3A_1954], %slice3A_1952 {strides = array<i32>} : memref<4096x128xf32, #tpu.memory_space<vmem>>, vector<32x32xf32>,
    %slice3A_1956 = vector.extract_strided_slice %dot_general3A_1703 {offsets = [0, 2016], sizes = [32, 32], strides = [1, 1]} : vector<32x4096xf32> to vector<32x32xf32>
    %swap3A_1957 = arith.constant 2016 : index
    %swap3A_1958 = arith.constant 96 : index
    %swap3A_1959 = vector.load %arg2[%swap3A_1957, %swap3A_1958] : memref<4096x128xf32, #tpu.memory_space<vmem>>, vector<32x32xf32>
    tpu.vector_store %arg2[%swap3A_1957, %swap3A_1958], %slice3A_1956 {strides = array<i32>} : memref<4096x128xf32, #tpu.memory_space<vmem>>, vector<32x32xf32>,
    %slice3A_1960 = vector.extract_strided_slice %dot_general3A_1703 {offsets = [0, 2048], sizes = [32, 32], strides = [1, 1]} : vector<32x4096xf32> to vector<32x32xf32>
    %swap3A_1961 = arith.constant 2048 : index
    %swap3A_1962 = arith.constant 96 : index
    %swap3A_1963 = vector.load %arg2[%swap3A_1961, %swap3A_1962] : memref<4096x128xf32, #tpu.memory_space<vmem>>, vector<32x32xf32>
    tpu.vector_store %arg2[%swap3A_1961, %swap3A_1962], %slice3A_1960 {strides = array<i32>} : memref<4096x128xf32, #tpu.memory_space<vmem>>, vector<32x32xf32>,
    %slice3A_1964 = vector.extract_strided_slice %dot_general3A_1703 {offsets = [0, 2080], sizes = [32, 32], strides = [1, 1]} : vector<32x4096xf32> to vector<32x32xf32>
    %swap3A_1965 = arith.constant 2080 : index
    %swap3A_1966 = arith.constant 96 : index
    %swap3A_1967 = vector.load %arg2[%swap3A_1965, %swap3A_1966] : memref<4096x128xf32, #tpu.memory_space<vmem>>, vector<32x32xf32>
    tpu.vector_store %arg2[%swap3A_1965, %swap3A_1966], %slice3A_1964 {strides = array<i32>} : memref<4096x128xf32, #tpu.memory_space<vmem>>, vector<32x32xf32>,
    %slice3A_1968 = vector.extract_strided_slice %dot_general3A_1703 {offsets = [0, 2112], sizes = [32, 32], strides = [1, 1]} : vector<32x4096xf32> to vector<32x32xf32>
    %swap3A_1969 = arith.constant 2112 : index
    %swap3A_1970 = arith.constant 96 : index
    %swap3A_1971 = vector.load %arg2[%swap3A_1969, %swap3A_1970] : memref<4096x128xf32, #tpu.memory_space<vmem>>, vector<32x32xf32>
    tpu.vector_store %arg2[%swap3A_1969, %swap3A_1970], %slice3A_1968 {strides = array<i32>} : memref<4096x128xf32, #tpu.memory_space<vmem>>, vector<32x32xf32>,
    %slice3A_1972 = vector.extract_strided_slice %dot_general3A_1703 {offsets = [0, 2144], sizes = [32, 32], strides = [1, 1]} : vector<32x4096xf32> to vector<32x32xf32>
    %swap3A_1973 = arith.constant 2144 : index
    %swap3A_1974 = arith.constant 96 : index
    %swap3A_1975 = vector.load %arg2[%swap3A_1973, %swap3A_1974] : memref<4096x128xf32, #tpu.memory_space<vmem>>, vector<32x32xf32>
    tpu.vector_store %arg2[%swap3A_1973, %swap3A_1974], %slice3A_1972 {strides = array<i32>} : memref<4096x128xf32, #tpu.memory_space<vmem>>, vector<32x32xf32>,
    %slice3A_1976 = vector.extract_strided_slice %dot_general3A_1703 {offsets = [0, 2176], sizes = [32, 32], strides = [1, 1]} : vector<32x4096xf32> to vector<32x32xf32>
    %swap3A_1977 = arith.constant 2176 : index
    %swap3A_1978 = arith.constant 96 : index
    %swap3A_1979 = vector.load %arg2[%swap3A_1977, %swap3A_1978] : memref<4096x128xf32, #tpu.memory_space<vmem>>, vector<32x32xf32>
    tpu.vector_store %arg2[%swap3A_1977, %swap3A_1978], %slice3A_1976 {strides = array<i32>} : memref<4096x128xf32, #tpu.memory_space<vmem>>, vector<32x32xf32>,
    %slice3A_1980 = vector.extract_strided_slice %dot_general3A_1703 {offsets = [0, 2208], sizes = [32, 32], strides = [1, 1]} : vector<32x4096xf32> to vector<32x32xf32>
    %swap3A_1981 = arith.constant 2208 : index
    %swap3A_1982 = arith.constant 96 : index
    %swap3A_1983 = vector.load %arg2[%swap3A_1981, %swap3A_1982] : memref<4096x128xf32, #tpu.memory_space<vmem>>, vector<32x32xf32>
    tpu.vector_store %arg2[%swap3A_1981, %swap3A_1982], %slice3A_1980 {strides = array<i32>} : memref<4096x128xf32, #tpu.memory_space<vmem>>, vector<32x32xf32>,
    %slice3A_1984 = vector.extract_strided_slice %dot_general3A_1703 {offsets = [0, 2240], sizes = [32, 32], strides = [1, 1]} : vector<32x4096xf32> to vector<32x32xf32>
    %swap3A_1985 = arith.constant 2240 : index
    %swap3A_1986 = arith.constant 96 : index
    %swap3A_1987 = vector.load %arg2[%swap3A_1985, %swap3A_1986] : memref<4096x128xf32, #tpu.memory_space<vmem>>, vector<32x32xf32>
    tpu.vector_store %arg2[%swap3A_1985, %swap3A_1986], %slice3A_1984 {strides = array<i32>} : memref<4096x128xf32, #tpu.memory_space<vmem>>, vector<32x32xf32>,
    %slice3A_1988 = vector.extract_strided_slice %dot_general3A_1703 {offsets = [0, 2272], sizes = [32, 32], strides = [1, 1]} : vector<32x4096xf32> to vector<32x32xf32>
    %swap3A_1989 = arith.constant 2272 : index
    %swap3A_1990 = arith.constant 96 : index
    %swap3A_1991 = vector.load %arg2[%swap3A_1989, %swap3A_1990] : memref<4096x128xf32, #tpu.memory_space<vmem>>, vector<32x32xf32>
    tpu.vector_store %arg2[%swap3A_1989, %swap3A_1990], %slice3A_1988 {strides = array<i32>} : memref<4096x128xf32, #tpu.memory_space<vmem>>, vector<32x32xf32>,
    %slice3A_1992 = vector.extract_strided_slice %dot_general3A_1703 {offsets = [0, 2304], sizes = [32, 32], strides = [1, 1]} : vector<32x4096xf32> to vector<32x32xf32>
    %swap3A_1993 = arith.constant 2304 : index
    %swap3A_1994 = arith.constant 96 : index
    %swap3A_1995 = vector.load %arg2[%swap3A_1993, %swap3A_1994] : memref<4096x128xf32, #tpu.memory_space<vmem>>, vector<32x32xf32>
    tpu.vector_store %arg2[%swap3A_1993, %swap3A_1994], %slice3A_1992 {strides = array<i32>} : memref<4096x128xf32, #tpu.memory_space<vmem>>, vector<32x32xf32>,
    %slice3A_1996 = vector.extract_strided_slice %dot_general3A_1703 {offsets = [0, 2336], sizes = [32, 32], strides = [1, 1]} : vector<32x4096xf32> to vector<32x32xf32>
    %swap3A_1997 = arith.constant 2336 : index
    %swap3A_1998 = arith.constant 96 : index
    %swap3A_1999 = vector.load %arg2[%swap3A_1997, %swap3A_1998] : memref<4096x128xf32, #tpu.memory_space<vmem>>, vector<32x32xf32>
    tpu.vector_store %arg2[%swap3A_1997, %swap3A_1998], %slice3A_1996 {strides = array<i32>} : memref<4096x128xf32, #tpu.memory_space<vmem>>, vector<32x32xf32>,
    %slice3A_2000 = vector.extract_strided_slice %dot_general3A_1703 {offsets = [0, 2368], sizes = [32, 32], strides = [1, 1]} : vector<32x4096xf32> to vector<32x32xf32>
    %swap3A_2001 = arith.constant 2368 : index
    %swap3A_2002 = arith.constant 96 : index
    %swap3A_2003 = vector.load %arg2[%swap3A_2001, %swap3A_2002] : memref<4096x128xf32, #tpu.memory_space<vmem>>, vector<32x32xf32>
    tpu.vector_store %arg2[%swap3A_2001, %swap3A_2002], %slice3A_2000 {strides = array<i32>} : memref<4096x128xf32, #tpu.memory_space<vmem>>, vector<32x32xf32>,
    %slice3A_2004 = vector.extract_strided_slice %dot_general3A_1703 {offsets = [0, 2400], sizes = [32, 32], strides = [1, 1]} : vector<32x4096xf32> to vector<32x32xf32>
    %swap3A_2005 = arith.constant 2400 : index
    %swap3A_2006 = arith.constant 96 : index
    %swap3A_2007 = vector.load %arg2[%swap3A_2005, %swap3A_2006] : memref<4096x128xf32, #tpu.memory_space<vmem>>, vector<32x32xf32>
    tpu.vector_store %arg2[%swap3A_2005, %swap3A_2006], %slice3A_2004 {strides = array<i32>} : memref<4096x128xf32, #tpu.memory_space<vmem>>, vector<32x32xf32>,
    %slice3A_2008 = vector.extract_strided_slice %dot_general3A_1703 {offsets = [0, 2432], sizes = [32, 32], strides = [1, 1]} : vector<32x4096xf32> to vector<32x32xf32>
    %swap3A_2009 = arith.constant 2432 : index
    %swap3A_2010 = arith.constant 96 : index
    %swap3A_2011 = vector.load %arg2[%swap3A_2009, %swap3A_2010] : memref<4096x128xf32, #tpu.memory_space<vmem>>, vector<32x32xf32>
    tpu.vector_store %arg2[%swap3A_2009, %swap3A_2010], %slice3A_2008 {strides = array<i32>} : memref<4096x128xf32, #tpu.memory_space<vmem>>, vector<32x32xf32>,
    %slice3A_2012 = vector.extract_strided_slice %dot_general3A_1703 {offsets = [0, 2464], sizes = [32, 32], strides = [1, 1]} : vector<32x4096xf32> to vector<32x32xf32>
    %swap3A_2013 = arith.constant 2464 : index
    %swap3A_2014 = arith.constant 96 : index
    %swap3A_2015 = vector.load %arg2[%swap3A_2013, %swap3A_2014] : memref<4096x128xf32, #tpu.memory_space<vmem>>, vector<32x32xf32>
    tpu.vector_store %arg2[%swap3A_2013, %swap3A_2014], %slice3A_2012 {strides = array<i32>} : memref<4096x128xf32, #tpu.memory_space<vmem>>, vector<32x32xf32>,
    %slice3A_2016 = vector.extract_strided_slice %dot_general3A_1703 {offsets = [0, 2496], sizes = [32, 32], strides = [1, 1]} : vector<32x4096xf32> to vector<32x32xf32>
    %swap3A_2017 = arith.constant 2496 : index
    %swap3A_2018 = arith.constant 96 : index
    %swap3A_2019 = vector.load %arg2[%swap3A_2017, %swap3A_2018] : memref<4096x128xf32, #tpu.memory_space<vmem>>, vector<32x32xf32>
    tpu.vector_store %arg2[%swap3A_2017, %swap3A_2018], %slice3A_2016 {strides = array<i32>} : memref<4096x128xf32, #tpu.memory_space<vmem>>, vector<32x32xf32>,
    %slice3A_2020 = vector.extract_strided_slice %dot_general3A_1703 {offsets = [0, 2528], sizes = [32, 32], strides = [1, 1]} : vector<32x4096xf32> to vector<32x32xf32>
    %swap3A_2021 = arith.constant 2528 : index
    %swap3A_2022 = arith.constant 96 : index
    %swap3A_2023 = vector.load %arg2[%swap3A_2021, %swap3A_2022] : memref<4096x128xf32, #tpu.memory_space<vmem>>, vector<32x32xf32>
    tpu.vector_store %arg2[%swap3A_2021, %swap3A_2022], %slice3A_2020 {strides = array<i32>} : memref<4096x128xf32, #tpu.memory_space<vmem>>, vector<32x32xf32>,
    %slice3A_2024 = vector.extract_strided_slice %dot_general3A_1703 {offsets = [0, 2560], sizes = [32, 32], strides = [1, 1]} : vector<32x4096xf32> to vector<32x32xf32>
    %swap3A_2025 = arith.constant 2560 : index
    %swap3A_2026 = arith.constant 96 : index
    %swap3A_2027 = vector.load %arg2[%swap3A_2025, %swap3A_2026] : memref<4096x128xf32, #tpu.memory_space<vmem>>, vector<32x32xf32>
    tpu.vector_store %arg2[%swap3A_2025, %swap3A_2026], %slice3A_2024 {strides = array<i32>} : memref<4096x128xf32, #tpu.memory_space<vmem>>, vector<32x32xf32>,
    %slice3A_2028 = vector.extract_strided_slice %dot_general3A_1703 {offsets = [0, 2592], sizes = [32, 32], strides = [1, 1]} : vector<32x4096xf32> to vector<32x32xf32>
    %swap3A_2029 = arith.constant 2592 : index
    %swap3A_2030 = arith.constant 96 : index
    %swap3A_2031 = vector.load %arg2[%swap3A_2029, %swap3A_2030] : memref<4096x128xf32, #tpu.memory_space<vmem>>, vector<32x32xf32>
    tpu.vector_store %arg2[%swap3A_2029, %swap3A_2030], %slice3A_2028 {strides = array<i32>} : memref<4096x128xf32, #tpu.memory_space<vmem>>, vector<32x32xf32>,
    %slice3A_2032 = vector.extract_strided_slice %dot_general3A_1703 {offsets = [0, 2624], sizes = [32, 32], strides = [1, 1]} : vector<32x4096xf32> to vector<32x32xf32>
    %swap3A_2033 = arith.constant 2624 : index
    %swap3A_2034 = arith.constant 96 : index
    %swap3A_2035 = vector.load %arg2[%swap3A_2033, %swap3A_2034] : memref<4096x128xf32, #tpu.memory_space<vmem>>, vector<32x32xf32>
    tpu.vector_store %arg2[%swap3A_2033, %swap3A_2034], %slice3A_2032 {strides = array<i32>} : memref<4096x128xf32, #tpu.memory_space<vmem>>, vector<32x32xf32>,
    %slice3A_2036 = vector.extract_strided_slice %dot_general3A_1703 {offsets = [0, 2656], sizes = [32, 32], strides = [1, 1]} : vector<32x4096xf32> to vector<32x32xf32>
    %swap3A_2037 = arith.constant 2656 : index
    %swap3A_2038 = arith.constant 96 : index
    %swap3A_2039 = vector.load %arg2[%swap3A_2037, %swap3A_2038] : memref<4096x128xf32, #tpu.memory_space<vmem>>, vector<32x32xf32>
    tpu.vector_store %arg2[%swap3A_2037, %swap3A_2038], %slice3A_2036 {strides = array<i32>} : memref<4096x128xf32, #tpu.memory_space<vmem>>, vector<32x32xf32>,
    %slice3A_2040 = vector.extract_strided_slice %dot_general3A_1703 {offsets = [0, 2688], sizes = [32, 32], strides = [1, 1]} : vector<32x4096xf32> to vector<32x32xf32>
    %swap3A_2041 = arith.constant 2688 : index
    %swap3A_2042 = arith.constant 96 : index
    %swap3A_2043 = vector.load %arg2[%swap3A_2041, %swap3A_2042] : memref<4096x128xf32, #tpu.memory_space<vmem>>, vector<32x32xf32>
    tpu.vector_store %arg2[%swap3A_2041, %swap3A_2042], %slice3A_2040 {strides = array<i32>} : memref<4096x128xf32, #tpu.memory_space<vmem>>, vector<32x32xf32>,
    %slice3A_2044 = vector.extract_strided_slice %dot_general3A_1703 {offsets = [0, 2720], sizes = [32, 32], strides = [1, 1]} : vector<32x4096xf32> to vector<32x32xf32>
    %swap3A_2045 = arith.constant 2720 : index
    %swap3A_2046 = arith.constant 96 : index
    %swap3A_2047 = vector.load %arg2[%swap3A_2045, %swap3A_2046] : memref<4096x128xf32, #tpu.memory_space<vmem>>, vector<32x32xf32>
    tpu.vector_store %arg2[%swap3A_2045, %swap3A_2046], %slice3A_2044 {strides = array<i32>} : memref<4096x128xf32, #tpu.memory_space<vmem>>, vector<32x32xf32>,
    %slice3A_2048 = vector.extract_strided_slice %dot_general3A_1703 {offsets = [0, 2752], sizes = [32, 32], strides = [1, 1]} : vector<32x4096xf32> to vector<32x32xf32>
    %swap3A_2049 = arith.constant 2752 : index
    %swap3A_2050 = arith.constant 96 : index
    %swap3A_2051 = vector.load %arg2[%swap3A_2049, %swap3A_2050] : memref<4096x128xf32, #tpu.memory_space<vmem>>, vector<32x32xf32>
    tpu.vector_store %arg2[%swap3A_2049, %swap3A_2050], %slice3A_2048 {strides = array<i32>} : memref<4096x128xf32, #tpu.memory_space<vmem>>, vector<32x32xf32>,
    %slice3A_2052 = vector.extract_strided_slice %dot_general3A_1703 {offsets = [0, 2784], sizes = [32, 32], strides = [1, 1]} : vector<32x4096xf32> to vector<32x32xf32>
    %swap3A_2053 = arith.constant 2784 : index
    %swap3A_2054 = arith.constant 96 : index
    %swap3A_2055 = vector.load %arg2[%swap3A_2053, %swap3A_2054] : memref<4096x128xf32, #tpu.memory_space<vmem>>, vector<32x32xf32>
    tpu.vector_store %arg2[%swap3A_2053, %swap3A_2054], %slice3A_2052 {strides = array<i32>} : memref<4096x128xf32, #tpu.memory_space<vmem>>, vector<32x32xf32>,
    %slice3A_2056 = vector.extract_strided_slice %dot_general3A_1703 {offsets = [0, 2816], sizes = [32, 32], strides = [1, 1]} : vector<32x4096xf32> to vector<32x32xf32>
    %swap3A_2057 = arith.constant 2816 : index
    %swap3A_2058 = arith.constant 96 : index
    %swap3A_2059 = vector.load %arg2[%swap3A_2057, %swap3A_2058] : memref<4096x128xf32, #tpu.memory_space<vmem>>, vector<32x32xf32>
    tpu.vector_store %arg2[%swap3A_2057, %swap3A_2058], %slice3A_2056 {strides = array<i32>} : memref<4096x128xf32, #tpu.memory_space<vmem>>, vector<32x32xf32>,
    %slice3A_2060 = vector.extract_strided_slice %dot_general3A_1703 {offsets = [0, 2848], sizes = [32, 32], strides = [1, 1]} : vector<32x4096xf32> to vector<32x32xf32>
    %swap3A_2061 = arith.constant 2848 : index
    %swap3A_2062 = arith.constant 96 : index
    %swap3A_2063 = vector.load %arg2[%swap3A_2061, %swap3A_2062] : memref<4096x128xf32, #tpu.memory_space<vmem>>, vector<32x32xf32>
    tpu.vector_store %arg2[%swap3A_2061, %swap3A_2062], %slice3A_2060 {strides = array<i32>} : memref<4096x128xf32, #tpu.memory_space<vmem>>, vector<32x32xf32>,
    %slice3A_2064 = vector.extract_strided_slice %dot_general3A_1703 {offsets = [0, 2880], sizes = [32, 32], strides = [1, 1]} : vector<32x4096xf32> to vector<32x32xf32>
    %swap3A_2065 = arith.constant 2880 : index
    %swap3A_2066 = arith.constant 96 : index
    %swap3A_2067 = vector.load %arg2[%swap3A_2065, %swap3A_2066] : memref<4096x128xf32, #tpu.memory_space<vmem>>, vector<32x32xf32>
    tpu.vector_store %arg2[%swap3A_2065, %swap3A_2066], %slice3A_2064 {strides = array<i32>} : memref<4096x128xf32, #tpu.memory_space<vmem>>, vector<32x32xf32>,
    %slice3A_2068 = vector.extract_strided_slice %dot_general3A_1703 {offsets = [0, 2912], sizes = [32, 32], strides = [1, 1]} : vector<32x4096xf32> to vector<32x32xf32>
    %swap3A_2069 = arith.constant 2912 : index
    %swap3A_2070 = arith.constant 96 : index
    %swap3A_2071 = vector.load %arg2[%swap3A_2069, %swap3A_2070] : memref<4096x128xf32, #tpu.memory_space<vmem>>, vector<32x32xf32>
    tpu.vector_store %arg2[%swap3A_2069, %swap3A_2070], %slice3A_2068 {strides = array<i32>} : memref<4096x128xf32, #tpu.memory_space<vmem>>, vector<32x32xf32>,
    %slice3A_2072 = vector.extract_strided_slice %dot_general3A_1703 {offsets = [0, 2944], sizes = [32, 32], strides = [1, 1]} : vector<32x4096xf32> to vector<32x32xf32>
    %swap3A_2073 = arith.constant 2944 : index
    %swap3A_2074 = arith.constant 96 : index
    %swap3A_2075 = vector.load %arg2[%swap3A_2073, %swap3A_2074] : memref<4096x128xf32, #tpu.memory_space<vmem>>, vector<32x32xf32>
    tpu.vector_store %arg2[%swap3A_2073, %swap3A_2074], %slice3A_2072 {strides = array<i32>} : memref<4096x128xf32, #tpu.memory_space<vmem>>, vector<32x32xf32>,
    %slice3A_2076 = vector.extract_strided_slice %dot_general3A_1703 {offsets = [0, 2976], sizes = [32, 32], strides = [1, 1]} : vector<32x4096xf32> to vector<32x32xf32>
    %swap3A_2077 = arith.constant 2976 : index
    %swap3A_2078 = arith.constant 96 : index
    %swap3A_2079 = vector.load %arg2[%swap3A_2077, %swap3A_2078] : memref<4096x128xf32, #tpu.memory_space<vmem>>, vector<32x32xf32>
    tpu.vector_store %arg2[%swap3A_2077, %swap3A_2078], %slice3A_2076 {strides = array<i32>} : memref<4096x128xf32, #tpu.memory_space<vmem>>, vector<32x32xf32>,
    %slice3A_2080 = vector.extract_strided_slice %dot_general3A_1703 {offsets = [0, 3008], sizes = [32, 32], strides = [1, 1]} : vector<32x4096xf32> to vector<32x32xf32>
    %swap3A_2081 = arith.constant 3008 : index
    %swap3A_2082 = arith.constant 96 : index
    %swap3A_2083 = vector.load %arg2[%swap3A_2081, %swap3A_2082] : memref<4096x128xf32, #tpu.memory_space<vmem>>, vector<32x32xf32>
    tpu.vector_store %arg2[%swap3A_2081, %swap3A_2082], %slice3A_2080 {strides = array<i32>} : memref<4096x128xf32, #tpu.memory_space<vmem>>, vector<32x32xf32>,
    %slice3A_2084 = vector.extract_strided_slice %dot_general3A_1703 {offsets = [0, 3040], sizes = [32, 32], strides = [1, 1]} : vector<32x4096xf32> to vector<32x32xf32>
    %swap3A_2085 = arith.constant 3040 : index
    %swap3A_2086 = arith.constant 96 : index
    %swap3A_2087 = vector.load %arg2[%swap3A_2085, %swap3A_2086] : memref<4096x128xf32, #tpu.memory_space<vmem>>, vector<32x32xf32>
    tpu.vector_store %arg2[%swap3A_2085, %swap3A_2086], %slice3A_2084 {strides = array<i32>} : memref<4096x128xf32, #tpu.memory_space<vmem>>, vector<32x32xf32>,
    %slice3A_2088 = vector.extract_strided_slice %dot_general3A_1703 {offsets = [0, 3072], sizes = [32, 32], strides = [1, 1]} : vector<32x4096xf32> to vector<32x32xf32>
    %swap3A_2089 = arith.constant 3072 : index
    %swap3A_2090 = arith.constant 96 : index
    %swap3A_2091 = vector.load %arg2[%swap3A_2089, %swap3A_2090] : memref<4096x128xf32, #tpu.memory_space<vmem>>, vector<32x32xf32>
    tpu.vector_store %arg2[%swap3A_2089, %swap3A_2090], %slice3A_2088 {strides = array<i32>} : memref<4096x128xf32, #tpu.memory_space<vmem>>, vector<32x32xf32>,
    %slice3A_2092 = vector.extract_strided_slice %dot_general3A_1703 {offsets = [0, 3104], sizes = [32, 32], strides = [1, 1]} : vector<32x4096xf32> to vector<32x32xf32>
    %swap3A_2093 = arith.constant 3104 : index
    %swap3A_2094 = arith.constant 96 : index
    %swap3A_2095 = vector.load %arg2[%swap3A_2093, %swap3A_2094] : memref<4096x128xf32, #tpu.memory_space<vmem>>, vector<32x32xf32>
    tpu.vector_store %arg2[%swap3A_2093, %swap3A_2094], %slice3A_2092 {strides = array<i32>} : memref<4096x128xf32, #tpu.memory_space<vmem>>, vector<32x32xf32>,
    %slice3A_2096 = vector.extract_strided_slice %dot_general3A_1703 {offsets = [0, 3136], sizes = [32, 32], strides = [1, 1]} : vector<32x4096xf32> to vector<32x32xf32>
    %swap3A_2097 = arith.constant 3136 : index
    %swap3A_2098 = arith.constant 96 : index
    %swap3A_2099 = vector.load %arg2[%swap3A_2097, %swap3A_2098] : memref<4096x128xf32, #tpu.memory_space<vmem>>, vector<32x32xf32>
    tpu.vector_store %arg2[%swap3A_2097, %swap3A_2098], %slice3A_2096 {strides = array<i32>} : memref<4096x128xf32, #tpu.memory_space<vmem>>, vector<32x32xf32>,
    %slice3A_2100 = vector.extract_strided_slice %dot_general3A_1703 {offsets = [0, 3168], sizes = [32, 32], strides = [1, 1]} : vector<32x4096xf32> to vector<32x32xf32>
    %swap3A_2101 = arith.constant 3168 : index
    %swap3A_2102 = arith.constant 96 : index
    %swap3A_2103 = vector.load %arg2[%swap3A_2101, %swap3A_2102] : memref<4096x128xf32, #tpu.memory_space<vmem>>, vector<32x32xf32>
    tpu.vector_store %arg2[%swap3A_2101, %swap3A_2102], %slice3A_2100 {strides = array<i32>} : memref<4096x128xf32, #tpu.memory_space<vmem>>, vector<32x32xf32>,
    %slice3A_2104 = vector.extract_strided_slice %dot_general3A_1703 {offsets = [0, 3200], sizes = [32, 32], strides = [1, 1]} : vector<32x4096xf32> to vector<32x32xf32>
    %swap3A_2105 = arith.constant 3200 : index
    %swap3A_2106 = arith.constant 96 : index
    %swap3A_2107 = vector.load %arg2[%swap3A_2105, %swap3A_2106] : memref<4096x128xf32, #tpu.memory_space<vmem>>, vector<32x32xf32>
    tpu.vector_store %arg2[%swap3A_2105, %swap3A_2106], %slice3A_2104 {strides = array<i32>} : memref<4096x128xf32, #tpu.memory_space<vmem>>, vector<32x32xf32>,
    %slice3A_2108 = vector.extract_strided_slice %dot_general3A_1703 {offsets = [0, 3232], sizes = [32, 32], strides = [1, 1]} : vector<32x4096xf32> to vector<32x32xf32>
    %swap3A_2109 = arith.constant 3232 : index
    %swap3A_2110 = arith.constant 96 : index
    %swap3A_2111 = vector.load %arg2[%swap3A_2109, %swap3A_2110] : memref<4096x128xf32, #tpu.memory_space<vmem>>, vector<32x32xf32>
    tpu.vector_store %arg2[%swap3A_2109, %swap3A_2110], %slice3A_2108 {strides = array<i32>} : memref<4096x128xf32, #tpu.memory_space<vmem>>, vector<32x32xf32>,
    %slice3A_2112 = vector.extract_strided_slice %dot_general3A_1703 {offsets = [0, 3264], sizes = [32, 32], strides = [1, 1]} : vector<32x4096xf32> to vector<32x32xf32>
    %swap3A_2113 = arith.constant 3264 : index
    %swap3A_2114 = arith.constant 96 : index
    %swap3A_2115 = vector.load %arg2[%swap3A_2113, %swap3A_2114] : memref<4096x128xf32, #tpu.memory_space<vmem>>, vector<32x32xf32>
    tpu.vector_store %arg2[%swap3A_2113, %swap3A_2114], %slice3A_2112 {strides = array<i32>} : memref<4096x128xf32, #tpu.memory_space<vmem>>, vector<32x32xf32>,
    %slice3A_2116 = vector.extract_strided_slice %dot_general3A_1703 {offsets = [0, 3296], sizes = [32, 32], strides = [1, 1]} : vector<32x4096xf32> to vector<32x32xf32>
    %swap3A_2117 = arith.constant 3296 : index
    %swap3A_2118 = arith.constant 96 : index
    %swap3A_2119 = vector.load %arg2[%swap3A_2117, %swap3A_2118] : memref<4096x128xf32, #tpu.memory_space<vmem>>, vector<32x32xf32>
    tpu.vector_store %arg2[%swap3A_2117, %swap3A_2118], %slice3A_2116 {strides = array<i32>} : memref<4096x128xf32, #tpu.memory_space<vmem>>, vector<32x32xf32>,
    %slice3A_2120 = vector.extract_strided_slice %dot_general3A_1703 {offsets = [0, 3328], sizes = [32, 32], strides = [1, 1]} : vector<32x4096xf32> to vector<32x32xf32>
    %swap3A_2121 = arith.constant 3328 : index
    %swap3A_2122 = arith.constant 96 : index
    %swap3A_2123 = vector.load %arg2[%swap3A_2121, %swap3A_2122] : memref<4096x128xf32, #tpu.memory_space<vmem>>, vector<32x32xf32>
    tpu.vector_store %arg2[%swap3A_2121, %swap3A_2122], %slice3A_2120 {strides = array<i32>} : memref<4096x128xf32, #tpu.memory_space<vmem>>, vector<32x32xf32>,
    %slice3A_2124 = vector.extract_strided_slice %dot_general3A_1703 {offsets = [0, 3360], sizes = [32, 32], strides = [1, 1]} : vector<32x4096xf32> to vector<32x32xf32>
    %swap3A_2125 = arith.constant 3360 : index
    %swap3A_2126 = arith.constant 96 : index
    %swap3A_2127 = vector.load %arg2[%swap3A_2125, %swap3A_2126] : memref<4096x128xf32, #tpu.memory_space<vmem>>, vector<32x32xf32>
    tpu.vector_store %arg2[%swap3A_2125, %swap3A_2126], %slice3A_2124 {strides = array<i32>} : memref<4096x128xf32, #tpu.memory_space<vmem>>, vector<32x32xf32>,
    %slice3A_2128 = vector.extract_strided_slice %dot_general3A_1703 {offsets = [0, 3392], sizes = [32, 32], strides = [1, 1]} : vector<32x4096xf32> to vector<32x32xf32>
    %swap3A_2129 = arith.constant 3392 : index
    %swap3A_2130 = arith.constant 96 : index
    %swap3A_2131 = vector.load %arg2[%swap3A_2129, %swap3A_2130] : memref<4096x128xf32, #tpu.memory_space<vmem>>, vector<32x32xf32>
    tpu.vector_store %arg2[%swap3A_2129, %swap3A_2130], %slice3A_2128 {strides = array<i32>} : memref<4096x128xf32, #tpu.memory_space<vmem>>, vector<32x32xf32>,
    %slice3A_2132 = vector.extract_strided_slice %dot_general3A_1703 {offsets = [0, 3424], sizes = [32, 32], strides = [1, 1]} : vector<32x4096xf32> to vector<32x32xf32>
    %swap3A_2133 = arith.constant 3424 : index
    %swap3A_2134 = arith.constant 96 : index
    %swap3A_2135 = vector.load %arg2[%swap3A_2133, %swap3A_2134] : memref<4096x128xf32, #tpu.memory_space<vmem>>, vector<32x32xf32>
    tpu.vector_store %arg2[%swap3A_2133, %swap3A_2134], %slice3A_2132 {strides = array<i32>} : memref<4096x128xf32, #tpu.memory_space<vmem>>, vector<32x32xf32>,
    %slice3A_2136 = vector.extract_strided_slice %dot_general3A_1703 {offsets = [0, 3456], sizes = [32, 32], strides = [1, 1]} : vector<32x4096xf32> to vector<32x32xf32>
    %swap3A_2137 = arith.constant 3456 : index
    %swap3A_2138 = arith.constant 96 : index
    %swap3A_2139 = vector.load %arg2[%swap3A_2137, %swap3A_2138] : memref<4096x128xf32, #tpu.memory_space<vmem>>, vector<32x32xf32>
    tpu.vector_store %arg2[%swap3A_2137, %swap3A_2138], %slice3A_2136 {strides = array<i32>} : memref<4096x128xf32, #tpu.memory_space<vmem>>, vector<32x32xf32>,
    %slice3A_2140 = vector.extract_strided_slice %dot_general3A_1703 {offsets = [0, 3488], sizes = [32, 32], strides = [1, 1]} : vector<32x4096xf32> to vector<32x32xf32>
    %swap3A_2141 = arith.constant 3488 : index
    %swap3A_2142 = arith.constant 96 : index
    %swap3A_2143 = vector.load %arg2[%swap3A_2141, %swap3A_2142] : memref<4096x128xf32, #tpu.memory_space<vmem>>, vector<32x32xf32>
    tpu.vector_store %arg2[%swap3A_2141, %swap3A_2142], %slice3A_2140 {strides = array<i32>} : memref<4096x128xf32, #tpu.memory_space<vmem>>, vector<32x32xf32>,
    %slice3A_2144 = vector.extract_strided_slice %dot_general3A_1703 {offsets = [0, 3520], sizes = [32, 32], strides = [1, 1]} : vector<32x4096xf32> to vector<32x32xf32>
    %swap3A_2145 = arith.constant 3520 : index
    %swap3A_2146 = arith.constant 96 : index
    %swap3A_2147 = vector.load %arg2[%swap3A_2145, %swap3A_2146] : memref<4096x128xf32, #tpu.memory_space<vmem>>, vector<32x32xf32>
    tpu.vector_store %arg2[%swap3A_2145, %swap3A_2146], %slice3A_2144 {strides = array<i32>} : memref<4096x128xf32, #tpu.memory_space<vmem>>, vector<32x32xf32>,
    %slice3A_2148 = vector.extract_strided_slice %dot_general3A_1703 {offsets = [0, 3552], sizes = [32, 32], strides = [1, 1]} : vector<32x4096xf32> to vector<32x32xf32>
    %swap3A_2149 = arith.constant 3552 : index
    %swap3A_2150 = arith.constant 96 : index
    %swap3A_2151 = vector.load %arg2[%swap3A_2149, %swap3A_2150] : memref<4096x128xf32, #tpu.memory_space<vmem>>, vector<32x32xf32>
    tpu.vector_store %arg2[%swap3A_2149, %swap3A_2150], %slice3A_2148 {strides = array<i32>} : memref<4096x128xf32, #tpu.memory_space<vmem>>, vector<32x32xf32>,
    %slice3A_2152 = vector.extract_strided_slice %dot_general3A_1703 {offsets = [0, 3584], sizes = [32, 32], strides = [1, 1]} : vector<32x4096xf32> to vector<32x32xf32>
    %swap3A_2153 = arith.constant 3584 : index
    %swap3A_2154 = arith.constant 96 : index
    %swap3A_2155 = vector.load %arg2[%swap3A_2153, %swap3A_2154] : memref<4096x128xf32, #tpu.memory_space<vmem>>, vector<32x32xf32>
    tpu.vector_store %arg2[%swap3A_2153, %swap3A_2154], %slice3A_2152 {strides = array<i32>} : memref<4096x128xf32, #tpu.memory_space<vmem>>, vector<32x32xf32>,
    %slice3A_2156 = vector.extract_strided_slice %dot_general3A_1703 {offsets = [0, 3616], sizes = [32, 32], strides = [1, 1]} : vector<32x4096xf32> to vector<32x32xf32>
    %swap3A_2157 = arith.constant 3616 : index
    %swap3A_2158 = arith.constant 96 : index
    %swap3A_2159 = vector.load %arg2[%swap3A_2157, %swap3A_2158] : memref<4096x128xf32, #tpu.memory_space<vmem>>, vector<32x32xf32>
    tpu.vector_store %arg2[%swap3A_2157, %swap3A_2158], %slice3A_2156 {strides = array<i32>} : memref<4096x128xf32, #tpu.memory_space<vmem>>, vector<32x32xf32>,
    %slice3A_2160 = vector.extract_strided_slice %dot_general3A_1703 {offsets = [0, 3648], sizes = [32, 32], strides = [1, 1]} : vector<32x4096xf32> to vector<32x32xf32>
    %swap3A_2161 = arith.constant 3648 : index
    %swap3A_2162 = arith.constant 96 : index
    %swap3A_2163 = vector.load %arg2[%swap3A_2161, %swap3A_2162] : memref<4096x128xf32, #tpu.memory_space<vmem>>, vector<32x32xf32>
    tpu.vector_store %arg2[%swap3A_2161, %swap3A_2162], %slice3A_2160 {strides = array<i32>} : memref<4096x128xf32, #tpu.memory_space<vmem>>, vector<32x32xf32>,
    %slice3A_2164 = vector.extract_strided_slice %dot_general3A_1703 {offsets = [0, 3680], sizes = [32, 32], strides = [1, 1]} : vector<32x4096xf32> to vector<32x32xf32>
    %swap3A_2165 = arith.constant 3680 : index
    %swap3A_2166 = arith.constant 96 : index
    %swap3A_2167 = vector.load %arg2[%swap3A_2165, %swap3A_2166] : memref<4096x128xf32, #tpu.memory_space<vmem>>, vector<32x32xf32>
    tpu.vector_store %arg2[%swap3A_2165, %swap3A_2166], %slice3A_2164 {strides = array<i32>} : memref<4096x128xf32, #tpu.memory_space<vmem>>, vector<32x32xf32>,
    %slice3A_2168 = vector.extract_strided_slice %dot_general3A_1703 {offsets = [0, 3712], sizes = [32, 32], strides = [1, 1]} : vector<32x4096xf32> to vector<32x32xf32>
    %swap3A_2169 = arith.constant 3712 : index
    %swap3A_2170 = arith.constant 96 : index
    %swap3A_2171 = vector.load %arg2[%swap3A_2169, %swap3A_2170] : memref<4096x128xf32, #tpu.memory_space<vmem>>, vector<32x32xf32>
    tpu.vector_store %arg2[%swap3A_2169, %swap3A_2170], %slice3A_2168 {strides = array<i32>} : memref<4096x128xf32, #tpu.memory_space<vmem>>, vector<32x32xf32>,
    %slice3A_2172 = vector.extract_strided_slice %dot_general3A_1703 {offsets = [0, 3744], sizes = [32, 32], strides = [1, 1]} : vector<32x4096xf32> to vector<32x32xf32>
    %swap3A_2173 = arith.constant 3744 : index
    %swap3A_2174 = arith.constant 96 : index
    %swap3A_2175 = vector.load %arg2[%swap3A_2173, %swap3A_2174] : memref<4096x128xf32, #tpu.memory_space<vmem>>, vector<32x32xf32>
    tpu.vector_store %arg2[%swap3A_2173, %swap3A_2174], %slice3A_2172 {strides = array<i32>} : memref<4096x128xf32, #tpu.memory_space<vmem>>, vector<32x32xf32>,
    %slice3A_2176 = vector.extract_strided_slice %dot_general3A_1703 {offsets = [0, 3776], sizes = [32, 32], strides = [1, 1]} : vector<32x4096xf32> to vector<32x32xf32>
    %swap3A_2177 = arith.constant 3776 : index
    %swap3A_2178 = arith.constant 96 : index
    %swap3A_2179 = vector.load %arg2[%swap3A_2177, %swap3A_2178] : memref<4096x128xf32, #tpu.memory_space<vmem>>, vector<32x32xf32>
    tpu.vector_store %arg2[%swap3A_2177, %swap3A_2178], %slice3A_2176 {strides = array<i32>} : memref<4096x128xf32, #tpu.memory_space<vmem>>, vector<32x32xf32>,
    %slice3A_2180 = vector.extract_strided_slice %dot_general3A_1703 {offsets = [0, 3808], sizes = [32, 32], strides = [1, 1]} : vector<32x4096xf32> to vector<32x32xf32>
    %swap3A_2181 = arith.constant 3808 : index
    %swap3A_2182 = arith.constant 96 : index
    %swap3A_2183 = vector.load %arg2[%swap3A_2181, %swap3A_2182] : memref<4096x128xf32, #tpu.memory_space<vmem>>, vector<32x32xf32>
    tpu.vector_store %arg2[%swap3A_2181, %swap3A_2182], %slice3A_2180 {strides = array<i32>} : memref<4096x128xf32, #tpu.memory_space<vmem>>, vector<32x32xf32>,
    %slice3A_2184 = vector.extract_strided_slice %dot_general3A_1703 {offsets = [0, 3840], sizes = [32, 32], strides = [1, 1]} : vector<32x4096xf32> to vector<32x32xf32>
    %swap3A_2185 = arith.constant 3840 : index
    %swap3A_2186 = arith.constant 96 : index
    %swap3A_2187 = vector.load %arg2[%swap3A_2185, %swap3A_2186] : memref<4096x128xf32, #tpu.memory_space<vmem>>, vector<32x32xf32>
    tpu.vector_store %arg2[%swap3A_2185, %swap3A_2186], %slice3A_2184 {strides = array<i32>} : memref<4096x128xf32, #tpu.memory_space<vmem>>, vector<32x32xf32>,
    %slice3A_2188 = vector.extract_strided_slice %dot_general3A_1703 {offsets = [0, 3872], sizes = [32, 32], strides = [1, 1]} : vector<32x4096xf32> to vector<32x32xf32>
    %swap3A_2189 = arith.constant 3872 : index
    %swap3A_2190 = arith.constant 96 : index
    %swap3A_2191 = vector.load %arg2[%swap3A_2189, %swap3A_2190] : memref<4096x128xf32, #tpu.memory_space<vmem>>, vector<32x32xf32>
    tpu.vector_store %arg2[%swap3A_2189, %swap3A_2190], %slice3A_2188 {strides = array<i32>} : memref<4096x128xf32, #tpu.memory_space<vmem>>, vector<32x32xf32>,
    %slice3A_2192 = vector.extract_strided_slice %dot_general3A_1703 {offsets = [0, 3904], sizes = [32, 32], strides = [1, 1]} : vector<32x4096xf32> to vector<32x32xf32>
    %swap3A_2193 = arith.constant 3904 : index
    %swap3A_2194 = arith.constant 96 : index
    %swap3A_2195 = vector.load %arg2[%swap3A_2193, %swap3A_2194] : memref<4096x128xf32, #tpu.memory_space<vmem>>, vector<32x32xf32>
    tpu.vector_store %arg2[%swap3A_2193, %swap3A_2194], %slice3A_2192 {strides = array<i32>} : memref<4096x128xf32, #tpu.memory_space<vmem>>, vector<32x32xf32>,
    %slice3A_2196 = vector.extract_strided_slice %dot_general3A_1703 {offsets = [0, 3936], sizes = [32, 32], strides = [1, 1]} : vector<32x4096xf32> to vector<32x32xf32>
    %swap3A_2197 = arith.constant 3936 : index
    %swap3A_2198 = arith.constant 96 : index
    %swap3A_2199 = vector.load %arg2[%swap3A_2197, %swap3A_2198] : memref<4096x128xf32, #tpu.memory_space<vmem>>, vector<32x32xf32>
    tpu.vector_store %arg2[%swap3A_2197, %swap3A_2198], %slice3A_2196 {strides = array<i32>} : memref<4096x128xf32, #tpu.memory_space<vmem>>, vector<32x32xf32>,
    %slice3A_2200 = vector.extract_strided_slice %dot_general3A_1703 {offsets = [0, 3968], sizes = [32, 32], strides = [1, 1]} : vector<32x4096xf32> to vector<32x32xf32>
    %swap3A_2201 = arith.constant 3968 : index
    %swap3A_2202 = arith.constant 96 : index
    %swap3A_2203 = vector.load %arg2[%swap3A_2201, %swap3A_2202] : memref<4096x128xf32, #tpu.memory_space<vmem>>, vector<32x32xf32>
    tpu.vector_store %arg2[%swap3A_2201, %swap3A_2202], %slice3A_2200 {strides = array<i32>} : memref<4096x128xf32, #tpu.memory_space<vmem>>, vector<32x32xf32>,
    %slice3A_2204 = vector.extract_strided_slice %dot_general3A_1703 {offsets = [0, 4000], sizes = [32, 32], strides = [1, 1]} : vector<32x4096xf32> to vector<32x32xf32>
    %swap3A_2205 = arith.constant 4000 : index
    %swap3A_2206 = arith.constant 96 : index
    %swap3A_2207 = vector.load %arg2[%swap3A_2205, %swap3A_2206] : memref<4096x128xf32, #tpu.memory_space<vmem>>, vector<32x32xf32>
    tpu.vector_store %arg2[%swap3A_2205, %swap3A_2206], %slice3A_2204 {strides = array<i32>} : memref<4096x128xf32, #tpu.memory_space<vmem>>, vector<32x32xf32>,
    %slice3A_2208 = vector.extract_strided_slice %dot_general3A_1703 {offsets = [0, 4032], sizes = [32, 32], strides = [1, 1]} : vector<32x4096xf32> to vector<32x32xf32>
    %swap3A_2209 = arith.constant 4032 : index
    %swap3A_2210 = arith.constant 96 : index
    %swap3A_2211 = vector.load %arg2[%swap3A_2209, %swap3A_2210] : memref<4096x128xf32, #tpu.memory_space<vmem>>, vector<32x32xf32>
    tpu.vector_store %arg2[%swap3A_2209, %swap3A_2210], %slice3A_2208 {strides = array<i32>} : memref<4096x128xf32, #tpu.memory_space<vmem>>, vector<32x32xf32>,
    %slice3A_2212 = vector.extract_strided_slice %dot_general3A_1703 {offsets = [0, 4064], sizes = [32, 32], strides = [1, 1]} : vector<32x4096xf32> to vector<32x32xf32>
    %swap3A_2213 = arith.constant 4064 : index
    %swap3A_2214 = arith.constant 96 : index
    %swap3A_2215 = vector.load %arg2[%swap3A_2213, %swap3A_2214] : memref<4096x128xf32, #tpu.memory_space<vmem>>, vector<32x32xf32>
    tpu.vector_store %arg2[%swap3A_2213, %swap3A_2214], %slice3A_2212 {strides = array<i32>} : memref<4096x128xf32, #tpu.memory_space<vmem>>, vector<32x32xf32>,
    return
  }
  func.func @transform_0(%arg0: i32) -> (i32, i32) {
    %c0_i32 = arith.constant 0 : i32
    %c0_i32_0 = arith.constant 0 : i32
    return %c0_i32, %arg0 : i32, i32
  }
  func.func @transform_1(%arg0: i32) -> (i32, i32) {
    %c0_i32 = arith.constant 0 : i32
    %c0_i32_0 = arith.constant 0 : i32
    return %arg0, %c0_i32 : i32, i32
  }
}

module attributes {stable_mosaic.version = 14 : i64} {
  func.func @_mlp_body(%arg0: i32, %arg1: memref<1024x64xf32, #tpu.memory_space<vmem>>, %arg2: memref<64x128xf32, #tpu.memory_space<vmem>>, %arg3: memref<1x128xf32, #tpu.memory_space<vmem>>, %arg4: memref<128x64xf32, #tpu.memory_space<vmem>>, %arg5: memref<1x64xf32, #tpu.memory_space<vmem>>, %arg6: memref<64x1xf32, #tpu.memory_space<vmem>>, %arg7: memref<1x1xf32, #tpu.memory_space<vmem>>, %arg8: memref<1024x1xf32, #tpu.memory_space<vmem>>) attributes {dimension_semantics = [#tpu.dimension_semantics<arbitrary>], iteration_bounds = array<i64: 4>, scalar_prefetch = 0 : i64, scratch_operands = 0 : i64, tpu.core_type = #tpu.core_type<tc>, window_params = [{transform_indices = @transform_0, window_bounds = array<i64: 1024, 64>}, {pipeline_mode = #tpu.pipeline_mode<synchronous>, transform_indices = @transform_1, window_bounds = array<i64: 64, 128>}, {pipeline_mode = #tpu.pipeline_mode<synchronous>, transform_indices = @transform_2, window_bounds = array<i64: 1, 128>}, {pipeline_mode = #tpu.pipeline_mode<synchronous>, transform_indices = @transform_3, window_bounds = array<i64: 128, 64>}, {pipeline_mode = #tpu.pipeline_mode<synchronous>, transform_indices = @transform_4, window_bounds = array<i64: 1, 64>}, {pipeline_mode = #tpu.pipeline_mode<synchronous>, transform_indices = @transform_5, window_bounds = array<i64: 64, 1>}, {pipeline_mode = #tpu.pipeline_mode<synchronous>, transform_indices = @transform_6, window_bounds = array<i64: 1, 1>}, {transform_indices = @transform_7, window_bounds = array<i64: 1024, 1>}]} {
    %get3A = arith.constant 0 : index
    %get3A_0 = arith.constant 0 : index
    %get3A_1 = vector.load %arg1[%get3A, %get3A_0] : memref<1024x64xf32, #tpu.memory_space<vmem>>, vector<1024x64xf32>
    %get3A_2 = arith.constant 0 : index
    %get3A_3 = arith.constant 0 : index
    %get3A_4 = vector.load %arg2[%get3A_2, %get3A_3] : memref<64x128xf32, #tpu.memory_space<vmem>>, vector<64x128xf32>
    %dot_general3A = arith.constant dense<0.000000e+00> : vector<1024x128xf32>
    %dot_general3A_5 = tpu.matmul %get3A_1, %get3A_4, %dot_general3A {dimension_numbers = #tpu.dot_dimension_numbers<[1], [0], [0], [1], [0, 0, 1, 1], [], []>, transpose_lhs_hint = false} : vector<1024x64xf32>, vector<64x128xf32>, vector<1024x128xf32> -> vector<1024x128xf32>
    %get3A_6 = arith.constant 0 : index
    %get3A_7 = arith.constant 0 : index
    %get3A_8 = vector.load %arg3[%get3A_6, %get3A_7] : memref<1x128xf32, #tpu.memory_space<vmem>>, vector<1x128xf32>
    %add3A = vector.broadcast %get3A_8 : vector<1x128xf32> to vector<1024x128xf32>
    %add3A_9 = arith.addf %dot_general3A_5, %add3A : vector<1024x128xf32>
    %max3A = arith.constant 0.000000e+00 : f32
    %max3A_10 = vector.broadcast %max3A : f32 to vector<1024x128xf32>
    %max3A_11 = arith.maximumf %add3A_9, %max3A_10 : vector<1024x128xf32>
    %get3A_12 = arith.constant 0 : index
    %get3A_13 = arith.constant 0 : index
    %get3A_14 = vector.load %arg4[%get3A_12, %get3A_13] : memref<128x64xf32, #tpu.memory_space<vmem>>, vector<128x64xf32>
    %dot_general3A_15 = arith.constant dense<0.000000e+00> : vector<1024x64xf32>
    %dot_general3A_16 = tpu.matmul %max3A_11, %get3A_14, %dot_general3A_15 {dimension_numbers = #tpu.dot_dimension_numbers<[1], [0], [0], [1], [0, 0, 1, 1], [], []>, transpose_lhs_hint = false} : vector<1024x128xf32>, vector<128x64xf32>, vector<1024x64xf32> -> vector<1024x64xf32>
    %get3A_17 = arith.constant 0 : index
    %get3A_18 = arith.constant 0 : index
    %get3A_19 = vector.load %arg5[%get3A_17, %get3A_18] : memref<1x64xf32, #tpu.memory_space<vmem>>, vector<1x64xf32>
    %add3A_20 = vector.broadcast %get3A_19 : vector<1x64xf32> to vector<1024x64xf32>
    %add3A_21 = arith.addf %dot_general3A_16, %add3A_20 : vector<1024x64xf32>
    %max3A_22 = arith.constant 0.000000e+00 : f32
    %max3A_23 = vector.broadcast %max3A_22 : f32 to vector<1024x64xf32>
    %max3A_24 = arith.maximumf %add3A_21, %max3A_23 : vector<1024x64xf32>
    %get3A_25 = arith.constant 0 : index
    %get3A_26 = arith.constant 0 : index
    %get3A_27 = vector.load %arg6[%get3A_25, %get3A_26] : memref<64x1xf32, #tpu.memory_space<vmem>>, vector<64x1xf32>
    %dot_general3A_28 = arith.constant dense<0.000000e+00> : vector<1024x1xf32>
    %dot_general3A_29 = tpu.matmul %max3A_24, %get3A_27, %dot_general3A_28 {dimension_numbers = #tpu.dot_dimension_numbers<[1], [0], [0], [1], [0, 0, 1, 1], [], []>, transpose_lhs_hint = false} : vector<1024x64xf32>, vector<64x1xf32>, vector<1024x1xf32> -> vector<1024x1xf32>
    %get3A_30 = arith.constant 0 : index
    %get3A_31 = arith.constant 0 : index
    %get3A_32 = vector.load %arg7[%get3A_30, %get3A_31] : memref<1x1xf32, #tpu.memory_space<vmem>>, vector<1x1xf32>
    %add3A_33 = vector.broadcast %get3A_32 : vector<1x1xf32> to vector<1024x1xf32>
    %add3A_34 = arith.addf %dot_general3A_29, %add3A_33 : vector<1024x1xf32>
    %logistic3A = arith.negf %add3A_34 : vector<1024x1xf32>
    %logistic3A_35 = math.exp %logistic3A : vector<1024x1xf32>
    %logistic3A_36 = arith.constant 1.000000e+00 : f32
    %logistic3A_37 = vector.broadcast %logistic3A_36 : f32 to vector<1024x1xf32>
    %logistic3A_38 = arith.addf %logistic3A_37, %logistic3A_35 : vector<1024x1xf32>
    %logistic3A_39 = arith.divf %logistic3A_37, %logistic3A_38 : vector<1024x1xf32>
    %swap3A = arith.constant 0 : index
    %swap3A_40 = arith.constant 0 : index
    %swap3A_41 = vector.load %arg8[%swap3A, %swap3A_40] : memref<1024x1xf32, #tpu.memory_space<vmem>>, vector<1024x1xf32>
    tpu.vector_store %arg8[%swap3A, %swap3A_40], %logistic3A_39 {strides = array<i32>} : memref<1024x1xf32, #tpu.memory_space<vmem>>, vector<1024x1xf32>,
    return
  }
  func.func @transform_0(%arg0: i32) -> (i32, i32) {
    %c0_i32 = arith.constant 0 : i32
    %c0_i32_0 = arith.constant 0 : i32
    return %arg0, %c0_i32 : i32, i32
  }
  func.func @transform_1(%arg0: i32) -> (i32, i32) {
    %c0_i32 = arith.constant 0 : i32
    %c0_i32_0 = arith.constant 0 : i32
    %c0_i32_1 = arith.constant 0 : i32
    return %c0_i32, %c0_i32_0 : i32, i32
  }
  func.func @transform_2(%arg0: i32) -> (i32, i32) {
    %c0_i32 = arith.constant 0 : i32
    %c0_i32_0 = arith.constant 0 : i32
    %c0_i32_1 = arith.constant 0 : i32
    return %c0_i32, %c0_i32_0 : i32, i32
  }
  func.func @transform_3(%arg0: i32) -> (i32, i32) {
    %c0_i32 = arith.constant 0 : i32
    %c0_i32_0 = arith.constant 0 : i32
    %c0_i32_1 = arith.constant 0 : i32
    return %c0_i32, %c0_i32_0 : i32, i32
  }
  func.func @transform_4(%arg0: i32) -> (i32, i32) {
    %c0_i32 = arith.constant 0 : i32
    %c0_i32_0 = arith.constant 0 : i32
    %c0_i32_1 = arith.constant 0 : i32
    return %c0_i32, %c0_i32_0 : i32, i32
  }
  func.func @transform_5(%arg0: i32) -> (i32, i32) {
    %c0_i32 = arith.constant 0 : i32
    %c0_i32_0 = arith.constant 0 : i32
    %c0_i32_1 = arith.constant 0 : i32
    return %c0_i32, %c0_i32_0 : i32, i32
  }
  func.func @transform_6(%arg0: i32) -> (i32, i32) {
    %c0_i32 = arith.constant 0 : i32
    %c0_i32_0 = arith.constant 0 : i32
    %c0_i32_1 = arith.constant 0 : i32
    return %c0_i32, %c0_i32_0 : i32, i32
  }
  func.func @transform_7(%arg0: i32) -> (i32, i32) {
    %c0_i32 = arith.constant 0 : i32
    %c0_i32_0 = arith.constant 0 : i32
    return %arg0, %c0_i32 : i32, i32
  }
}

</mosaic_0001>

<sc_bundles>
// kernel: kernel.5.cloned.1.call-start
scs
__scs_entry_jumppad:
0x0: {  	(pc) =	sbr.rel $0x88, $3  }
0x1: {  	(tag) =	ssettag $0x0;
	lr =	simm.s32 $0x1  }
0x2: {  	[smem:$0x3F99] =	sst lr;
	_ =	strace $0xD0000000  }
0x3: {  	_ = 	snop  }
0x4: {  	_ = 	snop  }
0x5: {  	_ = 	snop  }
0x6: {  	_ = 	snop  }
0x7: {  	_ = 	snop  }
__scs_overlays_trampoline_lowered:
0x8: {  	[smem:$0x3FA8] =	sst s0  }
0x9: {  	[smem:$0x3FA9] =	sst s1  }
0xa: {  	[smem:$0x3FAA] =	sst s2  }
0xb: {  	[smem:$0x3FAB] =	sst s3  }
0xc: {  	[smem:$0x3FAC] =	sst s4  }
0xd: {  	[smem:$0x3FAD] =	sst s5  }
0xe: {  	[smem:$0x3FAE] =	sst s6  }
0xf: {  	[smem:$0x3FAF] =	sst s7  }
0x10: {  	[smem:$0x3FB0] =	sst s8  }
0x11: {  	[smem:$0x3FB1] =	sst s9;
	s0 =	simm.s32 @!p0 $0x0  }
0x12: {  	s1 =	sld [smem:$0x3F97];
	s0 =	simm.s32 @p0 $0x1  }
0x13: {  	[smem:$0x3FB2] =	sst s0;
	s0 =	simm.s32 @!p1 $0x0  }
0x14: {  	s2 =	sld [smem:$0x3F96];
	s0 =	simm.s32 @p1 $0x1  }
0x15: {  	[smem:$0x3FB3] =	sst s0;
	s0 =	simm.s32 @!p2 $0x0  }
0x16: {  	s3 =	sld [smem:$0x3FDB];
	s0 =	simm.s32 @p2 $0x1  }
0x17: {  	s4 =	simm.s32 $0x1BF5;
	[smem:$0x3FB5] =	sst s0  }
0x18: {  	s0 =	sld [smem:$0x3F98];
	_ =	swait.ge [sflag:s4], $0x0  }
0x19: {  	s7 =	sld [smem:$0x3F99]  }
0x1a: {  	s8 =	sadd.s32 $0xFFFFE003, lr  }
0x1b: {  	s9 =	sadd.s32 $0xFFFFFEF7, lr;
	s5 =	simm.s32 $0xFFFFFFFF;
	p2 =	slt.u32 s8, $0xFFFFF086  }
0x1c: {  	p1 =	slt.u32 s9, $0xF7A;
	s5 =	simm.s32 @!p2 $0x0  }
0x1d: {  	s5 =	simm.s32 @p1 $0x1;
	p0 =	seq.s32 s7, s2  }
0x1e: {  	s7 =	smul.u32 @!p0 $0xF7A, s2;
	p2 =	seq.s32 @!p0 s5, $0x0  }
0x1f: {  	s9 =	smul.u32 $0xF7A, s1;
	s8 =	simm.s32 @!p0 $0x1BF5;
	p2 =	por !p2, p0  }
0x20: {  	[sflag:s8] =	ssyncset.s32 @!p0 $0xFFFFF086;
	s6 =	sadd.s32 @!p0 s3, s7;
	s7 =	simm.s32 @!p0 $0x108  }
0x21: {  	s3 =	sadd.s32 s3, s9;
	s6 =	sadd.s32 @!p0 $0x88, s6;
	s7 =	simm.s32 @p2 $0x1082  }
0x22: {  	[simem:s7], [sflag:s8] =	dma.local @!p0 [hbm:s6], $0xF7A  }
0x23: {  	s9 =	sor.u32 $0xD0000000, s2;
	s6 =	simm.s32 $0x108;
	_ =	swait.ge @!p0 [sflag:s8], $0x0  }
0x24: {  	s3 =	sadd.s32 $0x88, s3;
	s6 =	simm.s32 @!p1 $0x1082;
	[sflag:s4] =	ssyncset.s32 $0xFFFFF086  }
0x25: {  	[simem:s6], [sflag:s4] =	dma.local [hbm:s3], $0xF7A  }
0x26: {  	[smem:$0x3F99] =	sst s1;
	(tag) =	ssettag s2;
	_ =	strace s9  }
0x27: {  	s1 =	sld [smem:$0x3FA9]  }
0x28: {  	s2 =	sld [smem:$0x3FAA]  }
0x29: {  	s4 =	sld [smem:$0x3FAC]  }
0x2a: {  	p0 =	seq.s32 s5, $0x0;
	s5 =	sld [smem:$0x3FAD]  }
0x2b: {  	s6 =	sld [smem:$0x3FAE]  }
0x2c: {  	s7 =	sld [smem:$0x3FAF]  }
0x2d: {  	s3 =	simm.s32 $0x108;
	s8 =	sld [smem:$0x3FB0]  }
0x2e: {  	s3 =	simm.s32 @!p0 $0x1082;
	s9 =	sld [smem:$0x3FB1]  }
0x2f: {  	lr =	sadd.s32 s0, s3;
	s0 =	sld [smem:$0x3FA8]  }
0x30: {  	s3 =	sld [smem:$0x3FAB]  }
0x31: {  	[smem:$0x3FB4] =	sst s10  }
0x32: {  	s10 =	sld [smem:$0x3FB2];
	_ =	sdelay $0x3  }
0x33: {  	p0 =	seq.s32 s10, $0x1;
	s10 =	sld [smem:$0x3FB4];
	_ =	sdelay $0x3  }
0x34: {  	[smem:$0x3FB4] =	sst s10  }
0x35: {  	s10 =	sld [smem:$0x3FB3];
	_ =	sdelay $0x3  }
0x36: {  	p1 =	seq.s32 s10, $0x1;
	s10 =	sld [smem:$0x3FB4];
	_ =	sdelay $0x3  }
0x37: {  	[smem:$0x3FB4] =	sst s10  }
0x38: {  	s10 =	sld [smem:$0x3FB5]  }
0x39: {  	_ = 	snop;
	(pc) =	sbr.ind lr, $3  }
0x3a: {  	_ = 	snop  }
0x3b: {  	_ = 	snop  }
0x3c: {  	p2 =	seq.s32 s10, $0x1;
	s10 =	sld [smem:$0x3FB4]  }
0x3d: {  	_ =	shalt  }
0x3e: {  	_ =	shalt  }
0x3f: {  	_ =	shalt  }
0x40: {  	_ =	shalt  }
0x41: {  	_ =	shalt  }
0x42: {  	_ =	shalt  }
0x43: {  	_ =	shalt  }
0x44: {  	_ =	shalt  }
0x45: {  	_ =	shalt  }
0x46: {  	_ =	shalt  }
0x47: {  	_ =	shalt  }
0x48: {  	_ =	shalt  }
0x49: {  	_ =	shalt  }
0x4a: {  	_ =	shalt  }
0x4b: {  	_ =	shalt  }
0x4c: {  	_ =	shalt  }
0x4d: {  	_ =	shalt  }
0x4e: {  	_ =	shalt  }
0x4f: {  	_ =	shalt  }
0x50: {  	_ =	shalt  }
0x51: {  	_ =	shalt  }
0x52: {  	_ =	shalt  }
0x53: {  	_ =	shalt  }
0x54: {  	_ =	shalt  }
0x55: {  	_ =	shalt  }
0x56: {  	_ =	shalt  }
0x57: {  	_ =	shalt  }
0x58: {  	_ =	shalt  }
0x59: {  	_ =	shalt  }
0x5a: {  	_ =	shalt  }
0x5b: {  	_ =	shalt  }
0x5c: {  	_ =	shalt  }
0x5d: {  	_ =	shalt  }
0x5e: {  	_ =	shalt  }
0x5f: {  	_ =	shalt  }
0x60: {  	_ =	shalt  }
0x61: {  	_ =	shalt  }
0x62: {  	_ =	shalt  }
0x63: {  	_ =	shalt  }
0x64: {  	_ =	shalt  }
0x65: {  	_ =	shalt  }
0x66: {  	_ =	shalt  }
0x67: {  	_ =	shalt  }
0x68: {  	_ =	shalt  }
0x69: {  	_ =	shalt  }
0x6a: {  	_ =	shalt  }
0x6b: {  	_ =	shalt  }
0x6c: {  	_ =	shalt  }
0x6d: {  	_ =	shalt  }
0x6e: {  	_ =	shalt  }
0x6f: {  	_ =	shalt  }
0x70: {  	_ =	shalt  }
0x71: {  	_ =	shalt  }
0x72: {  	_ =	shalt  }
0x73: {  	_ =	shalt  }
0x74: {  	_ =	shalt  }
0x75: {  	_ =	shalt  }
0x76: {  	_ =	shalt  }
0x77: {  	_ =	shalt  }
0x78: {  	_ =	shalt  }
0x79: {  	_ =	shalt  }
0x7a: {  	_ =	shalt  }
0x7b: {  	_ =	shalt  }
0x7c: {  	_ =	shalt  }
0x7d: {  	_ =	shalt  }
0x7e: {  	_ =	shalt  }
0x7f: {  	_ =	shalt  }
0x80: {  	_ =	shalt  }
0x81: {  	_ =	shalt  }
0x82: {  	_ =	shalt  }
0x83: {  	_ =	shalt  }
0x84: {  	_ =	shalt  }
0x85: {  	_ =	shalt  }
0x86: {  	_ =	shalt  }
0x87: {  	_ =	shalt  }
.Lfunc_end0:
.L_simem_size_0:
called_computation_lowered:
.L_overlay_start_0:
0x88: {  	s2 =	sld [smem:$0x3FD9]  }
0x89: {  	s3 =	sld [smem:$0x3FFE];
	_ =	sdelay $0x1  }
0x8a: {  	s1 =	srdreg.scid  }
0x8b: {  	s0 =	sand.u32 $0x1, s1  }
0x8c: {  	s16 =	sshll.u32 s0, $0xA;
	s2 =	sadd.s32 s3, s2  }
0x8d: {  	s2 =	sadd.s32 s2, s16  }
0x8e: {  	[smem:$0x3FC0] =	sst s2  }
0x8f: {  	_ = 	snop  }
0x90: {  	(tm) =	ssettm $0x1  }
0x91: {  	s17 =	sld [smem:$0x3FFB];
	_ =	sdelay $0x3  }
0x92: {  	_ =	strace s17  }
0x93: {  	s2 =	sld [smem:$0x3FFC];
	_ =	sdelay $0x3  }
0x94: {  	_ =	strace s2  }
0x95: {  	s2 =	sld [smem:$0x3FFD];
	_ =	sdelay $0x3  }
0x96: {  	_ =	strace s2  }
0x97: {  	_ =	strace $0x8FFFFFFF  }
0x98: {  	s18 =	sld [smem:$0x3FDB];
	_ =	sdelay $0x1  }
0x99: {  	s19 =	simm.s32 $_scs_section_size  }
0x9a: {  	s4 =	simm.s32 $_size__tile_overlayer_lowered;
	s5 =	simm.s32 $_tile_overlayer_lowered  }
0x9b: {  	s22 =	simm.s32 $0x1BFF;
	s21 =	sshll.u32 s5, $0x1;
	s2 =	sadd.s32 s19, s18  }
0x9c: {  	s6 =	simm.s32 $0x0;
	s20 =	sshll.u32 s4, $0x1;
	s4 =	sadd.s32 s21, s2  }
0x9d: {  	[timem:s6], [sflag:s22] =	dma.local [hbm:s4], s20  }
0x9e: {  	_ =	swait.ge [sflag:s22], s20  }
0x9f: {  	s3 =	ssub.s32 $0x0, s20;
	[sflag:s22] =	ssyncset.done $0x0  }
0xa0: {  	[sflag:s22] =	ssyncadd.s32 s3;
	_ =	sdelay $0x1  }
0xa1: {  	s23 =	simm.s32 $0x1B8B  }
0xa2: {  	_ =	swait.ge [sflag:s23], $0x1  }
0xa3: {  	[sflag:s23] =	ssyncset.done $0x0  }
0xa4: {  	s25 =	simm.s32 $0x1B8E;
	s24 =	sld [smem:$0x3FFE];
	[sflag:s23] =	ssyncadd.s32 $0xFFFFFFFF  }
0xa5: {  	s26 =	simm.s32 $execute0_lowered;
	[smem:$0x3FD2] =	sst s25  }
0xa6: {  	s4 =	sshll.u32 s26, $0x1;
	_ =	strace $0x80000046;
	[dreg:$0x1] =	wrdreg $0xFFFFFFFF  }
0xa7: {  	s28 =	simm.s32 $_size_execute0_lowered;
	s2 =	sadd.s32 s2, s4;
	[dreg:$0x0] =	wrdreg $0x0  }
0xa8: {  	s4 =	sshll.u32 s28, $0x1;
	[dreg:$0x2] =	wrdreg s2  }
0xa9: {  	[dreg:$0x3] =	wrdreg s4  }
0xaa: {  	[dreg:$0x4] =	wrdreg $0xC0  }
0xab: {  	_ =	task [dreg:s6], $0x5FFFF  }
0xac: {  	[dreg:$0x1] =	wrdreg $0xFFFFFFFF  }
0xad: {  	[dreg:$0x0] =	wrdreg $0x60  }
0xae: {  	[dreg:$0x2] =	wrdreg s24  }
0xaf: {  	[dreg:$0x3] =	wrdreg $0x9  }
0xb0: {  	_ =	task.clear_ibuf [dreg:s6], $0x4FFFF;
	_ =	strace $0x90000046  }
0xb1: {  	s29 =	simm.s32 $0x9;
	_ =	strace $0x80000048  }
0xb2: {  	_ =	swait.ge [sflag:s29], $0x1  }
0xb3: {  	[sflag:s29] =	ssyncadd.s32 $0xFFFFFFFF  }
0xb4: {  	_ =	strace $0x90000048  }
0xb5: {  	_ =	sfence  }
0xb6: {  	s30 =	sld [smem:$0x0];
	_ =	sdelay $0x2  }
0xb7: {  	s31 =	sshll.u32 s1, $0xD;
	s1 =	sshrl.u32 s1, $0x2  }
0xb8: {  	s3 =	sand.u32 $0x4000, s31;
	s1 =	sadd.s32 s1, s30  }
0xb9: {  	s0 =	sor.u32 s3, s0;
	s1 =	sshll.u32 s1, $0x11  }
0xba: {  	s0 =	sor.u32 s1, s0  }
0xbb: {  	s0 =	sadd.s32 $0x8F2B, s0  }
0xbc: {  	[sflag:s0] =	ssyncadd.remote.s32 $0x1  }
0xbd: {  	_ =	sfence.sel $0xFFFF  }
0xbe: {  	[dreg:$0x0] =	wrdreg $0xFFFFFFFF;
	(pc) =	sbr.abs _section_cstart, $3  }
0xbf: {  	[dreg:$0x1] =	wrdreg $0xFFFFFFFF  }
0xc0: {  	_ =	task.clear_ibuf [dreg:s6], $0x2FFFF;
	_ =	strace $0x9FFFFFFF  }
0xc1: {  	(tm) =	ssettm $0x7FFFFFFF  }
tec
execute0_lowered:
.L_overlay_start_1:
0x0: {  	(tag) =	ssettag $0x1  }
0x1: {  	s0 =	srdreg.scid  }
0x2: {  	s2 =	stileid.u32;
	s1 =	rddreg [dreg:$0x0];
	s7 =	simm.s32 $0x5  }
0x3: {  	s8 =	simm.s32 $0x64;
	s12 =	simm.s32 $0xD0;
	s13 =	simm.s32 $0x8100  }
0x4: {  	s14 =	simm.s32 $0x138;
	s15 =	simm.s32 $0x8D80;
	s16 =	simm.s32 $0x1A0  }
0x5: {  	s17 =	simm.s32 $0x9A00;
	s18 =	simm.s32 $0x208;
	s19 =	simm.s32 $0xA680  }
0x6: {  	s20 =	simm.s32 $0x270;
	s21 =	simm.s32 $0xB300;
	s22 =	simm.s32 $0x2D8  }
0x7: {  	s23 =	simm.s32 $0xBF80;
	s24 =	simm.s32 $0x1;
	s25 =	simm.s32 $0x2  }
0x8: {  	s26 =	simm.s32 $0x3;
	s28 =	simm.s32 $0x4;
	s29 =	simm.s32 $0xCC00  }
0x9: {  	s0 =	sand.u32 $0x1, s0;
	s3 =	sshll.u32 s2, $0x1;
	s2 =	simm.s32 $0x0  }
0xa: {  	s30 =	simm.s32 $0x0;
	s3 =	sor.u32 s0, s3;
	[smem:$0x7FF] =	sst s2  }
0xb: {  	s0 =	ssub.s32 $0x2, s0;
	s4 =	smul.u32 $0xD00, s3;
	_ =	strace $0x80000047  }
0xc: {  	s5 =	sshll.u32 s3, $0xA;
	s3 =	sadd.s32 $0x1AE00, s1;
	s31 =	sshrl.u32 s0, $0x1  }
0xd: {  	s0 =	ssub.s32 s0, s31;
	s4 =	sadd.s32 s4, s1;
	s1 =	sadd.s32 s5, s1  }
0xe: {  	s6 =	smax.u32 s0, $0x1;
	s4 =	sadd.s32 $0xE00, s4;
	s5 =	sadd.s32 $0x3EB800, s1  }
.LBB2_1:
0xf: {  	[tilespmem:s2], [sflag:$0x5] =	stream.linear.gather [hbm4b:s4+s2], $0x6800, $0x38;
	[tilespmem:$0xEC00] =	vst v63  }
0x10: {  	_ =	swait.ge [sflag:s7], $0x6800  }
0x11: {  	[sflag:s7] =	ssyncset.done $0x0  }
0x12: {  	s0 =	simm.s32 $0x6800;
	[sflag:s7] =	ssyncadd.s32 $0xFFFF9800  }
0x13: {  	[tilespmem:s0], [sflag:$0x1] =	stream.indirect.gather [hbm4b:s3+s8], $0x20, s2, s8, $0xb8;
	[tilespmem:$0xEC00] =	vst v63  }
0x14: {  	s11 =	simm.s32 $0x68;
	s1 =	simm.s32 $0x7480  }
0x15: {  	[tilespmem:s1], [sflag:$0x1] =	stream.indirect.gather [hbm4b:s3+s8], $0x20, s11, s8, $0xb8;
	[tilespmem:$0xEC00] =	vst v63  }
0x16: {  	_ = 	snop  }
0x17: {  	[tilespmem:s13], [sflag:$0x2] =	stream.indirect.gather [hbm4b:s3+s8], $0x20, s12, s8, $0xb8;
	[tilespmem:$0xEC00] =	vst v63  }
0x18: {  	_ = 	snop  }
0x19: {  	[tilespmem:s15], [sflag:$0x2] =	stream.indirect.gather [hbm4b:s3+s8], $0x20, s14, s8, $0xb8;
	[tilespmem:$0xEC00] =	vst v63  }
0x1a: {  	_ = 	snop  }
0x1b: {  	[tilespmem:s17], [sflag:$0x3] =	stream.indirect.gather [hbm4b:s3+s8], $0x20, s16, s8, $0xb8;
	[tilespmem:$0xEC00] =	vst v63  }
0x1c: {  	_ = 	snop  }
0x1d: {  	[tilespmem:s19], [sflag:$0x3] =	stream.indirect.gather [hbm4b:s3+s8], $0x20, s18, s8, $0xb8;
	[tilespmem:$0xEC00] =	vst v63  }
0x1e: {  	_ = 	snop  }
0x1f: {  	[tilespmem:s21], [sflag:$0x4] =	stream.indirect.gather [hbm4b:s3+s8], $0x20, s20, s8, $0xb8;
	[tilespmem:$0xEC00] =	vst v63  }
0x20: {  	s31 =	simm.s32 $0x0  }
0x21: {  	[tilespmem:s23], [sflag:$0x4] =	stream.indirect.gather [hbm4b:s3+s8], $0x20, s22, s8, $0xb8;
	[tilespmem:$0xEC00] =	vst v63  }
.LBB2_2:
0x22: {  	_ =	swait.ge [sflag:s24], $0xC80  }
0x23: {  	[sflag:s24] =	ssyncset.done $0x0  }
0x24: {  	[sflag:s24] =	ssyncadd.s32 $0xFFFFF380  }
0x25: {  	_ =	swait.ge [sflag:s24], $0xC80  }
0x26: {  	[sflag:s24] =	ssyncset.done $0x0  }
0x27: {  	s1 =	simm.s32 $0x6820;
	[sflag:s24] =	ssyncadd.s32 $0xFFFFF380  }
0x28: {  	v0 =	vld [tilespmem:s1+$0x0];
	_ =	sdelay $0x1  }
0x29: {  	v3 =	vld [tilespmem:s1+$0xFFFFFFE0]  }
0x2a: {  	v8 =	vimm.f32 $0.0e+00;
	v1 =	vimm.f32 $-Inf;
	v2 =	vld [tilespmem:s1+$0xFFFFFFF0]  }
0x2b: {  	v9 =	vimm.f32 $0.0e+00;
	v5 =	vimm.f32 $-Inf;
	v10 =	vimm.f32 $0.0e+00;
	v4 =	vld [tilespmem:s1+$0x10]  }
0x2c: {  	s0 =	simm.s32 $0x0;
	v6 =	vimm.f32 $-Inf;
	s1 =	simm.s32 $0x6860;
	v7 =	vadd.f32 v0, v8;
	v0 =	vmax.f32 v1, v0  }
.LBB2_3:
0x2d: {  	s0 =	sadd.s32 $0x2, s0  }
0x2e: {  	v11 =	vld [tilespmem:s1+$0x0];
	v8 =	vadd.f32 v3, v8;
	v1 =	vmax.f32 v1, v3;
	p0 =	slt.u32 s0, $0xC6  }
.Ltmp0:
0x2f: {  	v3 =	vld [tilespmem:s1+$0xFFFFFFE0];
	v9 =	vadd.f32 v2, v9;
	(pc) =	sbr.rel @p0 .LBB2_3-.Ltmp0, $3  }
0x30: {  	v5 =	vmax.f32 v5, v2;
	v2 =	vld [tilespmem:s1+$0xFFFFFFF0];
	v10 =	vadd.f32 v4, v10;
	v6 =	vmax.f32 v6, v4  }
0x31: {  	v4 =	vld [tilespmem:s1+$0x10];
	_ =	sdelay $0x1  }
0x32: {  	s1 =	sadd.s32 $0x40, s1;
	v7 =	vadd.f32 v11, v7;
	v0 =	vmax.f32 v0, v11  }
0x33: {  	p0 =	seq.s32 s31, $0x1F  }
0x34: {  	s0 =	smul.u32 @!p0 $0xD00, s31;
	_ =	sdelay $0x1  }
0x35: {  	s0 =	sshra.s32 @!p0 s0, $0x2  }
0x36: {  	v8 =	vadd.f32 v3, v8;
	s9 =	simm.s32 @!p0 $0x64;
	s10 =	simm.s32 @!p0 $0x6800;
	s1 =	sadd.s32 @!p0 $0x340, s0  }
0x37: {  	v9 =	vadd.f32 v2, v9;
	v10 =	vadd.f32 v4, v10;
	[tilespmem:s10], [sflag:$0x1] =	stream.indirect.gather @!p0 [hbm4b:s3+s9], $0x20, s1, s9, $0xb8;
	[tilespmem:$0xEC00] =	vst v63  }
0x38: {  	v7 =	vadd.f32 v7, v8;
	s1 =	sadd.s32 @!p0 $0x3A8, s0;
	s10 =	simm.s32 @!p0 $0x7480  }
0x39: {  	v8 =	vadd.f32 v10, v9;
	[tilespmem:s10], [sflag:$0x1] =	stream.indirect.gather @!p0 [hbm4b:s3+s9], $0x20, s1, s9, $0xb8;
	[tilespmem:$0xEC00] =	vst v63  }
0x3a: {  	v7 =	vmul.f32 $4.999999890e-03, v7;
	s10 =	sshll.u32 s31, $0x8  }
0x3b: {  	v8 =	vmul.f32 $4.999999890e-03, v8;
	s1 =	sand.u32 $0x3FFFFF00, s10  }
0x3c: {  	v1 =	vmax.f32 v1, v3;
	[tilespmem:s1+$0xCC00] =	vst v7  }
0x3d: {  	v2 =	vmax.f32 v5, v2;
	v0 =	vmax.f32 v1, v0;
	v3 =	vmax.f32 v6, v4;
	[tilespmem:s1+$0xCC10] =	vst v8  }
0x3e: {  	[tilespmem:s1+$0xCC20] =	vst v0;
	v0 =	vmax.f32 v2, v3  }
0x3f: {  	[tilespmem:s1+$0xCC30] =	vst v0  }
0x40: {  	_ =	swait.ge [sflag:s25], $0xC80  }
0x41: {  	[sflag:s25] =	ssyncset.done $0x0  }
0x42: {  	[sflag:s25] =	ssyncadd.s32 $0xFFFFF380  }
0x43: {  	_ =	swait.ge [sflag:s25], $0xC80  }
0x44: {  	[sflag:s25] =	ssyncset.done $0x0  }
0x45: {  	s11 =	simm.s32 $0x8120;
	[sflag:s25] =	ssyncadd.s32 $0xFFFFF380  }
0x46: {  	v0 =	vld [tilespmem:s11+$0x0];
	_ =	sdelay $0x1  }
0x47: {  	v3 =	vld [tilespmem:s11+$0xFFFFFFE0]  }
0x48: {  	v1 =	vimm.f32 $-Inf;
	v5 =	vimm.f32 $-Inf;
	v2 =	vld [tilespmem:s11+$0xFFFFFFF0]  }
0x49: {  	v6 =	vimm.f32 $-Inf;
	v9 =	vimm.f32 $0.0e+00;
	v8 =	vimm.f32 $0.0e+00;
	v4 =	vld [tilespmem:s11+$0x10]  }
0x4a: {  	v10 =	vimm.f32 $0.0e+00;
	s9 =	simm.s32 $0x0;
	s10 =	simm.s32 $0x8160;
	v7 =	vadd.f32 v0, v8;
	v0 =	vmax.f32 v1, v0  }
.LBB2_5:
0x4b: {  	s9 =	sadd.s32 $0x2, s9  }
0x4c: {  	v11 =	vld [tilespmem:s10+$0x0];
	v8 =	vadd.f32 v3, v8;
	v1 =	vmax.f32 v1, v3;
	p1 =	slt.u32 s9, $0xC6  }
.Ltmp1:
0x4d: {  	v3 =	vld [tilespmem:s10+$0xFFFFFFE0];
	v9 =	vadd.f32 v2, v9;
	(pc) =	sbr.rel @p1 .LBB2_5-.Ltmp1, $3  }
0x4e: {  	v5 =	vmax.f32 v5, v2;
	v2 =	vld [tilespmem:s10+$0xFFFFFFF0];
	v10 =	vadd.f32 v4, v10;
	v6 =	vmax.f32 v6, v4  }
0x4f: {  	v4 =	vld [tilespmem:s10+$0x10];
	_ =	sdelay $0x1  }
0x50: {  	s10 =	sadd.s32 $0x40, s10;
	v7 =	vadd.f32 v11, v7;
	v0 =	vmax.f32 v0, v11  }
0x51: {  	_ = 	snop  }
0x52: {  	v8 =	vadd.f32 v3, v8;
	s9 =	sadd.s32 @!p0 $0x410, s0;
	s10 =	simm.s32 @!p0 $0x64;
	s11 =	simm.s32 @!p0 $0x8100  }
0x53: {  	v9 =	vadd.f32 v2, v9;
	[tilespmem:s11], [sflag:$0x2] =	stream.indirect.gather @!p0 [hbm4b:s3+s10], $0x20, s9, s10, $0xb8;
	v10 =	vadd.f32 v4, v10;
	[tilespmem:$0xEC00] =	vst v63  }
0x54: {  	v1 =	vmax.f32 v1, v3;
	s9 =	sadd.s32 @!p0 $0x478, s0;
	s11 =	simm.s32 @!p0 $0x8D80;
	v2 =	vmax.f32 v5, v2;
	v7 =	vadd.f32 v7, v8  }
0x55: {  	v0 =	vmax.f32 v1, v0;
	v3 =	vmax.f32 v6, v4;
	[tilespmem:s11], [sflag:$0x2] =	stream.indirect.gather @!p0 [hbm4b:s3+s10], $0x20, s9, s10, $0xb8;
	v8 =	vadd.f32 v10, v9;
	[tilespmem:$0xEC00] =	vst v63  }
0x56: {  	v7 =	vmul.f32 $4.999999890e-03, v7;
	[tilespmem:s1+$0xCC60] =	vst v0;
	v0 =	vmax.f32 v2, v3  }
0x57: {  	[tilespmem:s1+$0xCC70] =	vst v0;
	v8 =	vmul.f32 $4.999999890e-03, v8  }
0x58: {  	[tilespmem:s1+$0xCC40] =	vst v7  }
0x59: {  	[tilespmem:s1+$0xCC50] =	vst v8  }
0x5a: {  	_ =	swait.ge [sflag:s26], $0xC80  }
0x5b: {  	[sflag:s26] =	ssyncset.done $0x0  }
0x5c: {  	[sflag:s26] =	ssyncadd.s32 $0xFFFFF380  }
0x5d: {  	_ =	swait.ge [sflag:s26], $0xC80  }
0x5e: {  	[sflag:s26] =	ssyncset.done $0x0  }
0x5f: {  	s11 =	simm.s32 $0x9A20;
	[sflag:s26] =	ssyncadd.s32 $0xFFFFF380  }
0x60: {  	v0 =	vld [tilespmem:s11+$0x0];
	_ =	sdelay $0x1  }
0x61: {  	v3 =	vld [tilespmem:s11+$0xFFFFFFE0]  }
0x62: {  	v1 =	vimm.f32 $-Inf;
	v5 =	vimm.f32 $-Inf;
	v2 =	vld [tilespmem:s11+$0xFFFFFFF0]  }
0x63: {  	v6 =	vimm.f32 $-Inf;
	v9 =	vimm.f32 $0.0e+00;
	v8 =	vimm.f32 $0.0e+00;
	v4 =	vld [tilespmem:s11+$0x10]  }
0x64: {  	s9 =	simm.s32 $0x0;
	s10 =	simm.s32 $0x9A60;
	v10 =	vimm.f32 $0.0e+00;
	v7 =	vadd.f32 v0, v8;
	v0 =	vmax.f32 v1, v0  }
.LBB2_7:
0x65: {  	s9 =	sadd.s32 $0x2, s9  }
0x66: {  	v11 =	vld [tilespmem:s10+$0x0];
	v8 =	vadd.f32 v3, v8;
	v1 =	vmax.f32 v1, v3;
	p1 =	slt.u32 s9, $0xC6  }
.Ltmp2:
0x67: {  	v3 =	vld [tilespmem:s10+$0xFFFFFFE0];
	v9 =	vadd.f32 v2, v9;
	(pc) =	sbr.rel @p1 .LBB2_7-.Ltmp2, $3  }
0x68: {  	v5 =	vmax.f32 v5, v2;
	v2 =	vld [tilespmem:s10+$0xFFFFFFF0];
	v10 =	vadd.f32 v4, v10;
	v6 =	vmax.f32 v6, v4  }
0x69: {  	v4 =	vld [tilespmem:s10+$0x10];
	_ =	sdelay $0x1  }
0x6a: {  	s10 =	sadd.s32 $0x40, s10;
	v7 =	vadd.f32 v11, v7;
	v0 =	vmax.f32 v0, v11  }
0x6b: {  	_ = 	snop  }
0x6c: {  	v8 =	vadd.f32 v3, v8;
	s9 =	sadd.s32 @!p0 $0x4E0, s0;
	s10 =	simm.s32 @!p0 $0x64;
	s11 =	simm.s32 @!p0 $0x9A00  }
0x6d: {  	v9 =	vadd.f32 v2, v9;
	[tilespmem:s11], [sflag:$0x3] =	stream.indirect.gather @!p0 [hbm4b:s3+s10], $0x20, s9, s10, $0xb8;
	v10 =	vadd.f32 v4, v10;
	[tilespmem:$0xEC00] =	vst v63  }
0x6e: {  	v1 =	vmax.f32 v1, v3;
	s9 =	sadd.s32 @!p0 $0x548, s0;
	s11 =	simm.s32 @!p0 $0xA680;
	v2 =	vmax.f32 v5, v2;
	v7 =	vadd.f32 v7, v8  }
0x6f: {  	v0 =	vmax.f32 v1, v0;
	v3 =	vmax.f32 v6, v4;
	[tilespmem:s11], [sflag:$0x3] =	stream.indirect.gather @!p0 [hbm4b:s3+s10], $0x20, s9, s10, $0xb8;
	v8 =	vadd.f32 v10, v9;
	[tilespmem:$0xEC00] =	vst v63  }
0x70: {  	v7 =	vmul.f32 $4.999999890e-03, v7;
	[tilespmem:s1+$0xCCA0] =	vst v0;
	v0 =	vmax.f32 v2, v3  }
0x71: {  	[tilespmem:s1+$0xCCB0] =	vst v0;
	v8 =	vmul.f32 $4.999999890e-03, v8  }
0x72: {  	[tilespmem:s1+$0xCC80] =	vst v7  }
0x73: {  	[tilespmem:s1+$0xCC90] =	vst v8  }
0x74: {  	_ =	swait.ge [sflag:s28], $0xC80  }
0x75: {  	[sflag:s28] =	ssyncset.done $0x0  }
0x76: {  	[sflag:s28] =	ssyncadd.s32 $0xFFFFF380  }
0x77: {  	_ =	swait.ge [sflag:s28], $0xC80  }
0x78: {  	[sflag:s28] =	ssyncset.done $0x0  }
0x79: {  	s11 =	simm.s32 $0xB320;
	[sflag:s28] =	ssyncadd.s32 $0xFFFFF380  }
0x7a: {  	v0 =	vld [tilespmem:s11+$0x0];
	_ =	sdelay $0x1  }
0x7b: {  	v3 =	vld [tilespmem:s11+$0xFFFFFFE0]  }
0x7c: {  	v1 =	vimm.f32 $-Inf;
	v5 =	vimm.f32 $-Inf;
	v2 =	vld [tilespmem:s11+$0xFFFFFFF0]  }
0x7d: {  	v6 =	vimm.f32 $-Inf;
	v9 =	vimm.f32 $0.0e+00;
	v8 =	vimm.f32 $0.0e+00;
	v4 =	vld [tilespmem:s11+$0x10]  }
0x7e: {  	s9 =	simm.s32 $0x0;
	s10 =	simm.s32 $0xB360;
	v10 =	vimm.f32 $0.0e+00;
	v7 =	vadd.f32 v0, v8;
	v0 =	vmax.f32 v1, v0  }
.LBB2_9:
0x7f: {  	s9 =	sadd.s32 $0x2, s9  }
0x80: {  	v11 =	vld [tilespmem:s10+$0x0];
	v8 =	vadd.f32 v3, v8;
	v1 =	vmax.f32 v1, v3;
	p1 =	slt.u32 s9, $0xC6  }
.Ltmp3:
0x81: {  	v3 =	vld [tilespmem:s10+$0xFFFFFFE0];
	v9 =	vadd.f32 v2, v9;
	(pc) =	sbr.rel @p1 .LBB2_9-.Ltmp3, $3  }
0x82: {  	v5 =	vmax.f32 v5, v2;
	v2 =	vld [tilespmem:s10+$0xFFFFFFF0];
	v10 =	vadd.f32 v4, v10;
	v6 =	vmax.f32 v6, v4  }
0x83: {  	v4 =	vld [tilespmem:s10+$0x10];
	_ =	sdelay $0x1  }
0x84: {  	s10 =	sadd.s32 $0x40, s10;
	v7 =	vadd.f32 v11, v7;
	v0 =	vmax.f32 v0, v11  }
0x85: {  	s9 =	sadd.s32 @!p0 $0x5B0, s0;
	s10 =	simm.s32 @!p0 $0x64;
	s11 =	simm.s32 @!p0 $0xB300  }
0x86: {  	[tilespmem:s11], [sflag:$0x4] =	stream.indirect.gather @!p0 [hbm4b:s3+s10], $0x20, s9, s10, $0xb8;
	[tilespmem:$0xEC00] =	vst v63  }
0x87: {  	v8 =	vadd.f32 v3, v8;
	s0 =	sadd.s32 @!p0 $0x618, s0;
	s31 =	sadd.s32 $0x1, s31;
	s9 =	simm.s32 @!p0 $0xBF80  }
0x88: {  	v9 =	vadd.f32 v2, v9;
	v10 =	vadd.f32 v4, v10;
	[tilespmem:s9], [sflag:$0x4] =	stream.indirect.gather @!p0 [hbm4b:s3+s10], $0x20, s0, s10, $0xb8;
	[tilespmem:$0xEC00] =	vst v63  }
0x89: {  	v1 =	vmax.f32 v1, v3;
	v61 =	vmax.f32 v5, v2;
	v7 =	vadd.f32 v7, v8;
	p0 =	sne.s32 s31, $0x20  }
.Ltmp4:
0x8a: {  	v0 =	vmax.f32 v1, v0;
	v62 =	vmax.f32 v6, v4;
	v60 =	vadd.f32 v10, v9;
	(pc) =	sbr.rel @p0 .LBB2_2-.Ltmp4, $4  }
0x8b: {  	v63 =	vmax.f32 v61, v62;
	v7 =	vmul.f32 $4.999999890e-03, v7;
	[tilespmem:s1+$0xCCE0] =	vst v0  }
0x8c: {  	[tilespmem:s1+$0xCCF0] =	vst v63;
	v8 =	vmul.f32 $4.999999890e-03, v60  }
0x8d: {  	[tilespmem:s1+$0xCCC0] =	vst v7  }
0x8e: {  	[tilespmem:s1+$0xCCD0] =	vst v8  }
0x8f: {  	s30 =	sadd.s32 $0x1, s30  }
0x90: {  	p0 =	sne.s32 s30, s6  }
.Ltmp5:
0x91: {  	_ = 	snop;
	(pc) =	sbr.rel @p0 .LBB2_1-.Ltmp5, $4  }
0x92: {  	[hbm4b:s5+s2] =	stream.linear.scatter [tilespmem:s29], [sflag:$0x5], $0x2000, $0x38;
	[tilespmem:$0xEC00] =	vst v63  }
0x93: {  	_ =	swait.ge [sflag:s7], $0x2000  }
0x94: {  	[sflag:s7] =	ssyncset.done $0x0  }
0x95: {  	[sflag:s7] =	ssyncadd.s32 $0xFFFFE000  }
0x96: {  	_ =	sfence.sel $0x180000  }
0x97: {  	[bflag:$0x0] =	sbarrier.arrive $0xFFFF  }
0x98: {  	_ =	strace $0x90000047  }
0x99: {  	s0 =	stileid.u32;
	[bflag:$0x2] =	sbarrier.arrive $0xFFFF  }
0x9a: {  	p0 =	sne.s32 s0, $0x0;
	s0 =	rddreg [dreg:$0x1]  }
0x9b: {  	s0 =	sadd.s32 @!p0 $0x100000, s0  }
0x9c: {  	[sflag:s0] =	ssyncadd.tile.s32 @!p0 $0x1;
	_ =	shalt  }
.Lfunc_end2:
_tile_overlayer_lowered:
.L_overlay_start_2:
0x9d: {  	(tag) =	ssettag $0x2  }
0x9e: {  	s0 =	rddreg [dreg:$0x0];
	s2 =	stileid.u32  }
0x9f: {  	s1 =	rddreg [dreg:$0x1];
	p0 =	sne.s32 s2, $0x0  }
0xa0: {  	s3 =	rddreg [dreg:$0x2];
	[bflag:$0x3] =	sbarrier.arrive $0xFFFF;
	s2 =	simm.s32 @!p0 $0x1C05  }
0xa1: {  	[timem:s3], [sflag:s2] =	dma.local @!p0 [hbm:s0], s1  }
0xa2: {  	s0 =	simm.s32 @!p0 $0x5  }
0xa3: {  	_ =	swait.ge @!p0 [sflag:s0], s1  }
0xa4: {  	s1 =	ssub.s32 @!p0 $0x0, s1;
	[sflag:s0] =	ssyncset.done @!p0 $0x0  }
0xa5: {  	[sflag:s0] =	ssyncadd.s32 @!p0 s1  }
0xa6: {  	[bflag:$0x3] =	sbarrier.arrive $0xFFFF  }
0xa7: {  	_ =	shalt  }

</sc_bundles>
